<compile_context>
chip_gen: v7x
topology: tpu7x:2x2x1
jax: 0.10.2.dev20260603
libtpu: 0.0.44.dev20260713+nightly
codegen_flags: <defaults>
</compile_context>

<pallas_src>
import functools

import jax
import jax.numpy as jnp
from jax import lax
from jax.experimental import pallas as pl
from jax.experimental.pallas import tpu as pltpu
from jax.experimental.pallas import tpu_sc as plsc

NTOKEN = 100000
D = 1024
B = 4
S = 2048
EPS = 1e-5
L = 16
NW = 32
S_PER_W = S // NW
CH = 16
NCH = S_PER_W // CH
NCOL = D // L


def _rsqrt(x):
    i = lax.bitcast_convert_type(x, jnp.int32)
    i = jnp.int32(0x5F3759DF) - lax.shift_right_logical(i, 1)
    y = lax.bitcast_convert_type(i, jnp.float32)
    for _ in range(3):
        y = y * (1.5 - 0.5 * x * y * y)
    return y


def _sc_body(ids_hbm, vals_hbm, table_hbm, pos_hbm, w_hbm, b_hbm,
             gamma_hbm, beta_hbm, out_hbm,
             idx_v, vals_v, w_v, b_v, gamma_v, beta_v,
             gene_buf, pos_buf, sem):
    nc = 2
    wid = lax.axis_index("s") * nc + lax.axis_index("c")
    s0 = wid * S_PER_W

    for b in range(B):
        pltpu.sync_copy(ids_hbm.at[pl.ds(b * S + s0, S_PER_W)],
                        idx_v.at[pl.ds(b * S_PER_W, S_PER_W)])
        pltpu.sync_copy(vals_hbm.at[pl.ds(b * S + s0, S_PER_W)],
                        vals_v.at[pl.ds(b * S_PER_W, S_PER_W)])
    pltpu.sync_copy(w_hbm, w_v)
    pltpu.sync_copy(b_hbm, b_v)
    pltpu.sync_copy(gamma_hbm, gamma_v)
    pltpu.sync_copy(beta_hbm, beta_v)

    lane = lax.iota(jnp.int32, L)
    zero = jnp.zeros((L,), jnp.float32)

    def row_body(r, carry):
        v16 = carry
        vr = jnp.sum(jnp.where(lane == r, v16, 0.0))

        def col1(j, acc2):
            acc, accsq = acc2
            off = j * L
            g = gene_buf[r, pl.ds(off, L)]
            p = pos_buf[r, pl.ds(off, L)]
            e = g + p + jnp.maximum(vr * w_v[pl.ds(off, L)]
                                    + b_v[pl.ds(off, L)], 0.0)
            gene_buf[r, pl.ds(off, L)] = e
            return acc + e, accsq + e * e

        acc, accsq = lax.fori_loop(0, NCOL, col1, (zero, zero))
        mean = jnp.sum(acc) * (1.0 / D)
        var = jnp.sum(accsq) * (1.0 / D) - mean * mean
        rstd = _rsqrt(var + EPS)

        def col2(j, c):
            off = j * L
            e = gene_buf[r, pl.ds(off, L)]
            gene_buf[r, pl.ds(off, L)] = ((e - mean) * rstd
                                          * gamma_v[pl.ds(off, L)]
                                          + beta_v[pl.ds(off, L)])
            return c

        lax.fori_loop(0, NCOL, col2, 0)
        return v16

    for sc in range(NCH):
        spos = s0 + sc * CH
        pltpu.sync_copy(pos_hbm.at[pl.ds(spos, CH), :], pos_buf)
        for b in range(B):
            ibase = b * S_PER_W + sc * CH
            pltpu.async_copy(
                table_hbm.at[idx_v.at[pl.ds(ibase, CH)]], gene_buf, sem
            ).wait()
            v16 = vals_v[pl.ds(ibase, L)]
            lax.fori_loop(0, CH, row_body, v16)
            pltpu.sync_copy(gene_buf,
                            out_hbm.at[pl.ds(b * S + spos, CH), :])


def kernel(gene_ids, values, gene_table, pos_table, W_val, b_val, gamma, beta):
    ids_flat = gene_ids.reshape(-1).astype(jnp.int32)
    vals_flat = values.reshape(-1).astype(jnp.float32)
    w_flat = W_val.reshape(-1)

    mesh = plsc.VectorSubcoreMesh(core_axis_name="c", subcore_axis_name="s")

    k = pl.kernel(
        _sc_body,
        jax.ShapeDtypeStruct((B * S, D), jnp.float32),
        mesh=mesh,
        compiler_params=pltpu.CompilerParams(needs_layout_passes=False),
        scratch_types=[
            pltpu.VMEM((B * S_PER_W,), jnp.int32),
            pltpu.VMEM((B * S_PER_W,), jnp.float32),
            pltpu.VMEM((D,), jnp.float32),
            pltpu.VMEM((D,), jnp.float32),
            pltpu.VMEM((D,), jnp.float32),
            pltpu.VMEM((D,), jnp.float32),
            pltpu.VMEM((CH, D), jnp.float32),
            pltpu.VMEM((CH, D), jnp.float32),
            pltpu.SemaphoreType.DMA,
        ],
    )
    out = k(ids_flat, vals_flat, gene_table, pos_table,
            w_flat, b_val, gamma, beta)
    return out.reshape(B, S, D)

# --- scband reference (transcript-rebuilt; emitter-appended) ---
"""Pipeline reference for scband-gene-embedding-6193342841312 (READ-ONLY COPY).

The authoritative reference and input builder live on the scoring server;
editing this copy changes nothing except your own understanding.
"""

import jax, jax.numpy as jnp
import numpy as np

NTOKEN = 100000
D_MODEL = 1024
B = 4
S = 2048
EPS = 1e-5


def setup_inputs(seed: int = 0) -> dict:
    key = jax.random.key(seed)
    ks = jax.random.split(key, 8)
    gene_ids = jax.random.randint(ks[0], (B, S), 0, NTOKEN)
    values = jax.random.uniform(ks[1], (B, S), dtype=jnp.float32)
    gene_table = jax.random.normal(ks[2], (NTOKEN, D_MODEL), dtype=jnp.float32) * 0.02
    gene_table = gene_table.at[0].set(0.0)  # padding_idx=0
    pos_table = jax.random.normal(ks[3], (NTOKEN, D_MODEL), dtype=jnp.float32) * 0.02
    W_val = jax.random.normal(ks[4], (D_MODEL, 1), dtype=jnp.float32) * 0.02
    b_val = jnp.zeros((D_MODEL,), dtype=jnp.float32)
    gamma = jnp.ones((D_MODEL,), dtype=jnp.float32)
    beta = jnp.zeros((D_MODEL,), dtype=jnp.float32)
    return {
        "gene_ids": gene_ids,
        "values": values,
        "gene_table": gene_table,
        "pos_table": pos_table,
        "W_val": W_val,
        "b_val": b_val,
        "gamma": gamma,
        "beta": beta,
    }


def reference(gene_ids, values, gene_table, pos_table, W_val, b_val, gamma, beta):
    # gene embedding lookup
    gene_embs = jnp.take(gene_table, gene_ids, axis=0)  # [B, S, D]
    # positional embedding lookup: positions = arange(S) broadcast over batch
    seq_len = gene_ids.shape[1]
    pos_embs = pos_table[:seq_len][None, :, :]  # [1, S, D] broadcasts
    # continuous value encoder: Linear(1, d_model) + ReLU (dropout=0 -> identity)
    v = values[..., None]  # [B, S, 1]
    value_embs = jax.nn.relu(jnp.matmul(v, W_val.T) + b_val)  # [B, S, D]
    embeddings = gene_embs + value_embs + pos_embs
    # LayerNorm over last dim
    mu = jnp.mean(embeddings, axis=-1, keepdims=True)
    var = jnp.mean((embeddings - mu) ** 2, axis=-1, keepdims=True)
    out = (embeddings - mu) / jnp.sqrt(var + EPS) * gamma + beta
    return out

if __name__ == "__main__":
    import jax
    _d = setup_inputs()
    print(jax.jit(kernel)(*tuple(_d.values())))

</pallas_src>

<mosaic_0001>
#map = affine_map<(d0, d1) -> (0)>
#map1 = affine_map<(d0, d1) -> (0, 0)>
module attributes {stable_mosaic.version = 14 : i64} {
  func.func @_sc_body(%arg0: i32, %arg1: i32, %arg2: memref<8192xi32, #tpu.memory_space<hbm>>, %arg3: memref<8192xf32, #tpu.memory_space<hbm>>, %arg4: memref<100000x1024xf32, #tpu.memory_space<hbm>>, %arg5: memref<100000x1024xf32, #tpu.memory_space<hbm>>, %arg6: memref<1024xf32, #tpu.memory_space<hbm>>, %arg7: memref<1024xf32, #tpu.memory_space<hbm>>, %arg8: memref<1024xf32, #tpu.memory_space<hbm>>, %arg9: memref<1024xf32, #tpu.memory_space<hbm>>, %arg10: memref<8192x1024xf32, #tpu.memory_space<hbm>>, %arg11: memref<256xi32, #tpu.memory_space<vmem>>, %arg12: memref<256xf32, #tpu.memory_space<vmem>>, %arg13: memref<1024xf32, #tpu.memory_space<vmem>>, %arg14: memref<1024xf32, #tpu.memory_space<vmem>>, %arg15: memref<1024xf32, #tpu.memory_space<vmem>>, %arg16: memref<1024xf32, #tpu.memory_space<vmem>>, %arg17: memref<16x1024xf32, #tpu.memory_space<vmem>>, %arg18: memref<16x1024xf32, #tpu.memory_space<vmem>>, %arg19: memref<!tpu.dma_semaphore, #tpu.memory_space<semaphore_mem>>) attributes {dimension_semantics = [#tpu.dimension_semantics<core_parallel>, #tpu.dimension_semantics<subcore_parallel>], iteration_bounds = array<i64: 2, 16>, scalar_prefetch = 0 : i64, scratch_operands = 9 : i64, tpu.core_type = #tpu.core_type<sc_vector_subcore>, window_params = [{transform_indices = #map}, {transform_indices = #map}, {transform_indices = #map1}, {transform_indices = #map1}, {transform_indices = #map}, {transform_indices = #map}, {transform_indices = #map}, {transform_indices = #map}, {transform_indices = #map1}]} {
    %mul3A = arith.constant 2 : i32
    %mul3A_0 = arith.muli %arg1, %mul3A : i32
    %add3A = arith.addi %mul3A_0, %arg0 : i32
    %mul3A_1 = arith.constant 64 : i32
    %mul3A_2 = arith.muli %add3A, %mul3A_1 : i32
    %add3A_3 = arith.constant 0 : i32
    %add3A_4 = arith.addi %add3A_3, %mul3A_2 : i32
    "tpu.region"() ({
      %run_scoped3A = tpu.sem_alloc : memref<!tpu.dma_semaphore, #tpu.memory_space<semaphore_mem>>
      %dma_start3A_328 = arith.constant 0 : i32
      %dma_start3A_329 = tpu.memref_slice %arg11[%dma_start3A_328] : memref<256xi32, #tpu.memory_space<vmem>> -> memref<64xi32, #tpu.memory_space<vmem>>
      %dma_start3A_330 = tpu.memref_slice %arg2[%add3A_4] : memref<8192xi32, #tpu.memory_space<hbm>> -> memref<64xi32, #tpu.memory_space<hbm>>
      %dma_start3A_331 = arith.constant 0 : i32
      %dma_start3A_332 = tpu.memref_slice %arg11[%dma_start3A_331] : memref<256xi32, #tpu.memory_space<vmem>> -> memref<64xi32, #tpu.memory_space<vmem>>
      %dma_start3A_333 = tpu.memref_slice %arg2[%add3A_4] : memref<8192xi32, #tpu.memory_space<hbm>> -> memref<64xi32, #tpu.memory_space<hbm>>
      tpu.enqueue_dma source(%dma_start3A_333 : memref<64xi32, #tpu.memory_space<hbm>>) target(%dma_start3A_332 : memref<64xi32, #tpu.memory_space<vmem>>) target_semaphore(%run_scoped3A : memref<!tpu.dma_semaphore, #tpu.memory_space<semaphore_mem>>)
      %dma_wait3A_334 = arith.constant 0 : i32
      %dma_wait3A_335 = tpu.memref_slice %arg11[%dma_wait3A_334] : memref<256xi32, #tpu.memory_space<vmem>> -> memref<64xi32, #tpu.memory_space<vmem>>
      %dma_wait3A_336 = tpu.memref_slice %arg2[%add3A_4] : memref<8192xi32, #tpu.memory_space<hbm>> -> memref<64xi32, #tpu.memory_space<hbm>>
      %dma_wait3A_337 = arith.constant 0 : i32
      %dma_wait3A_338 = tpu.memref_slice %arg11[%dma_wait3A_337] : memref<256xi32, #tpu.memory_space<vmem>> -> memref<64xi32, #tpu.memory_space<vmem>>
      %dma_wait3A_339 = tpu.memref_slice %arg2[%add3A_4] : memref<8192xi32, #tpu.memory_space<hbm>> -> memref<64xi32, #tpu.memory_space<hbm>>
      tpu.wait_dma2 semaphore(%run_scoped3A : memref<!tpu.dma_semaphore, #tpu.memory_space<semaphore_mem>>) src(%dma_wait3A_339 : memref<64xi32, #tpu.memory_space<hbm>>) dst(%dma_wait3A_338 : memref<64xi32, #tpu.memory_space<vmem>>)
      tpu.yield
    }) : () -> ()
    %add3A_5 = arith.constant 0 : i32
    %add3A_6 = arith.addi %add3A_5, %mul3A_2 : i32
    "tpu.region"() ({
      %run_scoped3A = tpu.sem_alloc : memref<!tpu.dma_semaphore, #tpu.memory_space<semaphore_mem>>
      %dma_start3A_328 = arith.constant 0 : i32
      %dma_start3A_329 = tpu.memref_slice %arg12[%dma_start3A_328] : memref<256xf32, #tpu.memory_space<vmem>> -> memref<64xf32, #tpu.memory_space<vmem>>
      %dma_start3A_330 = tpu.memref_slice %arg3[%add3A_6] : memref<8192xf32, #tpu.memory_space<hbm>> -> memref<64xf32, #tpu.memory_space<hbm>>
      %dma_start3A_331 = arith.constant 0 : i32
      %dma_start3A_332 = tpu.memref_slice %arg12[%dma_start3A_331] : memref<256xf32, #tpu.memory_space<vmem>> -> memref<64xf32, #tpu.memory_space<vmem>>
      %dma_start3A_333 = tpu.memref_slice %arg3[%add3A_6] : memref<8192xf32, #tpu.memory_space<hbm>> -> memref<64xf32, #tpu.memory_space<hbm>>
      tpu.enqueue_dma source(%dma_start3A_333 : memref<64xf32, #tpu.memory_space<hbm>>) target(%dma_start3A_332 : memref<64xf32, #tpu.memory_space<vmem>>) target_semaphore(%run_scoped3A : memref<!tpu.dma_semaphore, #tpu.memory_space<semaphore_mem>>)
      %dma_wait3A_334 = arith.constant 0 : i32
      %dma_wait3A_335 = tpu.memref_slice %arg12[%dma_wait3A_334] : memref<256xf32, #tpu.memory_space<vmem>> -> memref<64xf32, #tpu.memory_space<vmem>>
      %dma_wait3A_336 = tpu.memref_slice %arg3[%add3A_6] : memref<8192xf32, #tpu.memory_space<hbm>> -> memref<64xf32, #tpu.memory_space<hbm>>
      %dma_wait3A_337 = arith.constant 0 : i32
      %dma_wait3A_338 = tpu.memref_slice %arg12[%dma_wait3A_337] : memref<256xf32, #tpu.memory_space<vmem>> -> memref<64xf32, #tpu.memory_space<vmem>>
      %dma_wait3A_339 = tpu.memref_slice %arg3[%add3A_6] : memref<8192xf32, #tpu.memory_space<hbm>> -> memref<64xf32, #tpu.memory_space<hbm>>
      tpu.wait_dma2 semaphore(%run_scoped3A : memref<!tpu.dma_semaphore, #tpu.memory_space<semaphore_mem>>) src(%dma_wait3A_339 : memref<64xf32, #tpu.memory_space<hbm>>) dst(%dma_wait3A_338 : memref<64xf32, #tpu.memory_space<vmem>>)
      tpu.yield
    }) : () -> ()
    %add3A_7 = arith.constant 2048 : i32
    %add3A_8 = arith.addi %add3A_7, %mul3A_2 : i32
    "tpu.region"() ({
      %run_scoped3A = tpu.sem_alloc : memref<!tpu.dma_semaphore, #tpu.memory_space<semaphore_mem>>
      %dma_start3A_328 = arith.constant 64 : i32
      %dma_start3A_329 = tpu.memref_slice %arg11[%dma_start3A_328] : memref<256xi32, #tpu.memory_space<vmem>> -> memref<64xi32, #tpu.memory_space<vmem>>
      %dma_start3A_330 = tpu.memref_slice %arg2[%add3A_8] : memref<8192xi32, #tpu.memory_space<hbm>> -> memref<64xi32, #tpu.memory_space<hbm>>
      %dma_start3A_331 = arith.constant 64 : i32
      %dma_start3A_332 = tpu.memref_slice %arg11[%dma_start3A_331] : memref<256xi32, #tpu.memory_space<vmem>> -> memref<64xi32, #tpu.memory_space<vmem>>
      %dma_start3A_333 = tpu.memref_slice %arg2[%add3A_8] : memref<8192xi32, #tpu.memory_space<hbm>> -> memref<64xi32, #tpu.memory_space<hbm>>
      tpu.enqueue_dma source(%dma_start3A_333 : memref<64xi32, #tpu.memory_space<hbm>>) target(%dma_start3A_332 : memref<64xi32, #tpu.memory_space<vmem>>) target_semaphore(%run_scoped3A : memref<!tpu.dma_semaphore, #tpu.memory_space<semaphore_mem>>)
      %dma_wait3A_334 = arith.constant 64 : i32
      %dma_wait3A_335 = tpu.memref_slice %arg11[%dma_wait3A_334] : memref<256xi32, #tpu.memory_space<vmem>> -> memref<64xi32, #tpu.memory_space<vmem>>
      %dma_wait3A_336 = tpu.memref_slice %arg2[%add3A_8] : memref<8192xi32, #tpu.memory_space<hbm>> -> memref<64xi32, #tpu.memory_space<hbm>>
      %dma_wait3A_337 = arith.constant 64 : i32
      %dma_wait3A_338 = tpu.memref_slice %arg11[%dma_wait3A_337] : memref<256xi32, #tpu.memory_space<vmem>> -> memref<64xi32, #tpu.memory_space<vmem>>
      %dma_wait3A_339 = tpu.memref_slice %arg2[%add3A_8] : memref<8192xi32, #tpu.memory_space<hbm>> -> memref<64xi32, #tpu.memory_space<hbm>>
      tpu.wait_dma2 semaphore(%run_scoped3A : memref<!tpu.dma_semaphore, #tpu.memory_space<semaphore_mem>>) src(%dma_wait3A_339 : memref<64xi32, #tpu.memory_space<hbm>>) dst(%dma_wait3A_338 : memref<64xi32, #tpu.memory_space<vmem>>)
      tpu.yield
    }) : () -> ()
    %add3A_9 = arith.constant 2048 : i32
    %add3A_10 = arith.addi %add3A_9, %mul3A_2 : i32
    "tpu.region"() ({
      %run_scoped3A = tpu.sem_alloc : memref<!tpu.dma_semaphore, #tpu.memory_space<semaphore_mem>>
      %dma_start3A_328 = arith.constant 64 : i32
      %dma_start3A_329 = tpu.memref_slice %arg12[%dma_start3A_328] : memref<256xf32, #tpu.memory_space<vmem>> -> memref<64xf32, #tpu.memory_space<vmem>>
      %dma_start3A_330 = tpu.memref_slice %arg3[%add3A_10] : memref<8192xf32, #tpu.memory_space<hbm>> -> memref<64xf32, #tpu.memory_space<hbm>>
      %dma_start3A_331 = arith.constant 64 : i32
      %dma_start3A_332 = tpu.memref_slice %arg12[%dma_start3A_331] : memref<256xf32, #tpu.memory_space<vmem>> -> memref<64xf32, #tpu.memory_space<vmem>>
      %dma_start3A_333 = tpu.memref_slice %arg3[%add3A_10] : memref<8192xf32, #tpu.memory_space<hbm>> -> memref<64xf32, #tpu.memory_space<hbm>>
      tpu.enqueue_dma source(%dma_start3A_333 : memref<64xf32, #tpu.memory_space<hbm>>) target(%dma_start3A_332 : memref<64xf32, #tpu.memory_space<vmem>>) target_semaphore(%run_scoped3A : memref<!tpu.dma_semaphore, #tpu.memory_space<semaphore_mem>>)
      %dma_wait3A_334 = arith.constant 64 : i32
      %dma_wait3A_335 = tpu.memref_slice %arg12[%dma_wait3A_334] : memref<256xf32, #tpu.memory_space<vmem>> -> memref<64xf32, #tpu.memory_space<vmem>>
      %dma_wait3A_336 = tpu.memref_slice %arg3[%add3A_10] : memref<8192xf32, #tpu.memory_space<hbm>> -> memref<64xf32, #tpu.memory_space<hbm>>
      %dma_wait3A_337 = arith.constant 64 : i32
      %dma_wait3A_338 = tpu.memref_slice %arg12[%dma_wait3A_337] : memref<256xf32, #tpu.memory_space<vmem>> -> memref<64xf32, #tpu.memory_space<vmem>>
      %dma_wait3A_339 = tpu.memref_slice %arg3[%add3A_10] : memref<8192xf32, #tpu.memory_space<hbm>> -> memref<64xf32, #tpu.memory_space<hbm>>
      tpu.wait_dma2 semaphore(%run_scoped3A : memref<!tpu.dma_semaphore, #tpu.memory_space<semaphore_mem>>) src(%dma_wait3A_339 : memref<64xf32, #tpu.memory_space<hbm>>) dst(%dma_wait3A_338 : memref<64xf32, #tpu.memory_space<vmem>>)
      tpu.yield
    }) : () -> ()
    %add3A_11 = arith.constant 4096 : i32
    %add3A_12 = arith.addi %add3A_11, %mul3A_2 : i32
    "tpu.region"() ({
      %run_scoped3A = tpu.sem_alloc : memref<!tpu.dma_semaphore, #tpu.memory_space<semaphore_mem>>
      %dma_start3A_328 = arith.constant 128 : i32
      %dma_start3A_329 = tpu.memref_slice %arg11[%dma_start3A_328] : memref<256xi32, #tpu.memory_space<vmem>> -> memref<64xi32, #tpu.memory_space<vmem>>
      %dma_start3A_330 = tpu.memref_slice %arg2[%add3A_12] : memref<8192xi32, #tpu.memory_space<hbm>> -> memref<64xi32, #tpu.memory_space<hbm>>
      %dma_start3A_331 = arith.constant 128 : i32
      %dma_start3A_332 = tpu.memref_slice %arg11[%dma_start3A_331] : memref<256xi32, #tpu.memory_space<vmem>> -> memref<64xi32, #tpu.memory_space<vmem>>
      %dma_start3A_333 = tpu.memref_slice %arg2[%add3A_12] : memref<8192xi32, #tpu.memory_space<hbm>> -> memref<64xi32, #tpu.memory_space<hbm>>
      tpu.enqueue_dma source(%dma_start3A_333 : memref<64xi32, #tpu.memory_space<hbm>>) target(%dma_start3A_332 : memref<64xi32, #tpu.memory_space<vmem>>) target_semaphore(%run_scoped3A : memref<!tpu.dma_semaphore, #tpu.memory_space<semaphore_mem>>)
      %dma_wait3A_334 = arith.constant 128 : i32
      %dma_wait3A_335 = tpu.memref_slice %arg11[%dma_wait3A_334] : memref<256xi32, #tpu.memory_space<vmem>> -> memref<64xi32, #tpu.memory_space<vmem>>
      %dma_wait3A_336 = tpu.memref_slice %arg2[%add3A_12] : memref<8192xi32, #tpu.memory_space<hbm>> -> memref<64xi32, #tpu.memory_space<hbm>>
      %dma_wait3A_337 = arith.constant 128 : i32
      %dma_wait3A_338 = tpu.memref_slice %arg11[%dma_wait3A_337] : memref<256xi32, #tpu.memory_space<vmem>> -> memref<64xi32, #tpu.memory_space<vmem>>
      %dma_wait3A_339 = tpu.memref_slice %arg2[%add3A_12] : memref<8192xi32, #tpu.memory_space<hbm>> -> memref<64xi32, #tpu.memory_space<hbm>>
      tpu.wait_dma2 semaphore(%run_scoped3A : memref<!tpu.dma_semaphore, #tpu.memory_space<semaphore_mem>>) src(%dma_wait3A_339 : memref<64xi32, #tpu.memory_space<hbm>>) dst(%dma_wait3A_338 : memref<64xi32, #tpu.memory_space<vmem>>)
      tpu.yield
    }) : () -> ()
    %add3A_13 = arith.constant 4096 : i32
    %add3A_14 = arith.addi %add3A_13, %mul3A_2 : i32
    "tpu.region"() ({
      %run_scoped3A = tpu.sem_alloc : memref<!tpu.dma_semaphore, #tpu.memory_space<semaphore_mem>>
      %dma_start3A_328 = arith.constant 128 : i32
      %dma_start3A_329 = tpu.memref_slice %arg12[%dma_start3A_328] : memref<256xf32, #tpu.memory_space<vmem>> -> memref<64xf32, #tpu.memory_space<vmem>>
      %dma_start3A_330 = tpu.memref_slice %arg3[%add3A_14] : memref<8192xf32, #tpu.memory_space<hbm>> -> memref<64xf32, #tpu.memory_space<hbm>>
      %dma_start3A_331 = arith.constant 128 : i32
      %dma_start3A_332 = tpu.memref_slice %arg12[%dma_start3A_331] : memref<256xf32, #tpu.memory_space<vmem>> -> memref<64xf32, #tpu.memory_space<vmem>>
      %dma_start3A_333 = tpu.memref_slice %arg3[%add3A_14] : memref<8192xf32, #tpu.memory_space<hbm>> -> memref<64xf32, #tpu.memory_space<hbm>>
      tpu.enqueue_dma source(%dma_start3A_333 : memref<64xf32, #tpu.memory_space<hbm>>) target(%dma_start3A_332 : memref<64xf32, #tpu.memory_space<vmem>>) target_semaphore(%run_scoped3A : memref<!tpu.dma_semaphore, #tpu.memory_space<semaphore_mem>>)
      %dma_wait3A_334 = arith.constant 128 : i32
      %dma_wait3A_335 = tpu.memref_slice %arg12[%dma_wait3A_334] : memref<256xf32, #tpu.memory_space<vmem>> -> memref<64xf32, #tpu.memory_space<vmem>>
      %dma_wait3A_336 = tpu.memref_slice %arg3[%add3A_14] : memref<8192xf32, #tpu.memory_space<hbm>> -> memref<64xf32, #tpu.memory_space<hbm>>
      %dma_wait3A_337 = arith.constant 128 : i32
      %dma_wait3A_338 = tpu.memref_slice %arg12[%dma_wait3A_337] : memref<256xf32, #tpu.memory_space<vmem>> -> memref<64xf32, #tpu.memory_space<vmem>>
      %dma_wait3A_339 = tpu.memref_slice %arg3[%add3A_14] : memref<8192xf32, #tpu.memory_space<hbm>> -> memref<64xf32, #tpu.memory_space<hbm>>
      tpu.wait_dma2 semaphore(%run_scoped3A : memref<!tpu.dma_semaphore, #tpu.memory_space<semaphore_mem>>) src(%dma_wait3A_339 : memref<64xf32, #tpu.memory_space<hbm>>) dst(%dma_wait3A_338 : memref<64xf32, #tpu.memory_space<vmem>>)
      tpu.yield
    }) : () -> ()
    %add3A_15 = arith.constant 6144 : i32
    %add3A_16 = arith.addi %add3A_15, %mul3A_2 : i32
    "tpu.region"() ({
      %run_scoped3A = tpu.sem_alloc : memref<!tpu.dma_semaphore, #tpu.memory_space<semaphore_mem>>
      %dma_start3A_328 = arith.constant 192 : i32
      %dma_start3A_329 = tpu.memref_slice %arg11[%dma_start3A_328] : memref<256xi32, #tpu.memory_space<vmem>> -> memref<64xi32, #tpu.memory_space<vmem>>
      %dma_start3A_330 = tpu.memref_slice %arg2[%add3A_16] : memref<8192xi32, #tpu.memory_space<hbm>> -> memref<64xi32, #tpu.memory_space<hbm>>
      %dma_start3A_331 = arith.constant 192 : i32
      %dma_start3A_332 = tpu.memref_slice %arg11[%dma_start3A_331] : memref<256xi32, #tpu.memory_space<vmem>> -> memref<64xi32, #tpu.memory_space<vmem>>
      %dma_start3A_333 = tpu.memref_slice %arg2[%add3A_16] : memref<8192xi32, #tpu.memory_space<hbm>> -> memref<64xi32, #tpu.memory_space<hbm>>
      tpu.enqueue_dma source(%dma_start3A_333 : memref<64xi32, #tpu.memory_space<hbm>>) target(%dma_start3A_332 : memref<64xi32, #tpu.memory_space<vmem>>) target_semaphore(%run_scoped3A : memref<!tpu.dma_semaphore, #tpu.memory_space<semaphore_mem>>)
      %dma_wait3A_334 = arith.constant 192 : i32
      %dma_wait3A_335 = tpu.memref_slice %arg11[%dma_wait3A_334] : memref<256xi32, #tpu.memory_space<vmem>> -> memref<64xi32, #tpu.memory_space<vmem>>
      %dma_wait3A_336 = tpu.memref_slice %arg2[%add3A_16] : memref<8192xi32, #tpu.memory_space<hbm>> -> memref<64xi32, #tpu.memory_space<hbm>>
      %dma_wait3A_337 = arith.constant 192 : i32
      %dma_wait3A_338 = tpu.memref_slice %arg11[%dma_wait3A_337] : memref<256xi32, #tpu.memory_space<vmem>> -> memref<64xi32, #tpu.memory_space<vmem>>
      %dma_wait3A_339 = tpu.memref_slice %arg2[%add3A_16] : memref<8192xi32, #tpu.memory_space<hbm>> -> memref<64xi32, #tpu.memory_space<hbm>>
      tpu.wait_dma2 semaphore(%run_scoped3A : memref<!tpu.dma_semaphore, #tpu.memory_space<semaphore_mem>>) src(%dma_wait3A_339 : memref<64xi32, #tpu.memory_space<hbm>>) dst(%dma_wait3A_338 : memref<64xi32, #tpu.memory_space<vmem>>)
      tpu.yield
    }) : () -> ()
    %add3A_17 = arith.constant 6144 : i32
    %add3A_18 = arith.addi %add3A_17, %mul3A_2 : i32
    "tpu.region"() ({
      %run_scoped3A = tpu.sem_alloc : memref<!tpu.dma_semaphore, #tpu.memory_space<semaphore_mem>>
      %dma_start3A_328 = arith.constant 192 : i32
      %dma_start3A_329 = tpu.memref_slice %arg12[%dma_start3A_328] : memref<256xf32, #tpu.memory_space<vmem>> -> memref<64xf32, #tpu.memory_space<vmem>>
      %dma_start3A_330 = tpu.memref_slice %arg3[%add3A_18] : memref<8192xf32, #tpu.memory_space<hbm>> -> memref<64xf32, #tpu.memory_space<hbm>>
      %dma_start3A_331 = arith.constant 192 : i32
      %dma_start3A_332 = tpu.memref_slice %arg12[%dma_start3A_331] : memref<256xf32, #tpu.memory_space<vmem>> -> memref<64xf32, #tpu.memory_space<vmem>>
      %dma_start3A_333 = tpu.memref_slice %arg3[%add3A_18] : memref<8192xf32, #tpu.memory_space<hbm>> -> memref<64xf32, #tpu.memory_space<hbm>>
      tpu.enqueue_dma source(%dma_start3A_333 : memref<64xf32, #tpu.memory_space<hbm>>) target(%dma_start3A_332 : memref<64xf32, #tpu.memory_space<vmem>>) target_semaphore(%run_scoped3A : memref<!tpu.dma_semaphore, #tpu.memory_space<semaphore_mem>>)
      %dma_wait3A_334 = arith.constant 192 : i32
      %dma_wait3A_335 = tpu.memref_slice %arg12[%dma_wait3A_334] : memref<256xf32, #tpu.memory_space<vmem>> -> memref<64xf32, #tpu.memory_space<vmem>>
      %dma_wait3A_336 = tpu.memref_slice %arg3[%add3A_18] : memref<8192xf32, #tpu.memory_space<hbm>> -> memref<64xf32, #tpu.memory_space<hbm>>
      %dma_wait3A_337 = arith.constant 192 : i32
      %dma_wait3A_338 = tpu.memref_slice %arg12[%dma_wait3A_337] : memref<256xf32, #tpu.memory_space<vmem>> -> memref<64xf32, #tpu.memory_space<vmem>>
      %dma_wait3A_339 = tpu.memref_slice %arg3[%add3A_18] : memref<8192xf32, #tpu.memory_space<hbm>> -> memref<64xf32, #tpu.memory_space<hbm>>
      tpu.wait_dma2 semaphore(%run_scoped3A : memref<!tpu.dma_semaphore, #tpu.memory_space<semaphore_mem>>) src(%dma_wait3A_339 : memref<64xf32, #tpu.memory_space<hbm>>) dst(%dma_wait3A_338 : memref<64xf32, #tpu.memory_space<vmem>>)
      tpu.yield
    }) : () -> ()
    "tpu.region"() ({
      %run_scoped3A = tpu.sem_alloc : memref<!tpu.dma_semaphore, #tpu.memory_space<semaphore_mem>>
      tpu.enqueue_dma source(%arg6 : memref<1024xf32, #tpu.memory_space<hbm>>) target(%arg13 : memref<1024xf32, #tpu.memory_space<vmem>>) target_semaphore(%run_scoped3A : memref<!tpu.dma_semaphore, #tpu.memory_space<semaphore_mem>>)
      tpu.wait_dma2 semaphore(%run_scoped3A : memref<!tpu.dma_semaphore, #tpu.memory_space<semaphore_mem>>) src(%arg6 : memref<1024xf32, #tpu.memory_space<hbm>>) dst(%arg13 : memref<1024xf32, #tpu.memory_space<vmem>>)
      tpu.yield
    }) : () -> ()
    "tpu.region"() ({
      %run_scoped3A = tpu.sem_alloc : memref<!tpu.dma_semaphore, #tpu.memory_space<semaphore_mem>>
      tpu.enqueue_dma source(%arg7 : memref<1024xf32, #tpu.memory_space<hbm>>) target(%arg14 : memref<1024xf32, #tpu.memory_space<vmem>>) target_semaphore(%run_scoped3A : memref<!tpu.dma_semaphore, #tpu.memory_space<semaphore_mem>>)
      tpu.wait_dma2 semaphore(%run_scoped3A : memref<!tpu.dma_semaphore, #tpu.memory_space<semaphore_mem>>) src(%arg7 : memref<1024xf32, #tpu.memory_space<hbm>>) dst(%arg14 : memref<1024xf32, #tpu.memory_space<vmem>>)
      tpu.yield
    }) : () -> ()
    "tpu.region"() ({
      %run_scoped3A = tpu.sem_alloc : memref<!tpu.dma_semaphore, #tpu.memory_space<semaphore_mem>>
      tpu.enqueue_dma source(%arg8 : memref<1024xf32, #tpu.memory_space<hbm>>) target(%arg15 : memref<1024xf32, #tpu.memory_space<vmem>>) target_semaphore(%run_scoped3A : memref<!tpu.dma_semaphore, #tpu.memory_space<semaphore_mem>>)
      tpu.wait_dma2 semaphore(%run_scoped3A : memref<!tpu.dma_semaphore, #tpu.memory_space<semaphore_mem>>) src(%arg8 : memref<1024xf32, #tpu.memory_space<hbm>>) dst(%arg15 : memref<1024xf32, #tpu.memory_space<vmem>>)
      tpu.yield
    }) : () -> ()
    "tpu.region"() ({
      %run_scoped3A = tpu.sem_alloc : memref<!tpu.dma_semaphore, #tpu.memory_space<semaphore_mem>>
      tpu.enqueue_dma source(%arg9 : memref<1024xf32, #tpu.memory_space<hbm>>) target(%arg16 : memref<1024xf32, #tpu.memory_space<vmem>>) target_semaphore(%run_scoped3A : memref<!tpu.dma_semaphore, #tpu.memory_space<semaphore_mem>>)
      tpu.wait_dma2 semaphore(%run_scoped3A : memref<!tpu.dma_semaphore, #tpu.memory_space<semaphore_mem>>) src(%arg9 : memref<1024xf32, #tpu.memory_space<hbm>>) dst(%arg16 : memref<1024xf32, #tpu.memory_space<vmem>>)
      tpu.yield
    }) : () -> ()
    %iota3A = tpu.iota {dimensions = array<i32: 0>} : vector<16xi32>
    %broadcast_in_dim3A = arith.constant 0.000000e+00 : f32
    %broadcast_in_dim3A_19 = vector.broadcast %broadcast_in_dim3A : f32 to vector<16xf32>
    %add3A_20 = arith.constant 0 : i32
    %add3A_21 = arith.addi %mul3A_2, %add3A_20 : i32
    "tpu.region"() ({
      %run_scoped3A = tpu.sem_alloc : memref<!tpu.dma_semaphore, #tpu.memory_space<semaphore_mem>>
      %dma_start3A_328 = arith.constant 0 : i32
      %dma_start3A_329 = tpu.memref_slice %arg5[%add3A_21, %dma_start3A_328] : memref<100000x1024xf32, #tpu.memory_space<hbm>> -> memref<16x1024xf32, #tpu.memory_space<hbm>>
      %dma_start3A_330 = arith.constant 0 : i32
      %dma_start3A_331 = tpu.memref_slice %arg5[%add3A_21, %dma_start3A_330] : memref<100000x1024xf32, #tpu.memory_space<hbm>> -> memref<16x1024xf32, #tpu.memory_space<hbm>>
      tpu.enqueue_dma source(%dma_start3A_331 : memref<16x1024xf32, #tpu.memory_space<hbm>>) target(%arg18 : memref<16x1024xf32, #tpu.memory_space<vmem>>) target_semaphore(%run_scoped3A : memref<!tpu.dma_semaphore, #tpu.memory_space<semaphore_mem>>)
      %dma_wait3A_332 = arith.constant 0 : i32
      %dma_wait3A_333 = tpu.memref_slice %arg5[%add3A_21, %dma_wait3A_332] : memref<100000x1024xf32, #tpu.memory_space<hbm>> -> memref<16x1024xf32, #tpu.memory_space<hbm>>
      %dma_wait3A_334 = arith.constant 0 : i32
      %dma_wait3A_335 = tpu.memref_slice %arg5[%add3A_21, %dma_wait3A_334] : memref<100000x1024xf32, #tpu.memory_space<hbm>> -> memref<16x1024xf32, #tpu.memory_space<hbm>>
      tpu.wait_dma2 semaphore(%run_scoped3A : memref<!tpu.dma_semaphore, #tpu.memory_space<semaphore_mem>>) src(%dma_wait3A_335 : memref<16x1024xf32, #tpu.memory_space<hbm>>) dst(%arg18 : memref<16x1024xf32, #tpu.memory_space<vmem>>)
      tpu.yield
    }) : () -> ()
    %dma_start3A = arith.constant 0 : i32
    %dma_start3A_22 = tpu.memref_slice %arg11[%dma_start3A] : memref<256xi32, #tpu.memory_space<vmem>> -> memref<16xi32, #tpu.memory_space<vmem>>
    %dma_start3A_23 = arith.constant 0 : i32
    %dma_start3A_24 = arith.constant 0 : i32
    %dma_start3A_25 = tpu.memref_slice %arg4[%dma_start3A_23, %dma_start3A_24] : memref<100000x1024xf32, #tpu.memory_space<hbm>> -> memref<100000x1024xf32, #tpu.memory_space<hbm>>
    tpu.enqueue_indirect_dma source(%dma_start3A_25 : memref<100000x1024xf32, #tpu.memory_space<hbm>>) target(%arg17 : memref<16x1024xf32, #tpu.memory_space<vmem>>) offsets(%dma_start3A_22 : memref<16xi32, #tpu.memory_space<vmem>>) semaphore(%arg19 : memref<!tpu.dma_semaphore, #tpu.memory_space<semaphore_mem>>)
    %dma_wait3A = arith.constant 0 : i32
    %dma_wait3A_26 = tpu.memref_slice %arg11[%dma_wait3A] : memref<256xi32, #tpu.memory_space<vmem>> -> memref<16xi32, #tpu.memory_space<vmem>>
    %dma_wait3A_27 = arith.constant 0 : i32
    %dma_wait3A_28 = arith.constant 0 : i32
    %dma_wait3A_29 = tpu.memref_slice %arg4[%dma_wait3A_27, %dma_wait3A_28] : memref<100000x1024xf32, #tpu.memory_space<hbm>> -> memref<100000x1024xf32, #tpu.memory_space<hbm>>
    tpu.wait_indirect_dma semaphore(%arg19 : memref<!tpu.dma_semaphore, #tpu.memory_space<semaphore_mem>>) src(%dma_wait3A_29 : memref<100000x1024xf32, #tpu.memory_space<hbm>>) dst(%arg17 : memref<16x1024xf32, #tpu.memory_space<vmem>>)
    %get3A = arith.constant 0 : index
    %get3A_30 = tpu.vector_load %arg12[%get3A] {strides = array<i32>} : memref<256xf32, #tpu.memory_space<vmem>>, vector<16xf32>,
    %scan3A = arith.constant 0 : i32
    %scan3A_31 = arith.constant 16 : i32
    %scan3A_32 = arith.addi %scan3A, %scan3A_31 : i32
    %scan3A_33 = arith.constant 1 : i32
    scf.for %scan3A_328 = %scan3A to %scan3A_32 step %scan3A_33  : i32 {
      %eq3A = vector.broadcast %scan3A_328 : i32 to vector<16xi32>
      %eq3A_329 = arith.cmpi eq, %iota3A, %eq3A : vector<16xi32>
      %jit3A = arith.constant 0.000000e+00 : f32
      %broadcast_in_dim3A_330 = vector.broadcast %jit3A : f32 to vector<16xf32>
      %select_n3A = arith.select %eq3A_329, %get3A_30, %broadcast_in_dim3A_330 : vector<16xi1>, vector<16xf32>
      %reduce_sum3A = arith.constant true
      %reduce_sum3A_331 = vector.broadcast %reduce_sum3A : i1 to vector<16xi1>
      %reduce_sum3A_332 = tpu.scan <sum>, %select_n3A masked %reduce_sum3A_331 : vector<16xf32>, vector<16xi1> -> vector<16xf32>
      %reduce_sum3A_333 = vector.extract %reduce_sum3A_332[15] : f32 from vector<16xf32>
      %scan3A_334 = arith.constant 0 : i32
      %scan3A_335 = arith.constant 64 : i32
      %scan3A_336 = arith.addi %scan3A_334, %scan3A_335 : i32
      %scan3A_337 = arith.constant 1 : i32
      %scan3A_338:2 = scf.for %scan3A_386 = %scan3A_334 to %scan3A_336 step %scan3A_337 iter_args(%scan3A_387 = %broadcast_in_dim3A_19, %scan3A_388 = %broadcast_in_dim3A_19) -> (vector<16xf32>, vector<16xf32>)  : i32 {
        %mul3A_389 = arith.constant 16 : i32
        %mul3A_390 = arith.muli %scan3A_386, %mul3A_389 : i32
        %get3A_391 = arith.index_cast %scan3A_328 : i32 to index
        %get3A_392 = arith.index_cast %mul3A_390 : i32 to index
        %get3A_393 = tpu.vector_load %arg17[%get3A_391, %get3A_392] {strides = array<i32>} : memref<16x1024xf32, #tpu.memory_space<vmem>>, vector<16xf32>,
        %get3A_394 = arith.index_cast %scan3A_328 : i32 to index
        %get3A_395 = arith.index_cast %mul3A_390 : i32 to index
        %get3A_396 = tpu.vector_load %arg18[%get3A_394, %get3A_395] {strides = array<i32>} : memref<16x1024xf32, #tpu.memory_space<vmem>>, vector<16xf32>,
        %add3A_397 = arith.addf %get3A_393, %get3A_396 : vector<16xf32>
        %get3A_398 = arith.index_cast %mul3A_390 : i32 to index
        %get3A_399 = tpu.vector_load %arg13[%get3A_398] {strides = array<i32>} : memref<1024xf32, #tpu.memory_space<vmem>>, vector<16xf32>,
        %mul3A_400 = vector.broadcast %reduce_sum3A_333 : f32 to vector<16xf32>
        %mul3A_401 = arith.mulf %mul3A_400, %get3A_399 : vector<16xf32>
        %get3A_402 = arith.index_cast %mul3A_390 : i32 to index
        %get3A_403 = tpu.vector_load %arg14[%get3A_402] {strides = array<i32>} : memref<1024xf32, #tpu.memory_space<vmem>>, vector<16xf32>,
        %add3A_404 = arith.addf %mul3A_401, %get3A_403 : vector<16xf32>
        %max3A = arith.constant 0.000000e+00 : f32
        %max3A_405 = vector.broadcast %max3A : f32 to vector<16xf32>
        %max3A_406 = arith.maximumf %add3A_404, %max3A_405 : vector<16xf32>
        %add3A_407 = arith.addf %add3A_397, %max3A_406 : vector<16xf32>
        %swap3A = arith.index_cast %scan3A_328 : i32 to index
        %swap3A_408 = arith.index_cast %mul3A_390 : i32 to index
        %swap3A_409 = tpu.vector_load %arg17[%swap3A, %swap3A_408] {strides = array<i32>} : memref<16x1024xf32, #tpu.memory_space<vmem>>, vector<16xf32>,
        tpu.vector_store %arg17[%swap3A, %swap3A_408], %add3A_407 {strides = array<i32>} : memref<16x1024xf32, #tpu.memory_space<vmem>>, vector<16xf32>,
        %add3A_410 = arith.addf %scan3A_387, %add3A_407 : vector<16xf32>
        %mul3A_411 = arith.mulf %add3A_407, %add3A_407 : vector<16xf32>
        %add3A_412 = arith.addf %scan3A_388, %mul3A_411 : vector<16xf32>
        scf.yield %add3A_410, %add3A_412 : vector<16xf32>, vector<16xf32>
      }
      %scan3A_339 = arith.constant 64 : i32
      %reduce_sum3A_340 = arith.constant true
      %reduce_sum3A_341 = vector.broadcast %reduce_sum3A_340 : i1 to vector<16xi1>
      %reduce_sum3A_342 = tpu.scan <sum>, %scan3A_338#0 masked %reduce_sum3A_341 : vector<16xf32>, vector<16xi1> -> vector<16xf32>
      %reduce_sum3A_343 = vector.extract %reduce_sum3A_342[15] : f32 from vector<16xf32>
      %mul3A_344 = arith.constant 9.765625E-4 : f32
      %mul3A_345 = arith.mulf %reduce_sum3A_343, %mul3A_344 : f32
      %reduce_sum3A_346 = arith.constant true
      %reduce_sum3A_347 = vector.broadcast %reduce_sum3A_346 : i1 to vector<16xi1>
      %reduce_sum3A_348 = tpu.scan <sum>, %scan3A_338#1 masked %reduce_sum3A_347 : vector<16xf32>, vector<16xi1> -> vector<16xf32>
      %reduce_sum3A_349 = vector.extract %reduce_sum3A_348[15] : f32 from vector<16xf32>
      %mul3A_350 = arith.constant 9.765625E-4 : f32
      %mul3A_351 = arith.mulf %reduce_sum3A_349, %mul3A_350 : f32
      %mul3A_352 = arith.mulf %mul3A_345, %mul3A_345 : f32
      %sub3A = arith.subf %mul3A_351, %mul3A_352 : f32
      %add3A_353 = arith.constant 9.99999974E-6 : f32
      %add3A_354 = arith.addf %sub3A, %add3A_353 : f32
      %bitcast_convert_type3A = arith.bitcast %add3A_354 : f32 to i32
      %shift_right_logical3A = arith.constant 1 : i32
      %shift_right_logical3A_355 = arith.shrui %bitcast_convert_type3A, %shift_right_logical3A : i32
      %sub3A_356 = arith.constant 1597463007 : i32
      %sub3A_357 = arith.subi %sub3A_356, %shift_right_logical3A_355 : i32
      %bitcast_convert_type3A_358 = arith.bitcast %sub3A_357 : i32 to f32
      %mul3A_359 = arith.constant 5.000000e-01 : f32
      %mul3A_360 = arith.mulf %mul3A_359, %add3A_354 : f32
      %mul3A_361 = arith.mulf %mul3A_360, %bitcast_convert_type3A_358 : f32
      %mul3A_362 = arith.mulf %mul3A_361, %bitcast_convert_type3A_358 : f32
      %sub3A_363 = arith.constant 1.500000e+00 : f32
      %sub3A_364 = arith.subf %sub3A_363, %mul3A_362 : f32
      %mul3A_365 = arith.mulf %bitcast_convert_type3A_358, %sub3A_364 : f32
      %mul3A_366 = arith.constant 5.000000e-01 : f32
      %mul3A_367 = arith.mulf %mul3A_366, %add3A_354 : f32
      %mul3A_368 = arith.mulf %mul3A_367, %mul3A_365 : f32
      %mul3A_369 = arith.mulf %mul3A_368, %mul3A_365 : f32
      %sub3A_370 = arith.constant 1.500000e+00 : f32
      %sub3A_371 = arith.subf %sub3A_370, %mul3A_369 : f32
      %mul3A_372 = arith.mulf %mul3A_365, %sub3A_371 : f32
      %mul3A_373 = arith.constant 5.000000e-01 : f32
      %mul3A_374 = arith.mulf %mul3A_373, %add3A_354 : f32
      %mul3A_375 = arith.mulf %mul3A_374, %mul3A_372 : f32
      %mul3A_376 = arith.mulf %mul3A_375, %mul3A_372 : f32
      %sub3A_377 = arith.constant 1.500000e+00 : f32
      %sub3A_378 = arith.subf %sub3A_377, %mul3A_376 : f32
      %mul3A_379 = arith.mulf %mul3A_372, %sub3A_378 : f32
      %scan3A_380 = arith.constant 0 : i32
      %scan3A_381 = arith.constant 0 : i32
      %scan3A_382 = arith.constant 64 : i32
      %scan3A_383 = arith.addi %scan3A_381, %scan3A_382 : i32
      %scan3A_384 = arith.constant 1 : i32
      scf.for %scan3A_386 = %scan3A_381 to %scan3A_383 step %scan3A_384  : i32 {
        %mul3A_387 = arith.constant 16 : i32
        %mul3A_388 = arith.muli %scan3A_386, %mul3A_387 : i32
        %get3A_389 = arith.index_cast %scan3A_328 : i32 to index
        %get3A_390 = arith.index_cast %mul3A_388 : i32 to index
        %get3A_391 = tpu.vector_load %arg17[%get3A_389, %get3A_390] {strides = array<i32>} : memref<16x1024xf32, #tpu.memory_space<vmem>>, vector<16xf32>,
        %sub3A_392 = vector.broadcast %mul3A_345 : f32 to vector<16xf32>
        %sub3A_393 = arith.subf %get3A_391, %sub3A_392 : vector<16xf32>
        %mul3A_394 = vector.broadcast %mul3A_379 : f32 to vector<16xf32>
        %mul3A_395 = arith.mulf %sub3A_393, %mul3A_394 : vector<16xf32>
        %get3A_396 = arith.index_cast %mul3A_388 : i32 to index
        %get3A_397 = tpu.vector_load %arg15[%get3A_396] {strides = array<i32>} : memref<1024xf32, #tpu.memory_space<vmem>>, vector<16xf32>,
        %mul3A_398 = arith.mulf %mul3A_395, %get3A_397 : vector<16xf32>
        %get3A_399 = arith.index_cast %mul3A_388 : i32 to index
        %get3A_400 = tpu.vector_load %arg16[%get3A_399] {strides = array<i32>} : memref<1024xf32, #tpu.memory_space<vmem>>, vector<16xf32>,
        %add3A_401 = arith.addf %mul3A_398, %get3A_400 : vector<16xf32>
        %swap3A = arith.index_cast %scan3A_328 : i32 to index
        %swap3A_402 = arith.index_cast %mul3A_388 : i32 to index
        %swap3A_403 = tpu.vector_load %arg17[%swap3A, %swap3A_402] {strides = array<i32>} : memref<16x1024xf32, #tpu.memory_space<vmem>>, vector<16xf32>,
        tpu.vector_store %arg17[%swap3A, %swap3A_402], %add3A_401 {strides = array<i32>} : memref<16x1024xf32, #tpu.memory_space<vmem>>, vector<16xf32>,
      }
      %scan3A_385 = arith.constant 64 : i32
    }
    %scan3A_34 = arith.constant 16 : i32
    %add3A_35 = arith.constant 0 : i32
    %add3A_36 = arith.addi %add3A_35, %add3A_21 : i32
    "tpu.region"() ({
      %run_scoped3A = tpu.sem_alloc : memref<!tpu.dma_semaphore, #tpu.memory_space<semaphore_mem>>
      %dma_start3A_328 = arith.constant 0 : i32
      %dma_start3A_329 = tpu.memref_slice %arg10[%add3A_36, %dma_start3A_328] : memref<8192x1024xf32, #tpu.memory_space<hbm>> -> memref<16x1024xf32, #tpu.memory_space<hbm>>
      %dma_start3A_330 = arith.constant 0 : i32
      %dma_start3A_331 = tpu.memref_slice %arg10[%add3A_36, %dma_start3A_330] : memref<8192x1024xf32, #tpu.memory_space<hbm>> -> memref<16x1024xf32, #tpu.memory_space<hbm>>
      tpu.enqueue_dma source(%arg17 : memref<16x1024xf32, #tpu.memory_space<vmem>>) target(%dma_start3A_331 : memref<16x1024xf32, #tpu.memory_space<hbm>>) target_semaphore(%run_scoped3A : memref<!tpu.dma_semaphore, #tpu.memory_space<semaphore_mem>>)
      %dma_wait3A_332 = arith.constant 0 : i32
      %dma_wait3A_333 = tpu.memref_slice %arg10[%add3A_36, %dma_wait3A_332] : memref<8192x1024xf32, #tpu.memory_space<hbm>> -> memref<16x1024xf32, #tpu.memory_space<hbm>>
      %dma_wait3A_334 = arith.constant 0 : i32
      %dma_wait3A_335 = tpu.memref_slice %arg10[%add3A_36, %dma_wait3A_334] : memref<8192x1024xf32, #tpu.memory_space<hbm>> -> memref<16x1024xf32, #tpu.memory_space<hbm>>
      tpu.wait_dma2 semaphore(%run_scoped3A : memref<!tpu.dma_semaphore, #tpu.memory_space<semaphore_mem>>) src(%arg17 : memref<16x1024xf32, #tpu.memory_space<vmem>>) dst(%dma_wait3A_335 : memref<16x1024xf32, #tpu.memory_space<hbm>>)
      tpu.yield
    }) : () -> ()
    %dma_start3A_37 = arith.constant 64 : i32
    %dma_start3A_38 = tpu.memref_slice %arg11[%dma_start3A_37] : memref<256xi32, #tpu.memory_space<vmem>> -> memref<16xi32, #tpu.memory_space<vmem>>
    %dma_start3A_39 = arith.constant 0 : i32
    %dma_start3A_40 = arith.constant 0 : i32
    %dma_start3A_41 = tpu.memref_slice %arg4[%dma_start3A_39, %dma_start3A_40] : memref<100000x1024xf32, #tpu.memory_space<hbm>> -> memref<100000x1024xf32, #tpu.memory_space<hbm>>
    tpu.enqueue_indirect_dma source(%dma_start3A_41 : memref<100000x1024xf32, #tpu.memory_space<hbm>>) target(%arg17 : memref<16x1024xf32, #tpu.memory_space<vmem>>) offsets(%dma_start3A_38 : memref<16xi32, #tpu.memory_space<vmem>>) semaphore(%arg19 : memref<!tpu.dma_semaphore, #tpu.memory_space<semaphore_mem>>)
    %dma_wait3A_42 = arith.constant 64 : i32
    %dma_wait3A_43 = tpu.memref_slice %arg11[%dma_wait3A_42] : memref<256xi32, #tpu.memory_space<vmem>> -> memref<16xi32, #tpu.memory_space<vmem>>
    %dma_wait3A_44 = arith.constant 0 : i32
    %dma_wait3A_45 = arith.constant 0 : i32
    %dma_wait3A_46 = tpu.memref_slice %arg4[%dma_wait3A_44, %dma_wait3A_45] : memref<100000x1024xf32, #tpu.memory_space<hbm>> -> memref<100000x1024xf32, #tpu.memory_space<hbm>>
    tpu.wait_indirect_dma semaphore(%arg19 : memref<!tpu.dma_semaphore, #tpu.memory_space<semaphore_mem>>) src(%dma_wait3A_46 : memref<100000x1024xf32, #tpu.memory_space<hbm>>) dst(%arg17 : memref<16x1024xf32, #tpu.memory_space<vmem>>)
    %get3A_47 = arith.constant 64 : index
    %get3A_48 = tpu.vector_load %arg12[%get3A_47] {strides = array<i32>} : memref<256xf32, #tpu.memory_space<vmem>>, vector<16xf32>,
    %scan3A_49 = arith.constant 0 : i32
    %scan3A_50 = arith.constant 16 : i32
    %scan3A_51 = arith.addi %scan3A_49, %scan3A_50 : i32
    %scan3A_52 = arith.constant 1 : i32
    scf.for %scan3A_328 = %scan3A_49 to %scan3A_51 step %scan3A_52  : i32 {
      %eq3A = vector.broadcast %scan3A_328 : i32 to vector<16xi32>
      %eq3A_329 = arith.cmpi eq, %iota3A, %eq3A : vector<16xi32>
      %jit3A = arith.constant 0.000000e+00 : f32
      %broadcast_in_dim3A_330 = vector.broadcast %jit3A : f32 to vector<16xf32>
      %select_n3A = arith.select %eq3A_329, %get3A_48, %broadcast_in_dim3A_330 : vector<16xi1>, vector<16xf32>
      %reduce_sum3A = arith.constant true
      %reduce_sum3A_331 = vector.broadcast %reduce_sum3A : i1 to vector<16xi1>
      %reduce_sum3A_332 = tpu.scan <sum>, %select_n3A masked %reduce_sum3A_331 : vector<16xf32>, vector<16xi1> -> vector<16xf32>
      %reduce_sum3A_333 = vector.extract %reduce_sum3A_332[15] : f32 from vector<16xf32>
      %scan3A_334 = arith.constant 0 : i32
      %scan3A_335 = arith.constant 64 : i32
      %scan3A_336 = arith.addi %scan3A_334, %scan3A_335 : i32
      %scan3A_337 = arith.constant 1 : i32
      %scan3A_338:2 = scf.for %scan3A_386 = %scan3A_334 to %scan3A_336 step %scan3A_337 iter_args(%scan3A_387 = %broadcast_in_dim3A_19, %scan3A_388 = %broadcast_in_dim3A_19) -> (vector<16xf32>, vector<16xf32>)  : i32 {
        %mul3A_389 = arith.constant 16 : i32
        %mul3A_390 = arith.muli %scan3A_386, %mul3A_389 : i32
        %get3A_391 = arith.index_cast %scan3A_328 : i32 to index
        %get3A_392 = arith.index_cast %mul3A_390 : i32 to index
        %get3A_393 = tpu.vector_load %arg17[%get3A_391, %get3A_392] {strides = array<i32>} : memref<16x1024xf32, #tpu.memory_space<vmem>>, vector<16xf32>,
        %get3A_394 = arith.index_cast %scan3A_328 : i32 to index
        %get3A_395 = arith.index_cast %mul3A_390 : i32 to index
        %get3A_396 = tpu.vector_load %arg18[%get3A_394, %get3A_395] {strides = array<i32>} : memref<16x1024xf32, #tpu.memory_space<vmem>>, vector<16xf32>,
        %add3A_397 = arith.addf %get3A_393, %get3A_396 : vector<16xf32>
        %get3A_398 = arith.index_cast %mul3A_390 : i32 to index
        %get3A_399 = tpu.vector_load %arg13[%get3A_398] {strides = array<i32>} : memref<1024xf32, #tpu.memory_space<vmem>>, vector<16xf32>,
        %mul3A_400 = vector.broadcast %reduce_sum3A_333 : f32 to vector<16xf32>
        %mul3A_401 = arith.mulf %mul3A_400, %get3A_399 : vector<16xf32>
        %get3A_402 = arith.index_cast %mul3A_390 : i32 to index
        %get3A_403 = tpu.vector_load %arg14[%get3A_402] {strides = array<i32>} : memref<1024xf32, #tpu.memory_space<vmem>>, vector<16xf32>,
        %add3A_404 = arith.addf %mul3A_401, %get3A_403 : vector<16xf32>
        %max3A = arith.constant 0.000000e+00 : f32
        %max3A_405 = vector.broadcast %max3A : f32 to vector<16xf32>
        %max3A_406 = arith.maximumf %add3A_404, %max3A_405 : vector<16xf32>
        %add3A_407 = arith.addf %add3A_397, %max3A_406 : vector<16xf32>
        %swap3A = arith.index_cast %scan3A_328 : i32 to index
        %swap3A_408 = arith.index_cast %mul3A_390 : i32 to index
        %swap3A_409 = tpu.vector_load %arg17[%swap3A, %swap3A_408] {strides = array<i32>} : memref<16x1024xf32, #tpu.memory_space<vmem>>, vector<16xf32>,
        tpu.vector_store %arg17[%swap3A, %swap3A_408], %add3A_407 {strides = array<i32>} : memref<16x1024xf32, #tpu.memory_space<vmem>>, vector<16xf32>,
        %add3A_410 = arith.addf %scan3A_387, %add3A_407 : vector<16xf32>
        %mul3A_411 = arith.mulf %add3A_407, %add3A_407 : vector<16xf32>
        %add3A_412 = arith.addf %scan3A_388, %mul3A_411 : vector<16xf32>
        scf.yield %add3A_410, %add3A_412 : vector<16xf32>, vector<16xf32>
      }
      %scan3A_339 = arith.constant 64 : i32
      %reduce_sum3A_340 = arith.constant true
      %reduce_sum3A_341 = vector.broadcast %reduce_sum3A_340 : i1 to vector<16xi1>
      %reduce_sum3A_342 = tpu.scan <sum>, %scan3A_338#0 masked %reduce_sum3A_341 : vector<16xf32>, vector<16xi1> -> vector<16xf32>
      %reduce_sum3A_343 = vector.extract %reduce_sum3A_342[15] : f32 from vector<16xf32>
      %mul3A_344 = arith.constant 9.765625E-4 : f32
      %mul3A_345 = arith.mulf %reduce_sum3A_343, %mul3A_344 : f32
      %reduce_sum3A_346 = arith.constant true
      %reduce_sum3A_347 = vector.broadcast %reduce_sum3A_346 : i1 to vector<16xi1>
      %reduce_sum3A_348 = tpu.scan <sum>, %scan3A_338#1 masked %reduce_sum3A_347 : vector<16xf32>, vector<16xi1> -> vector<16xf32>
      %reduce_sum3A_349 = vector.extract %reduce_sum3A_348[15] : f32 from vector<16xf32>
      %mul3A_350 = arith.constant 9.765625E-4 : f32
      %mul3A_351 = arith.mulf %reduce_sum3A_349, %mul3A_350 : f32
      %mul3A_352 = arith.mulf %mul3A_345, %mul3A_345 : f32
      %sub3A = arith.subf %mul3A_351, %mul3A_352 : f32
      %add3A_353 = arith.constant 9.99999974E-6 : f32
      %add3A_354 = arith.addf %sub3A, %add3A_353 : f32
      %bitcast_convert_type3A = arith.bitcast %add3A_354 : f32 to i32
      %shift_right_logical3A = arith.constant 1 : i32
      %shift_right_logical3A_355 = arith.shrui %bitcast_convert_type3A, %shift_right_logical3A : i32
      %sub3A_356 = arith.constant 1597463007 : i32
      %sub3A_357 = arith.subi %sub3A_356, %shift_right_logical3A_355 : i32
      %bitcast_convert_type3A_358 = arith.bitcast %sub3A_357 : i32 to f32
      %mul3A_359 = arith.constant 5.000000e-01 : f32
      %mul3A_360 = arith.mulf %mul3A_359, %add3A_354 : f32
      %mul3A_361 = arith.mulf %mul3A_360, %bitcast_convert_type3A_358 : f32
      %mul3A_362 = arith.mulf %mul3A_361, %bitcast_convert_type3A_358 : f32
      %sub3A_363 = arith.constant 1.500000e+00 : f32
      %sub3A_364 = arith.subf %sub3A_363, %mul3A_362 : f32
      %mul3A_365 = arith.mulf %bitcast_convert_type3A_358, %sub3A_364 : f32
      %mul3A_366 = arith.constant 5.000000e-01 : f32
      %mul3A_367 = arith.mulf %mul3A_366, %add3A_354 : f32
      %mul3A_368 = arith.mulf %mul3A_367, %mul3A_365 : f32
      %mul3A_369 = arith.mulf %mul3A_368, %mul3A_365 : f32
      %sub3A_370 = arith.constant 1.500000e+00 : f32
      %sub3A_371 = arith.subf %sub3A_370, %mul3A_369 : f32
      %mul3A_372 = arith.mulf %mul3A_365, %sub3A_371 : f32
      %mul3A_373 = arith.constant 5.000000e-01 : f32
      %mul3A_374 = arith.mulf %mul3A_373, %add3A_354 : f32
      %mul3A_375 = arith.mulf %mul3A_374, %mul3A_372 : f32
      %mul3A_376 = arith.mulf %mul3A_375, %mul3A_372 : f32
      %sub3A_377 = arith.constant 1.500000e+00 : f32
      %sub3A_378 = arith.subf %sub3A_377, %mul3A_376 : f32
      %mul3A_379 = arith.mulf %mul3A_372, %sub3A_378 : f32
      %scan3A_380 = arith.constant 0 : i32
      %scan3A_381 = arith.constant 0 : i32
      %scan3A_382 = arith.constant 64 : i32
      %scan3A_383 = arith.addi %scan3A_381, %scan3A_382 : i32
      %scan3A_384 = arith.constant 1 : i32
      scf.for %scan3A_386 = %scan3A_381 to %scan3A_383 step %scan3A_384  : i32 {
        %mul3A_387 = arith.constant 16 : i32
        %mul3A_388 = arith.muli %scan3A_386, %mul3A_387 : i32
        %get3A_389 = arith.index_cast %scan3A_328 : i32 to index
        %get3A_390 = arith.index_cast %mul3A_388 : i32 to index
        %get3A_391 = tpu.vector_load %arg17[%get3A_389, %get3A_390] {strides = array<i32>} : memref<16x1024xf32, #tpu.memory_space<vmem>>, vector<16xf32>,
        %sub3A_392 = vector.broadcast %mul3A_345 : f32 to vector<16xf32>
        %sub3A_393 = arith.subf %get3A_391, %sub3A_392 : vector<16xf32>
        %mul3A_394 = vector.broadcast %mul3A_379 : f32 to vector<16xf32>
        %mul3A_395 = arith.mulf %sub3A_393, %mul3A_394 : vector<16xf32>
        %get3A_396 = arith.index_cast %mul3A_388 : i32 to index
        %get3A_397 = tpu.vector_load %arg15[%get3A_396] {strides = array<i32>} : memref<1024xf32, #tpu.memory_space<vmem>>, vector<16xf32>,
        %mul3A_398 = arith.mulf %mul3A_395, %get3A_397 : vector<16xf32>
        %get3A_399 = arith.index_cast %mul3A_388 : i32 to index
        %get3A_400 = tpu.vector_load %arg16[%get3A_399] {strides = array<i32>} : memref<1024xf32, #tpu.memory_space<vmem>>, vector<16xf32>,
        %add3A_401 = arith.addf %mul3A_398, %get3A_400 : vector<16xf32>
        %swap3A = arith.index_cast %scan3A_328 : i32 to index
        %swap3A_402 = arith.index_cast %mul3A_388 : i32 to index
        %swap3A_403 = tpu.vector_load %arg17[%swap3A, %swap3A_402] {strides = array<i32>} : memref<16x1024xf32, #tpu.memory_space<vmem>>, vector<16xf32>,
        tpu.vector_store %arg17[%swap3A, %swap3A_402], %add3A_401 {strides = array<i32>} : memref<16x1024xf32, #tpu.memory_space<vmem>>, vector<16xf32>,
      }
      %scan3A_385 = arith.constant 64 : i32
    }
    %scan3A_53 = arith.constant 16 : i32
    %add3A_54 = arith.constant 2048 : i32
    %add3A_55 = arith.addi %add3A_54, %add3A_21 : i32
    "tpu.region"() ({
      %run_scoped3A = tpu.sem_alloc : memref<!tpu.dma_semaphore, #tpu.memory_space<semaphore_mem>>
      %dma_start3A_328 = arith.constant 0 : i32
      %dma_start3A_329 = tpu.memref_slice %arg10[%add3A_55, %dma_start3A_328] : memref<8192x1024xf32, #tpu.memory_space<hbm>> -> memref<16x1024xf32, #tpu.memory_space<hbm>>
      %dma_start3A_330 = arith.constant 0 : i32
      %dma_start3A_331 = tpu.memref_slice %arg10[%add3A_55, %dma_start3A_330] : memref<8192x1024xf32, #tpu.memory_space<hbm>> -> memref<16x1024xf32, #tpu.memory_space<hbm>>
      tpu.enqueue_dma source(%arg17 : memref<16x1024xf32, #tpu.memory_space<vmem>>) target(%dma_start3A_331 : memref<16x1024xf32, #tpu.memory_space<hbm>>) target_semaphore(%run_scoped3A : memref<!tpu.dma_semaphore, #tpu.memory_space<semaphore_mem>>)
      %dma_wait3A_332 = arith.constant 0 : i32
      %dma_wait3A_333 = tpu.memref_slice %arg10[%add3A_55, %dma_wait3A_332] : memref<8192x1024xf32, #tpu.memory_space<hbm>> -> memref<16x1024xf32, #tpu.memory_space<hbm>>
      %dma_wait3A_334 = arith.constant 0 : i32
      %dma_wait3A_335 = tpu.memref_slice %arg10[%add3A_55, %dma_wait3A_334] : memref<8192x1024xf32, #tpu.memory_space<hbm>> -> memref<16x1024xf32, #tpu.memory_space<hbm>>
      tpu.wait_dma2 semaphore(%run_scoped3A : memref<!tpu.dma_semaphore, #tpu.memory_space<semaphore_mem>>) src(%arg17 : memref<16x1024xf32, #tpu.memory_space<vmem>>) dst(%dma_wait3A_335 : memref<16x1024xf32, #tpu.memory_space<hbm>>)
      tpu.yield
    }) : () -> ()
    %dma_start3A_56 = arith.constant 128 : i32
    %dma_start3A_57 = tpu.memref_slice %arg11[%dma_start3A_56] : memref<256xi32, #tpu.memory_space<vmem>> -> memref<16xi32, #tpu.memory_space<vmem>>
    %dma_start3A_58 = arith.constant 0 : i32
    %dma_start3A_59 = arith.constant 0 : i32
    %dma_start3A_60 = tpu.memref_slice %arg4[%dma_start3A_58, %dma_start3A_59] : memref<100000x1024xf32, #tpu.memory_space<hbm>> -> memref<100000x1024xf32, #tpu.memory_space<hbm>>
    tpu.enqueue_indirect_dma source(%dma_start3A_60 : memref<100000x1024xf32, #tpu.memory_space<hbm>>) target(%arg17 : memref<16x1024xf32, #tpu.memory_space<vmem>>) offsets(%dma_start3A_57 : memref<16xi32, #tpu.memory_space<vmem>>) semaphore(%arg19 : memref<!tpu.dma_semaphore, #tpu.memory_space<semaphore_mem>>)
    %dma_wait3A_61 = arith.constant 128 : i32
    %dma_wait3A_62 = tpu.memref_slice %arg11[%dma_wait3A_61] : memref<256xi32, #tpu.memory_space<vmem>> -> memref<16xi32, #tpu.memory_space<vmem>>
    %dma_wait3A_63 = arith.constant 0 : i32
    %dma_wait3A_64 = arith.constant 0 : i32
    %dma_wait3A_65 = tpu.memref_slice %arg4[%dma_wait3A_63, %dma_wait3A_64] : memref<100000x1024xf32, #tpu.memory_space<hbm>> -> memref<100000x1024xf32, #tpu.memory_space<hbm>>
    tpu.wait_indirect_dma semaphore(%arg19 : memref<!tpu.dma_semaphore, #tpu.memory_space<semaphore_mem>>) src(%dma_wait3A_65 : memref<100000x1024xf32, #tpu.memory_space<hbm>>) dst(%arg17 : memref<16x1024xf32, #tpu.memory_space<vmem>>)
    %get3A_66 = arith.constant 128 : index
    %get3A_67 = tpu.vector_load %arg12[%get3A_66] {strides = array<i32>} : memref<256xf32, #tpu.memory_space<vmem>>, vector<16xf32>,
    %scan3A_68 = arith.constant 0 : i32
    %scan3A_69 = arith.constant 16 : i32
    %scan3A_70 = arith.addi %scan3A_68, %scan3A_69 : i32
    %scan3A_71 = arith.constant 1 : i32
    scf.for %scan3A_328 = %scan3A_68 to %scan3A_70 step %scan3A_71  : i32 {
      %eq3A = vector.broadcast %scan3A_328 : i32 to vector<16xi32>
      %eq3A_329 = arith.cmpi eq, %iota3A, %eq3A : vector<16xi32>
      %jit3A = arith.constant 0.000000e+00 : f32
      %broadcast_in_dim3A_330 = vector.broadcast %jit3A : f32 to vector<16xf32>
      %select_n3A = arith.select %eq3A_329, %get3A_67, %broadcast_in_dim3A_330 : vector<16xi1>, vector<16xf32>
      %reduce_sum3A = arith.constant true
      %reduce_sum3A_331 = vector.broadcast %reduce_sum3A : i1 to vector<16xi1>
      %reduce_sum3A_332 = tpu.scan <sum>, %select_n3A masked %reduce_sum3A_331 : vector<16xf32>, vector<16xi1> -> vector<16xf32>
      %reduce_sum3A_333 = vector.extract %reduce_sum3A_332[15] : f32 from vector<16xf32>
      %scan3A_334 = arith.constant 0 : i32
      %scan3A_335 = arith.constant 64 : i32
      %scan3A_336 = arith.addi %scan3A_334, %scan3A_335 : i32
      %scan3A_337 = arith.constant 1 : i32
      %scan3A_338:2 = scf.for %scan3A_386 = %scan3A_334 to %scan3A_336 step %scan3A_337 iter_args(%scan3A_387 = %broadcast_in_dim3A_19, %scan3A_388 = %broadcast_in_dim3A_19) -> (vector<16xf32>, vector<16xf32>)  : i32 {
        %mul3A_389 = arith.constant 16 : i32
        %mul3A_390 = arith.muli %scan3A_386, %mul3A_389 : i32
        %get3A_391 = arith.index_cast %scan3A_328 : i32 to index
        %get3A_392 = arith.index_cast %mul3A_390 : i32 to index
        %get3A_393 = tpu.vector_load %arg17[%get3A_391, %get3A_392] {strides = array<i32>} : memref<16x1024xf32, #tpu.memory_space<vmem>>, vector<16xf32>,
        %get3A_394 = arith.index_cast %scan3A_328 : i32 to index
        %get3A_395 = arith.index_cast %mul3A_390 : i32 to index
        %get3A_396 = tpu.vector_load %arg18[%get3A_394, %get3A_395] {strides = array<i32>} : memref<16x1024xf32, #tpu.memory_space<vmem>>, vector<16xf32>,
        %add3A_397 = arith.addf %get3A_393, %get3A_396 : vector<16xf32>
        %get3A_398 = arith.index_cast %mul3A_390 : i32 to index
        %get3A_399 = tpu.vector_load %arg13[%get3A_398] {strides = array<i32>} : memref<1024xf32, #tpu.memory_space<vmem>>, vector<16xf32>,
        %mul3A_400 = vector.broadcast %reduce_sum3A_333 : f32 to vector<16xf32>
        %mul3A_401 = arith.mulf %mul3A_400, %get3A_399 : vector<16xf32>
        %get3A_402 = arith.index_cast %mul3A_390 : i32 to index
        %get3A_403 = tpu.vector_load %arg14[%get3A_402] {strides = array<i32>} : memref<1024xf32, #tpu.memory_space<vmem>>, vector<16xf32>,
        %add3A_404 = arith.addf %mul3A_401, %get3A_403 : vector<16xf32>
        %max3A = arith.constant 0.000000e+00 : f32
        %max3A_405 = vector.broadcast %max3A : f32 to vector<16xf32>
        %max3A_406 = arith.maximumf %add3A_404, %max3A_405 : vector<16xf32>
        %add3A_407 = arith.addf %add3A_397, %max3A_406 : vector<16xf32>
        %swap3A = arith.index_cast %scan3A_328 : i32 to index
        %swap3A_408 = arith.index_cast %mul3A_390 : i32 to index
        %swap3A_409 = tpu.vector_load %arg17[%swap3A, %swap3A_408] {strides = array<i32>} : memref<16x1024xf32, #tpu.memory_space<vmem>>, vector<16xf32>,
        tpu.vector_store %arg17[%swap3A, %swap3A_408], %add3A_407 {strides = array<i32>} : memref<16x1024xf32, #tpu.memory_space<vmem>>, vector<16xf32>,
        %add3A_410 = arith.addf %scan3A_387, %add3A_407 : vector<16xf32>
        %mul3A_411 = arith.mulf %add3A_407, %add3A_407 : vector<16xf32>
        %add3A_412 = arith.addf %scan3A_388, %mul3A_411 : vector<16xf32>
        scf.yield %add3A_410, %add3A_412 : vector<16xf32>, vector<16xf32>
      }
      %scan3A_339 = arith.constant 64 : i32
      %reduce_sum3A_340 = arith.constant true
      %reduce_sum3A_341 = vector.broadcast %reduce_sum3A_340 : i1 to vector<16xi1>
      %reduce_sum3A_342 = tpu.scan <sum>, %scan3A_338#0 masked %reduce_sum3A_341 : vector<16xf32>, vector<16xi1> -> vector<16xf32>
      %reduce_sum3A_343 = vector.extract %reduce_sum3A_342[15] : f32 from vector<16xf32>
      %mul3A_344 = arith.constant 9.765625E-4 : f32
      %mul3A_345 = arith.mulf %reduce_sum3A_343, %mul3A_344 : f32
      %reduce_sum3A_346 = arith.constant true
      %reduce_sum3A_347 = vector.broadcast %reduce_sum3A_346 : i1 to vector<16xi1>
      %reduce_sum3A_348 = tpu.scan <sum>, %scan3A_338#1 masked %reduce_sum3A_347 : vector<16xf32>, vector<16xi1> -> vector<16xf32>
      %reduce_sum3A_349 = vector.extract %reduce_sum3A_348[15] : f32 from vector<16xf32>
      %mul3A_350 = arith.constant 9.765625E-4 : f32
      %mul3A_351 = arith.mulf %reduce_sum3A_349, %mul3A_350 : f32
      %mul3A_352 = arith.mulf %mul3A_345, %mul3A_345 : f32
      %sub3A = arith.subf %mul3A_351, %mul3A_352 : f32
      %add3A_353 = arith.constant 9.99999974E-6 : f32
      %add3A_354 = arith.addf %sub3A, %add3A_353 : f32
      %bitcast_convert_type3A = arith.bitcast %add3A_354 : f32 to i32
      %shift_right_logical3A = arith.constant 1 : i32
      %shift_right_logical3A_355 = arith.shrui %bitcast_convert_type3A, %shift_right_logical3A : i32
      %sub3A_356 = arith.constant 1597463007 : i32
      %sub3A_357 = arith.subi %sub3A_356, %shift_right_logical3A_355 : i32
      %bitcast_convert_type3A_358 = arith.bitcast %sub3A_357 : i32 to f32
      %mul3A_359 = arith.constant 5.000000e-01 : f32
      %mul3A_360 = arith.mulf %mul3A_359, %add3A_354 : f32
      %mul3A_361 = arith.mulf %mul3A_360, %bitcast_convert_type3A_358 : f32
      %mul3A_362 = arith.mulf %mul3A_361, %bitcast_convert_type3A_358 : f32
      %sub3A_363 = arith.constant 1.500000e+00 : f32
      %sub3A_364 = arith.subf %sub3A_363, %mul3A_362 : f32
      %mul3A_365 = arith.mulf %bitcast_convert_type3A_358, %sub3A_364 : f32
      %mul3A_366 = arith.constant 5.000000e-01 : f32
      %mul3A_367 = arith.mulf %mul3A_366, %add3A_354 : f32
      %mul3A_368 = arith.mulf %mul3A_367, %mul3A_365 : f32
      %mul3A_369 = arith.mulf %mul3A_368, %mul3A_365 : f32
      %sub3A_370 = arith.constant 1.500000e+00 : f32
      %sub3A_371 = arith.subf %sub3A_370, %mul3A_369 : f32
      %mul3A_372 = arith.mulf %mul3A_365, %sub3A_371 : f32
      %mul3A_373 = arith.constant 5.000000e-01 : f32
      %mul3A_374 = arith.mulf %mul3A_373, %add3A_354 : f32
      %mul3A_375 = arith.mulf %mul3A_374, %mul3A_372 : f32
      %mul3A_376 = arith.mulf %mul3A_375, %mul3A_372 : f32
      %sub3A_377 = arith.constant 1.500000e+00 : f32
      %sub3A_378 = arith.subf %sub3A_377, %mul3A_376 : f32
      %mul3A_379 = arith.mulf %mul3A_372, %sub3A_378 : f32
      %scan3A_380 = arith.constant 0 : i32
      %scan3A_381 = arith.constant 0 : i32
      %scan3A_382 = arith.constant 64 : i32
      %scan3A_383 = arith.addi %scan3A_381, %scan3A_382 : i32
      %scan3A_384 = arith.constant 1 : i32
      scf.for %scan3A_386 = %scan3A_381 to %scan3A_383 step %scan3A_384  : i32 {
        %mul3A_387 = arith.constant 16 : i32
        %mul3A_388 = arith.muli %scan3A_386, %mul3A_387 : i32
        %get3A_389 = arith.index_cast %scan3A_328 : i32 to index
        %get3A_390 = arith.index_cast %mul3A_388 : i32 to index
        %get3A_391 = tpu.vector_load %arg17[%get3A_389, %get3A_390] {strides = array<i32>} : memref<16x1024xf32, #tpu.memory_space<vmem>>, vector<16xf32>,
        %sub3A_392 = vector.broadcast %mul3A_345 : f32 to vector<16xf32>
        %sub3A_393 = arith.subf %get3A_391, %sub3A_392 : vector<16xf32>
        %mul3A_394 = vector.broadcast %mul3A_379 : f32 to vector<16xf32>
        %mul3A_395 = arith.mulf %sub3A_393, %mul3A_394 : vector<16xf32>
        %get3A_396 = arith.index_cast %mul3A_388 : i32 to index
        %get3A_397 = tpu.vector_load %arg15[%get3A_396] {strides = array<i32>} : memref<1024xf32, #tpu.memory_space<vmem>>, vector<16xf32>,
        %mul3A_398 = arith.mulf %mul3A_395, %get3A_397 : vector<16xf32>
        %get3A_399 = arith.index_cast %mul3A_388 : i32 to index
        %get3A_400 = tpu.vector_load %arg16[%get3A_399] {strides = array<i32>} : memref<1024xf32, #tpu.memory_space<vmem>>, vector<16xf32>,
        %add3A_401 = arith.addf %mul3A_398, %get3A_400 : vector<16xf32>
        %swap3A = arith.index_cast %scan3A_328 : i32 to index
        %swap3A_402 = arith.index_cast %mul3A_388 : i32 to index
        %swap3A_403 = tpu.vector_load %arg17[%swap3A, %swap3A_402] {strides = array<i32>} : memref<16x1024xf32, #tpu.memory_space<vmem>>, vector<16xf32>,
        tpu.vector_store %arg17[%swap3A, %swap3A_402], %add3A_401 {strides = array<i32>} : memref<16x1024xf32, #tpu.memory_space<vmem>>, vector<16xf32>,
      }
      %scan3A_385 = arith.constant 64 : i32
    }
    %scan3A_72 = arith.constant 16 : i32
    %add3A_73 = arith.constant 4096 : i32
    %add3A_74 = arith.addi %add3A_73, %add3A_21 : i32
    "tpu.region"() ({
      %run_scoped3A = tpu.sem_alloc : memref<!tpu.dma_semaphore, #tpu.memory_space<semaphore_mem>>
      %dma_start3A_328 = arith.constant 0 : i32
      %dma_start3A_329 = tpu.memref_slice %arg10[%add3A_74, %dma_start3A_328] : memref<8192x1024xf32, #tpu.memory_space<hbm>> -> memref<16x1024xf32, #tpu.memory_space<hbm>>
      %dma_start3A_330 = arith.constant 0 : i32
      %dma_start3A_331 = tpu.memref_slice %arg10[%add3A_74, %dma_start3A_330] : memref<8192x1024xf32, #tpu.memory_space<hbm>> -> memref<16x1024xf32, #tpu.memory_space<hbm>>
      tpu.enqueue_dma source(%arg17 : memref<16x1024xf32, #tpu.memory_space<vmem>>) target(%dma_start3A_331 : memref<16x1024xf32, #tpu.memory_space<hbm>>) target_semaphore(%run_scoped3A : memref<!tpu.dma_semaphore, #tpu.memory_space<semaphore_mem>>)
      %dma_wait3A_332 = arith.constant 0 : i32
      %dma_wait3A_333 = tpu.memref_slice %arg10[%add3A_74, %dma_wait3A_332] : memref<8192x1024xf32, #tpu.memory_space<hbm>> -> memref<16x1024xf32, #tpu.memory_space<hbm>>
      %dma_wait3A_334 = arith.constant 0 : i32
      %dma_wait3A_335 = tpu.memref_slice %arg10[%add3A_74, %dma_wait3A_334] : memref<8192x1024xf32, #tpu.memory_space<hbm>> -> memref<16x1024xf32, #tpu.memory_space<hbm>>
      tpu.wait_dma2 semaphore(%run_scoped3A : memref<!tpu.dma_semaphore, #tpu.memory_space<semaphore_mem>>) src(%arg17 : memref<16x1024xf32, #tpu.memory_space<vmem>>) dst(%dma_wait3A_335 : memref<16x1024xf32, #tpu.memory_space<hbm>>)
      tpu.yield
    }) : () -> ()
    %dma_start3A_75 = arith.constant 192 : i32
    %dma_start3A_76 = tpu.memref_slice %arg11[%dma_start3A_75] : memref<256xi32, #tpu.memory_space<vmem>> -> memref<16xi32, #tpu.memory_space<vmem>>
    %dma_start3A_77 = arith.constant 0 : i32
    %dma_start3A_78 = arith.constant 0 : i32
    %dma_start3A_79 = tpu.memref_slice %arg4[%dma_start3A_77, %dma_start3A_78] : memref<100000x1024xf32, #tpu.memory_space<hbm>> -> memref<100000x1024xf32, #tpu.memory_space<hbm>>
    tpu.enqueue_indirect_dma source(%dma_start3A_79 : memref<100000x1024xf32, #tpu.memory_space<hbm>>) target(%arg17 : memref<16x1024xf32, #tpu.memory_space<vmem>>) offsets(%dma_start3A_76 : memref<16xi32, #tpu.memory_space<vmem>>) semaphore(%arg19 : memref<!tpu.dma_semaphore, #tpu.memory_space<semaphore_mem>>)
    %dma_wait3A_80 = arith.constant 192 : i32
    %dma_wait3A_81 = tpu.memref_slice %arg11[%dma_wait3A_80] : memref<256xi32, #tpu.memory_space<vmem>> -> memref<16xi32, #tpu.memory_space<vmem>>
    %dma_wait3A_82 = arith.constant 0 : i32
    %dma_wait3A_83 = arith.constant 0 : i32
    %dma_wait3A_84 = tpu.memref_slice %arg4[%dma_wait3A_82, %dma_wait3A_83] : memref<100000x1024xf32, #tpu.memory_space<hbm>> -> memref<100000x1024xf32, #tpu.memory_space<hbm>>
    tpu.wait_indirect_dma semaphore(%arg19 : memref<!tpu.dma_semaphore, #tpu.memory_space<semaphore_mem>>) src(%dma_wait3A_84 : memref<100000x1024xf32, #tpu.memory_space<hbm>>) dst(%arg17 : memref<16x1024xf32, #tpu.memory_space<vmem>>)
    %get3A_85 = arith.constant 192 : index
    %get3A_86 = tpu.vector_load %arg12[%get3A_85] {strides = array<i32>} : memref<256xf32, #tpu.memory_space<vmem>>, vector<16xf32>,
    %scan3A_87 = arith.constant 0 : i32
    %scan3A_88 = arith.constant 16 : i32
    %scan3A_89 = arith.addi %scan3A_87, %scan3A_88 : i32
    %scan3A_90 = arith.constant 1 : i32
    scf.for %scan3A_328 = %scan3A_87 to %scan3A_89 step %scan3A_90  : i32 {
      %eq3A = vector.broadcast %scan3A_328 : i32 to vector<16xi32>
      %eq3A_329 = arith.cmpi eq, %iota3A, %eq3A : vector<16xi32>
      %jit3A = arith.constant 0.000000e+00 : f32
      %broadcast_in_dim3A_330 = vector.broadcast %jit3A : f32 to vector<16xf32>
      %select_n3A = arith.select %eq3A_329, %get3A_86, %broadcast_in_dim3A_330 : vector<16xi1>, vector<16xf32>
      %reduce_sum3A = arith.constant true
      %reduce_sum3A_331 = vector.broadcast %reduce_sum3A : i1 to vector<16xi1>
      %reduce_sum3A_332 = tpu.scan <sum>, %select_n3A masked %reduce_sum3A_331 : vector<16xf32>, vector<16xi1> -> vector<16xf32>
      %reduce_sum3A_333 = vector.extract %reduce_sum3A_332[15] : f32 from vector<16xf32>
      %scan3A_334 = arith.constant 0 : i32
      %scan3A_335 = arith.constant 64 : i32
      %scan3A_336 = arith.addi %scan3A_334, %scan3A_335 : i32
      %scan3A_337 = arith.constant 1 : i32
      %scan3A_338:2 = scf.for %scan3A_386 = %scan3A_334 to %scan3A_336 step %scan3A_337 iter_args(%scan3A_387 = %broadcast_in_dim3A_19, %scan3A_388 = %broadcast_in_dim3A_19) -> (vector<16xf32>, vector<16xf32>)  : i32 {
        %mul3A_389 = arith.constant 16 : i32
        %mul3A_390 = arith.muli %scan3A_386, %mul3A_389 : i32
        %get3A_391 = arith.index_cast %scan3A_328 : i32 to index
        %get3A_392 = arith.index_cast %mul3A_390 : i32 to index
        %get3A_393 = tpu.vector_load %arg17[%get3A_391, %get3A_392] {strides = array<i32>} : memref<16x1024xf32, #tpu.memory_space<vmem>>, vector<16xf32>,
        %get3A_394 = arith.index_cast %scan3A_328 : i32 to index
        %get3A_395 = arith.index_cast %mul3A_390 : i32 to index
        %get3A_396 = tpu.vector_load %arg18[%get3A_394, %get3A_395] {strides = array<i32>} : memref<16x1024xf32, #tpu.memory_space<vmem>>, vector<16xf32>,
        %add3A_397 = arith.addf %get3A_393, %get3A_396 : vector<16xf32>
        %get3A_398 = arith.index_cast %mul3A_390 : i32 to index
        %get3A_399 = tpu.vector_load %arg13[%get3A_398] {strides = array<i32>} : memref<1024xf32, #tpu.memory_space<vmem>>, vector<16xf32>,
        %mul3A_400 = vector.broadcast %reduce_sum3A_333 : f32 to vector<16xf32>
        %mul3A_401 = arith.mulf %mul3A_400, %get3A_399 : vector<16xf32>
        %get3A_402 = arith.index_cast %mul3A_390 : i32 to index
        %get3A_403 = tpu.vector_load %arg14[%get3A_402] {strides = array<i32>} : memref<1024xf32, #tpu.memory_space<vmem>>, vector<16xf32>,
        %add3A_404 = arith.addf %mul3A_401, %get3A_403 : vector<16xf32>
        %max3A = arith.constant 0.000000e+00 : f32
        %max3A_405 = vector.broadcast %max3A : f32 to vector<16xf32>
        %max3A_406 = arith.maximumf %add3A_404, %max3A_405 : vector<16xf32>
        %add3A_407 = arith.addf %add3A_397, %max3A_406 : vector<16xf32>
        %swap3A = arith.index_cast %scan3A_328 : i32 to index
        %swap3A_408 = arith.index_cast %mul3A_390 : i32 to index
        %swap3A_409 = tpu.vector_load %arg17[%swap3A, %swap3A_408] {strides = array<i32>} : memref<16x1024xf32, #tpu.memory_space<vmem>>, vector<16xf32>,
        tpu.vector_store %arg17[%swap3A, %swap3A_408], %add3A_407 {strides = array<i32>} : memref<16x1024xf32, #tpu.memory_space<vmem>>, vector<16xf32>,
        %add3A_410 = arith.addf %scan3A_387, %add3A_407 : vector<16xf32>
        %mul3A_411 = arith.mulf %add3A_407, %add3A_407 : vector<16xf32>
        %add3A_412 = arith.addf %scan3A_388, %mul3A_411 : vector<16xf32>
        scf.yield %add3A_410, %add3A_412 : vector<16xf32>, vector<16xf32>
      }
      %scan3A_339 = arith.constant 64 : i32
      %reduce_sum3A_340 = arith.constant true
      %reduce_sum3A_341 = vector.broadcast %reduce_sum3A_340 : i1 to vector<16xi1>
      %reduce_sum3A_342 = tpu.scan <sum>, %scan3A_338#0 masked %reduce_sum3A_341 : vector<16xf32>, vector<16xi1> -> vector<16xf32>
      %reduce_sum3A_343 = vector.extract %reduce_sum3A_342[15] : f32 from vector<16xf32>
      %mul3A_344 = arith.constant 9.765625E-4 : f32
      %mul3A_345 = arith.mulf %reduce_sum3A_343, %mul3A_344 : f32
      %reduce_sum3A_346 = arith.constant true
      %reduce_sum3A_347 = vector.broadcast %reduce_sum3A_346 : i1 to vector<16xi1>
      %reduce_sum3A_348 = tpu.scan <sum>, %scan3A_338#1 masked %reduce_sum3A_347 : vector<16xf32>, vector<16xi1> -> vector<16xf32>
      %reduce_sum3A_349 = vector.extract %reduce_sum3A_348[15] : f32 from vector<16xf32>
      %mul3A_350 = arith.constant 9.765625E-4 : f32
      %mul3A_351 = arith.mulf %reduce_sum3A_349, %mul3A_350 : f32
      %mul3A_352 = arith.mulf %mul3A_345, %mul3A_345 : f32
      %sub3A = arith.subf %mul3A_351, %mul3A_352 : f32
      %add3A_353 = arith.constant 9.99999974E-6 : f32
      %add3A_354 = arith.addf %sub3A, %add3A_353 : f32
      %bitcast_convert_type3A = arith.bitcast %add3A_354 : f32 to i32
      %shift_right_logical3A = arith.constant 1 : i32
      %shift_right_logical3A_355 = arith.shrui %bitcast_convert_type3A, %shift_right_logical3A : i32
      %sub3A_356 = arith.constant 1597463007 : i32
      %sub3A_357 = arith.subi %sub3A_356, %shift_right_logical3A_355 : i32
      %bitcast_convert_type3A_358 = arith.bitcast %sub3A_357 : i32 to f32
      %mul3A_359 = arith.constant 5.000000e-01 : f32
      %mul3A_360 = arith.mulf %mul3A_359, %add3A_354 : f32
      %mul3A_361 = arith.mulf %mul3A_360, %bitcast_convert_type3A_358 : f32
      %mul3A_362 = arith.mulf %mul3A_361, %bitcast_convert_type3A_358 : f32
      %sub3A_363 = arith.constant 1.500000e+00 : f32
      %sub3A_364 = arith.subf %sub3A_363, %mul3A_362 : f32
      %mul3A_365 = arith.mulf %bitcast_convert_type3A_358, %sub3A_364 : f32
      %mul3A_366 = arith.constant 5.000000e-01 : f32
      %mul3A_367 = arith.mulf %mul3A_366, %add3A_354 : f32
      %mul3A_368 = arith.mulf %mul3A_367, %mul3A_365 : f32
      %mul3A_369 = arith.mulf %mul3A_368, %mul3A_365 : f32
      %sub3A_370 = arith.constant 1.500000e+00 : f32
      %sub3A_371 = arith.subf %sub3A_370, %mul3A_369 : f32
      %mul3A_372 = arith.mulf %mul3A_365, %sub3A_371 : f32
      %mul3A_373 = arith.constant 5.000000e-01 : f32
      %mul3A_374 = arith.mulf %mul3A_373, %add3A_354 : f32
      %mul3A_375 = arith.mulf %mul3A_374, %mul3A_372 : f32
      %mul3A_376 = arith.mulf %mul3A_375, %mul3A_372 : f32
      %sub3A_377 = arith.constant 1.500000e+00 : f32
      %sub3A_378 = arith.subf %sub3A_377, %mul3A_376 : f32
      %mul3A_379 = arith.mulf %mul3A_372, %sub3A_378 : f32
      %scan3A_380 = arith.constant 0 : i32
      %scan3A_381 = arith.constant 0 : i32
      %scan3A_382 = arith.constant 64 : i32
      %scan3A_383 = arith.addi %scan3A_381, %scan3A_382 : i32
      %scan3A_384 = arith.constant 1 : i32
      scf.for %scan3A_386 = %scan3A_381 to %scan3A_383 step %scan3A_384  : i32 {
        %mul3A_387 = arith.constant 16 : i32
        %mul3A_388 = arith.muli %scan3A_386, %mul3A_387 : i32
        %get3A_389 = arith.index_cast %scan3A_328 : i32 to index
        %get3A_390 = arith.index_cast %mul3A_388 : i32 to index
        %get3A_391 = tpu.vector_load %arg17[%get3A_389, %get3A_390] {strides = array<i32>} : memref<16x1024xf32, #tpu.memory_space<vmem>>, vector<16xf32>,
        %sub3A_392 = vector.broadcast %mul3A_345 : f32 to vector<16xf32>
        %sub3A_393 = arith.subf %get3A_391, %sub3A_392 : vector<16xf32>
        %mul3A_394 = vector.broadcast %mul3A_379 : f32 to vector<16xf32>
        %mul3A_395 = arith.mulf %sub3A_393, %mul3A_394 : vector<16xf32>
        %get3A_396 = arith.index_cast %mul3A_388 : i32 to index
        %get3A_397 = tpu.vector_load %arg15[%get3A_396] {strides = array<i32>} : memref<1024xf32, #tpu.memory_space<vmem>>, vector<16xf32>,
        %mul3A_398 = arith.mulf %mul3A_395, %get3A_397 : vector<16xf32>
        %get3A_399 = arith.index_cast %mul3A_388 : i32 to index
        %get3A_400 = tpu.vector_load %arg16[%get3A_399] {strides = array<i32>} : memref<1024xf32, #tpu.memory_space<vmem>>, vector<16xf32>,
        %add3A_401 = arith.addf %mul3A_398, %get3A_400 : vector<16xf32>
        %swap3A = arith.index_cast %scan3A_328 : i32 to index
        %swap3A_402 = arith.index_cast %mul3A_388 : i32 to index
        %swap3A_403 = tpu.vector_load %arg17[%swap3A, %swap3A_402] {strides = array<i32>} : memref<16x1024xf32, #tpu.memory_space<vmem>>, vector<16xf32>,
        tpu.vector_store %arg17[%swap3A, %swap3A_402], %add3A_401 {strides = array<i32>} : memref<16x1024xf32, #tpu.memory_space<vmem>>, vector<16xf32>,
      }
      %scan3A_385 = arith.constant 64 : i32
    }
    %scan3A_91 = arith.constant 16 : i32
    %add3A_92 = arith.constant 6144 : i32
    %add3A_93 = arith.addi %add3A_92, %add3A_21 : i32
    "tpu.region"() ({
      %run_scoped3A = tpu.sem_alloc : memref<!tpu.dma_semaphore, #tpu.memory_space<semaphore_mem>>
      %dma_start3A_328 = arith.constant 0 : i32
      %dma_start3A_329 = tpu.memref_slice %arg10[%add3A_93, %dma_start3A_328] : memref<8192x1024xf32, #tpu.memory_space<hbm>> -> memref<16x1024xf32, #tpu.memory_space<hbm>>
      %dma_start3A_330 = arith.constant 0 : i32
      %dma_start3A_331 = tpu.memref_slice %arg10[%add3A_93, %dma_start3A_330] : memref<8192x1024xf32, #tpu.memory_space<hbm>> -> memref<16x1024xf32, #tpu.memory_space<hbm>>
      tpu.enqueue_dma source(%arg17 : memref<16x1024xf32, #tpu.memory_space<vmem>>) target(%dma_start3A_331 : memref<16x1024xf32, #tpu.memory_space<hbm>>) target_semaphore(%run_scoped3A : memref<!tpu.dma_semaphore, #tpu.memory_space<semaphore_mem>>)
      %dma_wait3A_332 = arith.constant 0 : i32
      %dma_wait3A_333 = tpu.memref_slice %arg10[%add3A_93, %dma_wait3A_332] : memref<8192x1024xf32, #tpu.memory_space<hbm>> -> memref<16x1024xf32, #tpu.memory_space<hbm>>
      %dma_wait3A_334 = arith.constant 0 : i32
      %dma_wait3A_335 = tpu.memref_slice %arg10[%add3A_93, %dma_wait3A_334] : memref<8192x1024xf32, #tpu.memory_space<hbm>> -> memref<16x1024xf32, #tpu.memory_space<hbm>>
      tpu.wait_dma2 semaphore(%run_scoped3A : memref<!tpu.dma_semaphore, #tpu.memory_space<semaphore_mem>>) src(%arg17 : memref<16x1024xf32, #tpu.memory_space<vmem>>) dst(%dma_wait3A_335 : memref<16x1024xf32, #tpu.memory_space<hbm>>)
      tpu.yield
    }) : () -> ()
    %add3A_94 = arith.constant 16 : i32
    %add3A_95 = arith.addi %mul3A_2, %add3A_94 : i32
    "tpu.region"() ({
      %run_scoped3A = tpu.sem_alloc : memref<!tpu.dma_semaphore, #tpu.memory_space<semaphore_mem>>
      %dma_start3A_328 = arith.constant 0 : i32
      %dma_start3A_329 = tpu.memref_slice %arg5[%add3A_95, %dma_start3A_328] : memref<100000x1024xf32, #tpu.memory_space<hbm>> -> memref<16x1024xf32, #tpu.memory_space<hbm>>
      %dma_start3A_330 = arith.constant 0 : i32
      %dma_start3A_331 = tpu.memref_slice %arg5[%add3A_95, %dma_start3A_330] : memref<100000x1024xf32, #tpu.memory_space<hbm>> -> memref<16x1024xf32, #tpu.memory_space<hbm>>
      tpu.enqueue_dma source(%dma_start3A_331 : memref<16x1024xf32, #tpu.memory_space<hbm>>) target(%arg18 : memref<16x1024xf32, #tpu.memory_space<vmem>>) target_semaphore(%run_scoped3A : memref<!tpu.dma_semaphore, #tpu.memory_space<semaphore_mem>>)
      %dma_wait3A_332 = arith.constant 0 : i32
      %dma_wait3A_333 = tpu.memref_slice %arg5[%add3A_95, %dma_wait3A_332] : memref<100000x1024xf32, #tpu.memory_space<hbm>> -> memref<16x1024xf32, #tpu.memory_space<hbm>>
      %dma_wait3A_334 = arith.constant 0 : i32
      %dma_wait3A_335 = tpu.memref_slice %arg5[%add3A_95, %dma_wait3A_334] : memref<100000x1024xf32, #tpu.memory_space<hbm>> -> memref<16x1024xf32, #tpu.memory_space<hbm>>
      tpu.wait_dma2 semaphore(%run_scoped3A : memref<!tpu.dma_semaphore, #tpu.memory_space<semaphore_mem>>) src(%dma_wait3A_335 : memref<16x1024xf32, #tpu.memory_space<hbm>>) dst(%arg18 : memref<16x1024xf32, #tpu.memory_space<vmem>>)
      tpu.yield
    }) : () -> ()
    %dma_start3A_96 = arith.constant 16 : i32
    %dma_start3A_97 = tpu.memref_slice %arg11[%dma_start3A_96] : memref<256xi32, #tpu.memory_space<vmem>> -> memref<16xi32, #tpu.memory_space<vmem>>
    %dma_start3A_98 = arith.constant 0 : i32
    %dma_start3A_99 = arith.constant 0 : i32
    %dma_start3A_100 = tpu.memref_slice %arg4[%dma_start3A_98, %dma_start3A_99] : memref<100000x1024xf32, #tpu.memory_space<hbm>> -> memref<100000x1024xf32, #tpu.memory_space<hbm>>
    tpu.enqueue_indirect_dma source(%dma_start3A_100 : memref<100000x1024xf32, #tpu.memory_space<hbm>>) target(%arg17 : memref<16x1024xf32, #tpu.memory_space<vmem>>) offsets(%dma_start3A_97 : memref<16xi32, #tpu.memory_space<vmem>>) semaphore(%arg19 : memref<!tpu.dma_semaphore, #tpu.memory_space<semaphore_mem>>)
    %dma_wait3A_101 = arith.constant 16 : i32
    %dma_wait3A_102 = tpu.memref_slice %arg11[%dma_wait3A_101] : memref<256xi32, #tpu.memory_space<vmem>> -> memref<16xi32, #tpu.memory_space<vmem>>
    %dma_wait3A_103 = arith.constant 0 : i32
    %dma_wait3A_104 = arith.constant 0 : i32
    %dma_wait3A_105 = tpu.memref_slice %arg4[%dma_wait3A_103, %dma_wait3A_104] : memref<100000x1024xf32, #tpu.memory_space<hbm>> -> memref<100000x1024xf32, #tpu.memory_space<hbm>>
    tpu.wait_indirect_dma semaphore(%arg19 : memref<!tpu.dma_semaphore, #tpu.memory_space<semaphore_mem>>) src(%dma_wait3A_105 : memref<100000x1024xf32, #tpu.memory_space<hbm>>) dst(%arg17 : memref<16x1024xf32, #tpu.memory_space<vmem>>)
    %get3A_106 = arith.constant 16 : index
    %get3A_107 = tpu.vector_load %arg12[%get3A_106] {strides = array<i32>} : memref<256xf32, #tpu.memory_space<vmem>>, vector<16xf32>,
    %scan3A_108 = arith.constant 0 : i32
    %scan3A_109 = arith.constant 16 : i32
    %scan3A_110 = arith.addi %scan3A_108, %scan3A_109 : i32
    %scan3A_111 = arith.constant 1 : i32
    scf.for %scan3A_328 = %scan3A_108 to %scan3A_110 step %scan3A_111  : i32 {
      %eq3A = vector.broadcast %scan3A_328 : i32 to vector<16xi32>
      %eq3A_329 = arith.cmpi eq, %iota3A, %eq3A : vector<16xi32>
      %jit3A = arith.constant 0.000000e+00 : f32
      %broadcast_in_dim3A_330 = vector.broadcast %jit3A : f32 to vector<16xf32>
      %select_n3A = arith.select %eq3A_329, %get3A_107, %broadcast_in_dim3A_330 : vector<16xi1>, vector<16xf32>
      %reduce_sum3A = arith.constant true
      %reduce_sum3A_331 = vector.broadcast %reduce_sum3A : i1 to vector<16xi1>
      %reduce_sum3A_332 = tpu.scan <sum>, %select_n3A masked %reduce_sum3A_331 : vector<16xf32>, vector<16xi1> -> vector<16xf32>
      %reduce_sum3A_333 = vector.extract %reduce_sum3A_332[15] : f32 from vector<16xf32>
      %scan3A_334 = arith.constant 0 : i32
      %scan3A_335 = arith.constant 64 : i32
      %scan3A_336 = arith.addi %scan3A_334, %scan3A_335 : i32
      %scan3A_337 = arith.constant 1 : i32
      %scan3A_338:2 = scf.for %scan3A_386 = %scan3A_334 to %scan3A_336 step %scan3A_337 iter_args(%scan3A_387 = %broadcast_in_dim3A_19, %scan3A_388 = %broadcast_in_dim3A_19) -> (vector<16xf32>, vector<16xf32>)  : i32 {
        %mul3A_389 = arith.constant 16 : i32
        %mul3A_390 = arith.muli %scan3A_386, %mul3A_389 : i32
        %get3A_391 = arith.index_cast %scan3A_328 : i32 to index
        %get3A_392 = arith.index_cast %mul3A_390 : i32 to index
        %get3A_393 = tpu.vector_load %arg17[%get3A_391, %get3A_392] {strides = array<i32>} : memref<16x1024xf32, #tpu.memory_space<vmem>>, vector<16xf32>,
        %get3A_394 = arith.index_cast %scan3A_328 : i32 to index
        %get3A_395 = arith.index_cast %mul3A_390 : i32 to index
        %get3A_396 = tpu.vector_load %arg18[%get3A_394, %get3A_395] {strides = array<i32>} : memref<16x1024xf32, #tpu.memory_space<vmem>>, vector<16xf32>,
        %add3A_397 = arith.addf %get3A_393, %get3A_396 : vector<16xf32>
        %get3A_398 = arith.index_cast %mul3A_390 : i32 to index
        %get3A_399 = tpu.vector_load %arg13[%get3A_398] {strides = array<i32>} : memref<1024xf32, #tpu.memory_space<vmem>>, vector<16xf32>,
        %mul3A_400 = vector.broadcast %reduce_sum3A_333 : f32 to vector<16xf32>
        %mul3A_401 = arith.mulf %mul3A_400, %get3A_399 : vector<16xf32>
        %get3A_402 = arith.index_cast %mul3A_390 : i32 to index
        %get3A_403 = tpu.vector_load %arg14[%get3A_402] {strides = array<i32>} : memref<1024xf32, #tpu.memory_space<vmem>>, vector<16xf32>,
        %add3A_404 = arith.addf %mul3A_401, %get3A_403 : vector<16xf32>
        %max3A = arith.constant 0.000000e+00 : f32
        %max3A_405 = vector.broadcast %max3A : f32 to vector<16xf32>
        %max3A_406 = arith.maximumf %add3A_404, %max3A_405 : vector<16xf32>
        %add3A_407 = arith.addf %add3A_397, %max3A_406 : vector<16xf32>
        %swap3A = arith.index_cast %scan3A_328 : i32 to index
        %swap3A_408 = arith.index_cast %mul3A_390 : i32 to index
        %swap3A_409 = tpu.vector_load %arg17[%swap3A, %swap3A_408] {strides = array<i32>} : memref<16x1024xf32, #tpu.memory_space<vmem>>, vector<16xf32>,
        tpu.vector_store %arg17[%swap3A, %swap3A_408], %add3A_407 {strides = array<i32>} : memref<16x1024xf32, #tpu.memory_space<vmem>>, vector<16xf32>,
        %add3A_410 = arith.addf %scan3A_387, %add3A_407 : vector<16xf32>
        %mul3A_411 = arith.mulf %add3A_407, %add3A_407 : vector<16xf32>
        %add3A_412 = arith.addf %scan3A_388, %mul3A_411 : vector<16xf32>
        scf.yield %add3A_410, %add3A_412 : vector<16xf32>, vector<16xf32>
      }
      %scan3A_339 = arith.constant 64 : i32
      %reduce_sum3A_340 = arith.constant true
      %reduce_sum3A_341 = vector.broadcast %reduce_sum3A_340 : i1 to vector<16xi1>
      %reduce_sum3A_342 = tpu.scan <sum>, %scan3A_338#0 masked %reduce_sum3A_341 : vector<16xf32>, vector<16xi1> -> vector<16xf32>
      %reduce_sum3A_343 = vector.extract %reduce_sum3A_342[15] : f32 from vector<16xf32>
      %mul3A_344 = arith.constant 9.765625E-4 : f32
      %mul3A_345 = arith.mulf %reduce_sum3A_343, %mul3A_344 : f32
      %reduce_sum3A_346 = arith.constant true
      %reduce_sum3A_347 = vector.broadcast %reduce_sum3A_346 : i1 to vector<16xi1>
      %reduce_sum3A_348 = tpu.scan <sum>, %scan3A_338#1 masked %reduce_sum3A_347 : vector<16xf32>, vector<16xi1> -> vector<16xf32>
      %reduce_sum3A_349 = vector.extract %reduce_sum3A_348[15] : f32 from vector<16xf32>
      %mul3A_350 = arith.constant 9.765625E-4 : f32
      %mul3A_351 = arith.mulf %reduce_sum3A_349, %mul3A_350 : f32
      %mul3A_352 = arith.mulf %mul3A_345, %mul3A_345 : f32
      %sub3A = arith.subf %mul3A_351, %mul3A_352 : f32
      %add3A_353 = arith.constant 9.99999974E-6 : f32
      %add3A_354 = arith.addf %sub3A, %add3A_353 : f32
      %bitcast_convert_type3A = arith.bitcast %add3A_354 : f32 to i32
      %shift_right_logical3A = arith.constant 1 : i32
      %shift_right_logical3A_355 = arith.shrui %bitcast_convert_type3A, %shift_right_logical3A : i32
      %sub3A_356 = arith.constant 1597463007 : i32
      %sub3A_357 = arith.subi %sub3A_356, %shift_right_logical3A_355 : i32
      %bitcast_convert_type3A_358 = arith.bitcast %sub3A_357 : i32 to f32
      %mul3A_359 = arith.constant 5.000000e-01 : f32
      %mul3A_360 = arith.mulf %mul3A_359, %add3A_354 : f32
      %mul3A_361 = arith.mulf %mul3A_360, %bitcast_convert_type3A_358 : f32
      %mul3A_362 = arith.mulf %mul3A_361, %bitcast_convert_type3A_358 : f32
      %sub3A_363 = arith.constant 1.500000e+00 : f32
      %sub3A_364 = arith.subf %sub3A_363, %mul3A_362 : f32
      %mul3A_365 = arith.mulf %bitcast_convert_type3A_358, %sub3A_364 : f32
      %mul3A_366 = arith.constant 5.000000e-01 : f32
      %mul3A_367 = arith.mulf %mul3A_366, %add3A_354 : f32
      %mul3A_368 = arith.mulf %mul3A_367, %mul3A_365 : f32
      %mul3A_369 = arith.mulf %mul3A_368, %mul3A_365 : f32
      %sub3A_370 = arith.constant 1.500000e+00 : f32
      %sub3A_371 = arith.subf %sub3A_370, %mul3A_369 : f32
      %mul3A_372 = arith.mulf %mul3A_365, %sub3A_371 : f32
      %mul3A_373 = arith.constant 5.000000e-01 : f32
      %mul3A_374 = arith.mulf %mul3A_373, %add3A_354 : f32
      %mul3A_375 = arith.mulf %mul3A_374, %mul3A_372 : f32
      %mul3A_376 = arith.mulf %mul3A_375, %mul3A_372 : f32
      %sub3A_377 = arith.constant 1.500000e+00 : f32
      %sub3A_378 = arith.subf %sub3A_377, %mul3A_376 : f32
      %mul3A_379 = arith.mulf %mul3A_372, %sub3A_378 : f32
      %scan3A_380 = arith.constant 0 : i32
      %scan3A_381 = arith.constant 0 : i32
      %scan3A_382 = arith.constant 64 : i32
      %scan3A_383 = arith.addi %scan3A_381, %scan3A_382 : i32
      %scan3A_384 = arith.constant 1 : i32
      scf.for %scan3A_386 = %scan3A_381 to %scan3A_383 step %scan3A_384  : i32 {
        %mul3A_387 = arith.constant 16 : i32
        %mul3A_388 = arith.muli %scan3A_386, %mul3A_387 : i32
        %get3A_389 = arith.index_cast %scan3A_328 : i32 to index
        %get3A_390 = arith.index_cast %mul3A_388 : i32 to index
        %get3A_391 = tpu.vector_load %arg17[%get3A_389, %get3A_390] {strides = array<i32>} : memref<16x1024xf32, #tpu.memory_space<vmem>>, vector<16xf32>,
        %sub3A_392 = vector.broadcast %mul3A_345 : f32 to vector<16xf32>
        %sub3A_393 = arith.subf %get3A_391, %sub3A_392 : vector<16xf32>
        %mul3A_394 = vector.broadcast %mul3A_379 : f32 to vector<16xf32>
        %mul3A_395 = arith.mulf %sub3A_393, %mul3A_394 : vector<16xf32>
        %get3A_396 = arith.index_cast %mul3A_388 : i32 to index
        %get3A_397 = tpu.vector_load %arg15[%get3A_396] {strides = array<i32>} : memref<1024xf32, #tpu.memory_space<vmem>>, vector<16xf32>,
        %mul3A_398 = arith.mulf %mul3A_395, %get3A_397 : vector<16xf32>
        %get3A_399 = arith.index_cast %mul3A_388 : i32 to index
        %get3A_400 = tpu.vector_load %arg16[%get3A_399] {strides = array<i32>} : memref<1024xf32, #tpu.memory_space<vmem>>, vector<16xf32>,
        %add3A_401 = arith.addf %mul3A_398, %get3A_400 : vector<16xf32>
        %swap3A = arith.index_cast %scan3A_328 : i32 to index
        %swap3A_402 = arith.index_cast %mul3A_388 : i32 to index
        %swap3A_403 = tpu.vector_load %arg17[%swap3A, %swap3A_402] {strides = array<i32>} : memref<16x1024xf32, #tpu.memory_space<vmem>>, vector<16xf32>,
        tpu.vector_store %arg17[%swap3A, %swap3A_402], %add3A_401 {strides = array<i32>} : memref<16x1024xf32, #tpu.memory_space<vmem>>, vector<16xf32>,
      }
      %scan3A_385 = arith.constant 64 : i32
    }
    %scan3A_112 = arith.constant 16 : i32
    %add3A_113 = arith.constant 0 : i32
    %add3A_114 = arith.addi %add3A_113, %add3A_95 : i32
    "tpu.region"() ({
      %run_scoped3A = tpu.sem_alloc : memref<!tpu.dma_semaphore, #tpu.memory_space<semaphore_mem>>
      %dma_start3A_328 = arith.constant 0 : i32
      %dma_start3A_329 = tpu.memref_slice %arg10[%add3A_114, %dma_start3A_328] : memref<8192x1024xf32, #tpu.memory_space<hbm>> -> memref<16x1024xf32, #tpu.memory_space<hbm>>
      %dma_start3A_330 = arith.constant 0 : i32
      %dma_start3A_331 = tpu.memref_slice %arg10[%add3A_114, %dma_start3A_330] : memref<8192x1024xf32, #tpu.memory_space<hbm>> -> memref<16x1024xf32, #tpu.memory_space<hbm>>
      tpu.enqueue_dma source(%arg17 : memref<16x1024xf32, #tpu.memory_space<vmem>>) target(%dma_start3A_331 : memref<16x1024xf32, #tpu.memory_space<hbm>>) target_semaphore(%run_scoped3A : memref<!tpu.dma_semaphore, #tpu.memory_space<semaphore_mem>>)
      %dma_wait3A_332 = arith.constant 0 : i32
      %dma_wait3A_333 = tpu.memref_slice %arg10[%add3A_114, %dma_wait3A_332] : memref<8192x1024xf32, #tpu.memory_space<hbm>> -> memref<16x1024xf32, #tpu.memory_space<hbm>>
      %dma_wait3A_334 = arith.constant 0 : i32
      %dma_wait3A_335 = tpu.memref_slice %arg10[%add3A_114, %dma_wait3A_334] : memref<8192x1024xf32, #tpu.memory_space<hbm>> -> memref<16x1024xf32, #tpu.memory_space<hbm>>
      tpu.wait_dma2 semaphore(%run_scoped3A : memref<!tpu.dma_semaphore, #tpu.memory_space<semaphore_mem>>) src(%arg17 : memref<16x1024xf32, #tpu.memory_space<vmem>>) dst(%dma_wait3A_335 : memref<16x1024xf32, #tpu.memory_space<hbm>>)
      tpu.yield
    }) : () -> ()
    %dma_start3A_115 = arith.constant 80 : i32
    %dma_start3A_116 = tpu.memref_slice %arg11[%dma_start3A_115] : memref<256xi32, #tpu.memory_space<vmem>> -> memref<16xi32, #tpu.memory_space<vmem>>
    %dma_start3A_117 = arith.constant 0 : i32
    %dma_start3A_118 = arith.constant 0 : i32
    %dma_start3A_119 = tpu.memref_slice %arg4[%dma_start3A_117, %dma_start3A_118] : memref<100000x1024xf32, #tpu.memory_space<hbm>> -> memref<100000x1024xf32, #tpu.memory_space<hbm>>
    tpu.enqueue_indirect_dma source(%dma_start3A_119 : memref<100000x1024xf32, #tpu.memory_space<hbm>>) target(%arg17 : memref<16x1024xf32, #tpu.memory_space<vmem>>) offsets(%dma_start3A_116 : memref<16xi32, #tpu.memory_space<vmem>>) semaphore(%arg19 : memref<!tpu.dma_semaphore, #tpu.memory_space<semaphore_mem>>)
    %dma_wait3A_120 = arith.constant 80 : i32
    %dma_wait3A_121 = tpu.memref_slice %arg11[%dma_wait3A_120] : memref<256xi32, #tpu.memory_space<vmem>> -> memref<16xi32, #tpu.memory_space<vmem>>
    %dma_wait3A_122 = arith.constant 0 : i32
    %dma_wait3A_123 = arith.constant 0 : i32
    %dma_wait3A_124 = tpu.memref_slice %arg4[%dma_wait3A_122, %dma_wait3A_123] : memref<100000x1024xf32, #tpu.memory_space<hbm>> -> memref<100000x1024xf32, #tpu.memory_space<hbm>>
    tpu.wait_indirect_dma semaphore(%arg19 : memref<!tpu.dma_semaphore, #tpu.memory_space<semaphore_mem>>) src(%dma_wait3A_124 : memref<100000x1024xf32, #tpu.memory_space<hbm>>) dst(%arg17 : memref<16x1024xf32, #tpu.memory_space<vmem>>)
    %get3A_125 = arith.constant 80 : index
    %get3A_126 = tpu.vector_load %arg12[%get3A_125] {strides = array<i32>} : memref<256xf32, #tpu.memory_space<vmem>>, vector<16xf32>,
    %scan3A_127 = arith.constant 0 : i32
    %scan3A_128 = arith.constant 16 : i32
    %scan3A_129 = arith.addi %scan3A_127, %scan3A_128 : i32
    %scan3A_130 = arith.constant 1 : i32
    scf.for %scan3A_328 = %scan3A_127 to %scan3A_129 step %scan3A_130  : i32 {
      %eq3A = vector.broadcast %scan3A_328 : i32 to vector<16xi32>
      %eq3A_329 = arith.cmpi eq, %iota3A, %eq3A : vector<16xi32>
      %jit3A = arith.constant 0.000000e+00 : f32
      %broadcast_in_dim3A_330 = vector.broadcast %jit3A : f32 to vector<16xf32>
      %select_n3A = arith.select %eq3A_329, %get3A_126, %broadcast_in_dim3A_330 : vector<16xi1>, vector<16xf32>
      %reduce_sum3A = arith.constant true
      %reduce_sum3A_331 = vector.broadcast %reduce_sum3A : i1 to vector<16xi1>
      %reduce_sum3A_332 = tpu.scan <sum>, %select_n3A masked %reduce_sum3A_331 : vector<16xf32>, vector<16xi1> -> vector<16xf32>
      %reduce_sum3A_333 = vector.extract %reduce_sum3A_332[15] : f32 from vector<16xf32>
      %scan3A_334 = arith.constant 0 : i32
      %scan3A_335 = arith.constant 64 : i32
      %scan3A_336 = arith.addi %scan3A_334, %scan3A_335 : i32
      %scan3A_337 = arith.constant 1 : i32
      %scan3A_338:2 = scf.for %scan3A_386 = %scan3A_334 to %scan3A_336 step %scan3A_337 iter_args(%scan3A_387 = %broadcast_in_dim3A_19, %scan3A_388 = %broadcast_in_dim3A_19) -> (vector<16xf32>, vector<16xf32>)  : i32 {
        %mul3A_389 = arith.constant 16 : i32
        %mul3A_390 = arith.muli %scan3A_386, %mul3A_389 : i32
        %get3A_391 = arith.index_cast %scan3A_328 : i32 to index
        %get3A_392 = arith.index_cast %mul3A_390 : i32 to index
        %get3A_393 = tpu.vector_load %arg17[%get3A_391, %get3A_392] {strides = array<i32>} : memref<16x1024xf32, #tpu.memory_space<vmem>>, vector<16xf32>,
        %get3A_394 = arith.index_cast %scan3A_328 : i32 to index
        %get3A_395 = arith.index_cast %mul3A_390 : i32 to index
        %get3A_396 = tpu.vector_load %arg18[%get3A_394, %get3A_395] {strides = array<i32>} : memref<16x1024xf32, #tpu.memory_space<vmem>>, vector<16xf32>,
        %add3A_397 = arith.addf %get3A_393, %get3A_396 : vector<16xf32>
        %get3A_398 = arith.index_cast %mul3A_390 : i32 to index
        %get3A_399 = tpu.vector_load %arg13[%get3A_398] {strides = array<i32>} : memref<1024xf32, #tpu.memory_space<vmem>>, vector<16xf32>,
        %mul3A_400 = vector.broadcast %reduce_sum3A_333 : f32 to vector<16xf32>
        %mul3A_401 = arith.mulf %mul3A_400, %get3A_399 : vector<16xf32>
        %get3A_402 = arith.index_cast %mul3A_390 : i32 to index
        %get3A_403 = tpu.vector_load %arg14[%get3A_402] {strides = array<i32>} : memref<1024xf32, #tpu.memory_space<vmem>>, vector<16xf32>,
        %add3A_404 = arith.addf %mul3A_401, %get3A_403 : vector<16xf32>
        %max3A = arith.constant 0.000000e+00 : f32
        %max3A_405 = vector.broadcast %max3A : f32 to vector<16xf32>
        %max3A_406 = arith.maximumf %add3A_404, %max3A_405 : vector<16xf32>
        %add3A_407 = arith.addf %add3A_397, %max3A_406 : vector<16xf32>
        %swap3A = arith.index_cast %scan3A_328 : i32 to index
        %swap3A_408 = arith.index_cast %mul3A_390 : i32 to index
        %swap3A_409 = tpu.vector_load %arg17[%swap3A, %swap3A_408] {strides = array<i32>} : memref<16x1024xf32, #tpu.memory_space<vmem>>, vector<16xf32>,
        tpu.vector_store %arg17[%swap3A, %swap3A_408], %add3A_407 {strides = array<i32>} : memref<16x1024xf32, #tpu.memory_space<vmem>>, vector<16xf32>,
        %add3A_410 = arith.addf %scan3A_387, %add3A_407 : vector<16xf32>
        %mul3A_411 = arith.mulf %add3A_407, %add3A_407 : vector<16xf32>
        %add3A_412 = arith.addf %scan3A_388, %mul3A_411 : vector<16xf32>
        scf.yield %add3A_410, %add3A_412 : vector<16xf32>, vector<16xf32>
      }
      %scan3A_339 = arith.constant 64 : i32
      %reduce_sum3A_340 = arith.constant true
      %reduce_sum3A_341 = vector.broadcast %reduce_sum3A_340 : i1 to vector<16xi1>
      %reduce_sum3A_342 = tpu.scan <sum>, %scan3A_338#0 masked %reduce_sum3A_341 : vector<16xf32>, vector<16xi1> -> vector<16xf32>
      %reduce_sum3A_343 = vector.extract %reduce_sum3A_342[15] : f32 from vector<16xf32>
      %mul3A_344 = arith.constant 9.765625E-4 : f32
      %mul3A_345 = arith.mulf %reduce_sum3A_343, %mul3A_344 : f32
      %reduce_sum3A_346 = arith.constant true
      %reduce_sum3A_347 = vector.broadcast %reduce_sum3A_346 : i1 to vector<16xi1>
      %reduce_sum3A_348 = tpu.scan <sum>, %scan3A_338#1 masked %reduce_sum3A_347 : vector<16xf32>, vector<16xi1> -> vector<16xf32>
      %reduce_sum3A_349 = vector.extract %reduce_sum3A_348[15] : f32 from vector<16xf32>
      %mul3A_350 = arith.constant 9.765625E-4 : f32
      %mul3A_351 = arith.mulf %reduce_sum3A_349, %mul3A_350 : f32
      %mul3A_352 = arith.mulf %mul3A_345, %mul3A_345 : f32
      %sub3A = arith.subf %mul3A_351, %mul3A_352 : f32
      %add3A_353 = arith.constant 9.99999974E-6 : f32
      %add3A_354 = arith.addf %sub3A, %add3A_353 : f32
      %bitcast_convert_type3A = arith.bitcast %add3A_354 : f32 to i32
      %shift_right_logical3A = arith.constant 1 : i32
      %shift_right_logical3A_355 = arith.shrui %bitcast_convert_type3A, %shift_right_logical3A : i32
      %sub3A_356 = arith.constant 1597463007 : i32
      %sub3A_357 = arith.subi %sub3A_356, %shift_right_logical3A_355 : i32
      %bitcast_convert_type3A_358 = arith.bitcast %sub3A_357 : i32 to f32
      %mul3A_359 = arith.constant 5.000000e-01 : f32
      %mul3A_360 = arith.mulf %mul3A_359, %add3A_354 : f32
      %mul3A_361 = arith.mulf %mul3A_360, %bitcast_convert_type3A_358 : f32
      %mul3A_362 = arith.mulf %mul3A_361, %bitcast_convert_type3A_358 : f32
      %sub3A_363 = arith.constant 1.500000e+00 : f32
      %sub3A_364 = arith.subf %sub3A_363, %mul3A_362 : f32
      %mul3A_365 = arith.mulf %bitcast_convert_type3A_358, %sub3A_364 : f32
      %mul3A_366 = arith.constant 5.000000e-01 : f32
      %mul3A_367 = arith.mulf %mul3A_366, %add3A_354 : f32
      %mul3A_368 = arith.mulf %mul3A_367, %mul3A_365 : f32
      %mul3A_369 = arith.mulf %mul3A_368, %mul3A_365 : f32
      %sub3A_370 = arith.constant 1.500000e+00 : f32
      %sub3A_371 = arith.subf %sub3A_370, %mul3A_369 : f32
      %mul3A_372 = arith.mulf %mul3A_365, %sub3A_371 : f32
      %mul3A_373 = arith.constant 5.000000e-01 : f32
      %mul3A_374 = arith.mulf %mul3A_373, %add3A_354 : f32
      %mul3A_375 = arith.mulf %mul3A_374, %mul3A_372 : f32
      %mul3A_376 = arith.mulf %mul3A_375, %mul3A_372 : f32
      %sub3A_377 = arith.constant 1.500000e+00 : f32
      %sub3A_378 = arith.subf %sub3A_377, %mul3A_376 : f32
      %mul3A_379 = arith.mulf %mul3A_372, %sub3A_378 : f32
      %scan3A_380 = arith.constant 0 : i32
      %scan3A_381 = arith.constant 0 : i32
      %scan3A_382 = arith.constant 64 : i32
      %scan3A_383 = arith.addi %scan3A_381, %scan3A_382 : i32
      %scan3A_384 = arith.constant 1 : i32
      scf.for %scan3A_386 = %scan3A_381 to %scan3A_383 step %scan3A_384  : i32 {
        %mul3A_387 = arith.constant 16 : i32
        %mul3A_388 = arith.muli %scan3A_386, %mul3A_387 : i32
        %get3A_389 = arith.index_cast %scan3A_328 : i32 to index
        %get3A_390 = arith.index_cast %mul3A_388 : i32 to index
        %get3A_391 = tpu.vector_load %arg17[%get3A_389, %get3A_390] {strides = array<i32>} : memref<16x1024xf32, #tpu.memory_space<vmem>>, vector<16xf32>,
        %sub3A_392 = vector.broadcast %mul3A_345 : f32 to vector<16xf32>
        %sub3A_393 = arith.subf %get3A_391, %sub3A_392 : vector<16xf32>
        %mul3A_394 = vector.broadcast %mul3A_379 : f32 to vector<16xf32>
        %mul3A_395 = arith.mulf %sub3A_393, %mul3A_394 : vector<16xf32>
        %get3A_396 = arith.index_cast %mul3A_388 : i32 to index
        %get3A_397 = tpu.vector_load %arg15[%get3A_396] {strides = array<i32>} : memref<1024xf32, #tpu.memory_space<vmem>>, vector<16xf32>,
        %mul3A_398 = arith.mulf %mul3A_395, %get3A_397 : vector<16xf32>
        %get3A_399 = arith.index_cast %mul3A_388 : i32 to index
        %get3A_400 = tpu.vector_load %arg16[%get3A_399] {strides = array<i32>} : memref<1024xf32, #tpu.memory_space<vmem>>, vector<16xf32>,
        %add3A_401 = arith.addf %mul3A_398, %get3A_400 : vector<16xf32>
        %swap3A = arith.index_cast %scan3A_328 : i32 to index
        %swap3A_402 = arith.index_cast %mul3A_388 : i32 to index
        %swap3A_403 = tpu.vector_load %arg17[%swap3A, %swap3A_402] {strides = array<i32>} : memref<16x1024xf32, #tpu.memory_space<vmem>>, vector<16xf32>,
        tpu.vector_store %arg17[%swap3A, %swap3A_402], %add3A_401 {strides = array<i32>} : memref<16x1024xf32, #tpu.memory_space<vmem>>, vector<16xf32>,
      }
      %scan3A_385 = arith.constant 64 : i32
    }
    %scan3A_131 = arith.constant 16 : i32
    %add3A_132 = arith.constant 2048 : i32
    %add3A_133 = arith.addi %add3A_132, %add3A_95 : i32
    "tpu.region"() ({
      %run_scoped3A = tpu.sem_alloc : memref<!tpu.dma_semaphore, #tpu.memory_space<semaphore_mem>>
      %dma_start3A_328 = arith.constant 0 : i32
      %dma_start3A_329 = tpu.memref_slice %arg10[%add3A_133, %dma_start3A_328] : memref<8192x1024xf32, #tpu.memory_space<hbm>> -> memref<16x1024xf32, #tpu.memory_space<hbm>>
      %dma_start3A_330 = arith.constant 0 : i32
      %dma_start3A_331 = tpu.memref_slice %arg10[%add3A_133, %dma_start3A_330] : memref<8192x1024xf32, #tpu.memory_space<hbm>> -> memref<16x1024xf32, #tpu.memory_space<hbm>>
      tpu.enqueue_dma source(%arg17 : memref<16x1024xf32, #tpu.memory_space<vmem>>) target(%dma_start3A_331 : memref<16x1024xf32, #tpu.memory_space<hbm>>) target_semaphore(%run_scoped3A : memref<!tpu.dma_semaphore, #tpu.memory_space<semaphore_mem>>)
      %dma_wait3A_332 = arith.constant 0 : i32
      %dma_wait3A_333 = tpu.memref_slice %arg10[%add3A_133, %dma_wait3A_332] : memref<8192x1024xf32, #tpu.memory_space<hbm>> -> memref<16x1024xf32, #tpu.memory_space<hbm>>
      %dma_wait3A_334 = arith.constant 0 : i32
      %dma_wait3A_335 = tpu.memref_slice %arg10[%add3A_133, %dma_wait3A_334] : memref<8192x1024xf32, #tpu.memory_space<hbm>> -> memref<16x1024xf32, #tpu.memory_space<hbm>>
      tpu.wait_dma2 semaphore(%run_scoped3A : memref<!tpu.dma_semaphore, #tpu.memory_space<semaphore_mem>>) src(%arg17 : memref<16x1024xf32, #tpu.memory_space<vmem>>) dst(%dma_wait3A_335 : memref<16x1024xf32, #tpu.memory_space<hbm>>)
      tpu.yield
    }) : () -> ()
    %dma_start3A_134 = arith.constant 144 : i32
    %dma_start3A_135 = tpu.memref_slice %arg11[%dma_start3A_134] : memref<256xi32, #tpu.memory_space<vmem>> -> memref<16xi32, #tpu.memory_space<vmem>>
    %dma_start3A_136 = arith.constant 0 : i32
    %dma_start3A_137 = arith.constant 0 : i32
    %dma_start3A_138 = tpu.memref_slice %arg4[%dma_start3A_136, %dma_start3A_137] : memref<100000x1024xf32, #tpu.memory_space<hbm>> -> memref<100000x1024xf32, #tpu.memory_space<hbm>>
    tpu.enqueue_indirect_dma source(%dma_start3A_138 : memref<100000x1024xf32, #tpu.memory_space<hbm>>) target(%arg17 : memref<16x1024xf32, #tpu.memory_space<vmem>>) offsets(%dma_start3A_135 : memref<16xi32, #tpu.memory_space<vmem>>) semaphore(%arg19 : memref<!tpu.dma_semaphore, #tpu.memory_space<semaphore_mem>>)
    %dma_wait3A_139 = arith.constant 144 : i32
    %dma_wait3A_140 = tpu.memref_slice %arg11[%dma_wait3A_139] : memref<256xi32, #tpu.memory_space<vmem>> -> memref<16xi32, #tpu.memory_space<vmem>>
    %dma_wait3A_141 = arith.constant 0 : i32
    %dma_wait3A_142 = arith.constant 0 : i32
    %dma_wait3A_143 = tpu.memref_slice %arg4[%dma_wait3A_141, %dma_wait3A_142] : memref<100000x1024xf32, #tpu.memory_space<hbm>> -> memref<100000x1024xf32, #tpu.memory_space<hbm>>
    tpu.wait_indirect_dma semaphore(%arg19 : memref<!tpu.dma_semaphore, #tpu.memory_space<semaphore_mem>>) src(%dma_wait3A_143 : memref<100000x1024xf32, #tpu.memory_space<hbm>>) dst(%arg17 : memref<16x1024xf32, #tpu.memory_space<vmem>>)
    %get3A_144 = arith.constant 144 : index
    %get3A_145 = tpu.vector_load %arg12[%get3A_144] {strides = array<i32>} : memref<256xf32, #tpu.memory_space<vmem>>, vector<16xf32>,
    %scan3A_146 = arith.constant 0 : i32
    %scan3A_147 = arith.constant 16 : i32
    %scan3A_148 = arith.addi %scan3A_146, %scan3A_147 : i32
    %scan3A_149 = arith.constant 1 : i32
    scf.for %scan3A_328 = %scan3A_146 to %scan3A_148 step %scan3A_149  : i32 {
      %eq3A = vector.broadcast %scan3A_328 : i32 to vector<16xi32>
      %eq3A_329 = arith.cmpi eq, %iota3A, %eq3A : vector<16xi32>
      %jit3A = arith.constant 0.000000e+00 : f32
      %broadcast_in_dim3A_330 = vector.broadcast %jit3A : f32 to vector<16xf32>
      %select_n3A = arith.select %eq3A_329, %get3A_145, %broadcast_in_dim3A_330 : vector<16xi1>, vector<16xf32>
      %reduce_sum3A = arith.constant true
      %reduce_sum3A_331 = vector.broadcast %reduce_sum3A : i1 to vector<16xi1>
      %reduce_sum3A_332 = tpu.scan <sum>, %select_n3A masked %reduce_sum3A_331 : vector<16xf32>, vector<16xi1> -> vector<16xf32>
      %reduce_sum3A_333 = vector.extract %reduce_sum3A_332[15] : f32 from vector<16xf32>
      %scan3A_334 = arith.constant 0 : i32
      %scan3A_335 = arith.constant 64 : i32
      %scan3A_336 = arith.addi %scan3A_334, %scan3A_335 : i32
      %scan3A_337 = arith.constant 1 : i32
      %scan3A_338:2 = scf.for %scan3A_386 = %scan3A_334 to %scan3A_336 step %scan3A_337 iter_args(%scan3A_387 = %broadcast_in_dim3A_19, %scan3A_388 = %broadcast_in_dim3A_19) -> (vector<16xf32>, vector<16xf32>)  : i32 {
        %mul3A_389 = arith.constant 16 : i32
        %mul3A_390 = arith.muli %scan3A_386, %mul3A_389 : i32
        %get3A_391 = arith.index_cast %scan3A_328 : i32 to index
        %get3A_392 = arith.index_cast %mul3A_390 : i32 to index
        %get3A_393 = tpu.vector_load %arg17[%get3A_391, %get3A_392] {strides = array<i32>} : memref<16x1024xf32, #tpu.memory_space<vmem>>, vector<16xf32>,
        %get3A_394 = arith.index_cast %scan3A_328 : i32 to index
        %get3A_395 = arith.index_cast %mul3A_390 : i32 to index
        %get3A_396 = tpu.vector_load %arg18[%get3A_394, %get3A_395] {strides = array<i32>} : memref<16x1024xf32, #tpu.memory_space<vmem>>, vector<16xf32>,
        %add3A_397 = arith.addf %get3A_393, %get3A_396 : vector<16xf32>
        %get3A_398 = arith.index_cast %mul3A_390 : i32 to index
        %get3A_399 = tpu.vector_load %arg13[%get3A_398] {strides = array<i32>} : memref<1024xf32, #tpu.memory_space<vmem>>, vector<16xf32>,
        %mul3A_400 = vector.broadcast %reduce_sum3A_333 : f32 to vector<16xf32>
        %mul3A_401 = arith.mulf %mul3A_400, %get3A_399 : vector<16xf32>
        %get3A_402 = arith.index_cast %mul3A_390 : i32 to index
        %get3A_403 = tpu.vector_load %arg14[%get3A_402] {strides = array<i32>} : memref<1024xf32, #tpu.memory_space<vmem>>, vector<16xf32>,
        %add3A_404 = arith.addf %mul3A_401, %get3A_403 : vector<16xf32>
        %max3A = arith.constant 0.000000e+00 : f32
        %max3A_405 = vector.broadcast %max3A : f32 to vector<16xf32>
        %max3A_406 = arith.maximumf %add3A_404, %max3A_405 : vector<16xf32>
        %add3A_407 = arith.addf %add3A_397, %max3A_406 : vector<16xf32>
        %swap3A = arith.index_cast %scan3A_328 : i32 to index
        %swap3A_408 = arith.index_cast %mul3A_390 : i32 to index
        %swap3A_409 = tpu.vector_load %arg17[%swap3A, %swap3A_408] {strides = array<i32>} : memref<16x1024xf32, #tpu.memory_space<vmem>>, vector<16xf32>,
        tpu.vector_store %arg17[%swap3A, %swap3A_408], %add3A_407 {strides = array<i32>} : memref<16x1024xf32, #tpu.memory_space<vmem>>, vector<16xf32>,
        %add3A_410 = arith.addf %scan3A_387, %add3A_407 : vector<16xf32>
        %mul3A_411 = arith.mulf %add3A_407, %add3A_407 : vector<16xf32>
        %add3A_412 = arith.addf %scan3A_388, %mul3A_411 : vector<16xf32>
        scf.yield %add3A_410, %add3A_412 : vector<16xf32>, vector<16xf32>
      }
      %scan3A_339 = arith.constant 64 : i32
      %reduce_sum3A_340 = arith.constant true
      %reduce_sum3A_341 = vector.broadcast %reduce_sum3A_340 : i1 to vector<16xi1>
      %reduce_sum3A_342 = tpu.scan <sum>, %scan3A_338#0 masked %reduce_sum3A_341 : vector<16xf32>, vector<16xi1> -> vector<16xf32>
      %reduce_sum3A_343 = vector.extract %reduce_sum3A_342[15] : f32 from vector<16xf32>
      %mul3A_344 = arith.constant 9.765625E-4 : f32
      %mul3A_345 = arith.mulf %reduce_sum3A_343, %mul3A_344 : f32
      %reduce_sum3A_346 = arith.constant true
      %reduce_sum3A_347 = vector.broadcast %reduce_sum3A_346 : i1 to vector<16xi1>
      %reduce_sum3A_348 = tpu.scan <sum>, %scan3A_338#1 masked %reduce_sum3A_347 : vector<16xf32>, vector<16xi1> -> vector<16xf32>
      %reduce_sum3A_349 = vector.extract %reduce_sum3A_348[15] : f32 from vector<16xf32>
      %mul3A_350 = arith.constant 9.765625E-4 : f32
      %mul3A_351 = arith.mulf %reduce_sum3A_349, %mul3A_350 : f32
      %mul3A_352 = arith.mulf %mul3A_345, %mul3A_345 : f32
      %sub3A = arith.subf %mul3A_351, %mul3A_352 : f32
      %add3A_353 = arith.constant 9.99999974E-6 : f32
      %add3A_354 = arith.addf %sub3A, %add3A_353 : f32
      %bitcast_convert_type3A = arith.bitcast %add3A_354 : f32 to i32
      %shift_right_logical3A = arith.constant 1 : i32
      %shift_right_logical3A_355 = arith.shrui %bitcast_convert_type3A, %shift_right_logical3A : i32
      %sub3A_356 = arith.constant 1597463007 : i32
      %sub3A_357 = arith.subi %sub3A_356, %shift_right_logical3A_355 : i32
      %bitcast_convert_type3A_358 = arith.bitcast %sub3A_357 : i32 to f32
      %mul3A_359 = arith.constant 5.000000e-01 : f32
      %mul3A_360 = arith.mulf %mul3A_359, %add3A_354 : f32
      %mul3A_361 = arith.mulf %mul3A_360, %bitcast_convert_type3A_358 : f32
      %mul3A_362 = arith.mulf %mul3A_361, %bitcast_convert_type3A_358 : f32
      %sub3A_363 = arith.constant 1.500000e+00 : f32
      %sub3A_364 = arith.subf %sub3A_363, %mul3A_362 : f32
      %mul3A_365 = arith.mulf %bitcast_convert_type3A_358, %sub3A_364 : f32
      %mul3A_366 = arith.constant 5.000000e-01 : f32
      %mul3A_367 = arith.mulf %mul3A_366, %add3A_354 : f32
      %mul3A_368 = arith.mulf %mul3A_367, %mul3A_365 : f32
      %mul3A_369 = arith.mulf %mul3A_368, %mul3A_365 : f32
      %sub3A_370 = arith.constant 1.500000e+00 : f32
      %sub3A_371 = arith.subf %sub3A_370, %mul3A_369 : f32
      %mul3A_372 = arith.mulf %mul3A_365, %sub3A_371 : f32
      %mul3A_373 = arith.constant 5.000000e-01 : f32
      %mul3A_374 = arith.mulf %mul3A_373, %add3A_354 : f32
      %mul3A_375 = arith.mulf %mul3A_374, %mul3A_372 : f32
      %mul3A_376 = arith.mulf %mul3A_375, %mul3A_372 : f32
      %sub3A_377 = arith.constant 1.500000e+00 : f32
      %sub3A_378 = arith.subf %sub3A_377, %mul3A_376 : f32
      %mul3A_379 = arith.mulf %mul3A_372, %sub3A_378 : f32
      %scan3A_380 = arith.constant 0 : i32
      %scan3A_381 = arith.constant 0 : i32
      %scan3A_382 = arith.constant 64 : i32
      %scan3A_383 = arith.addi %scan3A_381, %scan3A_382 : i32
      %scan3A_384 = arith.constant 1 : i32
      scf.for %scan3A_386 = %scan3A_381 to %scan3A_383 step %scan3A_384  : i32 {
        %mul3A_387 = arith.constant 16 : i32
        %mul3A_388 = arith.muli %scan3A_386, %mul3A_387 : i32
        %get3A_389 = arith.index_cast %scan3A_328 : i32 to index
        %get3A_390 = arith.index_cast %mul3A_388 : i32 to index
        %get3A_391 = tpu.vector_load %arg17[%get3A_389, %get3A_390] {strides = array<i32>} : memref<16x1024xf32, #tpu.memory_space<vmem>>, vector<16xf32>,
        %sub3A_392 = vector.broadcast %mul3A_345 : f32 to vector<16xf32>
        %sub3A_393 = arith.subf %get3A_391, %sub3A_392 : vector<16xf32>
        %mul3A_394 = vector.broadcast %mul3A_379 : f32 to vector<16xf32>
        %mul3A_395 = arith.mulf %sub3A_393, %mul3A_394 : vector<16xf32>
        %get3A_396 = arith.index_cast %mul3A_388 : i32 to index
        %get3A_397 = tpu.vector_load %arg15[%get3A_396] {strides = array<i32>} : memref<1024xf32, #tpu.memory_space<vmem>>, vector<16xf32>,
        %mul3A_398 = arith.mulf %mul3A_395, %get3A_397 : vector<16xf32>
        %get3A_399 = arith.index_cast %mul3A_388 : i32 to index
        %get3A_400 = tpu.vector_load %arg16[%get3A_399] {strides = array<i32>} : memref<1024xf32, #tpu.memory_space<vmem>>, vector<16xf32>,
        %add3A_401 = arith.addf %mul3A_398, %get3A_400 : vector<16xf32>
        %swap3A = arith.index_cast %scan3A_328 : i32 to index
        %swap3A_402 = arith.index_cast %mul3A_388 : i32 to index
        %swap3A_403 = tpu.vector_load %arg17[%swap3A, %swap3A_402] {strides = array<i32>} : memref<16x1024xf32, #tpu.memory_space<vmem>>, vector<16xf32>,
        tpu.vector_store %arg17[%swap3A, %swap3A_402], %add3A_401 {strides = array<i32>} : memref<16x1024xf32, #tpu.memory_space<vmem>>, vector<16xf32>,
      }
      %scan3A_385 = arith.constant 64 : i32
    }
    %scan3A_150 = arith.constant 16 : i32
    %add3A_151 = arith.constant 4096 : i32
    %add3A_152 = arith.addi %add3A_151, %add3A_95 : i32
    "tpu.region"() ({
      %run_scoped3A = tpu.sem_alloc : memref<!tpu.dma_semaphore, #tpu.memory_space<semaphore_mem>>
      %dma_start3A_328 = arith.constant 0 : i32
      %dma_start3A_329 = tpu.memref_slice %arg10[%add3A_152, %dma_start3A_328] : memref<8192x1024xf32, #tpu.memory_space<hbm>> -> memref<16x1024xf32, #tpu.memory_space<hbm>>
      %dma_start3A_330 = arith.constant 0 : i32
      %dma_start3A_331 = tpu.memref_slice %arg10[%add3A_152, %dma_start3A_330] : memref<8192x1024xf32, #tpu.memory_space<hbm>> -> memref<16x1024xf32, #tpu.memory_space<hbm>>
      tpu.enqueue_dma source(%arg17 : memref<16x1024xf32, #tpu.memory_space<vmem>>) target(%dma_start3A_331 : memref<16x1024xf32, #tpu.memory_space<hbm>>) target_semaphore(%run_scoped3A : memref<!tpu.dma_semaphore, #tpu.memory_space<semaphore_mem>>)
      %dma_wait3A_332 = arith.constant 0 : i32
      %dma_wait3A_333 = tpu.memref_slice %arg10[%add3A_152, %dma_wait3A_332] : memref<8192x1024xf32, #tpu.memory_space<hbm>> -> memref<16x1024xf32, #tpu.memory_space<hbm>>
      %dma_wait3A_334 = arith.constant 0 : i32
      %dma_wait3A_335 = tpu.memref_slice %arg10[%add3A_152, %dma_wait3A_334] : memref<8192x1024xf32, #tpu.memory_space<hbm>> -> memref<16x1024xf32, #tpu.memory_space<hbm>>
      tpu.wait_dma2 semaphore(%run_scoped3A : memref<!tpu.dma_semaphore, #tpu.memory_space<semaphore_mem>>) src(%arg17 : memref<16x1024xf32, #tpu.memory_space<vmem>>) dst(%dma_wait3A_335 : memref<16x1024xf32, #tpu.memory_space<hbm>>)
      tpu.yield
    }) : () -> ()
    %dma_start3A_153 = arith.constant 208 : i32
    %dma_start3A_154 = tpu.memref_slice %arg11[%dma_start3A_153] : memref<256xi32, #tpu.memory_space<vmem>> -> memref<16xi32, #tpu.memory_space<vmem>>
    %dma_start3A_155 = arith.constant 0 : i32
    %dma_start3A_156 = arith.constant 0 : i32
    %dma_start3A_157 = tpu.memref_slice %arg4[%dma_start3A_155, %dma_start3A_156] : memref<100000x1024xf32, #tpu.memory_space<hbm>> -> memref<100000x1024xf32, #tpu.memory_space<hbm>>
    tpu.enqueue_indirect_dma source(%dma_start3A_157 : memref<100000x1024xf32, #tpu.memory_space<hbm>>) target(%arg17 : memref<16x1024xf32, #tpu.memory_space<vmem>>) offsets(%dma_start3A_154 : memref<16xi32, #tpu.memory_space<vmem>>) semaphore(%arg19 : memref<!tpu.dma_semaphore, #tpu.memory_space<semaphore_mem>>)
    %dma_wait3A_158 = arith.constant 208 : i32
    %dma_wait3A_159 = tpu.memref_slice %arg11[%dma_wait3A_158] : memref<256xi32, #tpu.memory_space<vmem>> -> memref<16xi32, #tpu.memory_space<vmem>>
    %dma_wait3A_160 = arith.constant 0 : i32
    %dma_wait3A_161 = arith.constant 0 : i32
    %dma_wait3A_162 = tpu.memref_slice %arg4[%dma_wait3A_160, %dma_wait3A_161] : memref<100000x1024xf32, #tpu.memory_space<hbm>> -> memref<100000x1024xf32, #tpu.memory_space<hbm>>
    tpu.wait_indirect_dma semaphore(%arg19 : memref<!tpu.dma_semaphore, #tpu.memory_space<semaphore_mem>>) src(%dma_wait3A_162 : memref<100000x1024xf32, #tpu.memory_space<hbm>>) dst(%arg17 : memref<16x1024xf32, #tpu.memory_space<vmem>>)
    %get3A_163 = arith.constant 208 : index
    %get3A_164 = tpu.vector_load %arg12[%get3A_163] {strides = array<i32>} : memref<256xf32, #tpu.memory_space<vmem>>, vector<16xf32>,
    %scan3A_165 = arith.constant 0 : i32
    %scan3A_166 = arith.constant 16 : i32
    %scan3A_167 = arith.addi %scan3A_165, %scan3A_166 : i32
    %scan3A_168 = arith.constant 1 : i32
    scf.for %scan3A_328 = %scan3A_165 to %scan3A_167 step %scan3A_168  : i32 {
      %eq3A = vector.broadcast %scan3A_328 : i32 to vector<16xi32>
      %eq3A_329 = arith.cmpi eq, %iota3A, %eq3A : vector<16xi32>
      %jit3A = arith.constant 0.000000e+00 : f32
      %broadcast_in_dim3A_330 = vector.broadcast %jit3A : f32 to vector<16xf32>
      %select_n3A = arith.select %eq3A_329, %get3A_164, %broadcast_in_dim3A_330 : vector<16xi1>, vector<16xf32>
      %reduce_sum3A = arith.constant true
      %reduce_sum3A_331 = vector.broadcast %reduce_sum3A : i1 to vector<16xi1>
      %reduce_sum3A_332 = tpu.scan <sum>, %select_n3A masked %reduce_sum3A_331 : vector<16xf32>, vector<16xi1> -> vector<16xf32>
      %reduce_sum3A_333 = vector.extract %reduce_sum3A_332[15] : f32 from vector<16xf32>
      %scan3A_334 = arith.constant 0 : i32
      %scan3A_335 = arith.constant 64 : i32
      %scan3A_336 = arith.addi %scan3A_334, %scan3A_335 : i32
      %scan3A_337 = arith.constant 1 : i32
      %scan3A_338:2 = scf.for %scan3A_386 = %scan3A_334 to %scan3A_336 step %scan3A_337 iter_args(%scan3A_387 = %broadcast_in_dim3A_19, %scan3A_388 = %broadcast_in_dim3A_19) -> (vector<16xf32>, vector<16xf32>)  : i32 {
        %mul3A_389 = arith.constant 16 : i32
        %mul3A_390 = arith.muli %scan3A_386, %mul3A_389 : i32
        %get3A_391 = arith.index_cast %scan3A_328 : i32 to index
        %get3A_392 = arith.index_cast %mul3A_390 : i32 to index
        %get3A_393 = tpu.vector_load %arg17[%get3A_391, %get3A_392] {strides = array<i32>} : memref<16x1024xf32, #tpu.memory_space<vmem>>, vector<16xf32>,
        %get3A_394 = arith.index_cast %scan3A_328 : i32 to index
        %get3A_395 = arith.index_cast %mul3A_390 : i32 to index
        %get3A_396 = tpu.vector_load %arg18[%get3A_394, %get3A_395] {strides = array<i32>} : memref<16x1024xf32, #tpu.memory_space<vmem>>, vector<16xf32>,
        %add3A_397 = arith.addf %get3A_393, %get3A_396 : vector<16xf32>
        %get3A_398 = arith.index_cast %mul3A_390 : i32 to index
        %get3A_399 = tpu.vector_load %arg13[%get3A_398] {strides = array<i32>} : memref<1024xf32, #tpu.memory_space<vmem>>, vector<16xf32>,
        %mul3A_400 = vector.broadcast %reduce_sum3A_333 : f32 to vector<16xf32>
        %mul3A_401 = arith.mulf %mul3A_400, %get3A_399 : vector<16xf32>
        %get3A_402 = arith.index_cast %mul3A_390 : i32 to index
        %get3A_403 = tpu.vector_load %arg14[%get3A_402] {strides = array<i32>} : memref<1024xf32, #tpu.memory_space<vmem>>, vector<16xf32>,
        %add3A_404 = arith.addf %mul3A_401, %get3A_403 : vector<16xf32>
        %max3A = arith.constant 0.000000e+00 : f32
        %max3A_405 = vector.broadcast %max3A : f32 to vector<16xf32>
        %max3A_406 = arith.maximumf %add3A_404, %max3A_405 : vector<16xf32>
        %add3A_407 = arith.addf %add3A_397, %max3A_406 : vector<16xf32>
        %swap3A = arith.index_cast %scan3A_328 : i32 to index
        %swap3A_408 = arith.index_cast %mul3A_390 : i32 to index
        %swap3A_409 = tpu.vector_load %arg17[%swap3A, %swap3A_408] {strides = array<i32>} : memref<16x1024xf32, #tpu.memory_space<vmem>>, vector<16xf32>,
        tpu.vector_store %arg17[%swap3A, %swap3A_408], %add3A_407 {strides = array<i32>} : memref<16x1024xf32, #tpu.memory_space<vmem>>, vector<16xf32>,
        %add3A_410 = arith.addf %scan3A_387, %add3A_407 : vector<16xf32>
        %mul3A_411 = arith.mulf %add3A_407, %add3A_407 : vector<16xf32>
        %add3A_412 = arith.addf %scan3A_388, %mul3A_411 : vector<16xf32>
        scf.yield %add3A_410, %add3A_412 : vector<16xf32>, vector<16xf32>
      }
      %scan3A_339 = arith.constant 64 : i32
      %reduce_sum3A_340 = arith.constant true
      %reduce_sum3A_341 = vector.broadcast %reduce_sum3A_340 : i1 to vector<16xi1>
      %reduce_sum3A_342 = tpu.scan <sum>, %scan3A_338#0 masked %reduce_sum3A_341 : vector<16xf32>, vector<16xi1> -> vector<16xf32>
      %reduce_sum3A_343 = vector.extract %reduce_sum3A_342[15] : f32 from vector<16xf32>
      %mul3A_344 = arith.constant 9.765625E-4 : f32
      %mul3A_345 = arith.mulf %reduce_sum3A_343, %mul3A_344 : f32
      %reduce_sum3A_346 = arith.constant true
      %reduce_sum3A_347 = vector.broadcast %reduce_sum3A_346 : i1 to vector<16xi1>
      %reduce_sum3A_348 = tpu.scan <sum>, %scan3A_338#1 masked %reduce_sum3A_347 : vector<16xf32>, vector<16xi1> -> vector<16xf32>
      %reduce_sum3A_349 = vector.extract %reduce_sum3A_348[15] : f32 from vector<16xf32>
      %mul3A_350 = arith.constant 9.765625E-4 : f32
      %mul3A_351 = arith.mulf %reduce_sum3A_349, %mul3A_350 : f32
      %mul3A_352 = arith.mulf %mul3A_345, %mul3A_345 : f32
      %sub3A = arith.subf %mul3A_351, %mul3A_352 : f32
      %add3A_353 = arith.constant 9.99999974E-6 : f32
      %add3A_354 = arith.addf %sub3A, %add3A_353 : f32
      %bitcast_convert_type3A = arith.bitcast %add3A_354 : f32 to i32
      %shift_right_logical3A = arith.constant 1 : i32
      %shift_right_logical3A_355 = arith.shrui %bitcast_convert_type3A, %shift_right_logical3A : i32
      %sub3A_356 = arith.constant 1597463007 : i32
      %sub3A_357 = arith.subi %sub3A_356, %shift_right_logical3A_355 : i32
      %bitcast_convert_type3A_358 = arith.bitcast %sub3A_357 : i32 to f32
      %mul3A_359 = arith.constant 5.000000e-01 : f32
      %mul3A_360 = arith.mulf %mul3A_359, %add3A_354 : f32
      %mul3A_361 = arith.mulf %mul3A_360, %bitcast_convert_type3A_358 : f32
      %mul3A_362 = arith.mulf %mul3A_361, %bitcast_convert_type3A_358 : f32
      %sub3A_363 = arith.constant 1.500000e+00 : f32
      %sub3A_364 = arith.subf %sub3A_363, %mul3A_362 : f32
      %mul3A_365 = arith.mulf %bitcast_convert_type3A_358, %sub3A_364 : f32
      %mul3A_366 = arith.constant 5.000000e-01 : f32
      %mul3A_367 = arith.mulf %mul3A_366, %add3A_354 : f32
      %mul3A_368 = arith.mulf %mul3A_367, %mul3A_365 : f32
      %mul3A_369 = arith.mulf %mul3A_368, %mul3A_365 : f32
      %sub3A_370 = arith.constant 1.500000e+00 : f32
      %sub3A_371 = arith.subf %sub3A_370, %mul3A_369 : f32
      %mul3A_372 = arith.mulf %mul3A_365, %sub3A_371 : f32
      %mul3A_373 = arith.constant 5.000000e-01 : f32
      %mul3A_374 = arith.mulf %mul3A_373, %add3A_354 : f32
      %mul3A_375 = arith.mulf %mul3A_374, %mul3A_372 : f32
      %mul3A_376 = arith.mulf %mul3A_375, %mul3A_372 : f32
      %sub3A_377 = arith.constant 1.500000e+00 : f32
      %sub3A_378 = arith.subf %sub3A_377, %mul3A_376 : f32
      %mul3A_379 = arith.mulf %mul3A_372, %sub3A_378 : f32
      %scan3A_380 = arith.constant 0 : i32
      %scan3A_381 = arith.constant 0 : i32
      %scan3A_382 = arith.constant 64 : i32
      %scan3A_383 = arith.addi %scan3A_381, %scan3A_382 : i32
      %scan3A_384 = arith.constant 1 : i32
      scf.for %scan3A_386 = %scan3A_381 to %scan3A_383 step %scan3A_384  : i32 {
        %mul3A_387 = arith.constant 16 : i32
        %mul3A_388 = arith.muli %scan3A_386, %mul3A_387 : i32
        %get3A_389 = arith.index_cast %scan3A_328 : i32 to index
        %get3A_390 = arith.index_cast %mul3A_388 : i32 to index
        %get3A_391 = tpu.vector_load %arg17[%get3A_389, %get3A_390] {strides = array<i32>} : memref<16x1024xf32, #tpu.memory_space<vmem>>, vector<16xf32>,
        %sub3A_392 = vector.broadcast %mul3A_345 : f32 to vector<16xf32>
        %sub3A_393 = arith.subf %get3A_391, %sub3A_392 : vector<16xf32>
        %mul3A_394 = vector.broadcast %mul3A_379 : f32 to vector<16xf32>
        %mul3A_395 = arith.mulf %sub3A_393, %mul3A_394 : vector<16xf32>
        %get3A_396 = arith.index_cast %mul3A_388 : i32 to index
        %get3A_397 = tpu.vector_load %arg15[%get3A_396] {strides = array<i32>} : memref<1024xf32, #tpu.memory_space<vmem>>, vector<16xf32>,
        %mul3A_398 = arith.mulf %mul3A_395, %get3A_397 : vector<16xf32>
        %get3A_399 = arith.index_cast %mul3A_388 : i32 to index
        %get3A_400 = tpu.vector_load %arg16[%get3A_399] {strides = array<i32>} : memref<1024xf32, #tpu.memory_space<vmem>>, vector<16xf32>,
        %add3A_401 = arith.addf %mul3A_398, %get3A_400 : vector<16xf32>
        %swap3A = arith.index_cast %scan3A_328 : i32 to index
        %swap3A_402 = arith.index_cast %mul3A_388 : i32 to index
        %swap3A_403 = tpu.vector_load %arg17[%swap3A, %swap3A_402] {strides = array<i32>} : memref<16x1024xf32, #tpu.memory_space<vmem>>, vector<16xf32>,
        tpu.vector_store %arg17[%swap3A, %swap3A_402], %add3A_401 {strides = array<i32>} : memref<16x1024xf32, #tpu.memory_space<vmem>>, vector<16xf32>,
      }
      %scan3A_385 = arith.constant 64 : i32
    }
    %scan3A_169 = arith.constant 16 : i32
    %add3A_170 = arith.constant 6144 : i32
    %add3A_171 = arith.addi %add3A_170, %add3A_95 : i32
    "tpu.region"() ({
      %run_scoped3A = tpu.sem_alloc : memref<!tpu.dma_semaphore, #tpu.memory_space<semaphore_mem>>
      %dma_start3A_328 = arith.constant 0 : i32
      %dma_start3A_329 = tpu.memref_slice %arg10[%add3A_171, %dma_start3A_328] : memref<8192x1024xf32, #tpu.memory_space<hbm>> -> memref<16x1024xf32, #tpu.memory_space<hbm>>
      %dma_start3A_330 = arith.constant 0 : i32
      %dma_start3A_331 = tpu.memref_slice %arg10[%add3A_171, %dma_start3A_330] : memref<8192x1024xf32, #tpu.memory_space<hbm>> -> memref<16x1024xf32, #tpu.memory_space<hbm>>
      tpu.enqueue_dma source(%arg17 : memref<16x1024xf32, #tpu.memory_space<vmem>>) target(%dma_start3A_331 : memref<16x1024xf32, #tpu.memory_space<hbm>>) target_semaphore(%run_scoped3A : memref<!tpu.dma_semaphore, #tpu.memory_space<semaphore_mem>>)
      %dma_wait3A_332 = arith.constant 0 : i32
      %dma_wait3A_333 = tpu.memref_slice %arg10[%add3A_171, %dma_wait3A_332] : memref<8192x1024xf32, #tpu.memory_space<hbm>> -> memref<16x1024xf32, #tpu.memory_space<hbm>>
      %dma_wait3A_334 = arith.constant 0 : i32
      %dma_wait3A_335 = tpu.memref_slice %arg10[%add3A_171, %dma_wait3A_334] : memref<8192x1024xf32, #tpu.memory_space<hbm>> -> memref<16x1024xf32, #tpu.memory_space<hbm>>
      tpu.wait_dma2 semaphore(%run_scoped3A : memref<!tpu.dma_semaphore, #tpu.memory_space<semaphore_mem>>) src(%arg17 : memref<16x1024xf32, #tpu.memory_space<vmem>>) dst(%dma_wait3A_335 : memref<16x1024xf32, #tpu.memory_space<hbm>>)
      tpu.yield
    }) : () -> ()
    %add3A_172 = arith.constant 32 : i32
    %add3A_173 = arith.addi %mul3A_2, %add3A_172 : i32
    "tpu.region"() ({
      %run_scoped3A = tpu.sem_alloc : memref<!tpu.dma_semaphore, #tpu.memory_space<semaphore_mem>>
      %dma_start3A_328 = arith.constant 0 : i32
      %dma_start3A_329 = tpu.memref_slice %arg5[%add3A_173, %dma_start3A_328] : memref<100000x1024xf32, #tpu.memory_space<hbm>> -> memref<16x1024xf32, #tpu.memory_space<hbm>>
      %dma_start3A_330 = arith.constant 0 : i32
      %dma_start3A_331 = tpu.memref_slice %arg5[%add3A_173, %dma_start3A_330] : memref<100000x1024xf32, #tpu.memory_space<hbm>> -> memref<16x1024xf32, #tpu.memory_space<hbm>>
      tpu.enqueue_dma source(%dma_start3A_331 : memref<16x1024xf32, #tpu.memory_space<hbm>>) target(%arg18 : memref<16x1024xf32, #tpu.memory_space<vmem>>) target_semaphore(%run_scoped3A : memref<!tpu.dma_semaphore, #tpu.memory_space<semaphore_mem>>)
      %dma_wait3A_332 = arith.constant 0 : i32
      %dma_wait3A_333 = tpu.memref_slice %arg5[%add3A_173, %dma_wait3A_332] : memref<100000x1024xf32, #tpu.memory_space<hbm>> -> memref<16x1024xf32, #tpu.memory_space<hbm>>
      %dma_wait3A_334 = arith.constant 0 : i32
      %dma_wait3A_335 = tpu.memref_slice %arg5[%add3A_173, %dma_wait3A_334] : memref<100000x1024xf32, #tpu.memory_space<hbm>> -> memref<16x1024xf32, #tpu.memory_space<hbm>>
      tpu.wait_dma2 semaphore(%run_scoped3A : memref<!tpu.dma_semaphore, #tpu.memory_space<semaphore_mem>>) src(%dma_wait3A_335 : memref<16x1024xf32, #tpu.memory_space<hbm>>) dst(%arg18 : memref<16x1024xf32, #tpu.memory_space<vmem>>)
      tpu.yield
    }) : () -> ()
    %dma_start3A_174 = arith.constant 32 : i32
    %dma_start3A_175 = tpu.memref_slice %arg11[%dma_start3A_174] : memref<256xi32, #tpu.memory_space<vmem>> -> memref<16xi32, #tpu.memory_space<vmem>>
    %dma_start3A_176 = arith.constant 0 : i32
    %dma_start3A_177 = arith.constant 0 : i32
    %dma_start3A_178 = tpu.memref_slice %arg4[%dma_start3A_176, %dma_start3A_177] : memref<100000x1024xf32, #tpu.memory_space<hbm>> -> memref<100000x1024xf32, #tpu.memory_space<hbm>>
    tpu.enqueue_indirect_dma source(%dma_start3A_178 : memref<100000x1024xf32, #tpu.memory_space<hbm>>) target(%arg17 : memref<16x1024xf32, #tpu.memory_space<vmem>>) offsets(%dma_start3A_175 : memref<16xi32, #tpu.memory_space<vmem>>) semaphore(%arg19 : memref<!tpu.dma_semaphore, #tpu.memory_space<semaphore_mem>>)
    %dma_wait3A_179 = arith.constant 32 : i32
    %dma_wait3A_180 = tpu.memref_slice %arg11[%dma_wait3A_179] : memref<256xi32, #tpu.memory_space<vmem>> -> memref<16xi32, #tpu.memory_space<vmem>>
    %dma_wait3A_181 = arith.constant 0 : i32
    %dma_wait3A_182 = arith.constant 0 : i32
    %dma_wait3A_183 = tpu.memref_slice %arg4[%dma_wait3A_181, %dma_wait3A_182] : memref<100000x1024xf32, #tpu.memory_space<hbm>> -> memref<100000x1024xf32, #tpu.memory_space<hbm>>
    tpu.wait_indirect_dma semaphore(%arg19 : memref<!tpu.dma_semaphore, #tpu.memory_space<semaphore_mem>>) src(%dma_wait3A_183 : memref<100000x1024xf32, #tpu.memory_space<hbm>>) dst(%arg17 : memref<16x1024xf32, #tpu.memory_space<vmem>>)
    %get3A_184 = arith.constant 32 : index
    %get3A_185 = tpu.vector_load %arg12[%get3A_184] {strides = array<i32>} : memref<256xf32, #tpu.memory_space<vmem>>, vector<16xf32>,
    %scan3A_186 = arith.constant 0 : i32
    %scan3A_187 = arith.constant 16 : i32
    %scan3A_188 = arith.addi %scan3A_186, %scan3A_187 : i32
    %scan3A_189 = arith.constant 1 : i32
    scf.for %scan3A_328 = %scan3A_186 to %scan3A_188 step %scan3A_189  : i32 {
      %eq3A = vector.broadcast %scan3A_328 : i32 to vector<16xi32>
      %eq3A_329 = arith.cmpi eq, %iota3A, %eq3A : vector<16xi32>
      %jit3A = arith.constant 0.000000e+00 : f32
      %broadcast_in_dim3A_330 = vector.broadcast %jit3A : f32 to vector<16xf32>
      %select_n3A = arith.select %eq3A_329, %get3A_185, %broadcast_in_dim3A_330 : vector<16xi1>, vector<16xf32>
      %reduce_sum3A = arith.constant true
      %reduce_sum3A_331 = vector.broadcast %reduce_sum3A : i1 to vector<16xi1>
      %reduce_sum3A_332 = tpu.scan <sum>, %select_n3A masked %reduce_sum3A_331 : vector<16xf32>, vector<16xi1> -> vector<16xf32>
      %reduce_sum3A_333 = vector.extract %reduce_sum3A_332[15] : f32 from vector<16xf32>
      %scan3A_334 = arith.constant 0 : i32
      %scan3A_335 = arith.constant 64 : i32
      %scan3A_336 = arith.addi %scan3A_334, %scan3A_335 : i32
      %scan3A_337 = arith.constant 1 : i32
      %scan3A_338:2 = scf.for %scan3A_386 = %scan3A_334 to %scan3A_336 step %scan3A_337 iter_args(%scan3A_387 = %broadcast_in_dim3A_19, %scan3A_388 = %broadcast_in_dim3A_19) -> (vector<16xf32>, vector<16xf32>)  : i32 {
        %mul3A_389 = arith.constant 16 : i32
        %mul3A_390 = arith.muli %scan3A_386, %mul3A_389 : i32
        %get3A_391 = arith.index_cast %scan3A_328 : i32 to index
        %get3A_392 = arith.index_cast %mul3A_390 : i32 to index
        %get3A_393 = tpu.vector_load %arg17[%get3A_391, %get3A_392] {strides = array<i32>} : memref<16x1024xf32, #tpu.memory_space<vmem>>, vector<16xf32>,
        %get3A_394 = arith.index_cast %scan3A_328 : i32 to index
        %get3A_395 = arith.index_cast %mul3A_390 : i32 to index
        %get3A_396 = tpu.vector_load %arg18[%get3A_394, %get3A_395] {strides = array<i32>} : memref<16x1024xf32, #tpu.memory_space<vmem>>, vector<16xf32>,
        %add3A_397 = arith.addf %get3A_393, %get3A_396 : vector<16xf32>
        %get3A_398 = arith.index_cast %mul3A_390 : i32 to index
        %get3A_399 = tpu.vector_load %arg13[%get3A_398] {strides = array<i32>} : memref<1024xf32, #tpu.memory_space<vmem>>, vector<16xf32>,
        %mul3A_400 = vector.broadcast %reduce_sum3A_333 : f32 to vector<16xf32>
        %mul3A_401 = arith.mulf %mul3A_400, %get3A_399 : vector<16xf32>
        %get3A_402 = arith.index_cast %mul3A_390 : i32 to index
        %get3A_403 = tpu.vector_load %arg14[%get3A_402] {strides = array<i32>} : memref<1024xf32, #tpu.memory_space<vmem>>, vector<16xf32>,
        %add3A_404 = arith.addf %mul3A_401, %get3A_403 : vector<16xf32>
        %max3A = arith.constant 0.000000e+00 : f32
        %max3A_405 = vector.broadcast %max3A : f32 to vector<16xf32>
        %max3A_406 = arith.maximumf %add3A_404, %max3A_405 : vector<16xf32>
        %add3A_407 = arith.addf %add3A_397, %max3A_406 : vector<16xf32>
        %swap3A = arith.index_cast %scan3A_328 : i32 to index
        %swap3A_408 = arith.index_cast %mul3A_390 : i32 to index
        %swap3A_409 = tpu.vector_load %arg17[%swap3A, %swap3A_408] {strides = array<i32>} : memref<16x1024xf32, #tpu.memory_space<vmem>>, vector<16xf32>,
        tpu.vector_store %arg17[%swap3A, %swap3A_408], %add3A_407 {strides = array<i32>} : memref<16x1024xf32, #tpu.memory_space<vmem>>, vector<16xf32>,
        %add3A_410 = arith.addf %scan3A_387, %add3A_407 : vector<16xf32>
        %mul3A_411 = arith.mulf %add3A_407, %add3A_407 : vector<16xf32>
        %add3A_412 = arith.addf %scan3A_388, %mul3A_411 : vector<16xf32>
        scf.yield %add3A_410, %add3A_412 : vector<16xf32>, vector<16xf32>
      }
      %scan3A_339 = arith.constant 64 : i32
      %reduce_sum3A_340 = arith.constant true
      %reduce_sum3A_341 = vector.broadcast %reduce_sum3A_340 : i1 to vector<16xi1>
      %reduce_sum3A_342 = tpu.scan <sum>, %scan3A_338#0 masked %reduce_sum3A_341 : vector<16xf32>, vector<16xi1> -> vector<16xf32>
      %reduce_sum3A_343 = vector.extract %reduce_sum3A_342[15] : f32 from vector<16xf32>
      %mul3A_344 = arith.constant 9.765625E-4 : f32
      %mul3A_345 = arith.mulf %reduce_sum3A_343, %mul3A_344 : f32
      %reduce_sum3A_346 = arith.constant true
      %reduce_sum3A_347 = vector.broadcast %reduce_sum3A_346 : i1 to vector<16xi1>
      %reduce_sum3A_348 = tpu.scan <sum>, %scan3A_338#1 masked %reduce_sum3A_347 : vector<16xf32>, vector<16xi1> -> vector<16xf32>
      %reduce_sum3A_349 = vector.extract %reduce_sum3A_348[15] : f32 from vector<16xf32>
      %mul3A_350 = arith.constant 9.765625E-4 : f32
      %mul3A_351 = arith.mulf %reduce_sum3A_349, %mul3A_350 : f32
      %mul3A_352 = arith.mulf %mul3A_345, %mul3A_345 : f32
      %sub3A = arith.subf %mul3A_351, %mul3A_352 : f32
      %add3A_353 = arith.constant 9.99999974E-6 : f32
      %add3A_354 = arith.addf %sub3A, %add3A_353 : f32
      %bitcast_convert_type3A = arith.bitcast %add3A_354 : f32 to i32
      %shift_right_logical3A = arith.constant 1 : i32
      %shift_right_logical3A_355 = arith.shrui %bitcast_convert_type3A, %shift_right_logical3A : i32
      %sub3A_356 = arith.constant 1597463007 : i32
      %sub3A_357 = arith.subi %sub3A_356, %shift_right_logical3A_355 : i32
      %bitcast_convert_type3A_358 = arith.bitcast %sub3A_357 : i32 to f32
      %mul3A_359 = arith.constant 5.000000e-01 : f32
      %mul3A_360 = arith.mulf %mul3A_359, %add3A_354 : f32
      %mul3A_361 = arith.mulf %mul3A_360, %bitcast_convert_type3A_358 : f32
      %mul3A_362 = arith.mulf %mul3A_361, %bitcast_convert_type3A_358 : f32
      %sub3A_363 = arith.constant 1.500000e+00 : f32
      %sub3A_364 = arith.subf %sub3A_363, %mul3A_362 : f32
      %mul3A_365 = arith.mulf %bitcast_convert_type3A_358, %sub3A_364 : f32
      %mul3A_366 = arith.constant 5.000000e-01 : f32
      %mul3A_367 = arith.mulf %mul3A_366, %add3A_354 : f32
      %mul3A_368 = arith.mulf %mul3A_367, %mul3A_365 : f32
      %mul3A_369 = arith.mulf %mul3A_368, %mul3A_365 : f32
      %sub3A_370 = arith.constant 1.500000e+00 : f32
      %sub3A_371 = arith.subf %sub3A_370, %mul3A_369 : f32
      %mul3A_372 = arith.mulf %mul3A_365, %sub3A_371 : f32
      %mul3A_373 = arith.constant 5.000000e-01 : f32
      %mul3A_374 = arith.mulf %mul3A_373, %add3A_354 : f32
      %mul3A_375 = arith.mulf %mul3A_374, %mul3A_372 : f32
      %mul3A_376 = arith.mulf %mul3A_375, %mul3A_372 : f32
      %sub3A_377 = arith.constant 1.500000e+00 : f32
      %sub3A_378 = arith.subf %sub3A_377, %mul3A_376 : f32
      %mul3A_379 = arith.mulf %mul3A_372, %sub3A_378 : f32
      %scan3A_380 = arith.constant 0 : i32
      %scan3A_381 = arith.constant 0 : i32
      %scan3A_382 = arith.constant 64 : i32
      %scan3A_383 = arith.addi %scan3A_381, %scan3A_382 : i32
      %scan3A_384 = arith.constant 1 : i32
      scf.for %scan3A_386 = %scan3A_381 to %scan3A_383 step %scan3A_384  : i32 {
        %mul3A_387 = arith.constant 16 : i32
        %mul3A_388 = arith.muli %scan3A_386, %mul3A_387 : i32
        %get3A_389 = arith.index_cast %scan3A_328 : i32 to index
        %get3A_390 = arith.index_cast %mul3A_388 : i32 to index
        %get3A_391 = tpu.vector_load %arg17[%get3A_389, %get3A_390] {strides = array<i32>} : memref<16x1024xf32, #tpu.memory_space<vmem>>, vector<16xf32>,
        %sub3A_392 = vector.broadcast %mul3A_345 : f32 to vector<16xf32>
        %sub3A_393 = arith.subf %get3A_391, %sub3A_392 : vector<16xf32>
        %mul3A_394 = vector.broadcast %mul3A_379 : f32 to vector<16xf32>
        %mul3A_395 = arith.mulf %sub3A_393, %mul3A_394 : vector<16xf32>
        %get3A_396 = arith.index_cast %mul3A_388 : i32 to index
        %get3A_397 = tpu.vector_load %arg15[%get3A_396] {strides = array<i32>} : memref<1024xf32, #tpu.memory_space<vmem>>, vector<16xf32>,
        %mul3A_398 = arith.mulf %mul3A_395, %get3A_397 : vector<16xf32>
        %get3A_399 = arith.index_cast %mul3A_388 : i32 to index
        %get3A_400 = tpu.vector_load %arg16[%get3A_399] {strides = array<i32>} : memref<1024xf32, #tpu.memory_space<vmem>>, vector<16xf32>,
        %add3A_401 = arith.addf %mul3A_398, %get3A_400 : vector<16xf32>
        %swap3A = arith.index_cast %scan3A_328 : i32 to index
        %swap3A_402 = arith.index_cast %mul3A_388 : i32 to index
        %swap3A_403 = tpu.vector_load %arg17[%swap3A, %swap3A_402] {strides = array<i32>} : memref<16x1024xf32, #tpu.memory_space<vmem>>, vector<16xf32>,
        tpu.vector_store %arg17[%swap3A, %swap3A_402], %add3A_401 {strides = array<i32>} : memref<16x1024xf32, #tpu.memory_space<vmem>>, vector<16xf32>,
      }
      %scan3A_385 = arith.constant 64 : i32
    }
    %scan3A_190 = arith.constant 16 : i32
    %add3A_191 = arith.constant 0 : i32
    %add3A_192 = arith.addi %add3A_191, %add3A_173 : i32
    "tpu.region"() ({
      %run_scoped3A = tpu.sem_alloc : memref<!tpu.dma_semaphore, #tpu.memory_space<semaphore_mem>>
      %dma_start3A_328 = arith.constant 0 : i32
      %dma_start3A_329 = tpu.memref_slice %arg10[%add3A_192, %dma_start3A_328] : memref<8192x1024xf32, #tpu.memory_space<hbm>> -> memref<16x1024xf32, #tpu.memory_space<hbm>>
      %dma_start3A_330 = arith.constant 0 : i32
      %dma_start3A_331 = tpu.memref_slice %arg10[%add3A_192, %dma_start3A_330] : memref<8192x1024xf32, #tpu.memory_space<hbm>> -> memref<16x1024xf32, #tpu.memory_space<hbm>>
      tpu.enqueue_dma source(%arg17 : memref<16x1024xf32, #tpu.memory_space<vmem>>) target(%dma_start3A_331 : memref<16x1024xf32, #tpu.memory_space<hbm>>) target_semaphore(%run_scoped3A : memref<!tpu.dma_semaphore, #tpu.memory_space<semaphore_mem>>)
      %dma_wait3A_332 = arith.constant 0 : i32
      %dma_wait3A_333 = tpu.memref_slice %arg10[%add3A_192, %dma_wait3A_332] : memref<8192x1024xf32, #tpu.memory_space<hbm>> -> memref<16x1024xf32, #tpu.memory_space<hbm>>
      %dma_wait3A_334 = arith.constant 0 : i32
      %dma_wait3A_335 = tpu.memref_slice %arg10[%add3A_192, %dma_wait3A_334] : memref<8192x1024xf32, #tpu.memory_space<hbm>> -> memref<16x1024xf32, #tpu.memory_space<hbm>>
      tpu.wait_dma2 semaphore(%run_scoped3A : memref<!tpu.dma_semaphore, #tpu.memory_space<semaphore_mem>>) src(%arg17 : memref<16x1024xf32, #tpu.memory_space<vmem>>) dst(%dma_wait3A_335 : memref<16x1024xf32, #tpu.memory_space<hbm>>)
      tpu.yield
    }) : () -> ()
    %dma_start3A_193 = arith.constant 96 : i32
    %dma_start3A_194 = tpu.memref_slice %arg11[%dma_start3A_193] : memref<256xi32, #tpu.memory_space<vmem>> -> memref<16xi32, #tpu.memory_space<vmem>>
    %dma_start3A_195 = arith.constant 0 : i32
    %dma_start3A_196 = arith.constant 0 : i32
    %dma_start3A_197 = tpu.memref_slice %arg4[%dma_start3A_195, %dma_start3A_196] : memref<100000x1024xf32, #tpu.memory_space<hbm>> -> memref<100000x1024xf32, #tpu.memory_space<hbm>>
    tpu.enqueue_indirect_dma source(%dma_start3A_197 : memref<100000x1024xf32, #tpu.memory_space<hbm>>) target(%arg17 : memref<16x1024xf32, #tpu.memory_space<vmem>>) offsets(%dma_start3A_194 : memref<16xi32, #tpu.memory_space<vmem>>) semaphore(%arg19 : memref<!tpu.dma_semaphore, #tpu.memory_space<semaphore_mem>>)
    %dma_wait3A_198 = arith.constant 96 : i32
    %dma_wait3A_199 = tpu.memref_slice %arg11[%dma_wait3A_198] : memref<256xi32, #tpu.memory_space<vmem>> -> memref<16xi32, #tpu.memory_space<vmem>>
    %dma_wait3A_200 = arith.constant 0 : i32
    %dma_wait3A_201 = arith.constant 0 : i32
    %dma_wait3A_202 = tpu.memref_slice %arg4[%dma_wait3A_200, %dma_wait3A_201] : memref<100000x1024xf32, #tpu.memory_space<hbm>> -> memref<100000x1024xf32, #tpu.memory_space<hbm>>
    tpu.wait_indirect_dma semaphore(%arg19 : memref<!tpu.dma_semaphore, #tpu.memory_space<semaphore_mem>>) src(%dma_wait3A_202 : memref<100000x1024xf32, #tpu.memory_space<hbm>>) dst(%arg17 : memref<16x1024xf32, #tpu.memory_space<vmem>>)
    %get3A_203 = arith.constant 96 : index
    %get3A_204 = tpu.vector_load %arg12[%get3A_203] {strides = array<i32>} : memref<256xf32, #tpu.memory_space<vmem>>, vector<16xf32>,
    %scan3A_205 = arith.constant 0 : i32
    %scan3A_206 = arith.constant 16 : i32
    %scan3A_207 = arith.addi %scan3A_205, %scan3A_206 : i32
    %scan3A_208 = arith.constant 1 : i32
    scf.for %scan3A_328 = %scan3A_205 to %scan3A_207 step %scan3A_208  : i32 {
      %eq3A = vector.broadcast %scan3A_328 : i32 to vector<16xi32>
      %eq3A_329 = arith.cmpi eq, %iota3A, %eq3A : vector<16xi32>
      %jit3A = arith.constant 0.000000e+00 : f32
      %broadcast_in_dim3A_330 = vector.broadcast %jit3A : f32 to vector<16xf32>
      %select_n3A = arith.select %eq3A_329, %get3A_204, %broadcast_in_dim3A_330 : vector<16xi1>, vector<16xf32>
      %reduce_sum3A = arith.constant true
      %reduce_sum3A_331 = vector.broadcast %reduce_sum3A : i1 to vector<16xi1>
      %reduce_sum3A_332 = tpu.scan <sum>, %select_n3A masked %reduce_sum3A_331 : vector<16xf32>, vector<16xi1> -> vector<16xf32>
      %reduce_sum3A_333 = vector.extract %reduce_sum3A_332[15] : f32 from vector<16xf32>
      %scan3A_334 = arith.constant 0 : i32
      %scan3A_335 = arith.constant 64 : i32
      %scan3A_336 = arith.addi %scan3A_334, %scan3A_335 : i32
      %scan3A_337 = arith.constant 1 : i32
      %scan3A_338:2 = scf.for %scan3A_386 = %scan3A_334 to %scan3A_336 step %scan3A_337 iter_args(%scan3A_387 = %broadcast_in_dim3A_19, %scan3A_388 = %broadcast_in_dim3A_19) -> (vector<16xf32>, vector<16xf32>)  : i32 {
        %mul3A_389 = arith.constant 16 : i32
        %mul3A_390 = arith.muli %scan3A_386, %mul3A_389 : i32
        %get3A_391 = arith.index_cast %scan3A_328 : i32 to index
        %get3A_392 = arith.index_cast %mul3A_390 : i32 to index
        %get3A_393 = tpu.vector_load %arg17[%get3A_391, %get3A_392] {strides = array<i32>} : memref<16x1024xf32, #tpu.memory_space<vmem>>, vector<16xf32>,
        %get3A_394 = arith.index_cast %scan3A_328 : i32 to index
        %get3A_395 = arith.index_cast %mul3A_390 : i32 to index
        %get3A_396 = tpu.vector_load %arg18[%get3A_394, %get3A_395] {strides = array<i32>} : memref<16x1024xf32, #tpu.memory_space<vmem>>, vector<16xf32>,
        %add3A_397 = arith.addf %get3A_393, %get3A_396 : vector<16xf32>
        %get3A_398 = arith.index_cast %mul3A_390 : i32 to index
        %get3A_399 = tpu.vector_load %arg13[%get3A_398] {strides = array<i32>} : memref<1024xf32, #tpu.memory_space<vmem>>, vector<16xf32>,
        %mul3A_400 = vector.broadcast %reduce_sum3A_333 : f32 to vector<16xf32>
        %mul3A_401 = arith.mulf %mul3A_400, %get3A_399 : vector<16xf32>
        %get3A_402 = arith.index_cast %mul3A_390 : i32 to index
        %get3A_403 = tpu.vector_load %arg14[%get3A_402] {strides = array<i32>} : memref<1024xf32, #tpu.memory_space<vmem>>, vector<16xf32>,
        %add3A_404 = arith.addf %mul3A_401, %get3A_403 : vector<16xf32>
        %max3A = arith.constant 0.000000e+00 : f32
        %max3A_405 = vector.broadcast %max3A : f32 to vector<16xf32>
        %max3A_406 = arith.maximumf %add3A_404, %max3A_405 : vector<16xf32>
        %add3A_407 = arith.addf %add3A_397, %max3A_406 : vector<16xf32>
        %swap3A = arith.index_cast %scan3A_328 : i32 to index
        %swap3A_408 = arith.index_cast %mul3A_390 : i32 to index
        %swap3A_409 = tpu.vector_load %arg17[%swap3A, %swap3A_408] {strides = array<i32>} : memref<16x1024xf32, #tpu.memory_space<vmem>>, vector<16xf32>,
        tpu.vector_store %arg17[%swap3A, %swap3A_408], %add3A_407 {strides = array<i32>} : memref<16x1024xf32, #tpu.memory_space<vmem>>, vector<16xf32>,
        %add3A_410 = arith.addf %scan3A_387, %add3A_407 : vector<16xf32>
        %mul3A_411 = arith.mulf %add3A_407, %add3A_407 : vector<16xf32>
        %add3A_412 = arith.addf %scan3A_388, %mul3A_411 : vector<16xf32>
        scf.yield %add3A_410, %add3A_412 : vector<16xf32>, vector<16xf32>
      }
      %scan3A_339 = arith.constant 64 : i32
      %reduce_sum3A_340 = arith.constant true
      %reduce_sum3A_341 = vector.broadcast %reduce_sum3A_340 : i1 to vector<16xi1>
      %reduce_sum3A_342 = tpu.scan <sum>, %scan3A_338#0 masked %reduce_sum3A_341 : vector<16xf32>, vector<16xi1> -> vector<16xf32>
      %reduce_sum3A_343 = vector.extract %reduce_sum3A_342[15] : f32 from vector<16xf32>
      %mul3A_344 = arith.constant 9.765625E-4 : f32
      %mul3A_345 = arith.mulf %reduce_sum3A_343, %mul3A_344 : f32
      %reduce_sum3A_346 = arith.constant true
      %reduce_sum3A_347 = vector.broadcast %reduce_sum3A_346 : i1 to vector<16xi1>
      %reduce_sum3A_348 = tpu.scan <sum>, %scan3A_338#1 masked %reduce_sum3A_347 : vector<16xf32>, vector<16xi1> -> vector<16xf32>
      %reduce_sum3A_349 = vector.extract %reduce_sum3A_348[15] : f32 from vector<16xf32>
      %mul3A_350 = arith.constant 9.765625E-4 : f32
      %mul3A_351 = arith.mulf %reduce_sum3A_349, %mul3A_350 : f32
      %mul3A_352 = arith.mulf %mul3A_345, %mul3A_345 : f32
      %sub3A = arith.subf %mul3A_351, %mul3A_352 : f32
      %add3A_353 = arith.constant 9.99999974E-6 : f32
      %add3A_354 = arith.addf %sub3A, %add3A_353 : f32
      %bitcast_convert_type3A = arith.bitcast %add3A_354 : f32 to i32
      %shift_right_logical3A = arith.constant 1 : i32
      %shift_right_logical3A_355 = arith.shrui %bitcast_convert_type3A, %shift_right_logical3A : i32
      %sub3A_356 = arith.constant 1597463007 : i32
      %sub3A_357 = arith.subi %sub3A_356, %shift_right_logical3A_355 : i32
      %bitcast_convert_type3A_358 = arith.bitcast %sub3A_357 : i32 to f32
      %mul3A_359 = arith.constant 5.000000e-01 : f32
      %mul3A_360 = arith.mulf %mul3A_359, %add3A_354 : f32
      %mul3A_361 = arith.mulf %mul3A_360, %bitcast_convert_type3A_358 : f32
      %mul3A_362 = arith.mulf %mul3A_361, %bitcast_convert_type3A_358 : f32
      %sub3A_363 = arith.constant 1.500000e+00 : f32
      %sub3A_364 = arith.subf %sub3A_363, %mul3A_362 : f32
      %mul3A_365 = arith.mulf %bitcast_convert_type3A_358, %sub3A_364 : f32
      %mul3A_366 = arith.constant 5.000000e-01 : f32
      %mul3A_367 = arith.mulf %mul3A_366, %add3A_354 : f32
      %mul3A_368 = arith.mulf %mul3A_367, %mul3A_365 : f32
      %mul3A_369 = arith.mulf %mul3A_368, %mul3A_365 : f32
      %sub3A_370 = arith.constant 1.500000e+00 : f32
      %sub3A_371 = arith.subf %sub3A_370, %mul3A_369 : f32
      %mul3A_372 = arith.mulf %mul3A_365, %sub3A_371 : f32
      %mul3A_373 = arith.constant 5.000000e-01 : f32
      %mul3A_374 = arith.mulf %mul3A_373, %add3A_354 : f32
      %mul3A_375 = arith.mulf %mul3A_374, %mul3A_372 : f32
      %mul3A_376 = arith.mulf %mul3A_375, %mul3A_372 : f32
      %sub3A_377 = arith.constant 1.500000e+00 : f32
      %sub3A_378 = arith.subf %sub3A_377, %mul3A_376 : f32
      %mul3A_379 = arith.mulf %mul3A_372, %sub3A_378 : f32
      %scan3A_380 = arith.constant 0 : i32
      %scan3A_381 = arith.constant 0 : i32
      %scan3A_382 = arith.constant 64 : i32
      %scan3A_383 = arith.addi %scan3A_381, %scan3A_382 : i32
      %scan3A_384 = arith.constant 1 : i32
      scf.for %scan3A_386 = %scan3A_381 to %scan3A_383 step %scan3A_384  : i32 {
        %mul3A_387 = arith.constant 16 : i32
        %mul3A_388 = arith.muli %scan3A_386, %mul3A_387 : i32
        %get3A_389 = arith.index_cast %scan3A_328 : i32 to index
        %get3A_390 = arith.index_cast %mul3A_388 : i32 to index
        %get3A_391 = tpu.vector_load %arg17[%get3A_389, %get3A_390] {strides = array<i32>} : memref<16x1024xf32, #tpu.memory_space<vmem>>, vector<16xf32>,
        %sub3A_392 = vector.broadcast %mul3A_345 : f32 to vector<16xf32>
        %sub3A_393 = arith.subf %get3A_391, %sub3A_392 : vector<16xf32>
        %mul3A_394 = vector.broadcast %mul3A_379 : f32 to vector<16xf32>
        %mul3A_395 = arith.mulf %sub3A_393, %mul3A_394 : vector<16xf32>
        %get3A_396 = arith.index_cast %mul3A_388 : i32 to index
        %get3A_397 = tpu.vector_load %arg15[%get3A_396] {strides = array<i32>} : memref<1024xf32, #tpu.memory_space<vmem>>, vector<16xf32>,
        %mul3A_398 = arith.mulf %mul3A_395, %get3A_397 : vector<16xf32>
        %get3A_399 = arith.index_cast %mul3A_388 : i32 to index
        %get3A_400 = tpu.vector_load %arg16[%get3A_399] {strides = array<i32>} : memref<1024xf32, #tpu.memory_space<vmem>>, vector<16xf32>,
        %add3A_401 = arith.addf %mul3A_398, %get3A_400 : vector<16xf32>
        %swap3A = arith.index_cast %scan3A_328 : i32 to index
        %swap3A_402 = arith.index_cast %mul3A_388 : i32 to index
        %swap3A_403 = tpu.vector_load %arg17[%swap3A, %swap3A_402] {strides = array<i32>} : memref<16x1024xf32, #tpu.memory_space<vmem>>, vector<16xf32>,
        tpu.vector_store %arg17[%swap3A, %swap3A_402], %add3A_401 {strides = array<i32>} : memref<16x1024xf32, #tpu.memory_space<vmem>>, vector<16xf32>,
      }
      %scan3A_385 = arith.constant 64 : i32
    }
    %scan3A_209 = arith.constant 16 : i32
    %add3A_210 = arith.constant 2048 : i32
    %add3A_211 = arith.addi %add3A_210, %add3A_173 : i32
    "tpu.region"() ({
      %run_scoped3A = tpu.sem_alloc : memref<!tpu.dma_semaphore, #tpu.memory_space<semaphore_mem>>
      %dma_start3A_328 = arith.constant 0 : i32
      %dma_start3A_329 = tpu.memref_slice %arg10[%add3A_211, %dma_start3A_328] : memref<8192x1024xf32, #tpu.memory_space<hbm>> -> memref<16x1024xf32, #tpu.memory_space<hbm>>
      %dma_start3A_330 = arith.constant 0 : i32
      %dma_start3A_331 = tpu.memref_slice %arg10[%add3A_211, %dma_start3A_330] : memref<8192x1024xf32, #tpu.memory_space<hbm>> -> memref<16x1024xf32, #tpu.memory_space<hbm>>
      tpu.enqueue_dma source(%arg17 : memref<16x1024xf32, #tpu.memory_space<vmem>>) target(%dma_start3A_331 : memref<16x1024xf32, #tpu.memory_space<hbm>>) target_semaphore(%run_scoped3A : memref<!tpu.dma_semaphore, #tpu.memory_space<semaphore_mem>>)
      %dma_wait3A_332 = arith.constant 0 : i32
      %dma_wait3A_333 = tpu.memref_slice %arg10[%add3A_211, %dma_wait3A_332] : memref<8192x1024xf32, #tpu.memory_space<hbm>> -> memref<16x1024xf32, #tpu.memory_space<hbm>>
      %dma_wait3A_334 = arith.constant 0 : i32
      %dma_wait3A_335 = tpu.memref_slice %arg10[%add3A_211, %dma_wait3A_334] : memref<8192x1024xf32, #tpu.memory_space<hbm>> -> memref<16x1024xf32, #tpu.memory_space<hbm>>
      tpu.wait_dma2 semaphore(%run_scoped3A : memref<!tpu.dma_semaphore, #tpu.memory_space<semaphore_mem>>) src(%arg17 : memref<16x1024xf32, #tpu.memory_space<vmem>>) dst(%dma_wait3A_335 : memref<16x1024xf32, #tpu.memory_space<hbm>>)
      tpu.yield
    }) : () -> ()
    %dma_start3A_212 = arith.constant 160 : i32
    %dma_start3A_213 = tpu.memref_slice %arg11[%dma_start3A_212] : memref<256xi32, #tpu.memory_space<vmem>> -> memref<16xi32, #tpu.memory_space<vmem>>
    %dma_start3A_214 = arith.constant 0 : i32
    %dma_start3A_215 = arith.constant 0 : i32
    %dma_start3A_216 = tpu.memref_slice %arg4[%dma_start3A_214, %dma_start3A_215] : memref<100000x1024xf32, #tpu.memory_space<hbm>> -> memref<100000x1024xf32, #tpu.memory_space<hbm>>
    tpu.enqueue_indirect_dma source(%dma_start3A_216 : memref<100000x1024xf32, #tpu.memory_space<hbm>>) target(%arg17 : memref<16x1024xf32, #tpu.memory_space<vmem>>) offsets(%dma_start3A_213 : memref<16xi32, #tpu.memory_space<vmem>>) semaphore(%arg19 : memref<!tpu.dma_semaphore, #tpu.memory_space<semaphore_mem>>)
    %dma_wait3A_217 = arith.constant 160 : i32
    %dma_wait3A_218 = tpu.memref_slice %arg11[%dma_wait3A_217] : memref<256xi32, #tpu.memory_space<vmem>> -> memref<16xi32, #tpu.memory_space<vmem>>
    %dma_wait3A_219 = arith.constant 0 : i32
    %dma_wait3A_220 = arith.constant 0 : i32
    %dma_wait3A_221 = tpu.memref_slice %arg4[%dma_wait3A_219, %dma_wait3A_220] : memref<100000x1024xf32, #tpu.memory_space<hbm>> -> memref<100000x1024xf32, #tpu.memory_space<hbm>>
    tpu.wait_indirect_dma semaphore(%arg19 : memref<!tpu.dma_semaphore, #tpu.memory_space<semaphore_mem>>) src(%dma_wait3A_221 : memref<100000x1024xf32, #tpu.memory_space<hbm>>) dst(%arg17 : memref<16x1024xf32, #tpu.memory_space<vmem>>)
    %get3A_222 = arith.constant 160 : index
    %get3A_223 = tpu.vector_load %arg12[%get3A_222] {strides = array<i32>} : memref<256xf32, #tpu.memory_space<vmem>>, vector<16xf32>,
    %scan3A_224 = arith.constant 0 : i32
    %scan3A_225 = arith.constant 16 : i32
    %scan3A_226 = arith.addi %scan3A_224, %scan3A_225 : i32
    %scan3A_227 = arith.constant 1 : i32
    scf.for %scan3A_328 = %scan3A_224 to %scan3A_226 step %scan3A_227  : i32 {
      %eq3A = vector.broadcast %scan3A_328 : i32 to vector<16xi32>
      %eq3A_329 = arith.cmpi eq, %iota3A, %eq3A : vector<16xi32>
      %jit3A = arith.constant 0.000000e+00 : f32
      %broadcast_in_dim3A_330 = vector.broadcast %jit3A : f32 to vector<16xf32>
      %select_n3A = arith.select %eq3A_329, %get3A_223, %broadcast_in_dim3A_330 : vector<16xi1>, vector<16xf32>
      %reduce_sum3A = arith.constant true
      %reduce_sum3A_331 = vector.broadcast %reduce_sum3A : i1 to vector<16xi1>
      %reduce_sum3A_332 = tpu.scan <sum>, %select_n3A masked %reduce_sum3A_331 : vector<16xf32>, vector<16xi1> -> vector<16xf32>
      %reduce_sum3A_333 = vector.extract %reduce_sum3A_332[15] : f32 from vector<16xf32>
      %scan3A_334 = arith.constant 0 : i32
      %scan3A_335 = arith.constant 64 : i32
      %scan3A_336 = arith.addi %scan3A_334, %scan3A_335 : i32
      %scan3A_337 = arith.constant 1 : i32
      %scan3A_338:2 = scf.for %scan3A_386 = %scan3A_334 to %scan3A_336 step %scan3A_337 iter_args(%scan3A_387 = %broadcast_in_dim3A_19, %scan3A_388 = %broadcast_in_dim3A_19) -> (vector<16xf32>, vector<16xf32>)  : i32 {
        %mul3A_389 = arith.constant 16 : i32
        %mul3A_390 = arith.muli %scan3A_386, %mul3A_389 : i32
        %get3A_391 = arith.index_cast %scan3A_328 : i32 to index
        %get3A_392 = arith.index_cast %mul3A_390 : i32 to index
        %get3A_393 = tpu.vector_load %arg17[%get3A_391, %get3A_392] {strides = array<i32>} : memref<16x1024xf32, #tpu.memory_space<vmem>>, vector<16xf32>,
        %get3A_394 = arith.index_cast %scan3A_328 : i32 to index
        %get3A_395 = arith.index_cast %mul3A_390 : i32 to index
        %get3A_396 = tpu.vector_load %arg18[%get3A_394, %get3A_395] {strides = array<i32>} : memref<16x1024xf32, #tpu.memory_space<vmem>>, vector<16xf32>,
        %add3A_397 = arith.addf %get3A_393, %get3A_396 : vector<16xf32>
        %get3A_398 = arith.index_cast %mul3A_390 : i32 to index
        %get3A_399 = tpu.vector_load %arg13[%get3A_398] {strides = array<i32>} : memref<1024xf32, #tpu.memory_space<vmem>>, vector<16xf32>,
        %mul3A_400 = vector.broadcast %reduce_sum3A_333 : f32 to vector<16xf32>
        %mul3A_401 = arith.mulf %mul3A_400, %get3A_399 : vector<16xf32>
        %get3A_402 = arith.index_cast %mul3A_390 : i32 to index
        %get3A_403 = tpu.vector_load %arg14[%get3A_402] {strides = array<i32>} : memref<1024xf32, #tpu.memory_space<vmem>>, vector<16xf32>,
        %add3A_404 = arith.addf %mul3A_401, %get3A_403 : vector<16xf32>
        %max3A = arith.constant 0.000000e+00 : f32
        %max3A_405 = vector.broadcast %max3A : f32 to vector<16xf32>
        %max3A_406 = arith.maximumf %add3A_404, %max3A_405 : vector<16xf32>
        %add3A_407 = arith.addf %add3A_397, %max3A_406 : vector<16xf32>
        %swap3A = arith.index_cast %scan3A_328 : i32 to index
        %swap3A_408 = arith.index_cast %mul3A_390 : i32 to index
        %swap3A_409 = tpu.vector_load %arg17[%swap3A, %swap3A_408] {strides = array<i32>} : memref<16x1024xf32, #tpu.memory_space<vmem>>, vector<16xf32>,
        tpu.vector_store %arg17[%swap3A, %swap3A_408], %add3A_407 {strides = array<i32>} : memref<16x1024xf32, #tpu.memory_space<vmem>>, vector<16xf32>,
        %add3A_410 = arith.addf %scan3A_387, %add3A_407 : vector<16xf32>
        %mul3A_411 = arith.mulf %add3A_407, %add3A_407 : vector<16xf32>
        %add3A_412 = arith.addf %scan3A_388, %mul3A_411 : vector<16xf32>
        scf.yield %add3A_410, %add3A_412 : vector<16xf32>, vector<16xf32>
      }
      %scan3A_339 = arith.constant 64 : i32
      %reduce_sum3A_340 = arith.constant true
      %reduce_sum3A_341 = vector.broadcast %reduce_sum3A_340 : i1 to vector<16xi1>
      %reduce_sum3A_342 = tpu.scan <sum>, %scan3A_338#0 masked %reduce_sum3A_341 : vector<16xf32>, vector<16xi1> -> vector<16xf32>
      %reduce_sum3A_343 = vector.extract %reduce_sum3A_342[15] : f32 from vector<16xf32>
      %mul3A_344 = arith.constant 9.765625E-4 : f32
      %mul3A_345 = arith.mulf %reduce_sum3A_343, %mul3A_344 : f32
      %reduce_sum3A_346 = arith.constant true
      %reduce_sum3A_347 = vector.broadcast %reduce_sum3A_346 : i1 to vector<16xi1>
      %reduce_sum3A_348 = tpu.scan <sum>, %scan3A_338#1 masked %reduce_sum3A_347 : vector<16xf32>, vector<16xi1> -> vector<16xf32>
      %reduce_sum3A_349 = vector.extract %reduce_sum3A_348[15] : f32 from vector<16xf32>
      %mul3A_350 = arith.constant 9.765625E-4 : f32
      %mul3A_351 = arith.mulf %reduce_sum3A_349, %mul3A_350 : f32
      %mul3A_352 = arith.mulf %mul3A_345, %mul3A_345 : f32
      %sub3A = arith.subf %mul3A_351, %mul3A_352 : f32
      %add3A_353 = arith.constant 9.99999974E-6 : f32
      %add3A_354 = arith.addf %sub3A, %add3A_353 : f32
      %bitcast_convert_type3A = arith.bitcast %add3A_354 : f32 to i32
      %shift_right_logical3A = arith.constant 1 : i32
      %shift_right_logical3A_355 = arith.shrui %bitcast_convert_type3A, %shift_right_logical3A : i32
      %sub3A_356 = arith.constant 1597463007 : i32
      %sub3A_357 = arith.subi %sub3A_356, %shift_right_logical3A_355 : i32
      %bitcast_convert_type3A_358 = arith.bitcast %sub3A_357 : i32 to f32
      %mul3A_359 = arith.constant 5.000000e-01 : f32
      %mul3A_360 = arith.mulf %mul3A_359, %add3A_354 : f32
      %mul3A_361 = arith.mulf %mul3A_360, %bitcast_convert_type3A_358 : f32
      %mul3A_362 = arith.mulf %mul3A_361, %bitcast_convert_type3A_358 : f32
      %sub3A_363 = arith.constant 1.500000e+00 : f32
      %sub3A_364 = arith.subf %sub3A_363, %mul3A_362 : f32
      %mul3A_365 = arith.mulf %bitcast_convert_type3A_358, %sub3A_364 : f32
      %mul3A_366 = arith.constant 5.000000e-01 : f32
      %mul3A_367 = arith.mulf %mul3A_366, %add3A_354 : f32
      %mul3A_368 = arith.mulf %mul3A_367, %mul3A_365 : f32
      %mul3A_369 = arith.mulf %mul3A_368, %mul3A_365 : f32
      %sub3A_370 = arith.constant 1.500000e+00 : f32
      %sub3A_371 = arith.subf %sub3A_370, %mul3A_369 : f32
      %mul3A_372 = arith.mulf %mul3A_365, %sub3A_371 : f32
      %mul3A_373 = arith.constant 5.000000e-01 : f32
      %mul3A_374 = arith.mulf %mul3A_373, %add3A_354 : f32
      %mul3A_375 = arith.mulf %mul3A_374, %mul3A_372 : f32
      %mul3A_376 = arith.mulf %mul3A_375, %mul3A_372 : f32
      %sub3A_377 = arith.constant 1.500000e+00 : f32
      %sub3A_378 = arith.subf %sub3A_377, %mul3A_376 : f32
      %mul3A_379 = arith.mulf %mul3A_372, %sub3A_378 : f32
      %scan3A_380 = arith.constant 0 : i32
      %scan3A_381 = arith.constant 0 : i32
      %scan3A_382 = arith.constant 64 : i32
      %scan3A_383 = arith.addi %scan3A_381, %scan3A_382 : i32
      %scan3A_384 = arith.constant 1 : i32
      scf.for %scan3A_386 = %scan3A_381 to %scan3A_383 step %scan3A_384  : i32 {
        %mul3A_387 = arith.constant 16 : i32
        %mul3A_388 = arith.muli %scan3A_386, %mul3A_387 : i32
        %get3A_389 = arith.index_cast %scan3A_328 : i32 to index
        %get3A_390 = arith.index_cast %mul3A_388 : i32 to index
        %get3A_391 = tpu.vector_load %arg17[%get3A_389, %get3A_390] {strides = array<i32>} : memref<16x1024xf32, #tpu.memory_space<vmem>>, vector<16xf32>,
        %sub3A_392 = vector.broadcast %mul3A_345 : f32 to vector<16xf32>
        %sub3A_393 = arith.subf %get3A_391, %sub3A_392 : vector<16xf32>
        %mul3A_394 = vector.broadcast %mul3A_379 : f32 to vector<16xf32>
        %mul3A_395 = arith.mulf %sub3A_393, %mul3A_394 : vector<16xf32>
        %get3A_396 = arith.index_cast %mul3A_388 : i32 to index
        %get3A_397 = tpu.vector_load %arg15[%get3A_396] {strides = array<i32>} : memref<1024xf32, #tpu.memory_space<vmem>>, vector<16xf32>,
        %mul3A_398 = arith.mulf %mul3A_395, %get3A_397 : vector<16xf32>
        %get3A_399 = arith.index_cast %mul3A_388 : i32 to index
        %get3A_400 = tpu.vector_load %arg16[%get3A_399] {strides = array<i32>} : memref<1024xf32, #tpu.memory_space<vmem>>, vector<16xf32>,
        %add3A_401 = arith.addf %mul3A_398, %get3A_400 : vector<16xf32>
        %swap3A = arith.index_cast %scan3A_328 : i32 to index
        %swap3A_402 = arith.index_cast %mul3A_388 : i32 to index
        %swap3A_403 = tpu.vector_load %arg17[%swap3A, %swap3A_402] {strides = array<i32>} : memref<16x1024xf32, #tpu.memory_space<vmem>>, vector<16xf32>,
        tpu.vector_store %arg17[%swap3A, %swap3A_402], %add3A_401 {strides = array<i32>} : memref<16x1024xf32, #tpu.memory_space<vmem>>, vector<16xf32>,
      }
      %scan3A_385 = arith.constant 64 : i32
    }
    %scan3A_228 = arith.constant 16 : i32
    %add3A_229 = arith.constant 4096 : i32
    %add3A_230 = arith.addi %add3A_229, %add3A_173 : i32
    "tpu.region"() ({
      %run_scoped3A = tpu.sem_alloc : memref<!tpu.dma_semaphore, #tpu.memory_space<semaphore_mem>>
      %dma_start3A_328 = arith.constant 0 : i32
      %dma_start3A_329 = tpu.memref_slice %arg10[%add3A_230, %dma_start3A_328] : memref<8192x1024xf32, #tpu.memory_space<hbm>> -> memref<16x1024xf32, #tpu.memory_space<hbm>>
      %dma_start3A_330 = arith.constant 0 : i32
      %dma_start3A_331 = tpu.memref_slice %arg10[%add3A_230, %dma_start3A_330] : memref<8192x1024xf32, #tpu.memory_space<hbm>> -> memref<16x1024xf32, #tpu.memory_space<hbm>>
      tpu.enqueue_dma source(%arg17 : memref<16x1024xf32, #tpu.memory_space<vmem>>) target(%dma_start3A_331 : memref<16x1024xf32, #tpu.memory_space<hbm>>) target_semaphore(%run_scoped3A : memref<!tpu.dma_semaphore, #tpu.memory_space<semaphore_mem>>)
      %dma_wait3A_332 = arith.constant 0 : i32
      %dma_wait3A_333 = tpu.memref_slice %arg10[%add3A_230, %dma_wait3A_332] : memref<8192x1024xf32, #tpu.memory_space<hbm>> -> memref<16x1024xf32, #tpu.memory_space<hbm>>
      %dma_wait3A_334 = arith.constant 0 : i32
      %dma_wait3A_335 = tpu.memref_slice %arg10[%add3A_230, %dma_wait3A_334] : memref<8192x1024xf32, #tpu.memory_space<hbm>> -> memref<16x1024xf32, #tpu.memory_space<hbm>>
      tpu.wait_dma2 semaphore(%run_scoped3A : memref<!tpu.dma_semaphore, #tpu.memory_space<semaphore_mem>>) src(%arg17 : memref<16x1024xf32, #tpu.memory_space<vmem>>) dst(%dma_wait3A_335 : memref<16x1024xf32, #tpu.memory_space<hbm>>)
      tpu.yield
    }) : () -> ()
    %dma_start3A_231 = arith.constant 224 : i32
    %dma_start3A_232 = tpu.memref_slice %arg11[%dma_start3A_231] : memref<256xi32, #tpu.memory_space<vmem>> -> memref<16xi32, #tpu.memory_space<vmem>>
    %dma_start3A_233 = arith.constant 0 : i32
    %dma_start3A_234 = arith.constant 0 : i32
    %dma_start3A_235 = tpu.memref_slice %arg4[%dma_start3A_233, %dma_start3A_234] : memref<100000x1024xf32, #tpu.memory_space<hbm>> -> memref<100000x1024xf32, #tpu.memory_space<hbm>>
    tpu.enqueue_indirect_dma source(%dma_start3A_235 : memref<100000x1024xf32, #tpu.memory_space<hbm>>) target(%arg17 : memref<16x1024xf32, #tpu.memory_space<vmem>>) offsets(%dma_start3A_232 : memref<16xi32, #tpu.memory_space<vmem>>) semaphore(%arg19 : memref<!tpu.dma_semaphore, #tpu.memory_space<semaphore_mem>>)
    %dma_wait3A_236 = arith.constant 224 : i32
    %dma_wait3A_237 = tpu.memref_slice %arg11[%dma_wait3A_236] : memref<256xi32, #tpu.memory_space<vmem>> -> memref<16xi32, #tpu.memory_space<vmem>>
    %dma_wait3A_238 = arith.constant 0 : i32
    %dma_wait3A_239 = arith.constant 0 : i32
    %dma_wait3A_240 = tpu.memref_slice %arg4[%dma_wait3A_238, %dma_wait3A_239] : memref<100000x1024xf32, #tpu.memory_space<hbm>> -> memref<100000x1024xf32, #tpu.memory_space<hbm>>
    tpu.wait_indirect_dma semaphore(%arg19 : memref<!tpu.dma_semaphore, #tpu.memory_space<semaphore_mem>>) src(%dma_wait3A_240 : memref<100000x1024xf32, #tpu.memory_space<hbm>>) dst(%arg17 : memref<16x1024xf32, #tpu.memory_space<vmem>>)
    %get3A_241 = arith.constant 224 : index
    %get3A_242 = tpu.vector_load %arg12[%get3A_241] {strides = array<i32>} : memref<256xf32, #tpu.memory_space<vmem>>, vector<16xf32>,
    %scan3A_243 = arith.constant 0 : i32
    %scan3A_244 = arith.constant 16 : i32
    %scan3A_245 = arith.addi %scan3A_243, %scan3A_244 : i32
    %scan3A_246 = arith.constant 1 : i32
    scf.for %scan3A_328 = %scan3A_243 to %scan3A_245 step %scan3A_246  : i32 {
      %eq3A = vector.broadcast %scan3A_328 : i32 to vector<16xi32>
      %eq3A_329 = arith.cmpi eq, %iota3A, %eq3A : vector<16xi32>
      %jit3A = arith.constant 0.000000e+00 : f32
      %broadcast_in_dim3A_330 = vector.broadcast %jit3A : f32 to vector<16xf32>
      %select_n3A = arith.select %eq3A_329, %get3A_242, %broadcast_in_dim3A_330 : vector<16xi1>, vector<16xf32>
      %reduce_sum3A = arith.constant true
      %reduce_sum3A_331 = vector.broadcast %reduce_sum3A : i1 to vector<16xi1>
      %reduce_sum3A_332 = tpu.scan <sum>, %select_n3A masked %reduce_sum3A_331 : vector<16xf32>, vector<16xi1> -> vector<16xf32>
      %reduce_sum3A_333 = vector.extract %reduce_sum3A_332[15] : f32 from vector<16xf32>
      %scan3A_334 = arith.constant 0 : i32
      %scan3A_335 = arith.constant 64 : i32
      %scan3A_336 = arith.addi %scan3A_334, %scan3A_335 : i32
      %scan3A_337 = arith.constant 1 : i32
      %scan3A_338:2 = scf.for %scan3A_386 = %scan3A_334 to %scan3A_336 step %scan3A_337 iter_args(%scan3A_387 = %broadcast_in_dim3A_19, %scan3A_388 = %broadcast_in_dim3A_19) -> (vector<16xf32>, vector<16xf32>)  : i32 {
        %mul3A_389 = arith.constant 16 : i32
        %mul3A_390 = arith.muli %scan3A_386, %mul3A_389 : i32
        %get3A_391 = arith.index_cast %scan3A_328 : i32 to index
        %get3A_392 = arith.index_cast %mul3A_390 : i32 to index
        %get3A_393 = tpu.vector_load %arg17[%get3A_391, %get3A_392] {strides = array<i32>} : memref<16x1024xf32, #tpu.memory_space<vmem>>, vector<16xf32>,
        %get3A_394 = arith.index_cast %scan3A_328 : i32 to index
        %get3A_395 = arith.index_cast %mul3A_390 : i32 to index
        %get3A_396 = tpu.vector_load %arg18[%get3A_394, %get3A_395] {strides = array<i32>} : memref<16x1024xf32, #tpu.memory_space<vmem>>, vector<16xf32>,
        %add3A_397 = arith.addf %get3A_393, %get3A_396 : vector<16xf32>
        %get3A_398 = arith.index_cast %mul3A_390 : i32 to index
        %get3A_399 = tpu.vector_load %arg13[%get3A_398] {strides = array<i32>} : memref<1024xf32, #tpu.memory_space<vmem>>, vector<16xf32>,
        %mul3A_400 = vector.broadcast %reduce_sum3A_333 : f32 to vector<16xf32>
        %mul3A_401 = arith.mulf %mul3A_400, %get3A_399 : vector<16xf32>
        %get3A_402 = arith.index_cast %mul3A_390 : i32 to index
        %get3A_403 = tpu.vector_load %arg14[%get3A_402] {strides = array<i32>} : memref<1024xf32, #tpu.memory_space<vmem>>, vector<16xf32>,
        %add3A_404 = arith.addf %mul3A_401, %get3A_403 : vector<16xf32>
        %max3A = arith.constant 0.000000e+00 : f32
        %max3A_405 = vector.broadcast %max3A : f32 to vector<16xf32>
        %max3A_406 = arith.maximumf %add3A_404, %max3A_405 : vector<16xf32>
        %add3A_407 = arith.addf %add3A_397, %max3A_406 : vector<16xf32>
        %swap3A = arith.index_cast %scan3A_328 : i32 to index
        %swap3A_408 = arith.index_cast %mul3A_390 : i32 to index
        %swap3A_409 = tpu.vector_load %arg17[%swap3A, %swap3A_408] {strides = array<i32>} : memref<16x1024xf32, #tpu.memory_space<vmem>>, vector<16xf32>,
        tpu.vector_store %arg17[%swap3A, %swap3A_408], %add3A_407 {strides = array<i32>} : memref<16x1024xf32, #tpu.memory_space<vmem>>, vector<16xf32>,
        %add3A_410 = arith.addf %scan3A_387, %add3A_407 : vector<16xf32>
        %mul3A_411 = arith.mulf %add3A_407, %add3A_407 : vector<16xf32>
        %add3A_412 = arith.addf %scan3A_388, %mul3A_411 : vector<16xf32>
        scf.yield %add3A_410, %add3A_412 : vector<16xf32>, vector<16xf32>
      }
      %scan3A_339 = arith.constant 64 : i32
      %reduce_sum3A_340 = arith.constant true
      %reduce_sum3A_341 = vector.broadcast %reduce_sum3A_340 : i1 to vector<16xi1>
      %reduce_sum3A_342 = tpu.scan <sum>, %scan3A_338#0 masked %reduce_sum3A_341 : vector<16xf32>, vector<16xi1> -> vector<16xf32>
      %reduce_sum3A_343 = vector.extract %reduce_sum3A_342[15] : f32 from vector<16xf32>
      %mul3A_344 = arith.constant 9.765625E-4 : f32
      %mul3A_345 = arith.mulf %reduce_sum3A_343, %mul3A_344 : f32
      %reduce_sum3A_346 = arith.constant true
      %reduce_sum3A_347 = vector.broadcast %reduce_sum3A_346 : i1 to vector<16xi1>
      %reduce_sum3A_348 = tpu.scan <sum>, %scan3A_338#1 masked %reduce_sum3A_347 : vector<16xf32>, vector<16xi1> -> vector<16xf32>
      %reduce_sum3A_349 = vector.extract %reduce_sum3A_348[15] : f32 from vector<16xf32>
      %mul3A_350 = arith.constant 9.765625E-4 : f32
      %mul3A_351 = arith.mulf %reduce_sum3A_349, %mul3A_350 : f32
      %mul3A_352 = arith.mulf %mul3A_345, %mul3A_345 : f32
      %sub3A = arith.subf %mul3A_351, %mul3A_352 : f32
      %add3A_353 = arith.constant 9.99999974E-6 : f32
      %add3A_354 = arith.addf %sub3A, %add3A_353 : f32
      %bitcast_convert_type3A = arith.bitcast %add3A_354 : f32 to i32
      %shift_right_logical3A = arith.constant 1 : i32
      %shift_right_logical3A_355 = arith.shrui %bitcast_convert_type3A, %shift_right_logical3A : i32
      %sub3A_356 = arith.constant 1597463007 : i32
      %sub3A_357 = arith.subi %sub3A_356, %shift_right_logical3A_355 : i32
      %bitcast_convert_type3A_358 = arith.bitcast %sub3A_357 : i32 to f32
      %mul3A_359 = arith.constant 5.000000e-01 : f32
      %mul3A_360 = arith.mulf %mul3A_359, %add3A_354 : f32
      %mul3A_361 = arith.mulf %mul3A_360, %bitcast_convert_type3A_358 : f32
      %mul3A_362 = arith.mulf %mul3A_361, %bitcast_convert_type3A_358 : f32
      %sub3A_363 = arith.constant 1.500000e+00 : f32
      %sub3A_364 = arith.subf %sub3A_363, %mul3A_362 : f32
      %mul3A_365 = arith.mulf %bitcast_convert_type3A_358, %sub3A_364 : f32
      %mul3A_366 = arith.constant 5.000000e-01 : f32
      %mul3A_367 = arith.mulf %mul3A_366, %add3A_354 : f32
      %mul3A_368 = arith.mulf %mul3A_367, %mul3A_365 : f32
      %mul3A_369 = arith.mulf %mul3A_368, %mul3A_365 : f32
      %sub3A_370 = arith.constant 1.500000e+00 : f32
      %sub3A_371 = arith.subf %sub3A_370, %mul3A_369 : f32
      %mul3A_372 = arith.mulf %mul3A_365, %sub3A_371 : f32
      %mul3A_373 = arith.constant 5.000000e-01 : f32
      %mul3A_374 = arith.mulf %mul3A_373, %add3A_354 : f32
      %mul3A_375 = arith.mulf %mul3A_374, %mul3A_372 : f32
      %mul3A_376 = arith.mulf %mul3A_375, %mul3A_372 : f32
      %sub3A_377 = arith.constant 1.500000e+00 : f32
      %sub3A_378 = arith.subf %sub3A_377, %mul3A_376 : f32
      %mul3A_379 = arith.mulf %mul3A_372, %sub3A_378 : f32
      %scan3A_380 = arith.constant 0 : i32
      %scan3A_381 = arith.constant 0 : i32
      %scan3A_382 = arith.constant 64 : i32
      %scan3A_383 = arith.addi %scan3A_381, %scan3A_382 : i32
      %scan3A_384 = arith.constant 1 : i32
      scf.for %scan3A_386 = %scan3A_381 to %scan3A_383 step %scan3A_384  : i32 {
        %mul3A_387 = arith.constant 16 : i32
        %mul3A_388 = arith.muli %scan3A_386, %mul3A_387 : i32
        %get3A_389 = arith.index_cast %scan3A_328 : i32 to index
        %get3A_390 = arith.index_cast %mul3A_388 : i32 to index
        %get3A_391 = tpu.vector_load %arg17[%get3A_389, %get3A_390] {strides = array<i32>} : memref<16x1024xf32, #tpu.memory_space<vmem>>, vector<16xf32>,
        %sub3A_392 = vector.broadcast %mul3A_345 : f32 to vector<16xf32>
        %sub3A_393 = arith.subf %get3A_391, %sub3A_392 : vector<16xf32>
        %mul3A_394 = vector.broadcast %mul3A_379 : f32 to vector<16xf32>
        %mul3A_395 = arith.mulf %sub3A_393, %mul3A_394 : vector<16xf32>
        %get3A_396 = arith.index_cast %mul3A_388 : i32 to index
        %get3A_397 = tpu.vector_load %arg15[%get3A_396] {strides = array<i32>} : memref<1024xf32, #tpu.memory_space<vmem>>, vector<16xf32>,
        %mul3A_398 = arith.mulf %mul3A_395, %get3A_397 : vector<16xf32>
        %get3A_399 = arith.index_cast %mul3A_388 : i32 to index
        %get3A_400 = tpu.vector_load %arg16[%get3A_399] {strides = array<i32>} : memref<1024xf32, #tpu.memory_space<vmem>>, vector<16xf32>,
        %add3A_401 = arith.addf %mul3A_398, %get3A_400 : vector<16xf32>
        %swap3A = arith.index_cast %scan3A_328 : i32 to index
        %swap3A_402 = arith.index_cast %mul3A_388 : i32 to index
        %swap3A_403 = tpu.vector_load %arg17[%swap3A, %swap3A_402] {strides = array<i32>} : memref<16x1024xf32, #tpu.memory_space<vmem>>, vector<16xf32>,
        tpu.vector_store %arg17[%swap3A, %swap3A_402], %add3A_401 {strides = array<i32>} : memref<16x1024xf32, #tpu.memory_space<vmem>>, vector<16xf32>,
      }
      %scan3A_385 = arith.constant 64 : i32
    }
    %scan3A_247 = arith.constant 16 : i32
    %add3A_248 = arith.constant 6144 : i32
    %add3A_249 = arith.addi %add3A_248, %add3A_173 : i32
    "tpu.region"() ({
      %run_scoped3A = tpu.sem_alloc : memref<!tpu.dma_semaphore, #tpu.memory_space<semaphore_mem>>
      %dma_start3A_328 = arith.constant 0 : i32
      %dma_start3A_329 = tpu.memref_slice %arg10[%add3A_249, %dma_start3A_328] : memref<8192x1024xf32, #tpu.memory_space<hbm>> -> memref<16x1024xf32, #tpu.memory_space<hbm>>
      %dma_start3A_330 = arith.constant 0 : i32
      %dma_start3A_331 = tpu.memref_slice %arg10[%add3A_249, %dma_start3A_330] : memref<8192x1024xf32, #tpu.memory_space<hbm>> -> memref<16x1024xf32, #tpu.memory_space<hbm>>
      tpu.enqueue_dma source(%arg17 : memref<16x1024xf32, #tpu.memory_space<vmem>>) target(%dma_start3A_331 : memref<16x1024xf32, #tpu.memory_space<hbm>>) target_semaphore(%run_scoped3A : memref<!tpu.dma_semaphore, #tpu.memory_space<semaphore_mem>>)
      %dma_wait3A_332 = arith.constant 0 : i32
      %dma_wait3A_333 = tpu.memref_slice %arg10[%add3A_249, %dma_wait3A_332] : memref<8192x1024xf32, #tpu.memory_space<hbm>> -> memref<16x1024xf32, #tpu.memory_space<hbm>>
      %dma_wait3A_334 = arith.constant 0 : i32
      %dma_wait3A_335 = tpu.memref_slice %arg10[%add3A_249, %dma_wait3A_334] : memref<8192x1024xf32, #tpu.memory_space<hbm>> -> memref<16x1024xf32, #tpu.memory_space<hbm>>
      tpu.wait_dma2 semaphore(%run_scoped3A : memref<!tpu.dma_semaphore, #tpu.memory_space<semaphore_mem>>) src(%arg17 : memref<16x1024xf32, #tpu.memory_space<vmem>>) dst(%dma_wait3A_335 : memref<16x1024xf32, #tpu.memory_space<hbm>>)
      tpu.yield
    }) : () -> ()
    %add3A_250 = arith.constant 48 : i32
    %add3A_251 = arith.addi %mul3A_2, %add3A_250 : i32
    "tpu.region"() ({
      %run_scoped3A = tpu.sem_alloc : memref<!tpu.dma_semaphore, #tpu.memory_space<semaphore_mem>>
      %dma_start3A_328 = arith.constant 0 : i32
      %dma_start3A_329 = tpu.memref_slice %arg5[%add3A_251, %dma_start3A_328] : memref<100000x1024xf32, #tpu.memory_space<hbm>> -> memref<16x1024xf32, #tpu.memory_space<hbm>>
      %dma_start3A_330 = arith.constant 0 : i32
      %dma_start3A_331 = tpu.memref_slice %arg5[%add3A_251, %dma_start3A_330] : memref<100000x1024xf32, #tpu.memory_space<hbm>> -> memref<16x1024xf32, #tpu.memory_space<hbm>>
      tpu.enqueue_dma source(%dma_start3A_331 : memref<16x1024xf32, #tpu.memory_space<hbm>>) target(%arg18 : memref<16x1024xf32, #tpu.memory_space<vmem>>) target_semaphore(%run_scoped3A : memref<!tpu.dma_semaphore, #tpu.memory_space<semaphore_mem>>)
      %dma_wait3A_332 = arith.constant 0 : i32
      %dma_wait3A_333 = tpu.memref_slice %arg5[%add3A_251, %dma_wait3A_332] : memref<100000x1024xf32, #tpu.memory_space<hbm>> -> memref<16x1024xf32, #tpu.memory_space<hbm>>
      %dma_wait3A_334 = arith.constant 0 : i32
      %dma_wait3A_335 = tpu.memref_slice %arg5[%add3A_251, %dma_wait3A_334] : memref<100000x1024xf32, #tpu.memory_space<hbm>> -> memref<16x1024xf32, #tpu.memory_space<hbm>>
      tpu.wait_dma2 semaphore(%run_scoped3A : memref<!tpu.dma_semaphore, #tpu.memory_space<semaphore_mem>>) src(%dma_wait3A_335 : memref<16x1024xf32, #tpu.memory_space<hbm>>) dst(%arg18 : memref<16x1024xf32, #tpu.memory_space<vmem>>)
      tpu.yield
    }) : () -> ()
    %dma_start3A_252 = arith.constant 48 : i32
    %dma_start3A_253 = tpu.memref_slice %arg11[%dma_start3A_252] : memref<256xi32, #tpu.memory_space<vmem>> -> memref<16xi32, #tpu.memory_space<vmem>>
    %dma_start3A_254 = arith.constant 0 : i32
    %dma_start3A_255 = arith.constant 0 : i32
    %dma_start3A_256 = tpu.memref_slice %arg4[%dma_start3A_254, %dma_start3A_255] : memref<100000x1024xf32, #tpu.memory_space<hbm>> -> memref<100000x1024xf32, #tpu.memory_space<hbm>>
    tpu.enqueue_indirect_dma source(%dma_start3A_256 : memref<100000x1024xf32, #tpu.memory_space<hbm>>) target(%arg17 : memref<16x1024xf32, #tpu.memory_space<vmem>>) offsets(%dma_start3A_253 : memref<16xi32, #tpu.memory_space<vmem>>) semaphore(%arg19 : memref<!tpu.dma_semaphore, #tpu.memory_space<semaphore_mem>>)
    %dma_wait3A_257 = arith.constant 48 : i32
    %dma_wait3A_258 = tpu.memref_slice %arg11[%dma_wait3A_257] : memref<256xi32, #tpu.memory_space<vmem>> -> memref<16xi32, #tpu.memory_space<vmem>>
    %dma_wait3A_259 = arith.constant 0 : i32
    %dma_wait3A_260 = arith.constant 0 : i32
    %dma_wait3A_261 = tpu.memref_slice %arg4[%dma_wait3A_259, %dma_wait3A_260] : memref<100000x1024xf32, #tpu.memory_space<hbm>> -> memref<100000x1024xf32, #tpu.memory_space<hbm>>
    tpu.wait_indirect_dma semaphore(%arg19 : memref<!tpu.dma_semaphore, #tpu.memory_space<semaphore_mem>>) src(%dma_wait3A_261 : memref<100000x1024xf32, #tpu.memory_space<hbm>>) dst(%arg17 : memref<16x1024xf32, #tpu.memory_space<vmem>>)
    %get3A_262 = arith.constant 48 : index
    %get3A_263 = tpu.vector_load %arg12[%get3A_262] {strides = array<i32>} : memref<256xf32, #tpu.memory_space<vmem>>, vector<16xf32>,
    %scan3A_264 = arith.constant 0 : i32
    %scan3A_265 = arith.constant 16 : i32
    %scan3A_266 = arith.addi %scan3A_264, %scan3A_265 : i32
    %scan3A_267 = arith.constant 1 : i32
    scf.for %scan3A_328 = %scan3A_264 to %scan3A_266 step %scan3A_267  : i32 {
      %eq3A = vector.broadcast %scan3A_328 : i32 to vector<16xi32>
      %eq3A_329 = arith.cmpi eq, %iota3A, %eq3A : vector<16xi32>
      %jit3A = arith.constant 0.000000e+00 : f32
      %broadcast_in_dim3A_330 = vector.broadcast %jit3A : f32 to vector<16xf32>
      %select_n3A = arith.select %eq3A_329, %get3A_263, %broadcast_in_dim3A_330 : vector<16xi1>, vector<16xf32>
      %reduce_sum3A = arith.constant true
      %reduce_sum3A_331 = vector.broadcast %reduce_sum3A : i1 to vector<16xi1>
      %reduce_sum3A_332 = tpu.scan <sum>, %select_n3A masked %reduce_sum3A_331 : vector<16xf32>, vector<16xi1> -> vector<16xf32>
      %reduce_sum3A_333 = vector.extract %reduce_sum3A_332[15] : f32 from vector<16xf32>
      %scan3A_334 = arith.constant 0 : i32
      %scan3A_335 = arith.constant 64 : i32
      %scan3A_336 = arith.addi %scan3A_334, %scan3A_335 : i32
      %scan3A_337 = arith.constant 1 : i32
      %scan3A_338:2 = scf.for %scan3A_386 = %scan3A_334 to %scan3A_336 step %scan3A_337 iter_args(%scan3A_387 = %broadcast_in_dim3A_19, %scan3A_388 = %broadcast_in_dim3A_19) -> (vector<16xf32>, vector<16xf32>)  : i32 {
        %mul3A_389 = arith.constant 16 : i32
        %mul3A_390 = arith.muli %scan3A_386, %mul3A_389 : i32
        %get3A_391 = arith.index_cast %scan3A_328 : i32 to index
        %get3A_392 = arith.index_cast %mul3A_390 : i32 to index
        %get3A_393 = tpu.vector_load %arg17[%get3A_391, %get3A_392] {strides = array<i32>} : memref<16x1024xf32, #tpu.memory_space<vmem>>, vector<16xf32>,
        %get3A_394 = arith.index_cast %scan3A_328 : i32 to index
        %get3A_395 = arith.index_cast %mul3A_390 : i32 to index
        %get3A_396 = tpu.vector_load %arg18[%get3A_394, %get3A_395] {strides = array<i32>} : memref<16x1024xf32, #tpu.memory_space<vmem>>, vector<16xf32>,
        %add3A_397 = arith.addf %get3A_393, %get3A_396 : vector<16xf32>
        %get3A_398 = arith.index_cast %mul3A_390 : i32 to index
        %get3A_399 = tpu.vector_load %arg13[%get3A_398] {strides = array<i32>} : memref<1024xf32, #tpu.memory_space<vmem>>, vector<16xf32>,
        %mul3A_400 = vector.broadcast %reduce_sum3A_333 : f32 to vector<16xf32>
        %mul3A_401 = arith.mulf %mul3A_400, %get3A_399 : vector<16xf32>
        %get3A_402 = arith.index_cast %mul3A_390 : i32 to index
        %get3A_403 = tpu.vector_load %arg14[%get3A_402] {strides = array<i32>} : memref<1024xf32, #tpu.memory_space<vmem>>, vector<16xf32>,
        %add3A_404 = arith.addf %mul3A_401, %get3A_403 : vector<16xf32>
        %max3A = arith.constant 0.000000e+00 : f32
        %max3A_405 = vector.broadcast %max3A : f32 to vector<16xf32>
        %max3A_406 = arith.maximumf %add3A_404, %max3A_405 : vector<16xf32>
        %add3A_407 = arith.addf %add3A_397, %max3A_406 : vector<16xf32>
        %swap3A = arith.index_cast %scan3A_328 : i32 to index
        %swap3A_408 = arith.index_cast %mul3A_390 : i32 to index
        %swap3A_409 = tpu.vector_load %arg17[%swap3A, %swap3A_408] {strides = array<i32>} : memref<16x1024xf32, #tpu.memory_space<vmem>>, vector<16xf32>,
        tpu.vector_store %arg17[%swap3A, %swap3A_408], %add3A_407 {strides = array<i32>} : memref<16x1024xf32, #tpu.memory_space<vmem>>, vector<16xf32>,
        %add3A_410 = arith.addf %scan3A_387, %add3A_407 : vector<16xf32>
        %mul3A_411 = arith.mulf %add3A_407, %add3A_407 : vector<16xf32>
        %add3A_412 = arith.addf %scan3A_388, %mul3A_411 : vector<16xf32>
        scf.yield %add3A_410, %add3A_412 : vector<16xf32>, vector<16xf32>
      }
      %scan3A_339 = arith.constant 64 : i32
      %reduce_sum3A_340 = arith.constant true
      %reduce_sum3A_341 = vector.broadcast %reduce_sum3A_340 : i1 to vector<16xi1>
      %reduce_sum3A_342 = tpu.scan <sum>, %scan3A_338#0 masked %reduce_sum3A_341 : vector<16xf32>, vector<16xi1> -> vector<16xf32>
      %reduce_sum3A_343 = vector.extract %reduce_sum3A_342[15] : f32 from vector<16xf32>
      %mul3A_344 = arith.constant 9.765625E-4 : f32
      %mul3A_345 = arith.mulf %reduce_sum3A_343, %mul3A_344 : f32
      %reduce_sum3A_346 = arith.constant true
      %reduce_sum3A_347 = vector.broadcast %reduce_sum3A_346 : i1 to vector<16xi1>
      %reduce_sum3A_348 = tpu.scan <sum>, %scan3A_338#1 masked %reduce_sum3A_347 : vector<16xf32>, vector<16xi1> -> vector<16xf32>
      %reduce_sum3A_349 = vector.extract %reduce_sum3A_348[15] : f32 from vector<16xf32>
      %mul3A_350 = arith.constant 9.765625E-4 : f32
      %mul3A_351 = arith.mulf %reduce_sum3A_349, %mul3A_350 : f32
      %mul3A_352 = arith.mulf %mul3A_345, %mul3A_345 : f32
      %sub3A = arith.subf %mul3A_351, %mul3A_352 : f32
      %add3A_353 = arith.constant 9.99999974E-6 : f32
      %add3A_354 = arith.addf %sub3A, %add3A_353 : f32
      %bitcast_convert_type3A = arith.bitcast %add3A_354 : f32 to i32
      %shift_right_logical3A = arith.constant 1 : i32
      %shift_right_logical3A_355 = arith.shrui %bitcast_convert_type3A, %shift_right_logical3A : i32
      %sub3A_356 = arith.constant 1597463007 : i32
      %sub3A_357 = arith.subi %sub3A_356, %shift_right_logical3A_355 : i32
      %bitcast_convert_type3A_358 = arith.bitcast %sub3A_357 : i32 to f32
      %mul3A_359 = arith.constant 5.000000e-01 : f32
      %mul3A_360 = arith.mulf %mul3A_359, %add3A_354 : f32
      %mul3A_361 = arith.mulf %mul3A_360, %bitcast_convert_type3A_358 : f32
      %mul3A_362 = arith.mulf %mul3A_361, %bitcast_convert_type3A_358 : f32
      %sub3A_363 = arith.constant 1.500000e+00 : f32
      %sub3A_364 = arith.subf %sub3A_363, %mul3A_362 : f32
      %mul3A_365 = arith.mulf %bitcast_convert_type3A_358, %sub3A_364 : f32
      %mul3A_366 = arith.constant 5.000000e-01 : f32
      %mul3A_367 = arith.mulf %mul3A_366, %add3A_354 : f32
      %mul3A_368 = arith.mulf %mul3A_367, %mul3A_365 : f32
      %mul3A_369 = arith.mulf %mul3A_368, %mul3A_365 : f32
      %sub3A_370 = arith.constant 1.500000e+00 : f32
      %sub3A_371 = arith.subf %sub3A_370, %mul3A_369 : f32
      %mul3A_372 = arith.mulf %mul3A_365, %sub3A_371 : f32
      %mul3A_373 = arith.constant 5.000000e-01 : f32
      %mul3A_374 = arith.mulf %mul3A_373, %add3A_354 : f32
      %mul3A_375 = arith.mulf %mul3A_374, %mul3A_372 : f32
      %mul3A_376 = arith.mulf %mul3A_375, %mul3A_372 : f32
      %sub3A_377 = arith.constant 1.500000e+00 : f32
      %sub3A_378 = arith.subf %sub3A_377, %mul3A_376 : f32
      %mul3A_379 = arith.mulf %mul3A_372, %sub3A_378 : f32
      %scan3A_380 = arith.constant 0 : i32
      %scan3A_381 = arith.constant 0 : i32
      %scan3A_382 = arith.constant 64 : i32
      %scan3A_383 = arith.addi %scan3A_381, %scan3A_382 : i32
      %scan3A_384 = arith.constant 1 : i32
      scf.for %scan3A_386 = %scan3A_381 to %scan3A_383 step %scan3A_384  : i32 {
        %mul3A_387 = arith.constant 16 : i32
        %mul3A_388 = arith.muli %scan3A_386, %mul3A_387 : i32
        %get3A_389 = arith.index_cast %scan3A_328 : i32 to index
        %get3A_390 = arith.index_cast %mul3A_388 : i32 to index
        %get3A_391 = tpu.vector_load %arg17[%get3A_389, %get3A_390] {strides = array<i32>} : memref<16x1024xf32, #tpu.memory_space<vmem>>, vector<16xf32>,
        %sub3A_392 = vector.broadcast %mul3A_345 : f32 to vector<16xf32>
        %sub3A_393 = arith.subf %get3A_391, %sub3A_392 : vector<16xf32>
        %mul3A_394 = vector.broadcast %mul3A_379 : f32 to vector<16xf32>
        %mul3A_395 = arith.mulf %sub3A_393, %mul3A_394 : vector<16xf32>
        %get3A_396 = arith.index_cast %mul3A_388 : i32 to index
        %get3A_397 = tpu.vector_load %arg15[%get3A_396] {strides = array<i32>} : memref<1024xf32, #tpu.memory_space<vmem>>, vector<16xf32>,
        %mul3A_398 = arith.mulf %mul3A_395, %get3A_397 : vector<16xf32>
        %get3A_399 = arith.index_cast %mul3A_388 : i32 to index
        %get3A_400 = tpu.vector_load %arg16[%get3A_399] {strides = array<i32>} : memref<1024xf32, #tpu.memory_space<vmem>>, vector<16xf32>,
        %add3A_401 = arith.addf %mul3A_398, %get3A_400 : vector<16xf32>
        %swap3A = arith.index_cast %scan3A_328 : i32 to index
        %swap3A_402 = arith.index_cast %mul3A_388 : i32 to index
        %swap3A_403 = tpu.vector_load %arg17[%swap3A, %swap3A_402] {strides = array<i32>} : memref<16x1024xf32, #tpu.memory_space<vmem>>, vector<16xf32>,
        tpu.vector_store %arg17[%swap3A, %swap3A_402], %add3A_401 {strides = array<i32>} : memref<16x1024xf32, #tpu.memory_space<vmem>>, vector<16xf32>,
      }
      %scan3A_385 = arith.constant 64 : i32
    }
    %scan3A_268 = arith.constant 16 : i32
    %add3A_269 = arith.constant 0 : i32
    %add3A_270 = arith.addi %add3A_269, %add3A_251 : i32
    "tpu.region"() ({
      %run_scoped3A = tpu.sem_alloc : memref<!tpu.dma_semaphore, #tpu.memory_space<semaphore_mem>>
      %dma_start3A_328 = arith.constant 0 : i32
      %dma_start3A_329 = tpu.memref_slice %arg10[%add3A_270, %dma_start3A_328] : memref<8192x1024xf32, #tpu.memory_space<hbm>> -> memref<16x1024xf32, #tpu.memory_space<hbm>>
      %dma_start3A_330 = arith.constant 0 : i32
      %dma_start3A_331 = tpu.memref_slice %arg10[%add3A_270, %dma_start3A_330] : memref<8192x1024xf32, #tpu.memory_space<hbm>> -> memref<16x1024xf32, #tpu.memory_space<hbm>>
      tpu.enqueue_dma source(%arg17 : memref<16x1024xf32, #tpu.memory_space<vmem>>) target(%dma_start3A_331 : memref<16x1024xf32, #tpu.memory_space<hbm>>) target_semaphore(%run_scoped3A : memref<!tpu.dma_semaphore, #tpu.memory_space<semaphore_mem>>)
      %dma_wait3A_332 = arith.constant 0 : i32
      %dma_wait3A_333 = tpu.memref_slice %arg10[%add3A_270, %dma_wait3A_332] : memref<8192x1024xf32, #tpu.memory_space<hbm>> -> memref<16x1024xf32, #tpu.memory_space<hbm>>
      %dma_wait3A_334 = arith.constant 0 : i32
      %dma_wait3A_335 = tpu.memref_slice %arg10[%add3A_270, %dma_wait3A_334] : memref<8192x1024xf32, #tpu.memory_space<hbm>> -> memref<16x1024xf32, #tpu.memory_space<hbm>>
      tpu.wait_dma2 semaphore(%run_scoped3A : memref<!tpu.dma_semaphore, #tpu.memory_space<semaphore_mem>>) src(%arg17 : memref<16x1024xf32, #tpu.memory_space<vmem>>) dst(%dma_wait3A_335 : memref<16x1024xf32, #tpu.memory_space<hbm>>)
      tpu.yield
    }) : () -> ()
    %dma_start3A_271 = arith.constant 112 : i32
    %dma_start3A_272 = tpu.memref_slice %arg11[%dma_start3A_271] : memref<256xi32, #tpu.memory_space<vmem>> -> memref<16xi32, #tpu.memory_space<vmem>>
    %dma_start3A_273 = arith.constant 0 : i32
    %dma_start3A_274 = arith.constant 0 : i32
    %dma_start3A_275 = tpu.memref_slice %arg4[%dma_start3A_273, %dma_start3A_274] : memref<100000x1024xf32, #tpu.memory_space<hbm>> -> memref<100000x1024xf32, #tpu.memory_space<hbm>>
    tpu.enqueue_indirect_dma source(%dma_start3A_275 : memref<100000x1024xf32, #tpu.memory_space<hbm>>) target(%arg17 : memref<16x1024xf32, #tpu.memory_space<vmem>>) offsets(%dma_start3A_272 : memref<16xi32, #tpu.memory_space<vmem>>) semaphore(%arg19 : memref<!tpu.dma_semaphore, #tpu.memory_space<semaphore_mem>>)
    %dma_wait3A_276 = arith.constant 112 : i32
    %dma_wait3A_277 = tpu.memref_slice %arg11[%dma_wait3A_276] : memref<256xi32, #tpu.memory_space<vmem>> -> memref<16xi32, #tpu.memory_space<vmem>>
    %dma_wait3A_278 = arith.constant 0 : i32
    %dma_wait3A_279 = arith.constant 0 : i32
    %dma_wait3A_280 = tpu.memref_slice %arg4[%dma_wait3A_278, %dma_wait3A_279] : memref<100000x1024xf32, #tpu.memory_space<hbm>> -> memref<100000x1024xf32, #tpu.memory_space<hbm>>
    tpu.wait_indirect_dma semaphore(%arg19 : memref<!tpu.dma_semaphore, #tpu.memory_space<semaphore_mem>>) src(%dma_wait3A_280 : memref<100000x1024xf32, #tpu.memory_space<hbm>>) dst(%arg17 : memref<16x1024xf32, #tpu.memory_space<vmem>>)
    %get3A_281 = arith.constant 112 : index
    %get3A_282 = tpu.vector_load %arg12[%get3A_281] {strides = array<i32>} : memref<256xf32, #tpu.memory_space<vmem>>, vector<16xf32>,
    %scan3A_283 = arith.constant 0 : i32
    %scan3A_284 = arith.constant 16 : i32
    %scan3A_285 = arith.addi %scan3A_283, %scan3A_284 : i32
    %scan3A_286 = arith.constant 1 : i32
    scf.for %scan3A_328 = %scan3A_283 to %scan3A_285 step %scan3A_286  : i32 {
      %eq3A = vector.broadcast %scan3A_328 : i32 to vector<16xi32>
      %eq3A_329 = arith.cmpi eq, %iota3A, %eq3A : vector<16xi32>
      %jit3A = arith.constant 0.000000e+00 : f32
      %broadcast_in_dim3A_330 = vector.broadcast %jit3A : f32 to vector<16xf32>
      %select_n3A = arith.select %eq3A_329, %get3A_282, %broadcast_in_dim3A_330 : vector<16xi1>, vector<16xf32>
      %reduce_sum3A = arith.constant true
      %reduce_sum3A_331 = vector.broadcast %reduce_sum3A : i1 to vector<16xi1>
      %reduce_sum3A_332 = tpu.scan <sum>, %select_n3A masked %reduce_sum3A_331 : vector<16xf32>, vector<16xi1> -> vector<16xf32>
      %reduce_sum3A_333 = vector.extract %reduce_sum3A_332[15] : f32 from vector<16xf32>
      %scan3A_334 = arith.constant 0 : i32
      %scan3A_335 = arith.constant 64 : i32
      %scan3A_336 = arith.addi %scan3A_334, %scan3A_335 : i32
      %scan3A_337 = arith.constant 1 : i32
      %scan3A_338:2 = scf.for %scan3A_386 = %scan3A_334 to %scan3A_336 step %scan3A_337 iter_args(%scan3A_387 = %broadcast_in_dim3A_19, %scan3A_388 = %broadcast_in_dim3A_19) -> (vector<16xf32>, vector<16xf32>)  : i32 {
        %mul3A_389 = arith.constant 16 : i32
        %mul3A_390 = arith.muli %scan3A_386, %mul3A_389 : i32
        %get3A_391 = arith.index_cast %scan3A_328 : i32 to index
        %get3A_392 = arith.index_cast %mul3A_390 : i32 to index
        %get3A_393 = tpu.vector_load %arg17[%get3A_391, %get3A_392] {strides = array<i32>} : memref<16x1024xf32, #tpu.memory_space<vmem>>, vector<16xf32>,
        %get3A_394 = arith.index_cast %scan3A_328 : i32 to index
        %get3A_395 = arith.index_cast %mul3A_390 : i32 to index
        %get3A_396 = tpu.vector_load %arg18[%get3A_394, %get3A_395] {strides = array<i32>} : memref<16x1024xf32, #tpu.memory_space<vmem>>, vector<16xf32>,
        %add3A_397 = arith.addf %get3A_393, %get3A_396 : vector<16xf32>
        %get3A_398 = arith.index_cast %mul3A_390 : i32 to index
        %get3A_399 = tpu.vector_load %arg13[%get3A_398] {strides = array<i32>} : memref<1024xf32, #tpu.memory_space<vmem>>, vector<16xf32>,
        %mul3A_400 = vector.broadcast %reduce_sum3A_333 : f32 to vector<16xf32>
        %mul3A_401 = arith.mulf %mul3A_400, %get3A_399 : vector<16xf32>
        %get3A_402 = arith.index_cast %mul3A_390 : i32 to index
        %get3A_403 = tpu.vector_load %arg14[%get3A_402] {strides = array<i32>} : memref<1024xf32, #tpu.memory_space<vmem>>, vector<16xf32>,
        %add3A_404 = arith.addf %mul3A_401, %get3A_403 : vector<16xf32>
        %max3A = arith.constant 0.000000e+00 : f32
        %max3A_405 = vector.broadcast %max3A : f32 to vector<16xf32>
        %max3A_406 = arith.maximumf %add3A_404, %max3A_405 : vector<16xf32>
        %add3A_407 = arith.addf %add3A_397, %max3A_406 : vector<16xf32>
        %swap3A = arith.index_cast %scan3A_328 : i32 to index
        %swap3A_408 = arith.index_cast %mul3A_390 : i32 to index
        %swap3A_409 = tpu.vector_load %arg17[%swap3A, %swap3A_408] {strides = array<i32>} : memref<16x1024xf32, #tpu.memory_space<vmem>>, vector<16xf32>,
        tpu.vector_store %arg17[%swap3A, %swap3A_408], %add3A_407 {strides = array<i32>} : memref<16x1024xf32, #tpu.memory_space<vmem>>, vector<16xf32>,
        %add3A_410 = arith.addf %scan3A_387, %add3A_407 : vector<16xf32>
        %mul3A_411 = arith.mulf %add3A_407, %add3A_407 : vector<16xf32>
        %add3A_412 = arith.addf %scan3A_388, %mul3A_411 : vector<16xf32>
        scf.yield %add3A_410, %add3A_412 : vector<16xf32>, vector<16xf32>
      }
      %scan3A_339 = arith.constant 64 : i32
      %reduce_sum3A_340 = arith.constant true
      %reduce_sum3A_341 = vector.broadcast %reduce_sum3A_340 : i1 to vector<16xi1>
      %reduce_sum3A_342 = tpu.scan <sum>, %scan3A_338#0 masked %reduce_sum3A_341 : vector<16xf32>, vector<16xi1> -> vector<16xf32>
      %reduce_sum3A_343 = vector.extract %reduce_sum3A_342[15] : f32 from vector<16xf32>
      %mul3A_344 = arith.constant 9.765625E-4 : f32
      %mul3A_345 = arith.mulf %reduce_sum3A_343, %mul3A_344 : f32
      %reduce_sum3A_346 = arith.constant true
      %reduce_sum3A_347 = vector.broadcast %reduce_sum3A_346 : i1 to vector<16xi1>
      %reduce_sum3A_348 = tpu.scan <sum>, %scan3A_338#1 masked %reduce_sum3A_347 : vector<16xf32>, vector<16xi1> -> vector<16xf32>
      %reduce_sum3A_349 = vector.extract %reduce_sum3A_348[15] : f32 from vector<16xf32>
      %mul3A_350 = arith.constant 9.765625E-4 : f32
      %mul3A_351 = arith.mulf %reduce_sum3A_349, %mul3A_350 : f32
      %mul3A_352 = arith.mulf %mul3A_345, %mul3A_345 : f32
      %sub3A = arith.subf %mul3A_351, %mul3A_352 : f32
      %add3A_353 = arith.constant 9.99999974E-6 : f32
      %add3A_354 = arith.addf %sub3A, %add3A_353 : f32
      %bitcast_convert_type3A = arith.bitcast %add3A_354 : f32 to i32
      %shift_right_logical3A = arith.constant 1 : i32
      %shift_right_logical3A_355 = arith.shrui %bitcast_convert_type3A, %shift_right_logical3A : i32
      %sub3A_356 = arith.constant 1597463007 : i32
      %sub3A_357 = arith.subi %sub3A_356, %shift_right_logical3A_355 : i32
      %bitcast_convert_type3A_358 = arith.bitcast %sub3A_357 : i32 to f32
      %mul3A_359 = arith.constant 5.000000e-01 : f32
      %mul3A_360 = arith.mulf %mul3A_359, %add3A_354 : f32
      %mul3A_361 = arith.mulf %mul3A_360, %bitcast_convert_type3A_358 : f32
      %mul3A_362 = arith.mulf %mul3A_361, %bitcast_convert_type3A_358 : f32
      %sub3A_363 = arith.constant 1.500000e+00 : f32
      %sub3A_364 = arith.subf %sub3A_363, %mul3A_362 : f32
      %mul3A_365 = arith.mulf %bitcast_convert_type3A_358, %sub3A_364 : f32
      %mul3A_366 = arith.constant 5.000000e-01 : f32
      %mul3A_367 = arith.mulf %mul3A_366, %add3A_354 : f32
      %mul3A_368 = arith.mulf %mul3A_367, %mul3A_365 : f32
      %mul3A_369 = arith.mulf %mul3A_368, %mul3A_365 : f32
      %sub3A_370 = arith.constant 1.500000e+00 : f32
      %sub3A_371 = arith.subf %sub3A_370, %mul3A_369 : f32
      %mul3A_372 = arith.mulf %mul3A_365, %sub3A_371 : f32
      %mul3A_373 = arith.constant 5.000000e-01 : f32
      %mul3A_374 = arith.mulf %mul3A_373, %add3A_354 : f32
      %mul3A_375 = arith.mulf %mul3A_374, %mul3A_372 : f32
      %mul3A_376 = arith.mulf %mul3A_375, %mul3A_372 : f32
      %sub3A_377 = arith.constant 1.500000e+00 : f32
      %sub3A_378 = arith.subf %sub3A_377, %mul3A_376 : f32
      %mul3A_379 = arith.mulf %mul3A_372, %sub3A_378 : f32
      %scan3A_380 = arith.constant 0 : i32
      %scan3A_381 = arith.constant 0 : i32
      %scan3A_382 = arith.constant 64 : i32
      %scan3A_383 = arith.addi %scan3A_381, %scan3A_382 : i32
      %scan3A_384 = arith.constant 1 : i32
      scf.for %scan3A_386 = %scan3A_381 to %scan3A_383 step %scan3A_384  : i32 {
        %mul3A_387 = arith.constant 16 : i32
        %mul3A_388 = arith.muli %scan3A_386, %mul3A_387 : i32
        %get3A_389 = arith.index_cast %scan3A_328 : i32 to index
        %get3A_390 = arith.index_cast %mul3A_388 : i32 to index
        %get3A_391 = tpu.vector_load %arg17[%get3A_389, %get3A_390] {strides = array<i32>} : memref<16x1024xf32, #tpu.memory_space<vmem>>, vector<16xf32>,
        %sub3A_392 = vector.broadcast %mul3A_345 : f32 to vector<16xf32>
        %sub3A_393 = arith.subf %get3A_391, %sub3A_392 : vector<16xf32>
        %mul3A_394 = vector.broadcast %mul3A_379 : f32 to vector<16xf32>
        %mul3A_395 = arith.mulf %sub3A_393, %mul3A_394 : vector<16xf32>
        %get3A_396 = arith.index_cast %mul3A_388 : i32 to index
        %get3A_397 = tpu.vector_load %arg15[%get3A_396] {strides = array<i32>} : memref<1024xf32, #tpu.memory_space<vmem>>, vector<16xf32>,
        %mul3A_398 = arith.mulf %mul3A_395, %get3A_397 : vector<16xf32>
        %get3A_399 = arith.index_cast %mul3A_388 : i32 to index
        %get3A_400 = tpu.vector_load %arg16[%get3A_399] {strides = array<i32>} : memref<1024xf32, #tpu.memory_space<vmem>>, vector<16xf32>,
        %add3A_401 = arith.addf %mul3A_398, %get3A_400 : vector<16xf32>
        %swap3A = arith.index_cast %scan3A_328 : i32 to index
        %swap3A_402 = arith.index_cast %mul3A_388 : i32 to index
        %swap3A_403 = tpu.vector_load %arg17[%swap3A, %swap3A_402] {strides = array<i32>} : memref<16x1024xf32, #tpu.memory_space<vmem>>, vector<16xf32>,
        tpu.vector_store %arg17[%swap3A, %swap3A_402], %add3A_401 {strides = array<i32>} : memref<16x1024xf32, #tpu.memory_space<vmem>>, vector<16xf32>,
      }
      %scan3A_385 = arith.constant 64 : i32
    }
    %scan3A_287 = arith.constant 16 : i32
    %add3A_288 = arith.constant 2048 : i32
    %add3A_289 = arith.addi %add3A_288, %add3A_251 : i32
    "tpu.region"() ({
      %run_scoped3A = tpu.sem_alloc : memref<!tpu.dma_semaphore, #tpu.memory_space<semaphore_mem>>
      %dma_start3A_328 = arith.constant 0 : i32
      %dma_start3A_329 = tpu.memref_slice %arg10[%add3A_289, %dma_start3A_328] : memref<8192x1024xf32, #tpu.memory_space<hbm>> -> memref<16x1024xf32, #tpu.memory_space<hbm>>
      %dma_start3A_330 = arith.constant 0 : i32
      %dma_start3A_331 = tpu.memref_slice %arg10[%add3A_289, %dma_start3A_330] : memref<8192x1024xf32, #tpu.memory_space<hbm>> -> memref<16x1024xf32, #tpu.memory_space<hbm>>
      tpu.enqueue_dma source(%arg17 : memref<16x1024xf32, #tpu.memory_space<vmem>>) target(%dma_start3A_331 : memref<16x1024xf32, #tpu.memory_space<hbm>>) target_semaphore(%run_scoped3A : memref<!tpu.dma_semaphore, #tpu.memory_space<semaphore_mem>>)
      %dma_wait3A_332 = arith.constant 0 : i32
      %dma_wait3A_333 = tpu.memref_slice %arg10[%add3A_289, %dma_wait3A_332] : memref<8192x1024xf32, #tpu.memory_space<hbm>> -> memref<16x1024xf32, #tpu.memory_space<hbm>>
      %dma_wait3A_334 = arith.constant 0 : i32
      %dma_wait3A_335 = tpu.memref_slice %arg10[%add3A_289, %dma_wait3A_334] : memref<8192x1024xf32, #tpu.memory_space<hbm>> -> memref<16x1024xf32, #tpu.memory_space<hbm>>
      tpu.wait_dma2 semaphore(%run_scoped3A : memref<!tpu.dma_semaphore, #tpu.memory_space<semaphore_mem>>) src(%arg17 : memref<16x1024xf32, #tpu.memory_space<vmem>>) dst(%dma_wait3A_335 : memref<16x1024xf32, #tpu.memory_space<hbm>>)
      tpu.yield
    }) : () -> ()
    %dma_start3A_290 = arith.constant 176 : i32
    %dma_start3A_291 = tpu.memref_slice %arg11[%dma_start3A_290] : memref<256xi32, #tpu.memory_space<vmem>> -> memref<16xi32, #tpu.memory_space<vmem>>
    %dma_start3A_292 = arith.constant 0 : i32
    %dma_start3A_293 = arith.constant 0 : i32
    %dma_start3A_294 = tpu.memref_slice %arg4[%dma_start3A_292, %dma_start3A_293] : memref<100000x1024xf32, #tpu.memory_space<hbm>> -> memref<100000x1024xf32, #tpu.memory_space<hbm>>
    tpu.enqueue_indirect_dma source(%dma_start3A_294 : memref<100000x1024xf32, #tpu.memory_space<hbm>>) target(%arg17 : memref<16x1024xf32, #tpu.memory_space<vmem>>) offsets(%dma_start3A_291 : memref<16xi32, #tpu.memory_space<vmem>>) semaphore(%arg19 : memref<!tpu.dma_semaphore, #tpu.memory_space<semaphore_mem>>)
    %dma_wait3A_295 = arith.constant 176 : i32
    %dma_wait3A_296 = tpu.memref_slice %arg11[%dma_wait3A_295] : memref<256xi32, #tpu.memory_space<vmem>> -> memref<16xi32, #tpu.memory_space<vmem>>
    %dma_wait3A_297 = arith.constant 0 : i32
    %dma_wait3A_298 = arith.constant 0 : i32
    %dma_wait3A_299 = tpu.memref_slice %arg4[%dma_wait3A_297, %dma_wait3A_298] : memref<100000x1024xf32, #tpu.memory_space<hbm>> -> memref<100000x1024xf32, #tpu.memory_space<hbm>>
    tpu.wait_indirect_dma semaphore(%arg19 : memref<!tpu.dma_semaphore, #tpu.memory_space<semaphore_mem>>) src(%dma_wait3A_299 : memref<100000x1024xf32, #tpu.memory_space<hbm>>) dst(%arg17 : memref<16x1024xf32, #tpu.memory_space<vmem>>)
    %get3A_300 = arith.constant 176 : index
    %get3A_301 = tpu.vector_load %arg12[%get3A_300] {strides = array<i32>} : memref<256xf32, #tpu.memory_space<vmem>>, vector<16xf32>,
    %scan3A_302 = arith.constant 0 : i32
    %scan3A_303 = arith.constant 16 : i32
    %scan3A_304 = arith.addi %scan3A_302, %scan3A_303 : i32
    %scan3A_305 = arith.constant 1 : i32
    scf.for %scan3A_328 = %scan3A_302 to %scan3A_304 step %scan3A_305  : i32 {
      %eq3A = vector.broadcast %scan3A_328 : i32 to vector<16xi32>
      %eq3A_329 = arith.cmpi eq, %iota3A, %eq3A : vector<16xi32>
      %jit3A = arith.constant 0.000000e+00 : f32
      %broadcast_in_dim3A_330 = vector.broadcast %jit3A : f32 to vector<16xf32>
      %select_n3A = arith.select %eq3A_329, %get3A_301, %broadcast_in_dim3A_330 : vector<16xi1>, vector<16xf32>
      %reduce_sum3A = arith.constant true
      %reduce_sum3A_331 = vector.broadcast %reduce_sum3A : i1 to vector<16xi1>
      %reduce_sum3A_332 = tpu.scan <sum>, %select_n3A masked %reduce_sum3A_331 : vector<16xf32>, vector<16xi1> -> vector<16xf32>
      %reduce_sum3A_333 = vector.extract %reduce_sum3A_332[15] : f32 from vector<16xf32>
      %scan3A_334 = arith.constant 0 : i32
      %scan3A_335 = arith.constant 64 : i32
      %scan3A_336 = arith.addi %scan3A_334, %scan3A_335 : i32
      %scan3A_337 = arith.constant 1 : i32
      %scan3A_338:2 = scf.for %scan3A_386 = %scan3A_334 to %scan3A_336 step %scan3A_337 iter_args(%scan3A_387 = %broadcast_in_dim3A_19, %scan3A_388 = %broadcast_in_dim3A_19) -> (vector<16xf32>, vector<16xf32>)  : i32 {
        %mul3A_389 = arith.constant 16 : i32
        %mul3A_390 = arith.muli %scan3A_386, %mul3A_389 : i32
        %get3A_391 = arith.index_cast %scan3A_328 : i32 to index
        %get3A_392 = arith.index_cast %mul3A_390 : i32 to index
        %get3A_393 = tpu.vector_load %arg17[%get3A_391, %get3A_392] {strides = array<i32>} : memref<16x1024xf32, #tpu.memory_space<vmem>>, vector<16xf32>,
        %get3A_394 = arith.index_cast %scan3A_328 : i32 to index
        %get3A_395 = arith.index_cast %mul3A_390 : i32 to index
        %get3A_396 = tpu.vector_load %arg18[%get3A_394, %get3A_395] {strides = array<i32>} : memref<16x1024xf32, #tpu.memory_space<vmem>>, vector<16xf32>,
        %add3A_397 = arith.addf %get3A_393, %get3A_396 : vector<16xf32>
        %get3A_398 = arith.index_cast %mul3A_390 : i32 to index
        %get3A_399 = tpu.vector_load %arg13[%get3A_398] {strides = array<i32>} : memref<1024xf32, #tpu.memory_space<vmem>>, vector<16xf32>,
        %mul3A_400 = vector.broadcast %reduce_sum3A_333 : f32 to vector<16xf32>
        %mul3A_401 = arith.mulf %mul3A_400, %get3A_399 : vector<16xf32>
        %get3A_402 = arith.index_cast %mul3A_390 : i32 to index
        %get3A_403 = tpu.vector_load %arg14[%get3A_402] {strides = array<i32>} : memref<1024xf32, #tpu.memory_space<vmem>>, vector<16xf32>,
        %add3A_404 = arith.addf %mul3A_401, %get3A_403 : vector<16xf32>
        %max3A = arith.constant 0.000000e+00 : f32
        %max3A_405 = vector.broadcast %max3A : f32 to vector<16xf32>
        %max3A_406 = arith.maximumf %add3A_404, %max3A_405 : vector<16xf32>
        %add3A_407 = arith.addf %add3A_397, %max3A_406 : vector<16xf32>
        %swap3A = arith.index_cast %scan3A_328 : i32 to index
        %swap3A_408 = arith.index_cast %mul3A_390 : i32 to index
        %swap3A_409 = tpu.vector_load %arg17[%swap3A, %swap3A_408] {strides = array<i32>} : memref<16x1024xf32, #tpu.memory_space<vmem>>, vector<16xf32>,
        tpu.vector_store %arg17[%swap3A, %swap3A_408], %add3A_407 {strides = array<i32>} : memref<16x1024xf32, #tpu.memory_space<vmem>>, vector<16xf32>,
        %add3A_410 = arith.addf %scan3A_387, %add3A_407 : vector<16xf32>
        %mul3A_411 = arith.mulf %add3A_407, %add3A_407 : vector<16xf32>
        %add3A_412 = arith.addf %scan3A_388, %mul3A_411 : vector<16xf32>
        scf.yield %add3A_410, %add3A_412 : vector<16xf32>, vector<16xf32>
      }
      %scan3A_339 = arith.constant 64 : i32
      %reduce_sum3A_340 = arith.constant true
      %reduce_sum3A_341 = vector.broadcast %reduce_sum3A_340 : i1 to vector<16xi1>
      %reduce_sum3A_342 = tpu.scan <sum>, %scan3A_338#0 masked %reduce_sum3A_341 : vector<16xf32>, vector<16xi1> -> vector<16xf32>
      %reduce_sum3A_343 = vector.extract %reduce_sum3A_342[15] : f32 from vector<16xf32>
      %mul3A_344 = arith.constant 9.765625E-4 : f32
      %mul3A_345 = arith.mulf %reduce_sum3A_343, %mul3A_344 : f32
      %reduce_sum3A_346 = arith.constant true
      %reduce_sum3A_347 = vector.broadcast %reduce_sum3A_346 : i1 to vector<16xi1>
      %reduce_sum3A_348 = tpu.scan <sum>, %scan3A_338#1 masked %reduce_sum3A_347 : vector<16xf32>, vector<16xi1> -> vector<16xf32>
      %reduce_sum3A_349 = vector.extract %reduce_sum3A_348[15] : f32 from vector<16xf32>
      %mul3A_350 = arith.constant 9.765625E-4 : f32
      %mul3A_351 = arith.mulf %reduce_sum3A_349, %mul3A_350 : f32
      %mul3A_352 = arith.mulf %mul3A_345, %mul3A_345 : f32
      %sub3A = arith.subf %mul3A_351, %mul3A_352 : f32
      %add3A_353 = arith.constant 9.99999974E-6 : f32
      %add3A_354 = arith.addf %sub3A, %add3A_353 : f32
      %bitcast_convert_type3A = arith.bitcast %add3A_354 : f32 to i32
      %shift_right_logical3A = arith.constant 1 : i32
      %shift_right_logical3A_355 = arith.shrui %bitcast_convert_type3A, %shift_right_logical3A : i32
      %sub3A_356 = arith.constant 1597463007 : i32
      %sub3A_357 = arith.subi %sub3A_356, %shift_right_logical3A_355 : i32
      %bitcast_convert_type3A_358 = arith.bitcast %sub3A_357 : i32 to f32
      %mul3A_359 = arith.constant 5.000000e-01 : f32
      %mul3A_360 = arith.mulf %mul3A_359, %add3A_354 : f32
      %mul3A_361 = arith.mulf %mul3A_360, %bitcast_convert_type3A_358 : f32
      %mul3A_362 = arith.mulf %mul3A_361, %bitcast_convert_type3A_358 : f32
      %sub3A_363 = arith.constant 1.500000e+00 : f32
      %sub3A_364 = arith.subf %sub3A_363, %mul3A_362 : f32
      %mul3A_365 = arith.mulf %bitcast_convert_type3A_358, %sub3A_364 : f32
      %mul3A_366 = arith.constant 5.000000e-01 : f32
      %mul3A_367 = arith.mulf %mul3A_366, %add3A_354 : f32
      %mul3A_368 = arith.mulf %mul3A_367, %mul3A_365 : f32
      %mul3A_369 = arith.mulf %mul3A_368, %mul3A_365 : f32
      %sub3A_370 = arith.constant 1.500000e+00 : f32
      %sub3A_371 = arith.subf %sub3A_370, %mul3A_369 : f32
      %mul3A_372 = arith.mulf %mul3A_365, %sub3A_371 : f32
      %mul3A_373 = arith.constant 5.000000e-01 : f32
      %mul3A_374 = arith.mulf %mul3A_373, %add3A_354 : f32
      %mul3A_375 = arith.mulf %mul3A_374, %mul3A_372 : f32
      %mul3A_376 = arith.mulf %mul3A_375, %mul3A_372 : f32
      %sub3A_377 = arith.constant 1.500000e+00 : f32
      %sub3A_378 = arith.subf %sub3A_377, %mul3A_376 : f32
      %mul3A_379 = arith.mulf %mul3A_372, %sub3A_378 : f32
      %scan3A_380 = arith.constant 0 : i32
      %scan3A_381 = arith.constant 0 : i32
      %scan3A_382 = arith.constant 64 : i32
      %scan3A_383 = arith.addi %scan3A_381, %scan3A_382 : i32
      %scan3A_384 = arith.constant 1 : i32
      scf.for %scan3A_386 = %scan3A_381 to %scan3A_383 step %scan3A_384  : i32 {
        %mul3A_387 = arith.constant 16 : i32
        %mul3A_388 = arith.muli %scan3A_386, %mul3A_387 : i32
        %get3A_389 = arith.index_cast %scan3A_328 : i32 to index
        %get3A_390 = arith.index_cast %mul3A_388 : i32 to index
        %get3A_391 = tpu.vector_load %arg17[%get3A_389, %get3A_390] {strides = array<i32>} : memref<16x1024xf32, #tpu.memory_space<vmem>>, vector<16xf32>,
        %sub3A_392 = vector.broadcast %mul3A_345 : f32 to vector<16xf32>
        %sub3A_393 = arith.subf %get3A_391, %sub3A_392 : vector<16xf32>
        %mul3A_394 = vector.broadcast %mul3A_379 : f32 to vector<16xf32>
        %mul3A_395 = arith.mulf %sub3A_393, %mul3A_394 : vector<16xf32>
        %get3A_396 = arith.index_cast %mul3A_388 : i32 to index
        %get3A_397 = tpu.vector_load %arg15[%get3A_396] {strides = array<i32>} : memref<1024xf32, #tpu.memory_space<vmem>>, vector<16xf32>,
        %mul3A_398 = arith.mulf %mul3A_395, %get3A_397 : vector<16xf32>
        %get3A_399 = arith.index_cast %mul3A_388 : i32 to index
        %get3A_400 = tpu.vector_load %arg16[%get3A_399] {strides = array<i32>} : memref<1024xf32, #tpu.memory_space<vmem>>, vector<16xf32>,
        %add3A_401 = arith.addf %mul3A_398, %get3A_400 : vector<16xf32>
        %swap3A = arith.index_cast %scan3A_328 : i32 to index
        %swap3A_402 = arith.index_cast %mul3A_388 : i32 to index
        %swap3A_403 = tpu.vector_load %arg17[%swap3A, %swap3A_402] {strides = array<i32>} : memref<16x1024xf32, #tpu.memory_space<vmem>>, vector<16xf32>,
        tpu.vector_store %arg17[%swap3A, %swap3A_402], %add3A_401 {strides = array<i32>} : memref<16x1024xf32, #tpu.memory_space<vmem>>, vector<16xf32>,
      }
      %scan3A_385 = arith.constant 64 : i32
    }
    %scan3A_306 = arith.constant 16 : i32
    %add3A_307 = arith.constant 4096 : i32
    %add3A_308 = arith.addi %add3A_307, %add3A_251 : i32
    "tpu.region"() ({
      %run_scoped3A = tpu.sem_alloc : memref<!tpu.dma_semaphore, #tpu.memory_space<semaphore_mem>>
      %dma_start3A_328 = arith.constant 0 : i32
      %dma_start3A_329 = tpu.memref_slice %arg10[%add3A_308, %dma_start3A_328] : memref<8192x1024xf32, #tpu.memory_space<hbm>> -> memref<16x1024xf32, #tpu.memory_space<hbm>>
      %dma_start3A_330 = arith.constant 0 : i32
      %dma_start3A_331 = tpu.memref_slice %arg10[%add3A_308, %dma_start3A_330] : memref<8192x1024xf32, #tpu.memory_space<hbm>> -> memref<16x1024xf32, #tpu.memory_space<hbm>>
      tpu.enqueue_dma source(%arg17 : memref<16x1024xf32, #tpu.memory_space<vmem>>) target(%dma_start3A_331 : memref<16x1024xf32, #tpu.memory_space<hbm>>) target_semaphore(%run_scoped3A : memref<!tpu.dma_semaphore, #tpu.memory_space<semaphore_mem>>)
      %dma_wait3A_332 = arith.constant 0 : i32
      %dma_wait3A_333 = tpu.memref_slice %arg10[%add3A_308, %dma_wait3A_332] : memref<8192x1024xf32, #tpu.memory_space<hbm>> -> memref<16x1024xf32, #tpu.memory_space<hbm>>
      %dma_wait3A_334 = arith.constant 0 : i32
      %dma_wait3A_335 = tpu.memref_slice %arg10[%add3A_308, %dma_wait3A_334] : memref<8192x1024xf32, #tpu.memory_space<hbm>> -> memref<16x1024xf32, #tpu.memory_space<hbm>>
      tpu.wait_dma2 semaphore(%run_scoped3A : memref<!tpu.dma_semaphore, #tpu.memory_space<semaphore_mem>>) src(%arg17 : memref<16x1024xf32, #tpu.memory_space<vmem>>) dst(%dma_wait3A_335 : memref<16x1024xf32, #tpu.memory_space<hbm>>)
      tpu.yield
    }) : () -> ()
    %dma_start3A_309 = arith.constant 240 : i32
    %dma_start3A_310 = tpu.memref_slice %arg11[%dma_start3A_309] : memref<256xi32, #tpu.memory_space<vmem>> -> memref<16xi32, #tpu.memory_space<vmem>>
    %dma_start3A_311 = arith.constant 0 : i32
    %dma_start3A_312 = arith.constant 0 : i32
    %dma_start3A_313 = tpu.memref_slice %arg4[%dma_start3A_311, %dma_start3A_312] : memref<100000x1024xf32, #tpu.memory_space<hbm>> -> memref<100000x1024xf32, #tpu.memory_space<hbm>>
    tpu.enqueue_indirect_dma source(%dma_start3A_313 : memref<100000x1024xf32, #tpu.memory_space<hbm>>) target(%arg17 : memref<16x1024xf32, #tpu.memory_space<vmem>>) offsets(%dma_start3A_310 : memref<16xi32, #tpu.memory_space<vmem>>) semaphore(%arg19 : memref<!tpu.dma_semaphore, #tpu.memory_space<semaphore_mem>>)
    %dma_wait3A_314 = arith.constant 240 : i32
    %dma_wait3A_315 = tpu.memref_slice %arg11[%dma_wait3A_314] : memref<256xi32, #tpu.memory_space<vmem>> -> memref<16xi32, #tpu.memory_space<vmem>>
    %dma_wait3A_316 = arith.constant 0 : i32
    %dma_wait3A_317 = arith.constant 0 : i32
    %dma_wait3A_318 = tpu.memref_slice %arg4[%dma_wait3A_316, %dma_wait3A_317] : memref<100000x1024xf32, #tpu.memory_space<hbm>> -> memref<100000x1024xf32, #tpu.memory_space<hbm>>
    tpu.wait_indirect_dma semaphore(%arg19 : memref<!tpu.dma_semaphore, #tpu.memory_space<semaphore_mem>>) src(%dma_wait3A_318 : memref<100000x1024xf32, #tpu.memory_space<hbm>>) dst(%arg17 : memref<16x1024xf32, #tpu.memory_space<vmem>>)
    %get3A_319 = arith.constant 240 : index
    %get3A_320 = tpu.vector_load %arg12[%get3A_319] {strides = array<i32>} : memref<256xf32, #tpu.memory_space<vmem>>, vector<16xf32>,
    %scan3A_321 = arith.constant 0 : i32
    %scan3A_322 = arith.constant 16 : i32
    %scan3A_323 = arith.addi %scan3A_321, %scan3A_322 : i32
    %scan3A_324 = arith.constant 1 : i32
    scf.for %scan3A_328 = %scan3A_321 to %scan3A_323 step %scan3A_324  : i32 {
      %eq3A = vector.broadcast %scan3A_328 : i32 to vector<16xi32>
      %eq3A_329 = arith.cmpi eq, %iota3A, %eq3A : vector<16xi32>
      %jit3A = arith.constant 0.000000e+00 : f32
      %broadcast_in_dim3A_330 = vector.broadcast %jit3A : f32 to vector<16xf32>
      %select_n3A = arith.select %eq3A_329, %get3A_320, %broadcast_in_dim3A_330 : vector<16xi1>, vector<16xf32>
      %reduce_sum3A = arith.constant true
      %reduce_sum3A_331 = vector.broadcast %reduce_sum3A : i1 to vector<16xi1>
      %reduce_sum3A_332 = tpu.scan <sum>, %select_n3A masked %reduce_sum3A_331 : vector<16xf32>, vector<16xi1> -> vector<16xf32>
      %reduce_sum3A_333 = vector.extract %reduce_sum3A_332[15] : f32 from vector<16xf32>
      %scan3A_334 = arith.constant 0 : i32
      %scan3A_335 = arith.constant 64 : i32
      %scan3A_336 = arith.addi %scan3A_334, %scan3A_335 : i32
      %scan3A_337 = arith.constant 1 : i32
      %scan3A_338:2 = scf.for %scan3A_386 = %scan3A_334 to %scan3A_336 step %scan3A_337 iter_args(%scan3A_387 = %broadcast_in_dim3A_19, %scan3A_388 = %broadcast_in_dim3A_19) -> (vector<16xf32>, vector<16xf32>)  : i32 {
        %mul3A_389 = arith.constant 16 : i32
        %mul3A_390 = arith.muli %scan3A_386, %mul3A_389 : i32
        %get3A_391 = arith.index_cast %scan3A_328 : i32 to index
        %get3A_392 = arith.index_cast %mul3A_390 : i32 to index
        %get3A_393 = tpu.vector_load %arg17[%get3A_391, %get3A_392] {strides = array<i32>} : memref<16x1024xf32, #tpu.memory_space<vmem>>, vector<16xf32>,
        %get3A_394 = arith.index_cast %scan3A_328 : i32 to index
        %get3A_395 = arith.index_cast %mul3A_390 : i32 to index
        %get3A_396 = tpu.vector_load %arg18[%get3A_394, %get3A_395] {strides = array<i32>} : memref<16x1024xf32, #tpu.memory_space<vmem>>, vector<16xf32>,
        %add3A_397 = arith.addf %get3A_393, %get3A_396 : vector<16xf32>
        %get3A_398 = arith.index_cast %mul3A_390 : i32 to index
        %get3A_399 = tpu.vector_load %arg13[%get3A_398] {strides = array<i32>} : memref<1024xf32, #tpu.memory_space<vmem>>, vector<16xf32>,
        %mul3A_400 = vector.broadcast %reduce_sum3A_333 : f32 to vector<16xf32>
        %mul3A_401 = arith.mulf %mul3A_400, %get3A_399 : vector<16xf32>
        %get3A_402 = arith.index_cast %mul3A_390 : i32 to index
        %get3A_403 = tpu.vector_load %arg14[%get3A_402] {strides = array<i32>} : memref<1024xf32, #tpu.memory_space<vmem>>, vector<16xf32>,
        %add3A_404 = arith.addf %mul3A_401, %get3A_403 : vector<16xf32>
        %max3A = arith.constant 0.000000e+00 : f32
        %max3A_405 = vector.broadcast %max3A : f32 to vector<16xf32>
        %max3A_406 = arith.maximumf %add3A_404, %max3A_405 : vector<16xf32>
        %add3A_407 = arith.addf %add3A_397, %max3A_406 : vector<16xf32>
        %swap3A = arith.index_cast %scan3A_328 : i32 to index
        %swap3A_408 = arith.index_cast %mul3A_390 : i32 to index
        %swap3A_409 = tpu.vector_load %arg17[%swap3A, %swap3A_408] {strides = array<i32>} : memref<16x1024xf32, #tpu.memory_space<vmem>>, vector<16xf32>,
        tpu.vector_store %arg17[%swap3A, %swap3A_408], %add3A_407 {strides = array<i32>} : memref<16x1024xf32, #tpu.memory_space<vmem>>, vector<16xf32>,
        %add3A_410 = arith.addf %scan3A_387, %add3A_407 : vector<16xf32>
        %mul3A_411 = arith.mulf %add3A_407, %add3A_407 : vector<16xf32>
        %add3A_412 = arith.addf %scan3A_388, %mul3A_411 : vector<16xf32>
        scf.yield %add3A_410, %add3A_412 : vector<16xf32>, vector<16xf32>
      }
      %scan3A_339 = arith.constant 64 : i32
      %reduce_sum3A_340 = arith.constant true
      %reduce_sum3A_341 = vector.broadcast %reduce_sum3A_340 : i1 to vector<16xi1>
      %reduce_sum3A_342 = tpu.scan <sum>, %scan3A_338#0 masked %reduce_sum3A_341 : vector<16xf32>, vector<16xi1> -> vector<16xf32>
      %reduce_sum3A_343 = vector.extract %reduce_sum3A_342[15] : f32 from vector<16xf32>
      %mul3A_344 = arith.constant 9.765625E-4 : f32
      %mul3A_345 = arith.mulf %reduce_sum3A_343, %mul3A_344 : f32
      %reduce_sum3A_346 = arith.constant true
      %reduce_sum3A_347 = vector.broadcast %reduce_sum3A_346 : i1 to vector<16xi1>
      %reduce_sum3A_348 = tpu.scan <sum>, %scan3A_338#1 masked %reduce_sum3A_347 : vector<16xf32>, vector<16xi1> -> vector<16xf32>
      %reduce_sum3A_349 = vector.extract %reduce_sum3A_348[15] : f32 from vector<16xf32>
      %mul3A_350 = arith.constant 9.765625E-4 : f32
      %mul3A_351 = arith.mulf %reduce_sum3A_349, %mul3A_350 : f32
      %mul3A_352 = arith.mulf %mul3A_345, %mul3A_345 : f32
      %sub3A = arith.subf %mul3A_351, %mul3A_352 : f32
      %add3A_353 = arith.constant 9.99999974E-6 : f32
      %add3A_354 = arith.addf %sub3A, %add3A_353 : f32
      %bitcast_convert_type3A = arith.bitcast %add3A_354 : f32 to i32
      %shift_right_logical3A = arith.constant 1 : i32
      %shift_right_logical3A_355 = arith.shrui %bitcast_convert_type3A, %shift_right_logical3A : i32
      %sub3A_356 = arith.constant 1597463007 : i32
      %sub3A_357 = arith.subi %sub3A_356, %shift_right_logical3A_355 : i32
      %bitcast_convert_type3A_358 = arith.bitcast %sub3A_357 : i32 to f32
      %mul3A_359 = arith.constant 5.000000e-01 : f32
      %mul3A_360 = arith.mulf %mul3A_359, %add3A_354 : f32
      %mul3A_361 = arith.mulf %mul3A_360, %bitcast_convert_type3A_358 : f32
      %mul3A_362 = arith.mulf %mul3A_361, %bitcast_convert_type3A_358 : f32
      %sub3A_363 = arith.constant 1.500000e+00 : f32
      %sub3A_364 = arith.subf %sub3A_363, %mul3A_362 : f32
      %mul3A_365 = arith.mulf %bitcast_convert_type3A_358, %sub3A_364 : f32
      %mul3A_366 = arith.constant 5.000000e-01 : f32
      %mul3A_367 = arith.mulf %mul3A_366, %add3A_354 : f32
      %mul3A_368 = arith.mulf %mul3A_367, %mul3A_365 : f32
      %mul3A_369 = arith.mulf %mul3A_368, %mul3A_365 : f32
      %sub3A_370 = arith.constant 1.500000e+00 : f32
      %sub3A_371 = arith.subf %sub3A_370, %mul3A_369 : f32
      %mul3A_372 = arith.mulf %mul3A_365, %sub3A_371 : f32
      %mul3A_373 = arith.constant 5.000000e-01 : f32
      %mul3A_374 = arith.mulf %mul3A_373, %add3A_354 : f32
      %mul3A_375 = arith.mulf %mul3A_374, %mul3A_372 : f32
      %mul3A_376 = arith.mulf %mul3A_375, %mul3A_372 : f32
      %sub3A_377 = arith.constant 1.500000e+00 : f32
      %sub3A_378 = arith.subf %sub3A_377, %mul3A_376 : f32
      %mul3A_379 = arith.mulf %mul3A_372, %sub3A_378 : f32
      %scan3A_380 = arith.constant 0 : i32
      %scan3A_381 = arith.constant 0 : i32
      %scan3A_382 = arith.constant 64 : i32
      %scan3A_383 = arith.addi %scan3A_381, %scan3A_382 : i32
      %scan3A_384 = arith.constant 1 : i32
      scf.for %scan3A_386 = %scan3A_381 to %scan3A_383 step %scan3A_384  : i32 {
        %mul3A_387 = arith.constant 16 : i32
        %mul3A_388 = arith.muli %scan3A_386, %mul3A_387 : i32
        %get3A_389 = arith.index_cast %scan3A_328 : i32 to index
        %get3A_390 = arith.index_cast %mul3A_388 : i32 to index
        %get3A_391 = tpu.vector_load %arg17[%get3A_389, %get3A_390] {strides = array<i32>} : memref<16x1024xf32, #tpu.memory_space<vmem>>, vector<16xf32>,
        %sub3A_392 = vector.broadcast %mul3A_345 : f32 to vector<16xf32>
        %sub3A_393 = arith.subf %get3A_391, %sub3A_392 : vector<16xf32>
        %mul3A_394 = vector.broadcast %mul3A_379 : f32 to vector<16xf32>
        %mul3A_395 = arith.mulf %sub3A_393, %mul3A_394 : vector<16xf32>
        %get3A_396 = arith.index_cast %mul3A_388 : i32 to index
        %get3A_397 = tpu.vector_load %arg15[%get3A_396] {strides = array<i32>} : memref<1024xf32, #tpu.memory_space<vmem>>, vector<16xf32>,
        %mul3A_398 = arith.mulf %mul3A_395, %get3A_397 : vector<16xf32>
        %get3A_399 = arith.index_cast %mul3A_388 : i32 to index
        %get3A_400 = tpu.vector_load %arg16[%get3A_399] {strides = array<i32>} : memref<1024xf32, #tpu.memory_space<vmem>>, vector<16xf32>,
        %add3A_401 = arith.addf %mul3A_398, %get3A_400 : vector<16xf32>
        %swap3A = arith.index_cast %scan3A_328 : i32 to index
        %swap3A_402 = arith.index_cast %mul3A_388 : i32 to index
        %swap3A_403 = tpu.vector_load %arg17[%swap3A, %swap3A_402] {strides = array<i32>} : memref<16x1024xf32, #tpu.memory_space<vmem>>, vector<16xf32>,
        tpu.vector_store %arg17[%swap3A, %swap3A_402], %add3A_401 {strides = array<i32>} : memref<16x1024xf32, #tpu.memory_space<vmem>>, vector<16xf32>,
      }
      %scan3A_385 = arith.constant 64 : i32
    }
    %scan3A_325 = arith.constant 16 : i32
    %add3A_326 = arith.constant 6144 : i32
    %add3A_327 = arith.addi %add3A_326, %add3A_251 : i32
    "tpu.region"() ({
      %run_scoped3A = tpu.sem_alloc : memref<!tpu.dma_semaphore, #tpu.memory_space<semaphore_mem>>
      %dma_start3A_328 = arith.constant 0 : i32
      %dma_start3A_329 = tpu.memref_slice %arg10[%add3A_327, %dma_start3A_328] : memref<8192x1024xf32, #tpu.memory_space<hbm>> -> memref<16x1024xf32, #tpu.memory_space<hbm>>
      %dma_start3A_330 = arith.constant 0 : i32
      %dma_start3A_331 = tpu.memref_slice %arg10[%add3A_327, %dma_start3A_330] : memref<8192x1024xf32, #tpu.memory_space<hbm>> -> memref<16x1024xf32, #tpu.memory_space<hbm>>
      tpu.enqueue_dma source(%arg17 : memref<16x1024xf32, #tpu.memory_space<vmem>>) target(%dma_start3A_331 : memref<16x1024xf32, #tpu.memory_space<hbm>>) target_semaphore(%run_scoped3A : memref<!tpu.dma_semaphore, #tpu.memory_space<semaphore_mem>>)
      %dma_wait3A_332 = arith.constant 0 : i32
      %dma_wait3A_333 = tpu.memref_slice %arg10[%add3A_327, %dma_wait3A_332] : memref<8192x1024xf32, #tpu.memory_space<hbm>> -> memref<16x1024xf32, #tpu.memory_space<hbm>>
      %dma_wait3A_334 = arith.constant 0 : i32
      %dma_wait3A_335 = tpu.memref_slice %arg10[%add3A_327, %dma_wait3A_334] : memref<8192x1024xf32, #tpu.memory_space<hbm>> -> memref<16x1024xf32, #tpu.memory_space<hbm>>
      tpu.wait_dma2 semaphore(%run_scoped3A : memref<!tpu.dma_semaphore, #tpu.memory_space<semaphore_mem>>) src(%arg17 : memref<16x1024xf32, #tpu.memory_space<vmem>>) dst(%dma_wait3A_335 : memref<16x1024xf32, #tpu.memory_space<hbm>>)
      tpu.yield
    }) : () -> ()
    return
  }
}

</mosaic_0001>

<sc_bundles>
// kernel: kernel.3.cloned.1.call-start
scs
__scs_entry_jumppad:
0x0: {  	(pc) =	sbr.rel $0x88, $3  }
0x1: {  	(tag) =	ssettag $0x0;
	lr =	simm.s32 $0x1  }
0x2: {  	[smem:$0x3F99] =	sst lr;
	_ =	strace $0xD0000000  }
0x3: {  	_ = 	snop  }
0x4: {  	_ = 	snop  }
0x5: {  	_ = 	snop  }
0x6: {  	_ = 	snop  }
0x7: {  	_ = 	snop  }
__scs_overlays_trampoline_lowered:
0x8: {  	[smem:$0x3FA8] =	sst s0  }
0x9: {  	[smem:$0x3FA9] =	sst s1  }
0xa: {  	[smem:$0x3FAA] =	sst s2  }
0xb: {  	[smem:$0x3FAB] =	sst s3  }
0xc: {  	[smem:$0x3FAC] =	sst s4  }
0xd: {  	[smem:$0x3FAD] =	sst s5  }
0xe: {  	[smem:$0x3FAE] =	sst s6  }
0xf: {  	[smem:$0x3FAF] =	sst s7  }
0x10: {  	[smem:$0x3FB0] =	sst s8  }
0x11: {  	[smem:$0x3FB1] =	sst s9;
	s0 =	simm.s32 @!p0 $0x0  }
0x12: {  	s1 =	sld [smem:$0x3F97];
	s0 =	simm.s32 @p0 $0x1  }
0x13: {  	[smem:$0x3FB2] =	sst s0;
	s0 =	simm.s32 @!p1 $0x0  }
0x14: {  	s2 =	sld [smem:$0x3F96];
	s0 =	simm.s32 @p1 $0x1  }
0x15: {  	[smem:$0x3FB3] =	sst s0;
	s0 =	simm.s32 @!p2 $0x0  }
0x16: {  	s3 =	sld [smem:$0x3FDB];
	s0 =	simm.s32 @p2 $0x1  }
0x17: {  	s4 =	simm.s32 $0x1BF5;
	[smem:$0x3FB5] =	sst s0  }
0x18: {  	s0 =	sld [smem:$0x3F98];
	_ =	swait.ge [sflag:s4], $0x0  }
0x19: {  	s7 =	sld [smem:$0x3F99]  }
0x1a: {  	s8 =	sadd.s32 $0xFFFFE003, lr  }
0x1b: {  	s9 =	sadd.s32 $0xFFFFFEF7, lr;
	s5 =	simm.s32 $0xFFFFFFFF;
	p2 =	slt.u32 s8, $0xFFFFF086  }
0x1c: {  	p1 =	slt.u32 s9, $0xF7A;
	s5 =	simm.s32 @!p2 $0x0  }
0x1d: {  	s5 =	simm.s32 @p1 $0x1;
	p0 =	seq.s32 s7, s2  }
0x1e: {  	s7 =	smul.u32 @!p0 $0xF7A, s2;
	p2 =	seq.s32 @!p0 s5, $0x0  }
0x1f: {  	s9 =	smul.u32 $0xF7A, s1;
	s8 =	simm.s32 @!p0 $0x1BF5;
	p2 =	por !p2, p0  }
0x20: {  	[sflag:s8] =	ssyncset.s32 @!p0 $0xFFFFF086;
	s6 =	sadd.s32 @!p0 s3, s7;
	s7 =	simm.s32 @!p0 $0x108  }
0x21: {  	s3 =	sadd.s32 s3, s9;
	s6 =	sadd.s32 @!p0 $0x88, s6;
	s7 =	simm.s32 @p2 $0x1082  }
0x22: {  	[simem:s7], [sflag:s8] =	dma.local @!p0 [hbm:s6], $0xF7A  }
0x23: {  	s9 =	sor.u32 $0xD0000000, s2;
	s6 =	simm.s32 $0x108;
	_ =	swait.ge @!p0 [sflag:s8], $0x0  }
0x24: {  	s3 =	sadd.s32 $0x88, s3;
	s6 =	simm.s32 @!p1 $0x1082;
	[sflag:s4] =	ssyncset.s32 $0xFFFFF086  }
0x25: {  	[simem:s6], [sflag:s4] =	dma.local [hbm:s3], $0xF7A  }
0x26: {  	[smem:$0x3F99] =	sst s1;
	(tag) =	ssettag s2;
	_ =	strace s9  }
0x27: {  	s1 =	sld [smem:$0x3FA9]  }
0x28: {  	s2 =	sld [smem:$0x3FAA]  }
0x29: {  	s4 =	sld [smem:$0x3FAC]  }
0x2a: {  	p0 =	seq.s32 s5, $0x0;
	s5 =	sld [smem:$0x3FAD]  }
0x2b: {  	s6 =	sld [smem:$0x3FAE]  }
0x2c: {  	s7 =	sld [smem:$0x3FAF]  }
0x2d: {  	s3 =	simm.s32 $0x108;
	s8 =	sld [smem:$0x3FB0]  }
0x2e: {  	s3 =	simm.s32 @!p0 $0x1082;
	s9 =	sld [smem:$0x3FB1]  }
0x2f: {  	lr =	sadd.s32 s0, s3;
	s0 =	sld [smem:$0x3FA8]  }
0x30: {  	s3 =	sld [smem:$0x3FAB]  }
0x31: {  	[smem:$0x3FB4] =	sst s10  }
0x32: {  	s10 =	sld [smem:$0x3FB2];
	_ =	sdelay $0x3  }
0x33: {  	p0 =	seq.s32 s10, $0x1;
	s10 =	sld [smem:$0x3FB4];
	_ =	sdelay $0x3  }
0x34: {  	[smem:$0x3FB4] =	sst s10  }
0x35: {  	s10 =	sld [smem:$0x3FB3];
	_ =	sdelay $0x3  }
0x36: {  	p1 =	seq.s32 s10, $0x1;
	s10 =	sld [smem:$0x3FB4];
	_ =	sdelay $0x3  }
0x37: {  	[smem:$0x3FB4] =	sst s10  }
0x38: {  	s10 =	sld [smem:$0x3FB5]  }
0x39: {  	_ = 	snop;
	(pc) =	sbr.ind lr, $3  }
0x3a: {  	_ = 	snop  }
0x3b: {  	_ = 	snop  }
0x3c: {  	p2 =	seq.s32 s10, $0x1;
	s10 =	sld [smem:$0x3FB4]  }
0x3d: {  	_ =	shalt  }
0x3e: {  	_ =	shalt  }
0x3f: {  	_ =	shalt  }
0x40: {  	_ =	shalt  }
0x41: {  	_ =	shalt  }
0x42: {  	_ =	shalt  }
0x43: {  	_ =	shalt  }
0x44: {  	_ =	shalt  }
0x45: {  	_ =	shalt  }
0x46: {  	_ =	shalt  }
0x47: {  	_ =	shalt  }
0x48: {  	_ =	shalt  }
0x49: {  	_ =	shalt  }
0x4a: {  	_ =	shalt  }
0x4b: {  	_ =	shalt  }
0x4c: {  	_ =	shalt  }
0x4d: {  	_ =	shalt  }
0x4e: {  	_ =	shalt  }
0x4f: {  	_ =	shalt  }
0x50: {  	_ =	shalt  }
0x51: {  	_ =	shalt  }
0x52: {  	_ =	shalt  }
0x53: {  	_ =	shalt  }
0x54: {  	_ =	shalt  }
0x55: {  	_ =	shalt  }
0x56: {  	_ =	shalt  }
0x57: {  	_ =	shalt  }
0x58: {  	_ =	shalt  }
0x59: {  	_ =	shalt  }
0x5a: {  	_ =	shalt  }
0x5b: {  	_ =	shalt  }
0x5c: {  	_ =	shalt  }
0x5d: {  	_ =	shalt  }
0x5e: {  	_ =	shalt  }
0x5f: {  	_ =	shalt  }
0x60: {  	_ =	shalt  }
0x61: {  	_ =	shalt  }
0x62: {  	_ =	shalt  }
0x63: {  	_ =	shalt  }
0x64: {  	_ =	shalt  }
0x65: {  	_ =	shalt  }
0x66: {  	_ =	shalt  }
0x67: {  	_ =	shalt  }
0x68: {  	_ =	shalt  }
0x69: {  	_ =	shalt  }
0x6a: {  	_ =	shalt  }
0x6b: {  	_ =	shalt  }
0x6c: {  	_ =	shalt  }
0x6d: {  	_ =	shalt  }
0x6e: {  	_ =	shalt  }
0x6f: {  	_ =	shalt  }
0x70: {  	_ =	shalt  }
0x71: {  	_ =	shalt  }
0x72: {  	_ =	shalt  }
0x73: {  	_ =	shalt  }
0x74: {  	_ =	shalt  }
0x75: {  	_ =	shalt  }
0x76: {  	_ =	shalt  }
0x77: {  	_ =	shalt  }
0x78: {  	_ =	shalt  }
0x79: {  	_ =	shalt  }
0x7a: {  	_ =	shalt  }
0x7b: {  	_ =	shalt  }
0x7c: {  	_ =	shalt  }
0x7d: {  	_ =	shalt  }
0x7e: {  	_ =	shalt  }
0x7f: {  	_ =	shalt  }
0x80: {  	_ =	shalt  }
0x81: {  	_ =	shalt  }
0x82: {  	_ =	shalt  }
0x83: {  	_ =	shalt  }
0x84: {  	_ =	shalt  }
0x85: {  	_ =	shalt  }
0x86: {  	_ =	shalt  }
0x87: {  	_ =	shalt  }
.Lfunc_end0:
.L_simem_size_0:
called_computation_lowered:
.L_overlay_start_0:
0x88: {  	s2 =	sld [smem:$0x3FD9]  }
0x89: {  	s3 =	sld [smem:$0x3FFE];
	_ =	sdelay $0x1  }
0x8a: {  	s1 =	srdreg.scid  }
0x8b: {  	s0 =	sand.u32 $0x1, s1  }
0x8c: {  	s17 =	sshll.u32 s0, $0xA;
	s2 =	sadd.s32 s3, s2  }
0x8d: {  	s2 =	sadd.s32 s2, s17  }
0x8e: {  	[smem:$0x3FC0] =	sst s2  }
0x8f: {  	_ = 	snop  }
0x90: {  	s2 =	sld [smem:$0x3FC7]  }
0x91: {  	s18 =	sld [smem:$0x3FC6]  }
0x92: {  	s4 =	sld [smem:$0x3FC5]  }
0x93: {  	s5 =	sld [smem:$0x3FC4]  }
0x94: {  	s6 =	sld [smem:$0x3FC3]  }
0x95: {  	s7 =	sld [smem:$0x3FC2]  }
0x96: {  	s8 =	sld [smem:$0x3FD0];
	(tm) =	ssettm $0x1  }
0x97: {  	s9 =	sld [smem:$0x3FFB];
	_ =	sdelay $0x3  }
0x98: {  	_ =	strace s9  }
0x99: {  	s9 =	sld [smem:$0x3FFC];
	_ =	sdelay $0x3  }
0x9a: {  	_ =	strace s9  }
0x9b: {  	s9 =	sld [smem:$0x3FFD];
	_ =	sdelay $0x3  }
0x9c: {  	_ =	strace s9  }
0x9d: {  	_ =	strace $0x8FFFFFFF  }
0x9e: {  	s19 =	sld [smem:$0x3FDB];
	_ =	sdelay $0x1  }
0x9f: {  	s10 =	simm.s32 $_scs_section_size  }
0xa0: {  	s11 =	simm.s32 $_size__tile_overlayer_lowered;
	s12 =	simm.s32 $_tile_overlayer_lowered  }
0xa1: {  	s22 =	simm.s32 $0x1BFF;
	s21 =	sshll.u32 s12, $0x1;
	s9 =	sadd.s32 s10, s19  }
0xa2: {  	s13 =	simm.s32 $0x0;
	s20 =	sshll.u32 s11, $0x1;
	s11 =	sadd.s32 s21, s9  }
0xa3: {  	[timem:s13], [sflag:s22] =	dma.local [hbm:s11], s20  }
0xa4: {  	_ =	swait.ge [sflag:s22], s20  }
0xa5: {  	s10 =	ssub.s32 $0x0, s20;
	[sflag:s22] =	ssyncset.done $0x0  }
0xa6: {  	[sflag:s22] =	ssyncadd.s32 s10;
	_ =	sdelay $0x1  }
0xa7: {  	s23 =	simm.s32 $0x1B8B  }
0xa8: {  	_ =	swait.ge [sflag:s23], $0x1  }
0xa9: {  	[sflag:s23] =	ssyncset.done $0x0  }
0xaa: {  	s25 =	simm.s32 $0x1B8E;
	s24 =	sld [smem:$0x3FFE];
	[sflag:s23] =	ssyncadd.s32 $0xFFFFFFFF  }
0xab: {  	s26 =	simm.s32 $execute0_lowered;
	[smem:$0x3FD2] =	sst s25  }
0xac: {  	s11 =	sshll.u32 s26, $0x1;
	_ =	strace $0x80000046;
	[dreg:$0x1] =	wrdreg $0xFFFFFFFF  }
0xad: {  	s28 =	simm.s32 $_size_execute0_lowered;
	s9 =	sadd.s32 s9, s11;
	[dreg:$0x0] =	wrdreg $0x0  }
0xae: {  	s11 =	sshll.u32 s28, $0x1;
	[dreg:$0x2] =	wrdreg s9  }
0xaf: {  	[dreg:$0x3] =	wrdreg s11  }
0xb0: {  	[dreg:$0x4] =	wrdreg $0xC0  }
0xb1: {  	_ =	task [dreg:s13], $0x5FFFF  }
0xb2: {  	[dreg:$0x1] =	wrdreg $0xFFFFFFFF  }
0xb3: {  	[dreg:$0x0] =	wrdreg $0x60  }
0xb4: {  	[dreg:$0x2] =	wrdreg s24  }
0xb5: {  	[dreg:$0x3] =	wrdreg s2  }
0xb6: {  	[dreg:$0x4] =	wrdreg s18  }
0xb7: {  	[dreg:$0x5] =	wrdreg s4  }
0xb8: {  	[dreg:$0x6] =	wrdreg s5  }
0xb9: {  	[dreg:$0x7] =	wrdreg s6  }
0xba: {  	[dreg:$0x8] =	wrdreg s7  }
0xbb: {  	[dreg:$0x9] =	wrdreg s8  }
0xbc: {  	[dreg:$0xa] =	wrdreg $0x9  }
0xbd: {  	_ =	task.clear_ibuf [dreg:s13], $0xBFFFF;
	_ =	strace $0x90000046  }
0xbe: {  	s29 =	simm.s32 $0x9;
	_ =	strace $0x80000048  }
0xbf: {  	_ =	swait.ge [sflag:s29], $0x1  }
0xc0: {  	[sflag:s29] =	ssyncadd.s32 $0xFFFFFFFF  }
0xc1: {  	_ =	strace $0x90000048  }
0xc2: {  	_ =	sfence  }
0xc3: {  	s30 =	sld [smem:$0x0];
	_ =	sdelay $0x2  }
0xc4: {  	s31 =	sshll.u32 s1, $0xD;
	s1 =	sshrl.u32 s1, $0x2  }
0xc5: {  	s3 =	sand.u32 $0x4000, s31;
	s1 =	sadd.s32 s1, s30  }
0xc6: {  	s0 =	sor.u32 s3, s0;
	s1 =	sshll.u32 s1, $0x11  }
0xc7: {  	s0 =	sor.u32 s1, s0  }
0xc8: {  	s0 =	sadd.s32 $0x8F2B, s0  }
0xc9: {  	[sflag:s0] =	ssyncadd.remote.s32 $0x1  }
0xca: {  	_ =	sfence.sel $0xFFFF  }
0xcb: {  	[dreg:$0x0] =	wrdreg $0xFFFFFFFF;
	(pc) =	sbr.abs _section_cstart, $3  }
0xcc: {  	[dreg:$0x1] =	wrdreg $0xFFFFFFFF  }
0xcd: {  	_ =	task.clear_ibuf [dreg:s13], $0x2FFFF;
	_ =	strace $0x9FFFFFFF  }
0xce: {  	(tm) =	ssettm $0x7FFFFFFF  }
0xcf: {  	_ =	shalt  }
tec
execute0_lowered:
.L_overlay_start_1:
0x0: {  	(tag) =	ssettag $0x1  }
0x1: {  	s1 =	rddreg [dreg:$0x0]  }
0x2: {  	s0 =	rddreg [dreg:$0x1]  }
0x3: {  	s2 =	rddreg [dreg:$0x2]  }
0x4: {  	s3 =	rddreg [dreg:$0x7];
	s6 =	simm.s32 $0x0;
	s4 =	srdreg.scid  }
0x5: {  	s8 =	stileid.u32;
	[smem:$0x7FF] =	sst s6;
	s4 =	sand.u32 $0x1, s4  }
0x6: {  	s8 =	sshll.u32 s8, $0x7;
	s7 =	ssub.s32 $0x2, s4;
	s4 =	sshll.u32 s4, $0x6  }
0x7: {  	s5 =	sadd.s32 $0x400, s1;
	s1 =	sadd.s32 $0x800, s1;
	s4 =	sor.u32 s4, s8  }
0x8: {  	s29 =	sadd.s32 $0x100, s0;
	s9 =	sshrl.u32 s7, $0x1;
	s8 =	sshrl.u32 s4, $0x3  }
0x9: {  	s23 =	sor.u32 $0x800, s4;
	s26 =	sor.u32 $0x1000, s4;
	s10 =	sadd.s32 s5, s8  }
0xa: {  	s8 =	sadd.s32 s1, s8;
	s24 =	sshrl.u32 s23, $0x3;
	[dreg:$0x9] =	wrdreg s10  }
0xb: {  	s11 =	sor.u32 $0x1800, s4;
	[dreg:$0xa] =	wrdreg s8;
	s25 =	sadd.s32 s5, s24  }
0xc: {  	s28 =	sshrl.u32 s26, $0x3;
	s8 =	sadd.s32 s1, s24;
	[dreg:$0xb] =	wrdreg s25  }
0xd: {  	s12 =	sshrl.u32 s11, $0x3;
	s13 =	sadd.s32 s5, s28;
	[dreg:$0xc] =	wrdreg s8  }
0xe: {  	s7 =	ssub.s32 s7, s9;
	s5 =	sadd.s32 s5, s12;
	[dreg:$0xd] =	wrdreg s13  }
0xf: {  	s9 =	sshll.u32 s23, $0x7;
	s8 =	sadd.s32 s1, s28;
	[dreg:$0xf] =	wrdreg s5  }
0x10: {  	s1 =	sadd.s32 s1, s12;
	s12 =	sshll.u32 s11, $0x7;
	[dreg:$0xe] =	wrdreg s8  }
0x11: {  	[dreg:$0x10] =	wrdreg s1;
	s8 =	sshll.u32 s4, $0x7;
	s4 =	sadd.s32 s3, s9  }
0x12: {  	s10 =	sshll.u32 s26, $0x7;
	s13 =	sadd.s32 s3, s12;
	[dreg:$0x11] =	wrdreg s4  }
0x13: {  	s30 =	sadd.s32 $0x200, s0;
	s4 =	sadd.s32 s3, s10;
	[dreg:$0x13] =	wrdreg s13  }
0x14: {  	s14 =	sor.u32 $0x800, s8;
	s18 =	sadd.s32 s2, s8;
	[dreg:$0x12] =	wrdreg s4  }
0x15: {  	s31 =	sadd.s32 $0x300, s0;
	s15 =	sadd.s32 s2, s14;
	[dreg:$0x18] =	wrdreg s18  }
0x16: {  	s16 =	sor.u32 $0x1000, s8;
	s4 =	sadd.s32 s3, s14;
	[dreg:$0x14] =	wrdreg s15  }
0x17: {  	s1 =	sor.u32 $0x1800, s8;
	s17 =	sadd.s32 s2, s16;
	[dreg:$0x15] =	wrdreg s4  }
0x18: {  	s19 =	smax.u32 s7, $0x1;
	s2 =	sadd.s32 s2, s1;
	[dreg:$0x16] =	wrdreg s17  }
0x19: {  	s11 =	simm.s32 $0x5200;
	s1 =	sadd.s32 s3, s1;
	[dreg:$0x19] =	wrdreg s2  }
0x1a: {  	s12 =	simm.s32 $0x1200;
	s4 =	sadd.s32 s3, s16;
	[dreg:$0x1a] =	wrdreg s1  }
0x1b: {  	s24 =	sadd.s32 s3, s8;
	s10 =	simm.s32 $0x2;
	[dreg:$0x17] =	wrdreg s4  }
0x1c: {  	s20 =	sadd.s32 $0x40800, s24;
	_ =	strace $0x80000047;
	[dreg:$0x1b] =	wrdreg s19  }
0x1d: {  	s13 =	simm.s32 $0x1A00;
	s21 =	sadd.s32 $0x80800, s24;
	[dreg:$0x1c] =	wrdreg s20  }
0x1e: {  	s22 =	sadd.s32 $0xC0800, s24;
	s23 =	sadd.s32 $0x41000, s24;
	[dreg:$0x1d] =	wrdreg s21  }
0x1f: {  	s25 =	sadd.s32 $0x81000, s24;
	s26 =	sadd.s32 $0xC1000, s24;
	[dreg:$0x1e] =	wrdreg s22  }
0x20: {  	s28 =	sadd.s32 $0x41800, s24;
	s8 =	sadd.s32 $0x81800, s24;
	[dreg:$0x1f] =	wrdreg s23  }
0x21: {  	s9 =	sadd.s32 $0xC1800, s24;
	s14 =	simm.s32 $0x2200;
	[smem:$0x7FB] =	sst s25  }
0x22: {  	v0 =	vlaneseq.u32;
	s18 =	simm.s32 $0x4200;
	s15 =	simm.s32 $0x2A00;
	[smem:$0x7FC] =	sst s26  }
0x23: {  	vm0 =	vmmov $0xffff;
	v2 =	vshrl.u32 v0, $0x3;
	s16 =	simm.s32 $0x3200;
	s17 =	simm.s32 $0x3A00;
	[smem:$0x7FD] =	sst s28  }
0x24: {  	v1 =	vand.u32 $0x7, v0;
	v3 =	vor.u32 $0x8, v0;
	v2 =	vmul.u32 $0x8, v2;
	s19 =	simm.s32 $0x4A00;
	s21 =	simm.s32 $0x1;
	s22 =	simm.s32 $0x0  }
.LBB2_1:
0x25: {  	s1 =	rddreg [dreg:$0x9]  }
0x26: {  	[tilespmem:s6], [sflag:$0x2] =	stream.linear.gather [hbm4b:s1+s6], $0x40, $0x38;
	[tilespmem:$0x9200] =	vst v63  }
0x27: {  	_ =	swait.ge [sflag:s10], $0x40  }
0x28: {  	[sflag:s10] =	ssyncset.done $0x0  }
0x29: {  	s2 =	simm.s32 $0x100;
	s25 =	rddreg [dreg:$0xa];
	[sflag:s10] =	ssyncadd.s32 $0xFFFFFFC0  }
0x2a: {  	[tilespmem:s2], [sflag:$0x2] =	stream.linear.gather [hbm4b:s25+s6], $0x40, $0x38;
	[tilespmem:$0x9200] =	vst v63  }
0x2b: {  	_ =	swait.ge [sflag:s10], $0x40  }
0x2c: {  	[sflag:s10] =	ssyncset.done $0x0  }
0x2d: {  	s28 =	simm.s32 $0x40;
	s26 =	rddreg [dreg:$0xb];
	[sflag:s10] =	ssyncadd.s32 $0xFFFFFFC0  }
0x2e: {  	[tilespmem:s28], [sflag:$0x2] =	stream.linear.gather [hbm4b:s26+s6], $0x40, $0x38;
	[tilespmem:$0x9200] =	vst v63  }
0x2f: {  	_ =	swait.ge [sflag:s10], $0x40  }
0x30: {  	[sflag:s10] =	ssyncset.done $0x0  }
0x31: {  	s3 =	simm.s32 $0x140;
	s2 =	rddreg [dreg:$0xc];
	[sflag:s10] =	ssyncadd.s32 $0xFFFFFFC0  }
0x32: {  	[tilespmem:s3], [sflag:$0x2] =	stream.linear.gather [hbm4b:s2+s6], $0x40, $0x38;
	[tilespmem:$0x9200] =	vst v63  }
0x33: {  	_ =	swait.ge [sflag:s10], $0x40  }
0x34: {  	[sflag:s10] =	ssyncset.done $0x0  }
0x35: {  	s5 =	simm.s32 $0x80;
	s4 =	rddreg [dreg:$0xd];
	[sflag:s10] =	ssyncadd.s32 $0xFFFFFFC0  }
0x36: {  	[tilespmem:s5], [sflag:$0x2] =	stream.linear.gather [hbm4b:s4+s6], $0x40, $0x38;
	[tilespmem:$0x9200] =	vst v63  }
0x37: {  	_ =	swait.ge [sflag:s10], $0x40  }
0x38: {  	[sflag:s10] =	ssyncset.done $0x0  }
0x39: {  	s20 =	simm.s32 $0x180;
	s7 =	rddreg [dreg:$0xe];
	[sflag:s10] =	ssyncadd.s32 $0xFFFFFFC0  }
0x3a: {  	[tilespmem:s20], [sflag:$0x2] =	stream.linear.gather [hbm4b:s7+s6], $0x40, $0x38;
	[tilespmem:$0x9200] =	vst v63  }
0x3b: {  	_ =	swait.ge [sflag:s10], $0x40  }
0x3c: {  	[sflag:s10] =	ssyncset.done $0x0  }
0x3d: {  	s25 =	simm.s32 $0xC0;
	s23 =	rddreg [dreg:$0xf];
	[sflag:s10] =	ssyncadd.s32 $0xFFFFFFC0  }
0x3e: {  	[tilespmem:s25], [sflag:$0x2] =	stream.linear.gather [hbm4b:s23+s6], $0x40, $0x38;
	[tilespmem:$0x9200] =	vst v63  }
0x3f: {  	_ =	swait.ge [sflag:s10], $0x40  }
0x40: {  	[sflag:s10] =	ssyncset.done $0x0  }
0x41: {  	s28 =	simm.s32 $0x1C0;
	s26 =	rddreg [dreg:$0x10];
	[sflag:s10] =	ssyncadd.s32 $0xFFFFFFC0  }
0x42: {  	[tilespmem:s28], [sflag:$0x2] =	stream.linear.gather [hbm4b:s26+s6], $0x40, $0x38;
	[tilespmem:$0x9200] =	vst v63  }
0x43: {  	_ =	swait.ge [sflag:s10], $0x40  }
0x44: {  	[sflag:s10] =	ssyncset.done $0x0  }
0x45: {  	[sflag:s10] =	ssyncadd.s32 $0xFFFFFFC0  }
0x46: {  	s4 =	simm.s32 $0x200;
	s3 =	rddreg [dreg:$0x3]  }
0x47: {  	[tilespmem:s4], [sflag:$0x2] =	stream.linear.gather [hbm4b:s3+s6], $0x400, $0x38;
	[tilespmem:$0x9200] =	vst v63  }
0x48: {  	_ =	swait.ge [sflag:s10], $0x400  }
0x49: {  	[sflag:s10] =	ssyncset.done $0x0  }
0x4a: {  	[sflag:s10] =	ssyncadd.s32 $0xFFFFFC00  }
0x4b: {  	s7 =	simm.s32 $0x600;
	s5 =	rddreg [dreg:$0x4]  }
0x4c: {  	[tilespmem:s7], [sflag:$0x2] =	stream.linear.gather [hbm4b:s5+s6], $0x400, $0x38;
	[tilespmem:$0x9200] =	vst v63  }
0x4d: {  	_ =	swait.ge [sflag:s10], $0x400  }
0x4e: {  	[sflag:s10] =	ssyncset.done $0x0  }
0x4f: {  	[sflag:s10] =	ssyncadd.s32 $0xFFFFFC00  }
0x50: {  	s23 =	simm.s32 $0xA00;
	s20 =	rddreg [dreg:$0x5]  }
0x51: {  	[tilespmem:s23], [sflag:$0x2] =	stream.linear.gather [hbm4b:s20+s6], $0x400, $0x38;
	[tilespmem:$0x9200] =	vst v63  }
0x52: {  	_ =	swait.ge [sflag:s10], $0x400  }
0x53: {  	[sflag:s10] =	ssyncset.done $0x0  }
0x54: {  	[sflag:s10] =	ssyncadd.s32 $0xFFFFFC00  }
0x55: {  	s26 =	simm.s32 $0xE00;
	s25 =	rddreg [dreg:$0x6]  }
0x56: {  	[tilespmem:s26], [sflag:$0x2] =	stream.linear.gather [hbm4b:s25+s6], $0x400, $0x38;
	[tilespmem:$0x9200] =	vst v63  }
0x57: {  	_ =	swait.ge [sflag:s10], $0x400  }
0x58: {  	[sflag:s10] =	ssyncset.done $0x0  }
0x59: {  	s28 =	rddreg [dreg:$0x18];
	[sflag:s10] =	ssyncadd.s32 $0xFFFFFC00  }
0x5a: {  	[tilespmem:s11], [sflag:$0x2] =	stream.linear.gather [hbm4b:s28+s6], $0x4000, $0x38;
	[tilespmem:$0x9200] =	vst v63  }
0x5b: {  	_ =	swait.ge [sflag:s10], $0x4000  }
0x5c: {  	[sflag:s10] =	ssyncset.done $0x0  }
0x5d: {  	[sflag:s10] =	ssyncadd.s32 $0xFFFFC000  }
0x5e: {  	v4 =	vld [tilespmem:$0x0];
	_ =	sdelay $0x4  }
0x5f: {  	v5 =	vshll.u32 v4, $0x3  }
0x60: {  	v4 =	vand.u32 $0x7, v4;
	v5 =	vand.u32 $0xFFFFFFC0, v5  }
0x61: {  	v4 =	vor.u32 v4, v5  }
0x62: {  	v5 =	vperm.xlane v4, v1;
	_ =	sdelay $0x1  }
0x63: {  	v5 =	vadd.s32 v2, v5;
	_ =	sdelay $0x4  }
0x64: {  	[tilespmem:s12], [sflag:$0x1] =	stream.indirect_vreg.gather [hbm4b:s0+s6], $0x80, v5, vm0, $0xb8;
	[tilespmem:$0x9200] =	vst v63  }
0x65: {  	v4 =	vperm.xlane v4, v3  }
0x66: {  	[tilespmem:s13], [sflag:$0x1] =	stream.indirect_vreg.gather [hbm4b:s29+s6], $0x80, v5, vm0, $0xb8;
	[tilespmem:$0x9200] =	vst v63  }
0x67: {  	v4 =	vadd.s32 v2, v4  }
0x68: {  	[tilespmem:s14], [sflag:$0x1] =	stream.indirect_vreg.gather [hbm4b:s30+s6], $0x80, v5, vm0, $0xb8;
	[tilespmem:$0x9200] =	vst v63  }
0x69: {  	_ = 	snop  }
0x6a: {  	[tilespmem:s15], [sflag:$0x1] =	stream.indirect_vreg.gather [hbm4b:s31+s6], $0x80, v5, vm0, $0xb8;
	[tilespmem:$0x9200] =	vst v63  }
0x6b: {  	_ = 	snop  }
0x6c: {  	[tilespmem:s16], [sflag:$0x1] =	stream.indirect_vreg.gather [hbm4b:s0+s6], $0x80, v4, vm0, $0xb8;
	[tilespmem:$0x9200] =	vst v63  }
0x6d: {  	_ = 	snop  }
0x6e: {  	[tilespmem:s17], [sflag:$0x1] =	stream.indirect_vreg.gather [hbm4b:s29+s6], $0x80, v4, vm0, $0xb8;
	[tilespmem:$0x9200] =	vst v63  }
0x6f: {  	_ = 	snop  }
0x70: {  	[tilespmem:s18], [sflag:$0x1] =	stream.indirect_vreg.gather [hbm4b:s30+s6], $0x80, v4, vm0, $0xb8;
	[tilespmem:$0x9200] =	vst v63  }
0x71: {  	_ = 	snop  }
0x72: {  	[tilespmem:s19], [sflag:$0x1] =	stream.indirect_vreg.gather [hbm4b:s31+s6], $0x80, v4, vm0, $0xb8;
	[tilespmem:$0x9200] =	vst v63  }
0x73: {  	_ =	swait.ge [sflag:s21], $0x4000  }
0x74: {  	[sflag:s21] =	ssyncset.done $0x0  }
0x75: {  	[sflag:s21] =	ssyncadd.s32 $0xFFFFC000  }
0x76: {  	s23 =	simm.s32 $0x0;
	v4 =	vld [tilespmem:$0x100]  }
.LBB2_2:
0x77: {  	_ =	sdelay $0x1  }
0x78: {  	v5 =	vmov s23  }
0x79: {  	vm1 =	veq.s32 v5, v0  }
0x7a: {  	v5 =	vnsel vm1, $0x0, v4  }
0x7b: {  	(xrf2) =	vadd.scan.msk.f32 $0xffff, v5;
	_ =	sdelay $0x4  }
0x7c: {  	s25 =	sand.u32 $0x8, s23  }
0x7d: {  	s28 =	simm.s32 $0x200;
	s20 =	simm.s32 $0x0;
	s1 =	sadd.s32 $0x0, s25  }
0x7e: {  	s2 =	sshll.u32 s23, $0x7;
	s3 =	sand.u32 $0x70, s20;
	s1 =	sshll.u32 s1, $0xA  }
0x7f: {  	s5 =	simm.s32 $0x600;
	s26 =	sand.u32 $0x380, s2;
	s1 =	sor.u32 s3, s1;
	v5 =	vld [tilespmem:s28+$0x0]  }
0x80: {  	v7 =	vld [tilespmem:s5+$0x0];
	s1 =	sor.u32 s26, s1  }
0x81: {  	v8 =	vld [tilespmem:s1+$0x5200];
	v6, _, _ =	vpop (xrf2)  }
0x82: {  	v9 =	vld [tilespmem:s1+$0x1200];
	v6 =	vbroadcast v6, $0xF;
	_ =	sdelay $0x1  }
0x83: {  	v5 =	vmul.f32 v5, v6;
	_ =	sdelay $0x1  }
0x84: {  	v7 =	vadd.f32 v7, v5  }
0x85: {  	v8 =	vadd.f32 v8, v9  }
0x86: {  	s2 =	simm.s32 $0x2;
	s3 =	simm.s32 $0x0;
	v5 =	vimm.f32 $0.0e+00;
	v9 =	vmax.f32 v7, $0.0e+00;
	v7 =	vimm.f32 $0.0e+00  }
.LBB2_3:
0x87: {  	p0 =	sne.s32 s2, $0x3F;
	s3 =	sadd.s32 s25, s3;
	v8 =	vadd.f32 v9, v8;
	s20 =	sadd.s32 $0x10, s20  }
0x88: {  	s4 =	sand.u32 $0x70, s20;
	s3 =	sshll.u32 s3, $0xA  }
0x89: {  	s28 =	sadd.s32 $0x10, s28;
	s3 =	sor.u32 s4, s3;
	[tilespmem:s1+$0x1200] =	vst v8;
	v5 =	vadd.f32 v8, v5;
	v8 =	vmul.f32 v8, v8  }
0x8a: {  	s1 =	sor.u32 s26, s3;
	v9 =	vld [tilespmem:s28+$0x0]  }
0x8b: {  	s5 =	sadd.s32 $0x10, s5;
	v10 =	vld [tilespmem:s1+$0x5200];
	v7 =	vadd.f32 v8, v7  }
0x8c: {  	v8 =	vld [tilespmem:s5+$0x0]  }
0x8d: {  	v11 =	vld [tilespmem:s1+$0x1200];
	_ =	sdelay $0x1  }
.Ltmp0:
0x8e: {  	v9 =	vmul.f32 v9, v6;
	(pc) =	sbr.rel @p0 .LBB2_3-.Ltmp0, $4  }
0x8f: {  	_ = 	snop  }
0x90: {  	v9 =	vadd.f32 v8, v9  }
0x91: {  	v8 =	vadd.f32 v10, v11  }
0x92: {  	s3 =	sshrl.u32 s2, $0x3;
	s2 =	sadd.s32 $0x1, s2;
	v9 =	vmax.f32 v9, $0.0e+00  }
0x93: {  	v8 =	vadd.f32 v9, v8  }
0x94: {  	s2 =	sadd.s32 s25, s3;
	s7 =	sadd.s32 $0x10, s20  }
0x95: {  	s20 =	sadd.s32 $0x10, s28;
	s3 =	sand.u32 $0x70, s7;
	s2 =	sshll.u32 s2, $0xA;
	[tilespmem:s1+$0x1200] =	vst v8  }
0x96: {  	s2 =	sor.u32 s3, s2;
	s3 =	sadd.s32 $0x10, s5;
	v9 =	vld [tilespmem:s20+$0x0]  }
0x97: {  	s2 =	sor.u32 s26, s2;
	v11 =	vld [tilespmem:s3+$0x0]  }
0x98: {  	v10 =	vld [tilespmem:s2+$0x5200]  }
0x99: {  	v12 =	vld [tilespmem:s2+$0x1200];
	_ =	sdelay $0x1  }
0x9a: {  	v6 =	vmul.f32 v9, v6;
	_ =	sdelay $0x1  }
0x9b: {  	v6 =	vadd.f32 v11, v6  }
0x9c: {  	v9 =	vadd.f32 v10, v12  }
0x9d: {  	v6 =	vmax.f32 v6, $0.0e+00  }
0x9e: {  	v10 =	vmul.f32 v8, v8;
	v6 =	vadd.f32 v6, v9  }
0x9f: {  	v5 =	vadd.f32 v8, v5  }
0xa0: {  	v7 =	vadd.f32 v10, v7;
	v8 =	vmul.f32 v6, v6  }
0xa1: {  	v5 =	vadd.f32 v6, v5  }
0xa2: {  	v7 =	vadd.f32 v8, v7  }
0xa3: {  	(xrf2) =	vadd.scan.msk.f32 $0xffff, v5  }
0xa4: {  	(xrf2) =	vadd.scan.msk.f32 $0xffff, v7;
	_ =	sdelay $0x8  }
0xa5: {  	v5, _, _ =	vpop (xrf2)  }
0xa6: {  	(v2sf) =	vpush v5, $0xF;
	v5, _, _ =	vpop (xrf2)  }
0xa7: {  	(v2sf) =	vpush v5, $0xF;
	_ =	sdelay $0xd  }
0xa8: {  	s4 =	spop (v2sf)  }
0xa9: {  	s1 =	smul.f32 $9.765625000e-04, s4;
	s5 =	spop (v2sf)  }
0xaa: {  	s3 =	smul.f32 $9.765625000e-04, s5  }
0xab: {  	s4 =	smul.f32 s1, s1;
	_ =	sdelay $0x1  }
0xac: {  	s3 =	ssub.f32 s3, s4;
	_ =	sdelay $0x1  }
0xad: {  	s3 =	sadd.f32 $9.999999740e-06, s3;
	_ =	sdelay $0x1  }
0xae: {  	s7 =	sshrl.u32 s3, $0x1;
	s3 =	smul.f32 $5.000000000e-01, s3  }
0xaf: {  	s4 =	ssub.s32 $0x5F3759DF, s7  }
0xb0: {  	s20 =	smul.f32 s4, s3;
	_ =	sdelay $0x1  }
0xb1: {  	s5 =	smul.f32 s4, s20;
	_ =	sdelay $0x1  }
0xb2: {  	s5 =	ssub.f32 $1.500000000e+00, s5;
	_ =	sdelay $0x1  }
0xb3: {  	s4 =	smul.f32 s4, s5;
	_ =	sdelay $0x1  }
0xb4: {  	s5 =	smul.f32 s4, s3;
	_ =	sdelay $0x1  }
0xb5: {  	s5 =	smul.f32 s5, s4;
	_ =	sdelay $0x1  }
0xb6: {  	s5 =	ssub.f32 $1.500000000e+00, s5  }
0xb7: {  	s7 =	sadd.s32 $0x0, s25  }
0xb8: {  	s28 =	sshll.u32 s7, $0xA;
	s4 =	smul.f32 s5, s4  }
0xb9: {  	s7 =	sand.u32 $0x3FFFFC00, s28;
	s20 =	simm.s32 $0x0;
	s5 =	sadd.s32 $0x1200, s26  }
0xba: {  	s28 =	sand.u32 $0x70, s20;
	s26 =	sadd.s32 s7, s5;
	s3 =	smul.f32 s4, s3  }
0xbb: {  	[tilespmem:s2+$0x1200] =	vst v6;
	s26 =	sadd.s32 s28, s26  }
0xbc: {  	v6 =	vld [tilespmem:s26+$0x0];
	s7 =	smul.f32 s3, s4;
	_ =	sdelay $0x1  }
0xbd: {  	s2 =	ssub.f32 $1.500000000e+00, s7  }
0xbe: {  	s28 =	simm.s32 $0xA00  }
0xbf: {  	v5 =	vmov s1;
	v8 =	vld [tilespmem:s28+$0x0];
	s2 =	smul.f32 s2, s4  }
0xc0: {  	s1 =	simm.s32 $0xE00;
	v9 =	vsub.f32 v6, v5  }
0xc1: {  	v7 =	vld [tilespmem:s1+$0x0];
	v6 =	vmov s2  }
0xc2: {  	v9 =	vmul.f32 v9, v6  }
0xc3: {  	s3 =	simm.s32 $0x0;
	s2 =	simm.s32 $0x2  }
.LBB2_5:
0xc4: {  	p0 =	sne.s32 s2, $0x3F;
	s3 =	sadd.s32 s25, s3;
	v8 =	vmul.f32 v9, v8  }
0xc5: {  	s3 =	sshll.u32 s3, $0xA  }
0xc6: {  	s20 =	sadd.s32 $0x10, s20;
	s3 =	sand.u32 $0x3FFFFC00, s3;
	v7 =	vadd.f32 v8, v7  }
0xc7: {  	s4 =	sand.u32 $0x70, s20;
	s3 =	sadd.s32 s3, s5  }
0xc8: {  	[tilespmem:s26+$0x0] =	vst v7;
	s26 =	sadd.s32 s4, s3  }
0xc9: {  	v7 =	vld [tilespmem:s26+$0x0];
	_ =	sdelay $0x2  }
0xca: {  	s28 =	sadd.s32 $0x10, s28  }
.Ltmp1:
0xcb: {  	v8 =	vld [tilespmem:s28+$0x0];
	(pc) =	sbr.rel @p0 .LBB2_5-.Ltmp1, $4  }
0xcc: {  	s1 =	sadd.s32 $0x10, s1;
	v9 =	vsub.f32 v7, v5  }
0xcd: {  	v7 =	vld [tilespmem:s1+$0x0]  }
0xce: {  	v9 =	vmul.f32 v9, v6  }
0xcf: {  	s3 =	sshrl.u32 s2, $0x3;
	s2 =	sadd.s32 $0x1, s2  }
0xd0: {  	s2 =	sadd.s32 s25, s3;
	v8 =	vmul.f32 v9, v8  }
0xd1: {  	s2 =	sshll.u32 s2, $0xA  }
0xd2: {  	s25 =	sadd.s32 $0x10, s20;
	s2 =	sand.u32 $0x3FFFFC00, s2;
	v7 =	vadd.f32 v8, v7  }
0xd3: {  	s3 =	sand.u32 $0x70, s25;
	s2 =	sadd.s32 s2, s5  }
0xd4: {  	s2 =	sadd.s32 s3, s2;
	[tilespmem:s26+$0x0] =	vst v7  }
0xd5: {  	v7 =	vld [tilespmem:s2+$0x0];
	_ =	sdelay $0x2  }
0xd6: {  	s28 =	sadd.s32 $0x10, s28  }
0xd7: {  	v63 =	vld [tilespmem:s28+$0x0]  }
0xd8: {  	s1 =	sadd.s32 $0x10, s1;
	v5 =	vsub.f32 v7, v5  }
0xd9: {  	v7 =	vld [tilespmem:s1+$0x0]  }
0xda: {  	s23 =	sadd.s32 $0x1, s23;
	v5 =	vmul.f32 v5, v6  }
0xdb: {  	p0 =	sne.s32 s23, $0x10  }
.Ltmp2:
0xdc: {  	v5 =	vmul.f32 v5, v63;
	(pc) =	sbr.rel @p0 .LBB2_2-.Ltmp2, $3  }
0xdd: {  	_ = 	snop  }
0xde: {  	v5 =	vadd.f32 v5, v7;
	_ =	sdelay $0x1  }
0xdf: {  	[tilespmem:s2+$0x0] =	vst v5  }
0xe0: {  	s23 =	simm.s32 $0x0  }
0xe1: {  	[hbm4b:s24+s23] =	stream.linear.scatter [tilespmem:s12], [sflag:$0x2], $0x4000, $0x38;
	[tilespmem:$0x9200] =	vst v63  }
0xe2: {  	_ =	swait.ge [sflag:s10], $0x4000  }
0xe3: {  	[sflag:s10] =	ssyncset.done $0x0  }
0xe4: {  	[sflag:s10] =	ssyncadd.s32 $0xFFFFC000  }
0xe5: {  	v4 =	vld [tilespmem:$0x40];
	_ =	sdelay $0x4  }
0xe6: {  	v5 =	vshll.u32 v4, $0x3  }
0xe7: {  	v4 =	vand.u32 $0x7, v4;
	v5 =	vand.u32 $0xFFFFFFC0, v5  }
0xe8: {  	v4 =	vor.u32 v4, v5  }
0xe9: {  	v5 =	vperm.xlane v4, v1;
	_ =	sdelay $0x1  }
0xea: {  	v5 =	vadd.s32 v2, v5;
	_ =	sdelay $0x4  }
0xeb: {  	[tilespmem:s12], [sflag:$0x1] =	stream.indirect_vreg.gather [hbm4b:s0+s23], $0x80, v5, vm0, $0xb8;
	[tilespmem:$0x9200] =	vst v63  }
0xec: {  	v4 =	vperm.xlane v4, v3  }
0xed: {  	[tilespmem:s13], [sflag:$0x1] =	stream.indirect_vreg.gather [hbm4b:s29+s23], $0x80, v5, vm0, $0xb8;
	[tilespmem:$0x9200] =	vst v63  }
0xee: {  	v4 =	vadd.s32 v2, v4  }
0xef: {  	[tilespmem:s14], [sflag:$0x1] =	stream.indirect_vreg.gather [hbm4b:s30+s23], $0x80, v5, vm0, $0xb8;
	[tilespmem:$0x9200] =	vst v63  }
0xf0: {  	_ = 	snop  }
0xf1: {  	[tilespmem:s15], [sflag:$0x1] =	stream.indirect_vreg.gather [hbm4b:s31+s23], $0x80, v5, vm0, $0xb8;
	[tilespmem:$0x9200] =	vst v63  }
0xf2: {  	_ = 	snop  }
0xf3: {  	[tilespmem:s16], [sflag:$0x1] =	stream.indirect_vreg.gather [hbm4b:s0+s23], $0x80, v4, vm0, $0xb8;
	[tilespmem:$0x9200] =	vst v63  }
0xf4: {  	_ = 	snop  }
0xf5: {  	[tilespmem:s17], [sflag:$0x1] =	stream.indirect_vreg.gather [hbm4b:s29+s23], $0x80, v4, vm0, $0xb8;
	[tilespmem:$0x9200] =	vst v63  }
0xf6: {  	_ = 	snop  }
0xf7: {  	[tilespmem:s18], [sflag:$0x1] =	stream.indirect_vreg.gather [hbm4b:s30+s23], $0x80, v4, vm0, $0xb8;
	[tilespmem:$0x9200] =	vst v63  }
0xf8: {  	_ = 	snop  }
0xf9: {  	[tilespmem:s19], [sflag:$0x1] =	stream.indirect_vreg.gather [hbm4b:s31+s23], $0x80, v4, vm0, $0xb8;
	[tilespmem:$0x9200] =	vst v63  }
0xfa: {  	_ =	swait.ge [sflag:s21], $0x4000  }
0xfb: {  	[sflag:s21] =	ssyncset.done $0x0  }
0xfc: {  	[sflag:s21] =	ssyncadd.s32 $0xFFFFC000  }
0xfd: {  	s25 =	simm.s32 $0x0;
	v4 =	vld [tilespmem:$0x140]  }
.LBB2_8:
0xfe: {  	_ =	sdelay $0x1  }
0xff: {  	v5 =	vmov s25  }
0x100: {  	vm1 =	veq.s32 v5, v0  }
0x101: {  	v5 =	vnsel vm1, $0x0, v4  }
0x102: {  	(xrf2) =	vadd.scan.msk.f32 $0xffff, v5;
	_ =	sdelay $0x4  }
0x103: {  	s26 =	sand.u32 $0x8, s25  }
0x104: {  	s20 =	simm.s32 $0x200;
	s1 =	sadd.s32 $0x0, s26  }
0x105: {  	s2 =	sshll.u32 s25, $0x7;
	s3 =	sand.u32 $0x70, s23;
	s1 =	sshll.u32 s1, $0xA  }
0x106: {  	s5 =	simm.s32 $0x600;
	s28 =	sand.u32 $0x380, s2;
	s1 =	sor.u32 s3, s1;
	v5 =	vld [tilespmem:s20+$0x0]  }
0x107: {  	v7 =	vld [tilespmem:s5+$0x0];
	s1 =	sor.u32 s28, s1  }
0x108: {  	v8 =	vld [tilespmem:s1+$0x5200];
	v6, _, _ =	vpop (xrf2)  }
0x109: {  	v9 =	vld [tilespmem:s1+$0x1200];
	v6 =	vbroadcast v6, $0xF;
	_ =	sdelay $0x1  }
0x10a: {  	v5 =	vmul.f32 v5, v6;
	_ =	sdelay $0x1  }
0x10b: {  	v7 =	vadd.f32 v7, v5  }
0x10c: {  	v8 =	vadd.f32 v8, v9  }
0x10d: {  	s4 =	simm.s32 $0x0;
	s2 =	simm.s32 $0x0;
	s3 =	simm.s32 $0x2;
	v5 =	vimm.f32 $0.0e+00;
	v9 =	vmax.f32 v7, $0.0e+00;
	v7 =	vimm.f32 $0.0e+00  }
.LBB2_9:
0x10e: {  	p0 =	sne.s32 s3, $0x3F;
	s4 =	sadd.s32 s26, s4;
	v8 =	vadd.f32 v9, v8;
	s2 =	sadd.s32 $0x10, s2  }
0x10f: {  	s7 =	sand.u32 $0x70, s2;
	s4 =	sshll.u32 s4, $0xA  }
0x110: {  	s20 =	sadd.s32 $0x10, s20;
	s4 =	sor.u32 s7, s4;
	[tilespmem:s1+$0x1200] =	vst v8;
	v5 =	vadd.f32 v8, v5;
	v8 =	vmul.f32 v8, v8  }
0x111: {  	s1 =	sor.u32 s28, s4;
	v9 =	vld [tilespmem:s20+$0x0]  }
0x112: {  	s5 =	sadd.s32 $0x10, s5;
	v10 =	vld [tilespmem:s1+$0x5200];
	v7 =	vadd.f32 v8, v7  }
0x113: {  	v8 =	vld [tilespmem:s5+$0x0]  }
0x114: {  	v11 =	vld [tilespmem:s1+$0x1200];
	_ =	sdelay $0x1  }
.Ltmp3:
0x115: {  	v9 =	vmul.f32 v9, v6;
	(pc) =	sbr.rel @p0 .LBB2_9-.Ltmp3, $4  }
0x116: {  	_ = 	snop  }
0x117: {  	v9 =	vadd.f32 v8, v9  }
0x118: {  	v8 =	vadd.f32 v10, v11  }
0x119: {  	s4 =	sshrl.u32 s3, $0x3;
	s3 =	sadd.s32 $0x1, s3;
	v9 =	vmax.f32 v9, $0.0e+00  }
0x11a: {  	v8 =	vadd.f32 v9, v8  }
0x11b: {  	s3 =	sadd.s32 s26, s4;
	s2 =	sadd.s32 $0x10, s2  }
0x11c: {  	s7 =	sadd.s32 $0x10, s20;
	s2 =	sand.u32 $0x70, s2;
	s3 =	sshll.u32 s3, $0xA;
	[tilespmem:s1+$0x1200] =	vst v8  }
0x11d: {  	s20 =	sadd.s32 $0x10, s5;
	s2 =	sor.u32 s2, s3;
	v9 =	vld [tilespmem:s7+$0x0]  }
0x11e: {  	s2 =	sor.u32 s28, s2;
	v11 =	vld [tilespmem:s20+$0x0]  }
0x11f: {  	v10 =	vld [tilespmem:s2+$0x5200]  }
0x120: {  	v12 =	vld [tilespmem:s2+$0x1200];
	_ =	sdelay $0x1  }
0x121: {  	v6 =	vmul.f32 v9, v6;
	_ =	sdelay $0x1  }
0x122: {  	v6 =	vadd.f32 v11, v6  }
0x123: {  	v9 =	vadd.f32 v10, v12  }
0x124: {  	v6 =	vmax.f32 v6, $0.0e+00  }
0x125: {  	v10 =	vmul.f32 v8, v8;
	v6 =	vadd.f32 v6, v9  }
0x126: {  	v5 =	vadd.f32 v8, v5  }
0x127: {  	v7 =	vadd.f32 v10, v7;
	v8 =	vmul.f32 v6, v6  }
0x128: {  	v5 =	vadd.f32 v6, v5  }
0x129: {  	v7 =	vadd.f32 v8, v7  }
0x12a: {  	(xrf2) =	vadd.scan.msk.f32 $0xffff, v5  }
0x12b: {  	(xrf2) =	vadd.scan.msk.f32 $0xffff, v7;
	_ =	sdelay $0x8  }
0x12c: {  	v5, _, _ =	vpop (xrf2)  }
0x12d: {  	(v2sf) =	vpush v5, $0xF;
	v5, _, _ =	vpop (xrf2)  }
0x12e: {  	(v2sf) =	vpush v5, $0xF;
	_ =	sdelay $0xd  }
0x12f: {  	s3 =	spop (v2sf)  }
0x130: {  	s1 =	smul.f32 $9.765625000e-04, s3;
	s4 =	spop (v2sf)  }
0x131: {  	s3 =	smul.f32 $9.765625000e-04, s4  }
0x132: {  	s5 =	smul.f32 s1, s1;
	_ =	sdelay $0x1  }
0x133: {  	s3 =	ssub.f32 s3, s5;
	_ =	sdelay $0x1  }
0x134: {  	s3 =	sadd.f32 $9.999999740e-06, s3;
	_ =	sdelay $0x1  }
0x135: {  	s7 =	sshrl.u32 s3, $0x1;
	s3 =	smul.f32 $5.000000000e-01, s3  }
0x136: {  	s4 =	ssub.s32 $0x5F3759DF, s7  }
0x137: {  	s20 =	smul.f32 s4, s3;
	_ =	sdelay $0x1  }
0x138: {  	s5 =	smul.f32 s4, s20;
	_ =	sdelay $0x1  }
0x139: {  	s5 =	ssub.f32 $1.500000000e+00, s5;
	_ =	sdelay $0x1  }
0x13a: {  	s4 =	smul.f32 s4, s5;
	_ =	sdelay $0x1  }
0x13b: {  	s5 =	smul.f32 s4, s3;
	_ =	sdelay $0x1  }
0x13c: {  	s5 =	smul.f32 s5, s4;
	_ =	sdelay $0x1  }
0x13d: {  	s5 =	ssub.f32 $1.500000000e+00, s5  }
0x13e: {  	s7 =	sadd.s32 $0x0, s26  }
0x13f: {  	s7 =	sshll.u32 s7, $0xA;
	s4 =	smul.f32 s5, s4  }
0x140: {  	s7 =	sand.u32 $0x3FFFFC00, s7  }
0x141: {  	s20 =	simm.s32 $0x0;
	s5 =	sadd.s32 $0x1200, s28;
	s3 =	smul.f32 s4, s3  }
0x142: {  	s28 =	sand.u32 $0x70, s20;
	s7 =	sadd.s32 s7, s5  }
0x143: {  	[tilespmem:s2+$0x1200] =	vst v6;
	s28 =	sadd.s32 s28, s7;
	s7 =	smul.f32 s3, s4  }
0x144: {  	v6 =	vld [tilespmem:s28+$0x0]  }
0x145: {  	s2 =	ssub.f32 $1.500000000e+00, s7;
	_ =	sdelay $0x1  }
0x146: {  	v5 =	vmov s1;
	s1 =	simm.s32 $0xA00;
	s2 =	smul.f32 s2, s4  }
0x147: {  	v8 =	vld [tilespmem:s1+$0x0]  }
0x148: {  	v9 =	vsub.f32 v6, v5;
	v6 =	vmov s2;
	s2 =	simm.s32 $0xE00  }
0x149: {  	v7 =	vld [tilespmem:s2+$0x0]  }
0x14a: {  	v9 =	vmul.f32 v9, v6  }
0x14b: {  	s3 =	simm.s32 $0x2;
	s4 =	simm.s32 $0x0  }
.LBB2_11:
0x14c: {  	p0 =	sne.s32 s3, $0x3F;
	s4 =	sadd.s32 s26, s4;
	v8 =	vmul.f32 v9, v8  }
0x14d: {  	s4 =	sshll.u32 s4, $0xA  }
0x14e: {  	s20 =	sadd.s32 $0x10, s20;
	s4 =	sand.u32 $0x3FFFFC00, s4;
	v7 =	vadd.f32 v8, v7  }
0x14f: {  	s7 =	sand.u32 $0x70, s20;
	s4 =	sadd.s32 s4, s5  }
0x150: {  	[tilespmem:s28+$0x0] =	vst v7;
	s28 =	sadd.s32 s7, s4  }
0x151: {  	v7 =	vld [tilespmem:s28+$0x0];
	_ =	sdelay $0x2  }
0x152: {  	s1 =	sadd.s32 $0x10, s1  }
.Ltmp4:
0x153: {  	v8 =	vld [tilespmem:s1+$0x0];
	(pc) =	sbr.rel @p0 .LBB2_11-.Ltmp4, $4  }
0x154: {  	s2 =	sadd.s32 $0x10, s2;
	v9 =	vsub.f32 v7, v5  }
0x155: {  	v7 =	vld [tilespmem:s2+$0x0]  }
0x156: {  	v9 =	vmul.f32 v9, v6  }
0x157: {  	s4 =	sshrl.u32 s3, $0x3;
	s3 =	sadd.s32 $0x1, s3  }
0x158: {  	s3 =	sadd.s32 s26, s4;
	v8 =	vmul.f32 v9, v8  }
0x159: {  	s3 =	sshll.u32 s3, $0xA  }
0x15a: {  	s26 =	sadd.s32 $0x10, s20;
	s3 =	sand.u32 $0x3FFFFC00, s3;
	v7 =	vadd.f32 v8, v7  }
0x15b: {  	s4 =	sand.u32 $0x70, s26;
	s3 =	sadd.s32 s3, s5  }
0x15c: {  	s3 =	sadd.s32 s4, s3;
	[tilespmem:s28+$0x0] =	vst v7  }
0x15d: {  	v7 =	vld [tilespmem:s3+$0x0];
	_ =	sdelay $0x2  }
0x15e: {  	s1 =	sadd.s32 $0x10, s1  }
0x15f: {  	v63 =	vld [tilespmem:s1+$0x0]  }
0x160: {  	s28 =	sadd.s32 $0x10, s2;
	v5 =	vsub.f32 v7, v5  }
0x161: {  	v7 =	vld [tilespmem:s28+$0x0]  }
0x162: {  	s25 =	sadd.s32 $0x1, s25;
	v5 =	vmul.f32 v5, v6  }
0x163: {  	p0 =	sne.s32 s25, $0x10  }
.Ltmp5:
0x164: {  	v5 =	vmul.f32 v5, v63;
	(pc) =	sbr.rel @p0 .LBB2_8-.Ltmp5, $3  }
0x165: {  	_ = 	snop  }
0x166: {  	v5 =	vadd.f32 v5, v7;
	_ =	sdelay $0x1  }
0x167: {  	[tilespmem:s3+$0x0] =	vst v5  }
0x168: {  	s23 =	simm.s32 $0x0;
	s1 =	rddreg [dreg:$0x11]  }
0x169: {  	[hbm4b:s1+s23] =	stream.linear.scatter [tilespmem:s12], [sflag:$0x2], $0x4000, $0x38;
	[tilespmem:$0x9200] =	vst v63  }
0x16a: {  	_ =	swait.ge [sflag:s10], $0x4000  }
0x16b: {  	[sflag:s10] =	ssyncset.done $0x0  }
0x16c: {  	[sflag:s10] =	ssyncadd.s32 $0xFFFFC000  }
0x16d: {  	v4 =	vld [tilespmem:$0x80];
	_ =	sdelay $0x4  }
0x16e: {  	v5 =	vshll.u32 v4, $0x3  }
0x16f: {  	v4 =	vand.u32 $0x7, v4;
	v5 =	vand.u32 $0xFFFFFFC0, v5  }
0x170: {  	v4 =	vor.u32 v4, v5  }
0x171: {  	v5 =	vperm.xlane v4, v1;
	_ =	sdelay $0x1  }
0x172: {  	v5 =	vadd.s32 v2, v5;
	_ =	sdelay $0x4  }
0x173: {  	[tilespmem:s12], [sflag:$0x1] =	stream.indirect_vreg.gather [hbm4b:s0+s23], $0x80, v5, vm0, $0xb8;
	[tilespmem:$0x9200] =	vst v63  }
0x174: {  	v4 =	vperm.xlane v4, v3  }
0x175: {  	[tilespmem:s13], [sflag:$0x1] =	stream.indirect_vreg.gather [hbm4b:s29+s23], $0x80, v5, vm0, $0xb8;
	[tilespmem:$0x9200] =	vst v63  }
0x176: {  	v4 =	vadd.s32 v2, v4  }
0x177: {  	[tilespmem:s14], [sflag:$0x1] =	stream.indirect_vreg.gather [hbm4b:s30+s23], $0x80, v5, vm0, $0xb8;
	[tilespmem:$0x9200] =	vst v63  }
0x178: {  	_ = 	snop  }
0x179: {  	[tilespmem:s15], [sflag:$0x1] =	stream.indirect_vreg.gather [hbm4b:s31+s23], $0x80, v5, vm0, $0xb8;
	[tilespmem:$0x9200] =	vst v63  }
0x17a: {  	_ = 	snop  }
0x17b: {  	[tilespmem:s16], [sflag:$0x1] =	stream.indirect_vreg.gather [hbm4b:s0+s23], $0x80, v4, vm0, $0xb8;
	[tilespmem:$0x9200] =	vst v63  }
0x17c: {  	_ = 	snop  }
0x17d: {  	[tilespmem:s17], [sflag:$0x1] =	stream.indirect_vreg.gather [hbm4b:s29+s23], $0x80, v4, vm0, $0xb8;
	[tilespmem:$0x9200] =	vst v63  }
0x17e: {  	_ = 	snop  }
0x17f: {  	[tilespmem:s18], [sflag:$0x1] =	stream.indirect_vreg.gather [hbm4b:s30+s23], $0x80, v4, vm0, $0xb8;
	[tilespmem:$0x9200] =	vst v63  }
0x180: {  	_ = 	snop  }
0x181: {  	[tilespmem:s19], [sflag:$0x1] =	stream.indirect_vreg.gather [hbm4b:s31+s23], $0x80, v4, vm0, $0xb8;
	[tilespmem:$0x9200] =	vst v63  }
0x182: {  	_ =	swait.ge [sflag:s21], $0x4000  }
0x183: {  	[sflag:s21] =	ssyncset.done $0x0  }
0x184: {  	[sflag:s21] =	ssyncadd.s32 $0xFFFFC000  }
0x185: {  	s25 =	simm.s32 $0x0;
	v4 =	vld [tilespmem:$0x180]  }
.LBB2_14:
0x186: {  	_ =	sdelay $0x1  }
0x187: {  	v5 =	vmov s25  }
0x188: {  	vm1 =	veq.s32 v5, v0  }
0x189: {  	v5 =	vnsel vm1, $0x0, v4  }
0x18a: {  	(xrf2) =	vadd.scan.msk.f32 $0xffff, v5;
	_ =	sdelay $0x4  }
0x18b: {  	s26 =	sand.u32 $0x8, s25  }
0x18c: {  	s20 =	simm.s32 $0x200;
	s1 =	sadd.s32 $0x0, s26  }
0x18d: {  	s2 =	sshll.u32 s25, $0x7;
	s3 =	sand.u32 $0x70, s23;
	s1 =	sshll.u32 s1, $0xA  }
0x18e: {  	s5 =	simm.s32 $0x600;
	s28 =	sand.u32 $0x380, s2;
	s1 =	sor.u32 s3, s1;
	v5 =	vld [tilespmem:s20+$0x0]  }
0x18f: {  	v7 =	vld [tilespmem:s5+$0x0];
	s1 =	sor.u32 s28, s1  }
0x190: {  	v8 =	vld [tilespmem:s1+$0x5200];
	v6, _, _ =	vpop (xrf2)  }
0x191: {  	v9 =	vld [tilespmem:s1+$0x1200];
	v6 =	vbroadcast v6, $0xF;
	_ =	sdelay $0x1  }
0x192: {  	v5 =	vmul.f32 v5, v6;
	_ =	sdelay $0x1  }
0x193: {  	v7 =	vadd.f32 v7, v5  }
0x194: {  	v8 =	vadd.f32 v8, v9  }
0x195: {  	s4 =	simm.s32 $0x0;
	s2 =	simm.s32 $0x0;
	s3 =	simm.s32 $0x2;
	v5 =	vimm.f32 $0.0e+00;
	v9 =	vmax.f32 v7, $0.0e+00;
	v7 =	vimm.f32 $0.0e+00  }
.LBB2_15:
0x196: {  	p0 =	sne.s32 s3, $0x3F;
	s4 =	sadd.s32 s26, s4;
	v8 =	vadd.f32 v9, v8;
	s2 =	sadd.s32 $0x10, s2  }
0x197: {  	s7 =	sand.u32 $0x70, s2;
	s4 =	sshll.u32 s4, $0xA  }
0x198: {  	s20 =	sadd.s32 $0x10, s20;
	s4 =	sor.u32 s7, s4;
	[tilespmem:s1+$0x1200] =	vst v8;
	v5 =	vadd.f32 v8, v5;
	v8 =	vmul.f32 v8, v8  }
0x199: {  	s1 =	sor.u32 s28, s4;
	v9 =	vld [tilespmem:s20+$0x0]  }
0x19a: {  	s5 =	sadd.s32 $0x10, s5;
	v10 =	vld [tilespmem:s1+$0x5200];
	v7 =	vadd.f32 v8, v7  }
0x19b: {  	v8 =	vld [tilespmem:s5+$0x0]  }
0x19c: {  	v11 =	vld [tilespmem:s1+$0x1200];
	_ =	sdelay $0x1  }
.Ltmp6:
0x19d: {  	v9 =	vmul.f32 v9, v6;
	(pc) =	sbr.rel @p0 .LBB2_15-.Ltmp6, $4  }
0x19e: {  	_ = 	snop  }
0x19f: {  	v9 =	vadd.f32 v8, v9  }
0x1a0: {  	v8 =	vadd.f32 v10, v11  }
0x1a1: {  	s4 =	sshrl.u32 s3, $0x3;
	s3 =	sadd.s32 $0x1, s3;
	v9 =	vmax.f32 v9, $0.0e+00  }
0x1a2: {  	v8 =	vadd.f32 v9, v8  }
0x1a3: {  	s3 =	sadd.s32 s26, s4;
	s2 =	sadd.s32 $0x10, s2  }
0x1a4: {  	s7 =	sadd.s32 $0x10, s20;
	s2 =	sand.u32 $0x70, s2;
	s3 =	sshll.u32 s3, $0xA;
	[tilespmem:s1+$0x1200] =	vst v8  }
0x1a5: {  	s20 =	sadd.s32 $0x10, s5;
	s2 =	sor.u32 s2, s3;
	v9 =	vld [tilespmem:s7+$0x0]  }
0x1a6: {  	s2 =	sor.u32 s28, s2;
	v11 =	vld [tilespmem:s20+$0x0]  }
0x1a7: {  	v10 =	vld [tilespmem:s2+$0x5200]  }
0x1a8: {  	v12 =	vld [tilespmem:s2+$0x1200];
	_ =	sdelay $0x1  }
0x1a9: {  	v6 =	vmul.f32 v9, v6;
	_ =	sdelay $0x1  }
0x1aa: {  	v6 =	vadd.f32 v11, v6  }
0x1ab: {  	v9 =	vadd.f32 v10, v12  }
0x1ac: {  	v6 =	vmax.f32 v6, $0.0e+00  }
0x1ad: {  	v10 =	vmul.f32 v8, v8;
	v6 =	vadd.f32 v6, v9  }
0x1ae: {  	v5 =	vadd.f32 v8, v5  }
0x1af: {  	v7 =	vadd.f32 v10, v7;
	v8 =	vmul.f32 v6, v6  }
0x1b0: {  	v5 =	vadd.f32 v6, v5  }
0x1b1: {  	v7 =	vadd.f32 v8, v7  }
0x1b2: {  	(xrf2) =	vadd.scan.msk.f32 $0xffff, v5  }
0x1b3: {  	(xrf2) =	vadd.scan.msk.f32 $0xffff, v7;
	_ =	sdelay $0x8  }
0x1b4: {  	v5, _, _ =	vpop (xrf2)  }
0x1b5: {  	(v2sf) =	vpush v5, $0xF;
	v5, _, _ =	vpop (xrf2)  }
0x1b6: {  	(v2sf) =	vpush v5, $0xF;
	_ =	sdelay $0xd  }
0x1b7: {  	s3 =	spop (v2sf)  }
0x1b8: {  	s1 =	smul.f32 $9.765625000e-04, s3;
	s4 =	spop (v2sf)  }
0x1b9: {  	s3 =	smul.f32 $9.765625000e-04, s4  }
0x1ba: {  	s5 =	smul.f32 s1, s1;
	_ =	sdelay $0x1  }
0x1bb: {  	s3 =	ssub.f32 s3, s5;
	_ =	sdelay $0x1  }
0x1bc: {  	s3 =	sadd.f32 $9.999999740e-06, s3;
	_ =	sdelay $0x1  }
0x1bd: {  	s7 =	sshrl.u32 s3, $0x1;
	s3 =	smul.f32 $5.000000000e-01, s3  }
0x1be: {  	s4 =	ssub.s32 $0x5F3759DF, s7  }
0x1bf: {  	s20 =	smul.f32 s4, s3;
	_ =	sdelay $0x1  }
0x1c0: {  	s5 =	smul.f32 s4, s20;
	_ =	sdelay $0x1  }
0x1c1: {  	s5 =	ssub.f32 $1.500000000e+00, s5;
	_ =	sdelay $0x1  }
0x1c2: {  	s4 =	smul.f32 s4, s5;
	_ =	sdelay $0x1  }
0x1c3: {  	s5 =	smul.f32 s4, s3;
	_ =	sdelay $0x1  }
0x1c4: {  	s5 =	smul.f32 s5, s4;
	_ =	sdelay $0x1  }
0x1c5: {  	s5 =	ssub.f32 $1.500000000e+00, s5  }
0x1c6: {  	s7 =	sadd.s32 $0x0, s26  }
0x1c7: {  	s7 =	sshll.u32 s7, $0xA;
	s4 =	smul.f32 s5, s4  }
0x1c8: {  	s7 =	sand.u32 $0x3FFFFC00, s7  }
0x1c9: {  	s20 =	simm.s32 $0x0;
	s5 =	sadd.s32 $0x1200, s28;
	s3 =	smul.f32 s4, s3  }
0x1ca: {  	s28 =	sand.u32 $0x70, s20;
	s7 =	sadd.s32 s7, s5  }
0x1cb: {  	[tilespmem:s2+$0x1200] =	vst v6;
	s28 =	sadd.s32 s28, s7;
	s7 =	smul.f32 s3, s4  }
0x1cc: {  	v6 =	vld [tilespmem:s28+$0x0]  }
0x1cd: {  	s2 =	ssub.f32 $1.500000000e+00, s7;
	_ =	sdelay $0x1  }
0x1ce: {  	v5 =	vmov s1;
	s1 =	simm.s32 $0xA00;
	s2 =	smul.f32 s2, s4  }
0x1cf: {  	v8 =	vld [tilespmem:s1+$0x0]  }
0x1d0: {  	v9 =	vsub.f32 v6, v5;
	v6 =	vmov s2;
	s2 =	simm.s32 $0xE00  }
0x1d1: {  	v7 =	vld [tilespmem:s2+$0x0]  }
0x1d2: {  	v9 =	vmul.f32 v9, v6  }
0x1d3: {  	s3 =	simm.s32 $0x2;
	s4 =	simm.s32 $0x0  }
.LBB2_17:
0x1d4: {  	p0 =	sne.s32 s3, $0x3F;
	s4 =	sadd.s32 s26, s4;
	v8 =	vmul.f32 v9, v8  }
0x1d5: {  	s4 =	sshll.u32 s4, $0xA  }
0x1d6: {  	s20 =	sadd.s32 $0x10, s20;
	s4 =	sand.u32 $0x3FFFFC00, s4;
	v7 =	vadd.f32 v8, v7  }
0x1d7: {  	s7 =	sand.u32 $0x70, s20;
	s4 =	sadd.s32 s4, s5  }
0x1d8: {  	[tilespmem:s28+$0x0] =	vst v7;
	s28 =	sadd.s32 s7, s4  }
0x1d9: {  	v7 =	vld [tilespmem:s28+$0x0];
	_ =	sdelay $0x2  }
0x1da: {  	s1 =	sadd.s32 $0x10, s1  }
.Ltmp7:
0x1db: {  	v8 =	vld [tilespmem:s1+$0x0];
	(pc) =	sbr.rel @p0 .LBB2_17-.Ltmp7, $4  }
0x1dc: {  	s2 =	sadd.s32 $0x10, s2;
	v9 =	vsub.f32 v7, v5  }
0x1dd: {  	v7 =	vld [tilespmem:s2+$0x0]  }
0x1de: {  	v9 =	vmul.f32 v9, v6  }
0x1df: {  	s4 =	sshrl.u32 s3, $0x3;
	s3 =	sadd.s32 $0x1, s3  }
0x1e0: {  	s3 =	sadd.s32 s26, s4;
	v8 =	vmul.f32 v9, v8  }
0x1e1: {  	s3 =	sshll.u32 s3, $0xA  }
0x1e2: {  	s26 =	sadd.s32 $0x10, s20;
	s3 =	sand.u32 $0x3FFFFC00, s3;
	v7 =	vadd.f32 v8, v7  }
0x1e3: {  	s4 =	sand.u32 $0x70, s26;
	s3 =	sadd.s32 s3, s5  }
0x1e4: {  	s3 =	sadd.s32 s4, s3;
	[tilespmem:s28+$0x0] =	vst v7  }
0x1e5: {  	v7 =	vld [tilespmem:s3+$0x0];
	_ =	sdelay $0x2  }
0x1e6: {  	s1 =	sadd.s32 $0x10, s1  }
0x1e7: {  	v63 =	vld [tilespmem:s1+$0x0]  }
0x1e8: {  	s28 =	sadd.s32 $0x10, s2;
	v5 =	vsub.f32 v7, v5  }
0x1e9: {  	v7 =	vld [tilespmem:s28+$0x0]  }
0x1ea: {  	s25 =	sadd.s32 $0x1, s25;
	v5 =	vmul.f32 v5, v6  }
0x1eb: {  	p0 =	sne.s32 s25, $0x10  }
.Ltmp8:
0x1ec: {  	v5 =	vmul.f32 v5, v63;
	(pc) =	sbr.rel @p0 .LBB2_14-.Ltmp8, $3  }
0x1ed: {  	_ = 	snop  }
0x1ee: {  	v5 =	vadd.f32 v5, v7;
	_ =	sdelay $0x1  }
0x1ef: {  	[tilespmem:s3+$0x0] =	vst v5  }
0x1f0: {  	s23 =	simm.s32 $0x0;
	s1 =	rddreg [dreg:$0x12]  }
0x1f1: {  	[hbm4b:s1+s23] =	stream.linear.scatter [tilespmem:s12], [sflag:$0x2], $0x4000, $0x38;
	[tilespmem:$0x9200] =	vst v63  }
0x1f2: {  	_ =	swait.ge [sflag:s10], $0x4000  }
0x1f3: {  	[sflag:s10] =	ssyncset.done $0x0  }
0x1f4: {  	[sflag:s10] =	ssyncadd.s32 $0xFFFFC000  }
0x1f5: {  	v4 =	vld [tilespmem:$0xC0];
	_ =	sdelay $0x4  }
0x1f6: {  	v5 =	vshll.u32 v4, $0x3  }
0x1f7: {  	v4 =	vand.u32 $0x7, v4;
	v5 =	vand.u32 $0xFFFFFFC0, v5  }
0x1f8: {  	v4 =	vor.u32 v4, v5  }
0x1f9: {  	v5 =	vperm.xlane v4, v1;
	_ =	sdelay $0x1  }
0x1fa: {  	v5 =	vadd.s32 v2, v5;
	_ =	sdelay $0x4  }
0x1fb: {  	[tilespmem:s12], [sflag:$0x1] =	stream.indirect_vreg.gather [hbm4b:s0+s23], $0x80, v5, vm0, $0xb8;
	[tilespmem:$0x9200] =	vst v63  }
0x1fc: {  	v4 =	vperm.xlane v4, v3  }
0x1fd: {  	[tilespmem:s13], [sflag:$0x1] =	stream.indirect_vreg.gather [hbm4b:s29+s23], $0x80, v5, vm0, $0xb8;
	[tilespmem:$0x9200] =	vst v63  }
0x1fe: {  	v4 =	vadd.s32 v2, v4  }
0x1ff: {  	[tilespmem:s14], [sflag:$0x1] =	stream.indirect_vreg.gather [hbm4b:s30+s23], $0x80, v5, vm0, $0xb8;
	[tilespmem:$0x9200] =	vst v63  }
0x200: {  	_ = 	snop  }
0x201: {  	[tilespmem:s15], [sflag:$0x1] =	stream.indirect_vreg.gather [hbm4b:s31+s23], $0x80, v5, vm0, $0xb8;
	[tilespmem:$0x9200] =	vst v63  }
0x202: {  	_ = 	snop  }
0x203: {  	[tilespmem:s16], [sflag:$0x1] =	stream.indirect_vreg.gather [hbm4b:s0+s23], $0x80, v4, vm0, $0xb8;
	[tilespmem:$0x9200] =	vst v63  }
0x204: {  	_ = 	snop  }
0x205: {  	[tilespmem:s17], [sflag:$0x1] =	stream.indirect_vreg.gather [hbm4b:s29+s23], $0x80, v4, vm0, $0xb8;
	[tilespmem:$0x9200] =	vst v63  }
0x206: {  	_ = 	snop  }
0x207: {  	[tilespmem:s18], [sflag:$0x1] =	stream.indirect_vreg.gather [hbm4b:s30+s23], $0x80, v4, vm0, $0xb8;
	[tilespmem:$0x9200] =	vst v63  }
0x208: {  	_ = 	snop  }
0x209: {  	[tilespmem:s19], [sflag:$0x1] =	stream.indirect_vreg.gather [hbm4b:s31+s23], $0x80, v4, vm0, $0xb8;
	[tilespmem:$0x9200] =	vst v63  }
0x20a: {  	_ =	swait.ge [sflag:s21], $0x4000  }
0x20b: {  	[sflag:s21] =	ssyncset.done $0x0  }
0x20c: {  	[sflag:s21] =	ssyncadd.s32 $0xFFFFC000  }
0x20d: {  	s25 =	simm.s32 $0x0;
	v4 =	vld [tilespmem:$0x1C0]  }
.LBB2_20:
0x20e: {  	_ =	sdelay $0x1  }
0x20f: {  	v5 =	vmov s25  }
0x210: {  	vm1 =	veq.s32 v5, v0  }
0x211: {  	v5 =	vnsel vm1, $0x0, v4  }
0x212: {  	(xrf2) =	vadd.scan.msk.f32 $0xffff, v5;
	_ =	sdelay $0x4  }
0x213: {  	s26 =	sand.u32 $0x8, s25  }
0x214: {  	s20 =	simm.s32 $0x200;
	s1 =	sadd.s32 $0x0, s26  }
0x215: {  	s2 =	sshll.u32 s25, $0x7;
	s3 =	sand.u32 $0x70, s23;
	s1 =	sshll.u32 s1, $0xA  }
0x216: {  	s5 =	simm.s32 $0x600;
	s28 =	sand.u32 $0x380, s2;
	s1 =	sor.u32 s3, s1;
	v5 =	vld [tilespmem:s20+$0x0]  }
0x217: {  	v7 =	vld [tilespmem:s5+$0x0];
	s1 =	sor.u32 s28, s1  }
0x218: {  	v8 =	vld [tilespmem:s1+$0x5200];
	v6, _, _ =	vpop (xrf2)  }
0x219: {  	v9 =	vld [tilespmem:s1+$0x1200];
	v6 =	vbroadcast v6, $0xF;
	_ =	sdelay $0x1  }
0x21a: {  	v5 =	vmul.f32 v5, v6;
	_ =	sdelay $0x1  }
0x21b: {  	v7 =	vadd.f32 v7, v5  }
0x21c: {  	v8 =	vadd.f32 v8, v9  }
0x21d: {  	s4 =	simm.s32 $0x0;
	s2 =	simm.s32 $0x0;
	s3 =	simm.s32 $0x2;
	v5 =	vimm.f32 $0.0e+00;
	v9 =	vmax.f32 v7, $0.0e+00;
	v7 =	vimm.f32 $0.0e+00  }
.LBB2_21:
0x21e: {  	p0 =	sne.s32 s3, $0x3F;
	s4 =	sadd.s32 s26, s4;
	v8 =	vadd.f32 v9, v8;
	s2 =	sadd.s32 $0x10, s2  }
0x21f: {  	s7 =	sand.u32 $0x70, s2;
	s4 =	sshll.u32 s4, $0xA  }
0x220: {  	s20 =	sadd.s32 $0x10, s20;
	s4 =	sor.u32 s7, s4;
	[tilespmem:s1+$0x1200] =	vst v8;
	v5 =	vadd.f32 v8, v5;
	v8 =	vmul.f32 v8, v8  }
0x221: {  	s1 =	sor.u32 s28, s4;
	v9 =	vld [tilespmem:s20+$0x0]  }
0x222: {  	s5 =	sadd.s32 $0x10, s5;
	v10 =	vld [tilespmem:s1+$0x5200];
	v7 =	vadd.f32 v8, v7  }
0x223: {  	v8 =	vld [tilespmem:s5+$0x0]  }
0x224: {  	v11 =	vld [tilespmem:s1+$0x1200];
	_ =	sdelay $0x1  }
.Ltmp9:
0x225: {  	v9 =	vmul.f32 v9, v6;
	(pc) =	sbr.rel @p0 .LBB2_21-.Ltmp9, $4  }
0x226: {  	_ = 	snop  }
0x227: {  	v9 =	vadd.f32 v8, v9  }
0x228: {  	v8 =	vadd.f32 v10, v11  }
0x229: {  	s4 =	sshrl.u32 s3, $0x3;
	s3 =	sadd.s32 $0x1, s3;
	v9 =	vmax.f32 v9, $0.0e+00  }
0x22a: {  	v8 =	vadd.f32 v9, v8  }
0x22b: {  	s3 =	sadd.s32 s26, s4;
	s2 =	sadd.s32 $0x10, s2  }
0x22c: {  	s7 =	sadd.s32 $0x10, s20;
	s2 =	sand.u32 $0x70, s2;
	s3 =	sshll.u32 s3, $0xA;
	[tilespmem:s1+$0x1200] =	vst v8  }
0x22d: {  	s20 =	sadd.s32 $0x10, s5;
	s2 =	sor.u32 s2, s3;
	v9 =	vld [tilespmem:s7+$0x0]  }
0x22e: {  	s2 =	sor.u32 s28, s2;
	v11 =	vld [tilespmem:s20+$0x0]  }
0x22f: {  	v10 =	vld [tilespmem:s2+$0x5200]  }
0x230: {  	v12 =	vld [tilespmem:s2+$0x1200];
	_ =	sdelay $0x1  }
0x231: {  	v6 =	vmul.f32 v9, v6;
	_ =	sdelay $0x1  }
0x232: {  	v6 =	vadd.f32 v11, v6  }
0x233: {  	v9 =	vadd.f32 v10, v12  }
0x234: {  	v6 =	vmax.f32 v6, $0.0e+00  }
0x235: {  	v10 =	vmul.f32 v8, v8;
	v6 =	vadd.f32 v6, v9  }
0x236: {  	v5 =	vadd.f32 v8, v5  }
0x237: {  	v7 =	vadd.f32 v10, v7;
	v8 =	vmul.f32 v6, v6  }
0x238: {  	v5 =	vadd.f32 v6, v5  }
0x239: {  	v7 =	vadd.f32 v8, v7  }
0x23a: {  	(xrf2) =	vadd.scan.msk.f32 $0xffff, v5  }
0x23b: {  	(xrf2) =	vadd.scan.msk.f32 $0xffff, v7;
	_ =	sdelay $0x8  }
0x23c: {  	v5, _, _ =	vpop (xrf2)  }
0x23d: {  	(v2sf) =	vpush v5, $0xF;
	v5, _, _ =	vpop (xrf2)  }
0x23e: {  	(v2sf) =	vpush v5, $0xF;
	_ =	sdelay $0xd  }
0x23f: {  	s3 =	spop (v2sf)  }
0x240: {  	s1 =	smul.f32 $9.765625000e-04, s3;
	s4 =	spop (v2sf)  }
0x241: {  	s3 =	smul.f32 $9.765625000e-04, s4  }
0x242: {  	s5 =	smul.f32 s1, s1;
	_ =	sdelay $0x1  }
0x243: {  	s3 =	ssub.f32 s3, s5;
	_ =	sdelay $0x1  }
0x244: {  	s3 =	sadd.f32 $9.999999740e-06, s3;
	_ =	sdelay $0x1  }
0x245: {  	s7 =	sshrl.u32 s3, $0x1;
	s3 =	smul.f32 $5.000000000e-01, s3  }
0x246: {  	s4 =	ssub.s32 $0x5F3759DF, s7  }
0x247: {  	s20 =	smul.f32 s4, s3;
	_ =	sdelay $0x1  }
0x248: {  	s5 =	smul.f32 s4, s20;
	_ =	sdelay $0x1  }
0x249: {  	s5 =	ssub.f32 $1.500000000e+00, s5;
	_ =	sdelay $0x1  }
0x24a: {  	s4 =	smul.f32 s4, s5;
	_ =	sdelay $0x1  }
0x24b: {  	s5 =	smul.f32 s4, s3;
	_ =	sdelay $0x1  }
0x24c: {  	s5 =	smul.f32 s5, s4;
	_ =	sdelay $0x1  }
0x24d: {  	s5 =	ssub.f32 $1.500000000e+00, s5  }
0x24e: {  	s7 =	sadd.s32 $0x0, s26  }
0x24f: {  	s7 =	sshll.u32 s7, $0xA;
	s4 =	smul.f32 s5, s4  }
0x250: {  	s7 =	sand.u32 $0x3FFFFC00, s7  }
0x251: {  	s20 =	simm.s32 $0x0;
	s5 =	sadd.s32 $0x1200, s28;
	s3 =	smul.f32 s4, s3  }
0x252: {  	s28 =	sand.u32 $0x70, s20;
	s7 =	sadd.s32 s7, s5  }
0x253: {  	[tilespmem:s2+$0x1200] =	vst v6;
	s28 =	sadd.s32 s28, s7;
	s7 =	smul.f32 s3, s4  }
0x254: {  	v6 =	vld [tilespmem:s28+$0x0]  }
0x255: {  	s2 =	ssub.f32 $1.500000000e+00, s7;
	_ =	sdelay $0x1  }
0x256: {  	v5 =	vmov s1;
	s1 =	simm.s32 $0xA00;
	s2 =	smul.f32 s2, s4  }
0x257: {  	v8 =	vld [tilespmem:s1+$0x0]  }
0x258: {  	v9 =	vsub.f32 v6, v5;
	v6 =	vmov s2;
	s2 =	simm.s32 $0xE00  }
0x259: {  	v7 =	vld [tilespmem:s2+$0x0]  }
0x25a: {  	v9 =	vmul.f32 v9, v6  }
0x25b: {  	s3 =	simm.s32 $0x2;
	s4 =	simm.s32 $0x0  }
.LBB2_23:
0x25c: {  	p0 =	sne.s32 s3, $0x3F;
	s4 =	sadd.s32 s26, s4;
	v8 =	vmul.f32 v9, v8  }
0x25d: {  	s4 =	sshll.u32 s4, $0xA  }
0x25e: {  	s20 =	sadd.s32 $0x10, s20;
	s4 =	sand.u32 $0x3FFFFC00, s4;
	v7 =	vadd.f32 v8, v7  }
0x25f: {  	s7 =	sand.u32 $0x70, s20;
	s4 =	sadd.s32 s4, s5  }
0x260: {  	[tilespmem:s28+$0x0] =	vst v7;
	s28 =	sadd.s32 s7, s4  }
0x261: {  	v7 =	vld [tilespmem:s28+$0x0];
	_ =	sdelay $0x2  }
0x262: {  	s1 =	sadd.s32 $0x10, s1  }
.Ltmp10:
0x263: {  	v8 =	vld [tilespmem:s1+$0x0];
	(pc) =	sbr.rel @p0 .LBB2_23-.Ltmp10, $4  }
0x264: {  	s2 =	sadd.s32 $0x10, s2;
	v9 =	vsub.f32 v7, v5  }
0x265: {  	v7 =	vld [tilespmem:s2+$0x0]  }
0x266: {  	v9 =	vmul.f32 v9, v6  }
0x267: {  	s4 =	sshrl.u32 s3, $0x3;
	s3 =	sadd.s32 $0x1, s3  }
0x268: {  	s3 =	sadd.s32 s26, s4;
	v8 =	vmul.f32 v9, v8  }
0x269: {  	s3 =	sshll.u32 s3, $0xA  }
0x26a: {  	s26 =	sadd.s32 $0x10, s20;
	s3 =	sand.u32 $0x3FFFFC00, s3;
	v7 =	vadd.f32 v8, v7  }
0x26b: {  	s4 =	sand.u32 $0x70, s26;
	s3 =	sadd.s32 s3, s5  }
0x26c: {  	s3 =	sadd.s32 s4, s3;
	[tilespmem:s28+$0x0] =	vst v7  }
0x26d: {  	v7 =	vld [tilespmem:s3+$0x0];
	_ =	sdelay $0x2  }
0x26e: {  	s1 =	sadd.s32 $0x10, s1  }
0x26f: {  	v63 =	vld [tilespmem:s1+$0x0]  }
0x270: {  	s28 =	sadd.s32 $0x10, s2;
	v5 =	vsub.f32 v7, v5  }
0x271: {  	v7 =	vld [tilespmem:s28+$0x0]  }
0x272: {  	s25 =	sadd.s32 $0x1, s25;
	v5 =	vmul.f32 v5, v6  }
0x273: {  	p0 =	sne.s32 s25, $0x10  }
.Ltmp11:
0x274: {  	v5 =	vmul.f32 v5, v63;
	(pc) =	sbr.rel @p0 .LBB2_20-.Ltmp11, $3  }
0x275: {  	_ = 	snop  }
0x276: {  	v5 =	vadd.f32 v5, v7;
	_ =	sdelay $0x1  }
0x277: {  	[tilespmem:s3+$0x0] =	vst v5  }
0x278: {  	s23 =	simm.s32 $0x0;
	s1 =	rddreg [dreg:$0x13]  }
0x279: {  	[hbm4b:s1+s23] =	stream.linear.scatter [tilespmem:s12], [sflag:$0x2], $0x4000, $0x38;
	[tilespmem:$0x9200] =	vst v63  }
0x27a: {  	_ =	swait.ge [sflag:s10], $0x4000  }
0x27b: {  	[sflag:s10] =	ssyncset.done $0x0  }
0x27c: {  	s28 =	rddreg [dreg:$0x14];
	[sflag:s10] =	ssyncadd.s32 $0xFFFFC000  }
0x27d: {  	[tilespmem:s11], [sflag:$0x2] =	stream.linear.gather [hbm4b:s28+s23], $0x4000, $0x38;
	[tilespmem:$0x9200] =	vst v63  }
0x27e: {  	_ =	swait.ge [sflag:s10], $0x4000  }
0x27f: {  	[sflag:s10] =	ssyncset.done $0x0  }
0x280: {  	[sflag:s10] =	ssyncadd.s32 $0xFFFFC000  }
0x281: {  	v4 =	vld [tilespmem:$0x10];
	_ =	sdelay $0x4  }
0x282: {  	v5 =	vshll.u32 v4, $0x3  }
0x283: {  	v4 =	vand.u32 $0x7, v4;
	v5 =	vand.u32 $0xFFFFFFC0, v5  }
0x284: {  	v4 =	vor.u32 v4, v5  }
0x285: {  	v5 =	vperm.xlane v4, v1;
	_ =	sdelay $0x1  }
0x286: {  	v5 =	vadd.s32 v2, v5;
	_ =	sdelay $0x4  }
0x287: {  	[tilespmem:s12], [sflag:$0x1] =	stream.indirect_vreg.gather [hbm4b:s0+s23], $0x80, v5, vm0, $0xb8;
	[tilespmem:$0x9200] =	vst v63  }
0x288: {  	v4 =	vperm.xlane v4, v3  }
0x289: {  	[tilespmem:s13], [sflag:$0x1] =	stream.indirect_vreg.gather [hbm4b:s29+s23], $0x80, v5, vm0, $0xb8;
	[tilespmem:$0x9200] =	vst v63  }
0x28a: {  	v4 =	vadd.s32 v2, v4  }
0x28b: {  	[tilespmem:s14], [sflag:$0x1] =	stream.indirect_vreg.gather [hbm4b:s30+s23], $0x80, v5, vm0, $0xb8;
	[tilespmem:$0x9200] =	vst v63  }
0x28c: {  	_ = 	snop  }
0x28d: {  	[tilespmem:s15], [sflag:$0x1] =	stream.indirect_vreg.gather [hbm4b:s31+s23], $0x80, v5, vm0, $0xb8;
	[tilespmem:$0x9200] =	vst v63  }
0x28e: {  	_ = 	snop  }
0x28f: {  	[tilespmem:s16], [sflag:$0x1] =	stream.indirect_vreg.gather [hbm4b:s0+s23], $0x80, v4, vm0, $0xb8;
	[tilespmem:$0x9200] =	vst v63  }
0x290: {  	_ = 	snop  }
0x291: {  	[tilespmem:s17], [sflag:$0x1] =	stream.indirect_vreg.gather [hbm4b:s29+s23], $0x80, v4, vm0, $0xb8;
	[tilespmem:$0x9200] =	vst v63  }
0x292: {  	_ = 	snop  }
0x293: {  	[tilespmem:s18], [sflag:$0x1] =	stream.indirect_vreg.gather [hbm4b:s30+s23], $0x80, v4, vm0, $0xb8;
	[tilespmem:$0x9200] =	vst v63  }
0x294: {  	_ = 	snop  }
0x295: {  	[tilespmem:s19], [sflag:$0x1] =	stream.indirect_vreg.gather [hbm4b:s31+s23], $0x80, v4, vm0, $0xb8;
	[tilespmem:$0x9200] =	vst v63  }
0x296: {  	_ =	swait.ge [sflag:s21], $0x4000  }
0x297: {  	[sflag:s21] =	ssyncset.done $0x0  }
0x298: {  	[sflag:s21] =	ssyncadd.s32 $0xFFFFC000  }
0x299: {  	s25 =	simm.s32 $0x0;
	v4 =	vld [tilespmem:$0x110]  }
.LBB2_26:
0x29a: {  	_ =	sdelay $0x1  }
0x29b: {  	v5 =	vmov s25  }
0x29c: {  	vm1 =	veq.s32 v5, v0  }
0x29d: {  	v5 =	vnsel vm1, $0x0, v4  }
0x29e: {  	(xrf2) =	vadd.scan.msk.f32 $0xffff, v5;
	_ =	sdelay $0x4  }
0x29f: {  	s26 =	sand.u32 $0x8, s25  }
0x2a0: {  	s20 =	simm.s32 $0x200;
	s1 =	sadd.s32 $0x0, s26  }
0x2a1: {  	s2 =	sshll.u32 s25, $0x7;
	s3 =	sand.u32 $0x70, s23;
	s1 =	sshll.u32 s1, $0xA  }
0x2a2: {  	s5 =	simm.s32 $0x600;
	s28 =	sand.u32 $0x380, s2;
	s1 =	sor.u32 s3, s1;
	v5 =	vld [tilespmem:s20+$0x0]  }
0x2a3: {  	v7 =	vld [tilespmem:s5+$0x0];
	s1 =	sor.u32 s28, s1  }
0x2a4: {  	v8 =	vld [tilespmem:s1+$0x5200];
	v6, _, _ =	vpop (xrf2)  }
0x2a5: {  	v9 =	vld [tilespmem:s1+$0x1200];
	v6 =	vbroadcast v6, $0xF;
	_ =	sdelay $0x1  }
0x2a6: {  	v5 =	vmul.f32 v5, v6;
	_ =	sdelay $0x1  }
0x2a7: {  	v7 =	vadd.f32 v7, v5  }
0x2a8: {  	v8 =	vadd.f32 v8, v9  }
0x2a9: {  	s4 =	simm.s32 $0x0;
	s2 =	simm.s32 $0x0;
	s3 =	simm.s32 $0x2;
	v5 =	vimm.f32 $0.0e+00;
	v9 =	vmax.f32 v7, $0.0e+00;
	v7 =	vimm.f32 $0.0e+00  }
.LBB2_27:
0x2aa: {  	p0 =	sne.s32 s3, $0x3F;
	s4 =	sadd.s32 s26, s4;
	v8 =	vadd.f32 v9, v8;
	s2 =	sadd.s32 $0x10, s2  }
0x2ab: {  	s7 =	sand.u32 $0x70, s2;
	s4 =	sshll.u32 s4, $0xA  }
0x2ac: {  	s20 =	sadd.s32 $0x10, s20;
	s4 =	sor.u32 s7, s4;
	[tilespmem:s1+$0x1200] =	vst v8;
	v5 =	vadd.f32 v8, v5;
	v8 =	vmul.f32 v8, v8  }
0x2ad: {  	s1 =	sor.u32 s28, s4;
	v9 =	vld [tilespmem:s20+$0x0]  }
0x2ae: {  	s5 =	sadd.s32 $0x10, s5;
	v10 =	vld [tilespmem:s1+$0x5200];
	v7 =	vadd.f32 v8, v7  }
0x2af: {  	v8 =	vld [tilespmem:s5+$0x0]  }
0x2b0: {  	v11 =	vld [tilespmem:s1+$0x1200];
	_ =	sdelay $0x1  }
.Ltmp12:
0x2b1: {  	v9 =	vmul.f32 v9, v6;
	(pc) =	sbr.rel @p0 .LBB2_27-.Ltmp12, $4  }
0x2b2: {  	_ = 	snop  }
0x2b3: {  	v9 =	vadd.f32 v8, v9  }
0x2b4: {  	v8 =	vadd.f32 v10, v11  }
0x2b5: {  	s4 =	sshrl.u32 s3, $0x3;
	s3 =	sadd.s32 $0x1, s3;
	v9 =	vmax.f32 v9, $0.0e+00  }
0x2b6: {  	v8 =	vadd.f32 v9, v8  }
0x2b7: {  	s3 =	sadd.s32 s26, s4;
	s2 =	sadd.s32 $0x10, s2  }
0x2b8: {  	s7 =	sadd.s32 $0x10, s20;
	s2 =	sand.u32 $0x70, s2;
	s3 =	sshll.u32 s3, $0xA;
	[tilespmem:s1+$0x1200] =	vst v8  }
0x2b9: {  	s20 =	sadd.s32 $0x10, s5;
	s2 =	sor.u32 s2, s3;
	v9 =	vld [tilespmem:s7+$0x0]  }
0x2ba: {  	s2 =	sor.u32 s28, s2;
	v11 =	vld [tilespmem:s20+$0x0]  }
0x2bb: {  	v10 =	vld [tilespmem:s2+$0x5200]  }
0x2bc: {  	v12 =	vld [tilespmem:s2+$0x1200];
	_ =	sdelay $0x1  }
0x2bd: {  	v6 =	vmul.f32 v9, v6;
	_ =	sdelay $0x1  }
0x2be: {  	v6 =	vadd.f32 v11, v6  }
0x2bf: {  	v9 =	vadd.f32 v10, v12  }
0x2c0: {  	v6 =	vmax.f32 v6, $0.0e+00  }
0x2c1: {  	v10 =	vmul.f32 v8, v8;
	v6 =	vadd.f32 v6, v9  }
0x2c2: {  	v5 =	vadd.f32 v8, v5  }
0x2c3: {  	v7 =	vadd.f32 v10, v7;
	v8 =	vmul.f32 v6, v6  }
0x2c4: {  	v5 =	vadd.f32 v6, v5  }
0x2c5: {  	v7 =	vadd.f32 v8, v7  }
0x2c6: {  	(xrf2) =	vadd.scan.msk.f32 $0xffff, v5  }
0x2c7: {  	(xrf2) =	vadd.scan.msk.f32 $0xffff, v7;
	_ =	sdelay $0x8  }
0x2c8: {  	v5, _, _ =	vpop (xrf2)  }
0x2c9: {  	(v2sf) =	vpush v5, $0xF;
	v5, _, _ =	vpop (xrf2)  }
0x2ca: {  	(v2sf) =	vpush v5, $0xF;
	_ =	sdelay $0xd  }
0x2cb: {  	s3 =	spop (v2sf)  }
0x2cc: {  	s1 =	smul.f32 $9.765625000e-04, s3;
	s4 =	spop (v2sf)  }
0x2cd: {  	s3 =	smul.f32 $9.765625000e-04, s4  }
0x2ce: {  	s5 =	smul.f32 s1, s1;
	_ =	sdelay $0x1  }
0x2cf: {  	s3 =	ssub.f32 s3, s5;
	_ =	sdelay $0x1  }
0x2d0: {  	s3 =	sadd.f32 $9.999999740e-06, s3;
	_ =	sdelay $0x1  }
0x2d1: {  	s7 =	sshrl.u32 s3, $0x1;
	s3 =	smul.f32 $5.000000000e-01, s3  }
0x2d2: {  	s4 =	ssub.s32 $0x5F3759DF, s7  }
0x2d3: {  	s20 =	smul.f32 s4, s3;
	_ =	sdelay $0x1  }
0x2d4: {  	s5 =	smul.f32 s4, s20;
	_ =	sdelay $0x1  }
0x2d5: {  	s5 =	ssub.f32 $1.500000000e+00, s5;
	_ =	sdelay $0x1  }
0x2d6: {  	s4 =	smul.f32 s4, s5;
	_ =	sdelay $0x1  }
0x2d7: {  	s5 =	smul.f32 s4, s3;
	_ =	sdelay $0x1  }
0x2d8: {  	s5 =	smul.f32 s5, s4;
	_ =	sdelay $0x1  }
0x2d9: {  	s5 =	ssub.f32 $1.500000000e+00, s5  }
0x2da: {  	s7 =	sadd.s32 $0x0, s26  }
0x2db: {  	s7 =	sshll.u32 s7, $0xA;
	s4 =	smul.f32 s5, s4  }
0x2dc: {  	s7 =	sand.u32 $0x3FFFFC00, s7  }
0x2dd: {  	s20 =	simm.s32 $0x0;
	s5 =	sadd.s32 $0x1200, s28;
	s3 =	smul.f32 s4, s3  }
0x2de: {  	s28 =	sand.u32 $0x70, s20;
	s7 =	sadd.s32 s7, s5  }
0x2df: {  	[tilespmem:s2+$0x1200] =	vst v6;
	s28 =	sadd.s32 s28, s7;
	s7 =	smul.f32 s3, s4  }
0x2e0: {  	v6 =	vld [tilespmem:s28+$0x0]  }
0x2e1: {  	s2 =	ssub.f32 $1.500000000e+00, s7;
	_ =	sdelay $0x1  }
0x2e2: {  	v5 =	vmov s1;
	s1 =	simm.s32 $0xA00;
	s2 =	smul.f32 s2, s4  }
0x2e3: {  	v8 =	vld [tilespmem:s1+$0x0]  }
0x2e4: {  	v9 =	vsub.f32 v6, v5;
	v6 =	vmov s2;
	s2 =	simm.s32 $0xE00  }
0x2e5: {  	v7 =	vld [tilespmem:s2+$0x0]  }
0x2e6: {  	v9 =	vmul.f32 v9, v6  }
0x2e7: {  	s3 =	simm.s32 $0x2;
	s4 =	simm.s32 $0x0  }
.LBB2_29:
0x2e8: {  	p0 =	sne.s32 s3, $0x3F;
	s4 =	sadd.s32 s26, s4;
	v8 =	vmul.f32 v9, v8  }
0x2e9: {  	s4 =	sshll.u32 s4, $0xA  }
0x2ea: {  	s20 =	sadd.s32 $0x10, s20;
	s4 =	sand.u32 $0x3FFFFC00, s4;
	v7 =	vadd.f32 v8, v7  }
0x2eb: {  	s7 =	sand.u32 $0x70, s20;
	s4 =	sadd.s32 s4, s5  }
0x2ec: {  	[tilespmem:s28+$0x0] =	vst v7;
	s28 =	sadd.s32 s7, s4  }
0x2ed: {  	v7 =	vld [tilespmem:s28+$0x0];
	_ =	sdelay $0x2  }
0x2ee: {  	s1 =	sadd.s32 $0x10, s1  }
.Ltmp13:
0x2ef: {  	v8 =	vld [tilespmem:s1+$0x0];
	(pc) =	sbr.rel @p0 .LBB2_29-.Ltmp13, $4  }
0x2f0: {  	s2 =	sadd.s32 $0x10, s2;
	v9 =	vsub.f32 v7, v5  }
0x2f1: {  	v7 =	vld [tilespmem:s2+$0x0]  }
0x2f2: {  	v9 =	vmul.f32 v9, v6  }
0x2f3: {  	s4 =	sshrl.u32 s3, $0x3;
	s3 =	sadd.s32 $0x1, s3  }
0x2f4: {  	s3 =	sadd.s32 s26, s4;
	v8 =	vmul.f32 v9, v8  }
0x2f5: {  	s3 =	sshll.u32 s3, $0xA  }
0x2f6: {  	s26 =	sadd.s32 $0x10, s20;
	s3 =	sand.u32 $0x3FFFFC00, s3;
	v7 =	vadd.f32 v8, v7  }
0x2f7: {  	s4 =	sand.u32 $0x70, s26;
	s3 =	sadd.s32 s3, s5  }
0x2f8: {  	s3 =	sadd.s32 s4, s3;
	[tilespmem:s28+$0x0] =	vst v7  }
0x2f9: {  	v7 =	vld [tilespmem:s3+$0x0];
	_ =	sdelay $0x2  }
0x2fa: {  	s1 =	sadd.s32 $0x10, s1  }
0x2fb: {  	v63 =	vld [tilespmem:s1+$0x0]  }
0x2fc: {  	s28 =	sadd.s32 $0x10, s2;
	v5 =	vsub.f32 v7, v5  }
0x2fd: {  	v7 =	vld [tilespmem:s28+$0x0]  }
0x2fe: {  	s25 =	sadd.s32 $0x1, s25;
	v5 =	vmul.f32 v5, v6  }
0x2ff: {  	p0 =	sne.s32 s25, $0x10  }
.Ltmp14:
0x300: {  	v5 =	vmul.f32 v5, v63;
	(pc) =	sbr.rel @p0 .LBB2_26-.Ltmp14, $3  }
0x301: {  	_ = 	snop  }
0x302: {  	v5 =	vadd.f32 v5, v7;
	_ =	sdelay $0x1  }
0x303: {  	[tilespmem:s3+$0x0] =	vst v5  }
0x304: {  	s23 =	simm.s32 $0x0;
	s1 =	rddreg [dreg:$0x15]  }
0x305: {  	[hbm4b:s1+s23] =	stream.linear.scatter [tilespmem:s12], [sflag:$0x2], $0x4000, $0x38;
	[tilespmem:$0x9200] =	vst v63  }
0x306: {  	_ =	swait.ge [sflag:s10], $0x4000  }
0x307: {  	[sflag:s10] =	ssyncset.done $0x0  }
0x308: {  	[sflag:s10] =	ssyncadd.s32 $0xFFFFC000  }
0x309: {  	v4 =	vld [tilespmem:$0x50];
	_ =	sdelay $0x4  }
0x30a: {  	v5 =	vshll.u32 v4, $0x3  }
0x30b: {  	v4 =	vand.u32 $0x7, v4;
	v5 =	vand.u32 $0xFFFFFFC0, v5  }
0x30c: {  	v4 =	vor.u32 v4, v5  }
0x30d: {  	v5 =	vperm.xlane v4, v1;
	_ =	sdelay $0x1  }
0x30e: {  	v5 =	vadd.s32 v2, v5;
	_ =	sdelay $0x4  }
0x30f: {  	[tilespmem:s12], [sflag:$0x1] =	stream.indirect_vreg.gather [hbm4b:s0+s23], $0x80, v5, vm0, $0xb8;
	[tilespmem:$0x9200] =	vst v63  }
0x310: {  	v4 =	vperm.xlane v4, v3  }
0x311: {  	[tilespmem:s13], [sflag:$0x1] =	stream.indirect_vreg.gather [hbm4b:s29+s23], $0x80, v5, vm0, $0xb8;
	[tilespmem:$0x9200] =	vst v63  }
0x312: {  	v4 =	vadd.s32 v2, v4  }
0x313: {  	[tilespmem:s14], [sflag:$0x1] =	stream.indirect_vreg.gather [hbm4b:s30+s23], $0x80, v5, vm0, $0xb8;
	[tilespmem:$0x9200] =	vst v63  }
0x314: {  	_ = 	snop  }
0x315: {  	[tilespmem:s15], [sflag:$0x1] =	stream.indirect_vreg.gather [hbm4b:s31+s23], $0x80, v5, vm0, $0xb8;
	[tilespmem:$0x9200] =	vst v63  }
0x316: {  	_ = 	snop  }
0x317: {  	[tilespmem:s16], [sflag:$0x1] =	stream.indirect_vreg.gather [hbm4b:s0+s23], $0x80, v4, vm0, $0xb8;
	[tilespmem:$0x9200] =	vst v63  }
0x318: {  	_ = 	snop  }
0x319: {  	[tilespmem:s17], [sflag:$0x1] =	stream.indirect_vreg.gather [hbm4b:s29+s23], $0x80, v4, vm0, $0xb8;
	[tilespmem:$0x9200] =	vst v63  }
0x31a: {  	_ = 	snop  }
0x31b: {  	[tilespmem:s18], [sflag:$0x1] =	stream.indirect_vreg.gather [hbm4b:s30+s23], $0x80, v4, vm0, $0xb8;
	[tilespmem:$0x9200] =	vst v63  }
0x31c: {  	_ = 	snop  }
0x31d: {  	[tilespmem:s19], [sflag:$0x1] =	stream.indirect_vreg.gather [hbm4b:s31+s23], $0x80, v4, vm0, $0xb8;
	[tilespmem:$0x9200] =	vst v63  }
0x31e: {  	_ =	swait.ge [sflag:s21], $0x4000  }
0x31f: {  	[sflag:s21] =	ssyncset.done $0x0  }
0x320: {  	[sflag:s21] =	ssyncadd.s32 $0xFFFFC000  }
0x321: {  	s25 =	simm.s32 $0x0;
	v4 =	vld [tilespmem:$0x150]  }
.LBB2_32:
0x322: {  	_ =	sdelay $0x1  }
0x323: {  	v5 =	vmov s25  }
0x324: {  	vm1 =	veq.s32 v5, v0  }
0x325: {  	v5 =	vnsel vm1, $0x0, v4  }
0x326: {  	(xrf2) =	vadd.scan.msk.f32 $0xffff, v5;
	_ =	sdelay $0x4  }
0x327: {  	s26 =	sand.u32 $0x8, s25  }
0x328: {  	s20 =	simm.s32 $0x200;
	s1 =	sadd.s32 $0x0, s26  }
0x329: {  	s2 =	sshll.u32 s25, $0x7;
	s3 =	sand.u32 $0x70, s23;
	s1 =	sshll.u32 s1, $0xA  }
0x32a: {  	s5 =	simm.s32 $0x600;
	s28 =	sand.u32 $0x380, s2;
	s1 =	sor.u32 s3, s1;
	v5 =	vld [tilespmem:s20+$0x0]  }
0x32b: {  	v7 =	vld [tilespmem:s5+$0x0];
	s1 =	sor.u32 s28, s1  }
0x32c: {  	v8 =	vld [tilespmem:s1+$0x5200];
	v6, _, _ =	vpop (xrf2)  }
0x32d: {  	v9 =	vld [tilespmem:s1+$0x1200];
	v6 =	vbroadcast v6, $0xF;
	_ =	sdelay $0x1  }
0x32e: {  	v5 =	vmul.f32 v5, v6;
	_ =	sdelay $0x1  }
0x32f: {  	v7 =	vadd.f32 v7, v5  }
0x330: {  	v8 =	vadd.f32 v8, v9  }
0x331: {  	s4 =	simm.s32 $0x0;
	s2 =	simm.s32 $0x0;
	s3 =	simm.s32 $0x2;
	v5 =	vimm.f32 $0.0e+00;
	v9 =	vmax.f32 v7, $0.0e+00;
	v7 =	vimm.f32 $0.0e+00  }
.LBB2_33:
0x332: {  	p0 =	sne.s32 s3, $0x3F;
	s4 =	sadd.s32 s26, s4;
	v8 =	vadd.f32 v9, v8;
	s2 =	sadd.s32 $0x10, s2  }
0x333: {  	s7 =	sand.u32 $0x70, s2;
	s4 =	sshll.u32 s4, $0xA  }
0x334: {  	s20 =	sadd.s32 $0x10, s20;
	s4 =	sor.u32 s7, s4;
	[tilespmem:s1+$0x1200] =	vst v8;
	v5 =	vadd.f32 v8, v5;
	v8 =	vmul.f32 v8, v8  }
0x335: {  	s1 =	sor.u32 s28, s4;
	v9 =	vld [tilespmem:s20+$0x0]  }
0x336: {  	s5 =	sadd.s32 $0x10, s5;
	v10 =	vld [tilespmem:s1+$0x5200];
	v7 =	vadd.f32 v8, v7  }
0x337: {  	v8 =	vld [tilespmem:s5+$0x0]  }
0x338: {  	v11 =	vld [tilespmem:s1+$0x1200];
	_ =	sdelay $0x1  }
.Ltmp15:
0x339: {  	v9 =	vmul.f32 v9, v6;
	(pc) =	sbr.rel @p0 .LBB2_33-.Ltmp15, $4  }
0x33a: {  	_ = 	snop  }
0x33b: {  	v9 =	vadd.f32 v8, v9  }
0x33c: {  	v8 =	vadd.f32 v10, v11  }
0x33d: {  	s4 =	sshrl.u32 s3, $0x3;
	s3 =	sadd.s32 $0x1, s3;
	v9 =	vmax.f32 v9, $0.0e+00  }
0x33e: {  	v8 =	vadd.f32 v9, v8  }
0x33f: {  	s3 =	sadd.s32 s26, s4;
	s2 =	sadd.s32 $0x10, s2  }
0x340: {  	s7 =	sadd.s32 $0x10, s20;
	s2 =	sand.u32 $0x70, s2;
	s3 =	sshll.u32 s3, $0xA;
	[tilespmem:s1+$0x1200] =	vst v8  }
0x341: {  	s20 =	sadd.s32 $0x10, s5;
	s2 =	sor.u32 s2, s3;
	v9 =	vld [tilespmem:s7+$0x0]  }
0x342: {  	s2 =	sor.u32 s28, s2;
	v11 =	vld [tilespmem:s20+$0x0]  }
0x343: {  	v10 =	vld [tilespmem:s2+$0x5200]  }
0x344: {  	v12 =	vld [tilespmem:s2+$0x1200];
	_ =	sdelay $0x1  }
0x345: {  	v6 =	vmul.f32 v9, v6;
	_ =	sdelay $0x1  }
0x346: {  	v6 =	vadd.f32 v11, v6  }
0x347: {  	v9 =	vadd.f32 v10, v12  }
0x348: {  	v6 =	vmax.f32 v6, $0.0e+00  }
0x349: {  	v10 =	vmul.f32 v8, v8;
	v6 =	vadd.f32 v6, v9  }
0x34a: {  	v5 =	vadd.f32 v8, v5  }
0x34b: {  	v7 =	vadd.f32 v10, v7;
	v8 =	vmul.f32 v6, v6  }
0x34c: {  	v5 =	vadd.f32 v6, v5  }
0x34d: {  	v7 =	vadd.f32 v8, v7  }
0x34e: {  	(xrf2) =	vadd.scan.msk.f32 $0xffff, v5  }
0x34f: {  	(xrf2) =	vadd.scan.msk.f32 $0xffff, v7;
	_ =	sdelay $0x8  }
0x350: {  	v5, _, _ =	vpop (xrf2)  }
0x351: {  	(v2sf) =	vpush v5, $0xF;
	v5, _, _ =	vpop (xrf2)  }
0x352: {  	(v2sf) =	vpush v5, $0xF;
	_ =	sdelay $0xd  }
0x353: {  	s3 =	spop (v2sf)  }
0x354: {  	s1 =	smul.f32 $9.765625000e-04, s3;
	s4 =	spop (v2sf)  }
0x355: {  	s3 =	smul.f32 $9.765625000e-04, s4  }
0x356: {  	s5 =	smul.f32 s1, s1;
	_ =	sdelay $0x1  }
0x357: {  	s3 =	ssub.f32 s3, s5;
	_ =	sdelay $0x1  }
0x358: {  	s3 =	sadd.f32 $9.999999740e-06, s3;
	_ =	sdelay $0x1  }
0x359: {  	s7 =	sshrl.u32 s3, $0x1;
	s3 =	smul.f32 $5.000000000e-01, s3  }
0x35a: {  	s4 =	ssub.s32 $0x5F3759DF, s7  }
0x35b: {  	s20 =	smul.f32 s4, s3;
	_ =	sdelay $0x1  }
0x35c: {  	s5 =	smul.f32 s4, s20;
	_ =	sdelay $0x1  }
0x35d: {  	s5 =	ssub.f32 $1.500000000e+00, s5;
	_ =	sdelay $0x1  }
0x35e: {  	s4 =	smul.f32 s4, s5;
	_ =	sdelay $0x1  }
0x35f: {  	s5 =	smul.f32 s4, s3;
	_ =	sdelay $0x1  }
0x360: {  	s5 =	smul.f32 s5, s4;
	_ =	sdelay $0x1  }
0x361: {  	s5 =	ssub.f32 $1.500000000e+00, s5  }
0x362: {  	s7 =	sadd.s32 $0x0, s26  }
0x363: {  	s7 =	sshll.u32 s7, $0xA;
	s4 =	smul.f32 s5, s4  }
0x364: {  	s7 =	sand.u32 $0x3FFFFC00, s7  }
0x365: {  	s20 =	simm.s32 $0x0;
	s5 =	sadd.s32 $0x1200, s28;
	s3 =	smul.f32 s4, s3  }
0x366: {  	s28 =	sand.u32 $0x70, s20;
	s7 =	sadd.s32 s7, s5  }
0x367: {  	[tilespmem:s2+$0x1200] =	vst v6;
	s28 =	sadd.s32 s28, s7;
	s7 =	smul.f32 s3, s4  }
0x368: {  	v6 =	vld [tilespmem:s28+$0x0]  }
0x369: {  	s2 =	ssub.f32 $1.500000000e+00, s7;
	_ =	sdelay $0x1  }
0x36a: {  	v5 =	vmov s1;
	s1 =	simm.s32 $0xA00;
	s2 =	smul.f32 s2, s4  }
0x36b: {  	v8 =	vld [tilespmem:s1+$0x0]  }
0x36c: {  	v9 =	vsub.f32 v6, v5;
	v6 =	vmov s2;
	s2 =	simm.s32 $0xE00  }
0x36d: {  	v7 =	vld [tilespmem:s2+$0x0]  }
0x36e: {  	v9 =	vmul.f32 v9, v6  }
0x36f: {  	s3 =	simm.s32 $0x2;
	s4 =	simm.s32 $0x0  }
.LBB2_35:
0x370: {  	p0 =	sne.s32 s3, $0x3F;
	s4 =	sadd.s32 s26, s4;
	v8 =	vmul.f32 v9, v8  }
0x371: {  	s4 =	sshll.u32 s4, $0xA  }
0x372: {  	s20 =	sadd.s32 $0x10, s20;
	s4 =	sand.u32 $0x3FFFFC00, s4;
	v7 =	vadd.f32 v8, v7  }
0x373: {  	s7 =	sand.u32 $0x70, s20;
	s4 =	sadd.s32 s4, s5  }
0x374: {  	[tilespmem:s28+$0x0] =	vst v7;
	s28 =	sadd.s32 s7, s4  }
0x375: {  	v7 =	vld [tilespmem:s28+$0x0];
	_ =	sdelay $0x2  }
0x376: {  	s1 =	sadd.s32 $0x10, s1  }
.Ltmp16:
0x377: {  	v8 =	vld [tilespmem:s1+$0x0];
	(pc) =	sbr.rel @p0 .LBB2_35-.Ltmp16, $4  }
0x378: {  	s2 =	sadd.s32 $0x10, s2;
	v9 =	vsub.f32 v7, v5  }
0x379: {  	v7 =	vld [tilespmem:s2+$0x0]  }
0x37a: {  	v9 =	vmul.f32 v9, v6  }
0x37b: {  	s4 =	sshrl.u32 s3, $0x3;
	s3 =	sadd.s32 $0x1, s3  }
0x37c: {  	s3 =	sadd.s32 s26, s4;
	v8 =	vmul.f32 v9, v8  }
0x37d: {  	s3 =	sshll.u32 s3, $0xA  }
0x37e: {  	s26 =	sadd.s32 $0x10, s20;
	s3 =	sand.u32 $0x3FFFFC00, s3;
	v7 =	vadd.f32 v8, v7  }
0x37f: {  	s4 =	sand.u32 $0x70, s26;
	s3 =	sadd.s32 s3, s5  }
0x380: {  	s3 =	sadd.s32 s4, s3;
	[tilespmem:s28+$0x0] =	vst v7  }
0x381: {  	v7 =	vld [tilespmem:s3+$0x0];
	_ =	sdelay $0x2  }
0x382: {  	s1 =	sadd.s32 $0x10, s1  }
0x383: {  	v63 =	vld [tilespmem:s1+$0x0]  }
0x384: {  	s28 =	sadd.s32 $0x10, s2;
	v5 =	vsub.f32 v7, v5  }
0x385: {  	v7 =	vld [tilespmem:s28+$0x0]  }
0x386: {  	s25 =	sadd.s32 $0x1, s25;
	v5 =	vmul.f32 v5, v6  }
0x387: {  	p0 =	sne.s32 s25, $0x10  }
.Ltmp17:
0x388: {  	v5 =	vmul.f32 v5, v63;
	(pc) =	sbr.rel @p0 .LBB2_32-.Ltmp17, $3  }
0x389: {  	_ = 	snop  }
0x38a: {  	v5 =	vadd.f32 v5, v7;
	_ =	sdelay $0x1  }
0x38b: {  	[tilespmem:s3+$0x0] =	vst v5  }
0x38c: {  	s23 =	simm.s32 $0x0;
	s1 =	rddreg [dreg:$0x1c]  }
0x38d: {  	[hbm4b:s1+s23] =	stream.linear.scatter [tilespmem:s12], [sflag:$0x2], $0x4000, $0x38;
	[tilespmem:$0x9200] =	vst v63  }
0x38e: {  	_ =	swait.ge [sflag:s10], $0x4000  }
0x38f: {  	[sflag:s10] =	ssyncset.done $0x0  }
0x390: {  	[sflag:s10] =	ssyncadd.s32 $0xFFFFC000  }
0x391: {  	v4 =	vld [tilespmem:$0x90];
	_ =	sdelay $0x4  }
0x392: {  	v5 =	vshll.u32 v4, $0x3  }
0x393: {  	v4 =	vand.u32 $0x7, v4;
	v5 =	vand.u32 $0xFFFFFFC0, v5  }
0x394: {  	v4 =	vor.u32 v4, v5  }
0x395: {  	v5 =	vperm.xlane v4, v1;
	_ =	sdelay $0x1  }
0x396: {  	v5 =	vadd.s32 v2, v5;
	_ =	sdelay $0x4  }
0x397: {  	[tilespmem:s12], [sflag:$0x1] =	stream.indirect_vreg.gather [hbm4b:s0+s23], $0x80, v5, vm0, $0xb8;
	[tilespmem:$0x9200] =	vst v63  }
0x398: {  	v4 =	vperm.xlane v4, v3  }
0x399: {  	[tilespmem:s13], [sflag:$0x1] =	stream.indirect_vreg.gather [hbm4b:s29+s23], $0x80, v5, vm0, $0xb8;
	[tilespmem:$0x9200] =	vst v63  }
0x39a: {  	v4 =	vadd.s32 v2, v4  }
0x39b: {  	[tilespmem:s14], [sflag:$0x1] =	stream.indirect_vreg.gather [hbm4b:s30+s23], $0x80, v5, vm0, $0xb8;
	[tilespmem:$0x9200] =	vst v63  }
0x39c: {  	_ = 	snop  }
0x39d: {  	[tilespmem:s15], [sflag:$0x1] =	stream.indirect_vreg.gather [hbm4b:s31+s23], $0x80, v5, vm0, $0xb8;
	[tilespmem:$0x9200] =	vst v63  }
0x39e: {  	_ = 	snop  }
0x39f: {  	[tilespmem:s16], [sflag:$0x1] =	stream.indirect_vreg.gather [hbm4b:s0+s23], $0x80, v4, vm0, $0xb8;
	[tilespmem:$0x9200] =	vst v63  }
0x3a0: {  	_ = 	snop  }
0x3a1: {  	[tilespmem:s17], [sflag:$0x1] =	stream.indirect_vreg.gather [hbm4b:s29+s23], $0x80, v4, vm0, $0xb8;
	[tilespmem:$0x9200] =	vst v63  }
0x3a2: {  	_ = 	snop  }
0x3a3: {  	[tilespmem:s18], [sflag:$0x1] =	stream.indirect_vreg.gather [hbm4b:s30+s23], $0x80, v4, vm0, $0xb8;
	[tilespmem:$0x9200] =	vst v63  }
0x3a4: {  	_ = 	snop  }
0x3a5: {  	[tilespmem:s19], [sflag:$0x1] =	stream.indirect_vreg.gather [hbm4b:s31+s23], $0x80, v4, vm0, $0xb8;
	[tilespmem:$0x9200] =	vst v63  }
0x3a6: {  	_ =	swait.ge [sflag:s21], $0x4000  }
0x3a7: {  	[sflag:s21] =	ssyncset.done $0x0  }
0x3a8: {  	[sflag:s21] =	ssyncadd.s32 $0xFFFFC000  }
0x3a9: {  	s25 =	simm.s32 $0x0;
	v4 =	vld [tilespmem:$0x190]  }
.LBB2_38:
0x3aa: {  	_ =	sdelay $0x1  }
0x3ab: {  	v5 =	vmov s25  }
0x3ac: {  	vm1 =	veq.s32 v5, v0  }
0x3ad: {  	v5 =	vnsel vm1, $0x0, v4  }
0x3ae: {  	(xrf2) =	vadd.scan.msk.f32 $0xffff, v5;
	_ =	sdelay $0x4  }
0x3af: {  	s26 =	sand.u32 $0x8, s25  }
0x3b0: {  	s20 =	simm.s32 $0x200;
	s1 =	sadd.s32 $0x0, s26  }
0x3b1: {  	s2 =	sshll.u32 s25, $0x7;
	s3 =	sand.u32 $0x70, s23;
	s1 =	sshll.u32 s1, $0xA  }
0x3b2: {  	s5 =	simm.s32 $0x600;
	s28 =	sand.u32 $0x380, s2;
	s1 =	sor.u32 s3, s1;
	v5 =	vld [tilespmem:s20+$0x0]  }
0x3b3: {  	v7 =	vld [tilespmem:s5+$0x0];
	s1 =	sor.u32 s28, s1  }
0x3b4: {  	v8 =	vld [tilespmem:s1+$0x5200];
	v6, _, _ =	vpop (xrf2)  }
0x3b5: {  	v9 =	vld [tilespmem:s1+$0x1200];
	v6 =	vbroadcast v6, $0xF;
	_ =	sdelay $0x1  }
0x3b6: {  	v5 =	vmul.f32 v5, v6;
	_ =	sdelay $0x1  }
0x3b7: {  	v7 =	vadd.f32 v7, v5  }
0x3b8: {  	v8 =	vadd.f32 v8, v9  }
0x3b9: {  	s4 =	simm.s32 $0x0;
	s2 =	simm.s32 $0x0;
	s3 =	simm.s32 $0x2;
	v5 =	vimm.f32 $0.0e+00;
	v9 =	vmax.f32 v7, $0.0e+00;
	v7 =	vimm.f32 $0.0e+00  }
.LBB2_39:
0x3ba: {  	p0 =	sne.s32 s3, $0x3F;
	s4 =	sadd.s32 s26, s4;
	v8 =	vadd.f32 v9, v8;
	s2 =	sadd.s32 $0x10, s2  }
0x3bb: {  	s7 =	sand.u32 $0x70, s2;
	s4 =	sshll.u32 s4, $0xA  }
0x3bc: {  	s20 =	sadd.s32 $0x10, s20;
	s4 =	sor.u32 s7, s4;
	[tilespmem:s1+$0x1200] =	vst v8;
	v5 =	vadd.f32 v8, v5;
	v8 =	vmul.f32 v8, v8  }
0x3bd: {  	s1 =	sor.u32 s28, s4;
	v9 =	vld [tilespmem:s20+$0x0]  }
0x3be: {  	s5 =	sadd.s32 $0x10, s5;
	v10 =	vld [tilespmem:s1+$0x5200];
	v7 =	vadd.f32 v8, v7  }
0x3bf: {  	v8 =	vld [tilespmem:s5+$0x0]  }
0x3c0: {  	v11 =	vld [tilespmem:s1+$0x1200];
	_ =	sdelay $0x1  }
.Ltmp18:
0x3c1: {  	v9 =	vmul.f32 v9, v6;
	(pc) =	sbr.rel @p0 .LBB2_39-.Ltmp18, $4  }
0x3c2: {  	_ = 	snop  }
0x3c3: {  	v9 =	vadd.f32 v8, v9  }
0x3c4: {  	v8 =	vadd.f32 v10, v11  }
0x3c5: {  	s4 =	sshrl.u32 s3, $0x3;
	s3 =	sadd.s32 $0x1, s3;
	v9 =	vmax.f32 v9, $0.0e+00  }
0x3c6: {  	v8 =	vadd.f32 v9, v8  }
0x3c7: {  	s3 =	sadd.s32 s26, s4;
	s2 =	sadd.s32 $0x10, s2  }
0x3c8: {  	s7 =	sadd.s32 $0x10, s20;
	s2 =	sand.u32 $0x70, s2;
	s3 =	sshll.u32 s3, $0xA;
	[tilespmem:s1+$0x1200] =	vst v8  }
0x3c9: {  	s20 =	sadd.s32 $0x10, s5;
	s2 =	sor.u32 s2, s3;
	v9 =	vld [tilespmem:s7+$0x0]  }
0x3ca: {  	s2 =	sor.u32 s28, s2;
	v11 =	vld [tilespmem:s20+$0x0]  }
0x3cb: {  	v10 =	vld [tilespmem:s2+$0x5200]  }
0x3cc: {  	v12 =	vld [tilespmem:s2+$0x1200];
	_ =	sdelay $0x1  }
0x3cd: {  	v6 =	vmul.f32 v9, v6;
	_ =	sdelay $0x1  }
0x3ce: {  	v6 =	vadd.f32 v11, v6  }
0x3cf: {  	v9 =	vadd.f32 v10, v12  }
0x3d0: {  	v6 =	vmax.f32 v6, $0.0e+00  }
0x3d1: {  	v10 =	vmul.f32 v8, v8;
	v6 =	vadd.f32 v6, v9  }
0x3d2: {  	v5 =	vadd.f32 v8, v5  }
0x3d3: {  	v7 =	vadd.f32 v10, v7;
	v8 =	vmul.f32 v6, v6  }
0x3d4: {  	v5 =	vadd.f32 v6, v5  }
0x3d5: {  	v7 =	vadd.f32 v8, v7  }
0x3d6: {  	(xrf2) =	vadd.scan.msk.f32 $0xffff, v5  }
0x3d7: {  	(xrf2) =	vadd.scan.msk.f32 $0xffff, v7;
	_ =	sdelay $0x8  }
0x3d8: {  	v5, _, _ =	vpop (xrf2)  }
0x3d9: {  	(v2sf) =	vpush v5, $0xF;
	v5, _, _ =	vpop (xrf2)  }
0x3da: {  	(v2sf) =	vpush v5, $0xF;
	_ =	sdelay $0xd  }
0x3db: {  	s3 =	spop (v2sf)  }
0x3dc: {  	s1 =	smul.f32 $9.765625000e-04, s3;
	s4 =	spop (v2sf)  }
0x3dd: {  	s3 =	smul.f32 $9.765625000e-04, s4  }
0x3de: {  	s5 =	smul.f32 s1, s1;
	_ =	sdelay $0x1  }
0x3df: {  	s3 =	ssub.f32 s3, s5;
	_ =	sdelay $0x1  }
0x3e0: {  	s3 =	sadd.f32 $9.999999740e-06, s3;
	_ =	sdelay $0x1  }
0x3e1: {  	s7 =	sshrl.u32 s3, $0x1;
	s3 =	smul.f32 $5.000000000e-01, s3  }
0x3e2: {  	s4 =	ssub.s32 $0x5F3759DF, s7  }
0x3e3: {  	s20 =	smul.f32 s4, s3;
	_ =	sdelay $0x1  }
0x3e4: {  	s5 =	smul.f32 s4, s20;
	_ =	sdelay $0x1  }
0x3e5: {  	s5 =	ssub.f32 $1.500000000e+00, s5;
	_ =	sdelay $0x1  }
0x3e6: {  	s4 =	smul.f32 s4, s5;
	_ =	sdelay $0x1  }
0x3e7: {  	s5 =	smul.f32 s4, s3;
	_ =	sdelay $0x1  }
0x3e8: {  	s5 =	smul.f32 s5, s4;
	_ =	sdelay $0x1  }
0x3e9: {  	s5 =	ssub.f32 $1.500000000e+00, s5  }
0x3ea: {  	s7 =	sadd.s32 $0x0, s26  }
0x3eb: {  	s7 =	sshll.u32 s7, $0xA;
	s4 =	smul.f32 s5, s4  }
0x3ec: {  	s7 =	sand.u32 $0x3FFFFC00, s7  }
0x3ed: {  	s20 =	simm.s32 $0x0;
	s5 =	sadd.s32 $0x1200, s28;
	s3 =	smul.f32 s4, s3  }
0x3ee: {  	s28 =	sand.u32 $0x70, s20;
	s7 =	sadd.s32 s7, s5  }
0x3ef: {  	[tilespmem:s2+$0x1200] =	vst v6;
	s28 =	sadd.s32 s28, s7;
	s7 =	smul.f32 s3, s4  }
0x3f0: {  	v6 =	vld [tilespmem:s28+$0x0]  }
0x3f1: {  	s2 =	ssub.f32 $1.500000000e+00, s7;
	_ =	sdelay $0x1  }
0x3f2: {  	v5 =	vmov s1;
	s1 =	simm.s32 $0xA00;
	s2 =	smul.f32 s2, s4  }
0x3f3: {  	v8 =	vld [tilespmem:s1+$0x0]  }
0x3f4: {  	v9 =	vsub.f32 v6, v5;
	v6 =	vmov s2;
	s2 =	simm.s32 $0xE00  }
0x3f5: {  	v7 =	vld [tilespmem:s2+$0x0]  }
0x3f6: {  	v9 =	vmul.f32 v9, v6  }
0x3f7: {  	s3 =	simm.s32 $0x2;
	s4 =	simm.s32 $0x0  }
.LBB2_41:
0x3f8: {  	p0 =	sne.s32 s3, $0x3F;
	s4 =	sadd.s32 s26, s4;
	v8 =	vmul.f32 v9, v8  }
0x3f9: {  	s4 =	sshll.u32 s4, $0xA  }
0x3fa: {  	s20 =	sadd.s32 $0x10, s20;
	s4 =	sand.u32 $0x3FFFFC00, s4;
	v7 =	vadd.f32 v8, v7  }
0x3fb: {  	s7 =	sand.u32 $0x70, s20;
	s4 =	sadd.s32 s4, s5  }
0x3fc: {  	[tilespmem:s28+$0x0] =	vst v7;
	s28 =	sadd.s32 s7, s4  }
0x3fd: {  	v7 =	vld [tilespmem:s28+$0x0];
	_ =	sdelay $0x2  }
0x3fe: {  	s1 =	sadd.s32 $0x10, s1  }
.Ltmp19:
0x3ff: {  	v8 =	vld [tilespmem:s1+$0x0];
	(pc) =	sbr.rel @p0 .LBB2_41-.Ltmp19, $4  }
0x400: {  	s2 =	sadd.s32 $0x10, s2;
	v9 =	vsub.f32 v7, v5  }
0x401: {  	v7 =	vld [tilespmem:s2+$0x0]  }
0x402: {  	v9 =	vmul.f32 v9, v6  }
0x403: {  	s4 =	sshrl.u32 s3, $0x3;
	s3 =	sadd.s32 $0x1, s3  }
0x404: {  	s3 =	sadd.s32 s26, s4;
	v8 =	vmul.f32 v9, v8  }
0x405: {  	s3 =	sshll.u32 s3, $0xA  }
0x406: {  	s26 =	sadd.s32 $0x10, s20;
	s3 =	sand.u32 $0x3FFFFC00, s3;
	v7 =	vadd.f32 v8, v7  }
0x407: {  	s4 =	sand.u32 $0x70, s26;
	s3 =	sadd.s32 s3, s5  }
0x408: {  	s3 =	sadd.s32 s4, s3;
	[tilespmem:s28+$0x0] =	vst v7  }
0x409: {  	v7 =	vld [tilespmem:s3+$0x0];
	_ =	sdelay $0x2  }
0x40a: {  	s1 =	sadd.s32 $0x10, s1  }
0x40b: {  	v63 =	vld [tilespmem:s1+$0x0]  }
0x40c: {  	s28 =	sadd.s32 $0x10, s2;
	v5 =	vsub.f32 v7, v5  }
0x40d: {  	v7 =	vld [tilespmem:s28+$0x0]  }
0x40e: {  	s25 =	sadd.s32 $0x1, s25;
	v5 =	vmul.f32 v5, v6  }
0x40f: {  	p0 =	sne.s32 s25, $0x10  }
.Ltmp20:
0x410: {  	v5 =	vmul.f32 v5, v63;
	(pc) =	sbr.rel @p0 .LBB2_38-.Ltmp20, $3  }
0x411: {  	_ = 	snop  }
0x412: {  	v5 =	vadd.f32 v5, v7;
	_ =	sdelay $0x1  }
0x413: {  	[tilespmem:s3+$0x0] =	vst v5  }
0x414: {  	s23 =	simm.s32 $0x0;
	s1 =	rddreg [dreg:$0x1d]  }
0x415: {  	[hbm4b:s1+s23] =	stream.linear.scatter [tilespmem:s12], [sflag:$0x2], $0x4000, $0x38;
	[tilespmem:$0x9200] =	vst v63  }
0x416: {  	_ =	swait.ge [sflag:s10], $0x4000  }
0x417: {  	[sflag:s10] =	ssyncset.done $0x0  }
0x418: {  	[sflag:s10] =	ssyncadd.s32 $0xFFFFC000  }
0x419: {  	v4 =	vld [tilespmem:$0xD0];
	_ =	sdelay $0x4  }
0x41a: {  	v5 =	vshll.u32 v4, $0x3  }
0x41b: {  	v4 =	vand.u32 $0x7, v4;
	v5 =	vand.u32 $0xFFFFFFC0, v5  }
0x41c: {  	v4 =	vor.u32 v4, v5  }
0x41d: {  	v5 =	vperm.xlane v4, v1;
	_ =	sdelay $0x1  }
0x41e: {  	v5 =	vadd.s32 v2, v5;
	_ =	sdelay $0x4  }
0x41f: {  	[tilespmem:s12], [sflag:$0x1] =	stream.indirect_vreg.gather [hbm4b:s0+s23], $0x80, v5, vm0, $0xb8;
	[tilespmem:$0x9200] =	vst v63  }
0x420: {  	v4 =	vperm.xlane v4, v3  }
0x421: {  	[tilespmem:s13], [sflag:$0x1] =	stream.indirect_vreg.gather [hbm4b:s29+s23], $0x80, v5, vm0, $0xb8;
	[tilespmem:$0x9200] =	vst v63  }
0x422: {  	v4 =	vadd.s32 v2, v4  }
0x423: {  	[tilespmem:s14], [sflag:$0x1] =	stream.indirect_vreg.gather [hbm4b:s30+s23], $0x80, v5, vm0, $0xb8;
	[tilespmem:$0x9200] =	vst v63  }
0x424: {  	_ = 	snop  }
0x425: {  	[tilespmem:s15], [sflag:$0x1] =	stream.indirect_vreg.gather [hbm4b:s31+s23], $0x80, v5, vm0, $0xb8;
	[tilespmem:$0x9200] =	vst v63  }
0x426: {  	_ = 	snop  }
0x427: {  	[tilespmem:s16], [sflag:$0x1] =	stream.indirect_vreg.gather [hbm4b:s0+s23], $0x80, v4, vm0, $0xb8;
	[tilespmem:$0x9200] =	vst v63  }
0x428: {  	_ = 	snop  }
0x429: {  	[tilespmem:s17], [sflag:$0x1] =	stream.indirect_vreg.gather [hbm4b:s29+s23], $0x80, v4, vm0, $0xb8;
	[tilespmem:$0x9200] =	vst v63  }
0x42a: {  	_ = 	snop  }
0x42b: {  	[tilespmem:s18], [sflag:$0x1] =	stream.indirect_vreg.gather [hbm4b:s30+s23], $0x80, v4, vm0, $0xb8;
	[tilespmem:$0x9200] =	vst v63  }
0x42c: {  	_ = 	snop  }
0x42d: {  	[tilespmem:s19], [sflag:$0x1] =	stream.indirect_vreg.gather [hbm4b:s31+s23], $0x80, v4, vm0, $0xb8;
	[tilespmem:$0x9200] =	vst v63  }
0x42e: {  	_ =	swait.ge [sflag:s21], $0x4000  }
0x42f: {  	[sflag:s21] =	ssyncset.done $0x0  }
0x430: {  	[sflag:s21] =	ssyncadd.s32 $0xFFFFC000  }
0x431: {  	s25 =	simm.s32 $0x0;
	v4 =	vld [tilespmem:$0x1D0]  }
.LBB2_44:
0x432: {  	_ =	sdelay $0x1  }
0x433: {  	v5 =	vmov s25  }
0x434: {  	vm1 =	veq.s32 v5, v0  }
0x435: {  	v5 =	vnsel vm1, $0x0, v4  }
0x436: {  	(xrf2) =	vadd.scan.msk.f32 $0xffff, v5;
	_ =	sdelay $0x4  }
0x437: {  	s26 =	sand.u32 $0x8, s25  }
0x438: {  	s20 =	simm.s32 $0x200;
	s1 =	sadd.s32 $0x0, s26  }
0x439: {  	s2 =	sshll.u32 s25, $0x7;
	s3 =	sand.u32 $0x70, s23;
	s1 =	sshll.u32 s1, $0xA  }
0x43a: {  	s5 =	simm.s32 $0x600;
	s28 =	sand.u32 $0x380, s2;
	s1 =	sor.u32 s3, s1;
	v5 =	vld [tilespmem:s20+$0x0]  }
0x43b: {  	v7 =	vld [tilespmem:s5+$0x0];
	s1 =	sor.u32 s28, s1  }
0x43c: {  	v8 =	vld [tilespmem:s1+$0x5200];
	v6, _, _ =	vpop (xrf2)  }
0x43d: {  	v9 =	vld [tilespmem:s1+$0x1200];
	v6 =	vbroadcast v6, $0xF;
	_ =	sdelay $0x1  }
0x43e: {  	v5 =	vmul.f32 v5, v6;
	_ =	sdelay $0x1  }
0x43f: {  	v7 =	vadd.f32 v7, v5  }
0x440: {  	v8 =	vadd.f32 v8, v9  }
0x441: {  	s4 =	simm.s32 $0x0;
	s2 =	simm.s32 $0x0;
	s3 =	simm.s32 $0x2;
	v5 =	vimm.f32 $0.0e+00;
	v9 =	vmax.f32 v7, $0.0e+00;
	v7 =	vimm.f32 $0.0e+00  }
.LBB2_45:
0x442: {  	p0 =	sne.s32 s3, $0x3F;
	s4 =	sadd.s32 s26, s4;
	v8 =	vadd.f32 v9, v8;
	s2 =	sadd.s32 $0x10, s2  }
0x443: {  	s7 =	sand.u32 $0x70, s2;
	s4 =	sshll.u32 s4, $0xA  }
0x444: {  	s20 =	sadd.s32 $0x10, s20;
	s4 =	sor.u32 s7, s4;
	[tilespmem:s1+$0x1200] =	vst v8;
	v5 =	vadd.f32 v8, v5;
	v8 =	vmul.f32 v8, v8  }
0x445: {  	s1 =	sor.u32 s28, s4;
	v9 =	vld [tilespmem:s20+$0x0]  }
0x446: {  	s5 =	sadd.s32 $0x10, s5;
	v10 =	vld [tilespmem:s1+$0x5200];
	v7 =	vadd.f32 v8, v7  }
0x447: {  	v8 =	vld [tilespmem:s5+$0x0]  }
0x448: {  	v11 =	vld [tilespmem:s1+$0x1200];
	_ =	sdelay $0x1  }
.Ltmp21:
0x449: {  	v9 =	vmul.f32 v9, v6;
	(pc) =	sbr.rel @p0 .LBB2_45-.Ltmp21, $4  }
0x44a: {  	_ = 	snop  }
0x44b: {  	v9 =	vadd.f32 v8, v9  }
0x44c: {  	v8 =	vadd.f32 v10, v11  }
0x44d: {  	s4 =	sshrl.u32 s3, $0x3;
	s3 =	sadd.s32 $0x1, s3;
	v9 =	vmax.f32 v9, $0.0e+00  }
0x44e: {  	v8 =	vadd.f32 v9, v8  }
0x44f: {  	s3 =	sadd.s32 s26, s4;
	s2 =	sadd.s32 $0x10, s2  }
0x450: {  	s7 =	sadd.s32 $0x10, s20;
	s2 =	sand.u32 $0x70, s2;
	s3 =	sshll.u32 s3, $0xA;
	[tilespmem:s1+$0x1200] =	vst v8  }
0x451: {  	s20 =	sadd.s32 $0x10, s5;
	s2 =	sor.u32 s2, s3;
	v9 =	vld [tilespmem:s7+$0x0]  }
0x452: {  	s2 =	sor.u32 s28, s2;
	v11 =	vld [tilespmem:s20+$0x0]  }
0x453: {  	v10 =	vld [tilespmem:s2+$0x5200]  }
0x454: {  	v12 =	vld [tilespmem:s2+$0x1200];
	_ =	sdelay $0x1  }
0x455: {  	v6 =	vmul.f32 v9, v6;
	_ =	sdelay $0x1  }
0x456: {  	v6 =	vadd.f32 v11, v6  }
0x457: {  	v9 =	vadd.f32 v10, v12  }
0x458: {  	v6 =	vmax.f32 v6, $0.0e+00  }
0x459: {  	v10 =	vmul.f32 v8, v8;
	v6 =	vadd.f32 v6, v9  }
0x45a: {  	v5 =	vadd.f32 v8, v5  }
0x45b: {  	v7 =	vadd.f32 v10, v7;
	v8 =	vmul.f32 v6, v6  }
0x45c: {  	v5 =	vadd.f32 v6, v5  }
0x45d: {  	v7 =	vadd.f32 v8, v7  }
0x45e: {  	(xrf2) =	vadd.scan.msk.f32 $0xffff, v5  }
0x45f: {  	(xrf2) =	vadd.scan.msk.f32 $0xffff, v7;
	_ =	sdelay $0x8  }
0x460: {  	v5, _, _ =	vpop (xrf2)  }
0x461: {  	(v2sf) =	vpush v5, $0xF;
	v5, _, _ =	vpop (xrf2)  }
0x462: {  	(v2sf) =	vpush v5, $0xF;
	_ =	sdelay $0xd  }
0x463: {  	s3 =	spop (v2sf)  }
0x464: {  	s1 =	smul.f32 $9.765625000e-04, s3;
	s4 =	spop (v2sf)  }
0x465: {  	s3 =	smul.f32 $9.765625000e-04, s4  }
0x466: {  	s5 =	smul.f32 s1, s1;
	_ =	sdelay $0x1  }
0x467: {  	s3 =	ssub.f32 s3, s5;
	_ =	sdelay $0x1  }
0x468: {  	s3 =	sadd.f32 $9.999999740e-06, s3;
	_ =	sdelay $0x1  }
0x469: {  	s7 =	sshrl.u32 s3, $0x1;
	s3 =	smul.f32 $5.000000000e-01, s3  }
0x46a: {  	s4 =	ssub.s32 $0x5F3759DF, s7  }
0x46b: {  	s20 =	smul.f32 s4, s3;
	_ =	sdelay $0x1  }
0x46c: {  	s5 =	smul.f32 s4, s20;
	_ =	sdelay $0x1  }
0x46d: {  	s5 =	ssub.f32 $1.500000000e+00, s5;
	_ =	sdelay $0x1  }
0x46e: {  	s4 =	smul.f32 s4, s5;
	_ =	sdelay $0x1  }
0x46f: {  	s5 =	smul.f32 s4, s3;
	_ =	sdelay $0x1  }
0x470: {  	s5 =	smul.f32 s5, s4;
	_ =	sdelay $0x1  }
0x471: {  	s5 =	ssub.f32 $1.500000000e+00, s5  }
0x472: {  	s7 =	sadd.s32 $0x0, s26  }
0x473: {  	s7 =	sshll.u32 s7, $0xA;
	s4 =	smul.f32 s5, s4  }
0x474: {  	s7 =	sand.u32 $0x3FFFFC00, s7  }
0x475: {  	s20 =	simm.s32 $0x0;
	s5 =	sadd.s32 $0x1200, s28;
	s3 =	smul.f32 s4, s3  }
0x476: {  	s28 =	sand.u32 $0x70, s20;
	s7 =	sadd.s32 s7, s5  }
0x477: {  	[tilespmem:s2+$0x1200] =	vst v6;
	s28 =	sadd.s32 s28, s7;
	s7 =	smul.f32 s3, s4  }
0x478: {  	v6 =	vld [tilespmem:s28+$0x0]  }
0x479: {  	s2 =	ssub.f32 $1.500000000e+00, s7;
	_ =	sdelay $0x1  }
0x47a: {  	v5 =	vmov s1;
	s1 =	simm.s32 $0xA00;
	s2 =	smul.f32 s2, s4  }
0x47b: {  	v8 =	vld [tilespmem:s1+$0x0]  }
0x47c: {  	v9 =	vsub.f32 v6, v5;
	v6 =	vmov s2;
	s2 =	simm.s32 $0xE00  }
0x47d: {  	v7 =	vld [tilespmem:s2+$0x0]  }
0x47e: {  	v9 =	vmul.f32 v9, v6  }
0x47f: {  	s3 =	simm.s32 $0x2;
	s4 =	simm.s32 $0x0  }
.LBB2_47:
0x480: {  	p0 =	sne.s32 s3, $0x3F;
	s4 =	sadd.s32 s26, s4;
	v8 =	vmul.f32 v9, v8  }
0x481: {  	s4 =	sshll.u32 s4, $0xA  }
0x482: {  	s20 =	sadd.s32 $0x10, s20;
	s4 =	sand.u32 $0x3FFFFC00, s4;
	v7 =	vadd.f32 v8, v7  }
0x483: {  	s7 =	sand.u32 $0x70, s20;
	s4 =	sadd.s32 s4, s5  }
0x484: {  	[tilespmem:s28+$0x0] =	vst v7;
	s28 =	sadd.s32 s7, s4  }
0x485: {  	v7 =	vld [tilespmem:s28+$0x0];
	_ =	sdelay $0x2  }
0x486: {  	s1 =	sadd.s32 $0x10, s1  }
.Ltmp22:
0x487: {  	v8 =	vld [tilespmem:s1+$0x0];
	(pc) =	sbr.rel @p0 .LBB2_47-.Ltmp22, $4  }
0x488: {  	s2 =	sadd.s32 $0x10, s2;
	v9 =	vsub.f32 v7, v5  }
0x489: {  	v7 =	vld [tilespmem:s2+$0x0]  }
0x48a: {  	v9 =	vmul.f32 v9, v6  }
0x48b: {  	s4 =	sshrl.u32 s3, $0x3;
	s3 =	sadd.s32 $0x1, s3  }
0x48c: {  	s3 =	sadd.s32 s26, s4;
	v8 =	vmul.f32 v9, v8  }
0x48d: {  	s3 =	sshll.u32 s3, $0xA  }
0x48e: {  	s26 =	sadd.s32 $0x10, s20;
	s3 =	sand.u32 $0x3FFFFC00, s3;
	v7 =	vadd.f32 v8, v7  }
0x48f: {  	s4 =	sand.u32 $0x70, s26;
	s3 =	sadd.s32 s3, s5  }
0x490: {  	s3 =	sadd.s32 s4, s3;
	[tilespmem:s28+$0x0] =	vst v7  }
0x491: {  	v7 =	vld [tilespmem:s3+$0x0];
	_ =	sdelay $0x2  }
0x492: {  	s1 =	sadd.s32 $0x10, s1  }
0x493: {  	v63 =	vld [tilespmem:s1+$0x0]  }
0x494: {  	s28 =	sadd.s32 $0x10, s2;
	v5 =	vsub.f32 v7, v5  }
0x495: {  	v7 =	vld [tilespmem:s28+$0x0]  }
0x496: {  	s25 =	sadd.s32 $0x1, s25;
	v5 =	vmul.f32 v5, v6  }
0x497: {  	p0 =	sne.s32 s25, $0x10  }
.Ltmp23:
0x498: {  	v5 =	vmul.f32 v5, v63;
	(pc) =	sbr.rel @p0 .LBB2_44-.Ltmp23, $3  }
0x499: {  	_ = 	snop  }
0x49a: {  	v5 =	vadd.f32 v5, v7;
	_ =	sdelay $0x1  }
0x49b: {  	[tilespmem:s3+$0x0] =	vst v5  }
0x49c: {  	s23 =	simm.s32 $0x0;
	s1 =	rddreg [dreg:$0x1e]  }
0x49d: {  	[hbm4b:s1+s23] =	stream.linear.scatter [tilespmem:s12], [sflag:$0x2], $0x4000, $0x38;
	[tilespmem:$0x9200] =	vst v63  }
0x49e: {  	_ =	swait.ge [sflag:s10], $0x4000  }
0x49f: {  	[sflag:s10] =	ssyncset.done $0x0  }
0x4a0: {  	s28 =	rddreg [dreg:$0x16];
	[sflag:s10] =	ssyncadd.s32 $0xFFFFC000  }
0x4a1: {  	[tilespmem:s11], [sflag:$0x2] =	stream.linear.gather [hbm4b:s28+s23], $0x4000, $0x38;
	[tilespmem:$0x9200] =	vst v63  }
0x4a2: {  	_ =	swait.ge [sflag:s10], $0x4000  }
0x4a3: {  	[sflag:s10] =	ssyncset.done $0x0  }
0x4a4: {  	[sflag:s10] =	ssyncadd.s32 $0xFFFFC000  }
0x4a5: {  	v4 =	vld [tilespmem:$0x20];
	_ =	sdelay $0x4  }
0x4a6: {  	v5 =	vshll.u32 v4, $0x3  }
0x4a7: {  	v4 =	vand.u32 $0x7, v4;
	v5 =	vand.u32 $0xFFFFFFC0, v5  }
0x4a8: {  	v4 =	vor.u32 v4, v5  }
0x4a9: {  	v5 =	vperm.xlane v4, v1;
	_ =	sdelay $0x1  }
0x4aa: {  	v5 =	vadd.s32 v2, v5;
	_ =	sdelay $0x4  }
0x4ab: {  	[tilespmem:s12], [sflag:$0x1] =	stream.indirect_vreg.gather [hbm4b:s0+s23], $0x80, v5, vm0, $0xb8;
	[tilespmem:$0x9200] =	vst v63  }
0x4ac: {  	v4 =	vperm.xlane v4, v3  }
0x4ad: {  	[tilespmem:s13], [sflag:$0x1] =	stream.indirect_vreg.gather [hbm4b:s29+s23], $0x80, v5, vm0, $0xb8;
	[tilespmem:$0x9200] =	vst v63  }
0x4ae: {  	v4 =	vadd.s32 v2, v4  }
0x4af: {  	[tilespmem:s14], [sflag:$0x1] =	stream.indirect_vreg.gather [hbm4b:s30+s23], $0x80, v5, vm0, $0xb8;
	[tilespmem:$0x9200] =	vst v63  }
0x4b0: {  	_ = 	snop  }
0x4b1: {  	[tilespmem:s15], [sflag:$0x1] =	stream.indirect_vreg.gather [hbm4b:s31+s23], $0x80, v5, vm0, $0xb8;
	[tilespmem:$0x9200] =	vst v63  }
0x4b2: {  	_ = 	snop  }
0x4b3: {  	[tilespmem:s16], [sflag:$0x1] =	stream.indirect_vreg.gather [hbm4b:s0+s23], $0x80, v4, vm0, $0xb8;
	[tilespmem:$0x9200] =	vst v63  }
0x4b4: {  	_ = 	snop  }
0x4b5: {  	[tilespmem:s17], [sflag:$0x1] =	stream.indirect_vreg.gather [hbm4b:s29+s23], $0x80, v4, vm0, $0xb8;
	[tilespmem:$0x9200] =	vst v63  }
0x4b6: {  	_ = 	snop  }
0x4b7: {  	[tilespmem:s18], [sflag:$0x1] =	stream.indirect_vreg.gather [hbm4b:s30+s23], $0x80, v4, vm0, $0xb8;
	[tilespmem:$0x9200] =	vst v63  }
0x4b8: {  	_ = 	snop  }
0x4b9: {  	[tilespmem:s19], [sflag:$0x1] =	stream.indirect_vreg.gather [hbm4b:s31+s23], $0x80, v4, vm0, $0xb8;
	[tilespmem:$0x9200] =	vst v63  }
0x4ba: {  	_ =	swait.ge [sflag:s21], $0x4000  }
0x4bb: {  	[sflag:s21] =	ssyncset.done $0x0  }
0x4bc: {  	[sflag:s21] =	ssyncadd.s32 $0xFFFFC000  }
0x4bd: {  	s25 =	simm.s32 $0x0;
	v4 =	vld [tilespmem:$0x120]  }
.LBB2_50:
0x4be: {  	_ =	sdelay $0x1  }
0x4bf: {  	v5 =	vmov s25  }
0x4c0: {  	vm1 =	veq.s32 v5, v0  }
0x4c1: {  	v5 =	vnsel vm1, $0x0, v4  }
0x4c2: {  	(xrf2) =	vadd.scan.msk.f32 $0xffff, v5;
	_ =	sdelay $0x4  }
0x4c3: {  	s26 =	sand.u32 $0x8, s25  }
0x4c4: {  	s20 =	simm.s32 $0x200;
	s1 =	sadd.s32 $0x0, s26  }
0x4c5: {  	s2 =	sshll.u32 s25, $0x7;
	s3 =	sand.u32 $0x70, s23;
	s1 =	sshll.u32 s1, $0xA  }
0x4c6: {  	s5 =	simm.s32 $0x600;
	s28 =	sand.u32 $0x380, s2;
	s1 =	sor.u32 s3, s1;
	v5 =	vld [tilespmem:s20+$0x0]  }
0x4c7: {  	v7 =	vld [tilespmem:s5+$0x0];
	s1 =	sor.u32 s28, s1  }
0x4c8: {  	v8 =	vld [tilespmem:s1+$0x5200];
	v6, _, _ =	vpop (xrf2)  }
0x4c9: {  	v9 =	vld [tilespmem:s1+$0x1200];
	v6 =	vbroadcast v6, $0xF;
	_ =	sdelay $0x1  }
0x4ca: {  	v5 =	vmul.f32 v5, v6;
	_ =	sdelay $0x1  }
0x4cb: {  	v7 =	vadd.f32 v7, v5  }
0x4cc: {  	v8 =	vadd.f32 v8, v9  }
0x4cd: {  	s4 =	simm.s32 $0x0;
	s2 =	simm.s32 $0x0;
	s3 =	simm.s32 $0x2;
	v5 =	vimm.f32 $0.0e+00;
	v9 =	vmax.f32 v7, $0.0e+00;
	v7 =	vimm.f32 $0.0e+00  }
.LBB2_51:
0x4ce: {  	p0 =	sne.s32 s3, $0x3F;
	s4 =	sadd.s32 s26, s4;
	v8 =	vadd.f32 v9, v8;
	s2 =	sadd.s32 $0x10, s2  }
0x4cf: {  	s7 =	sand.u32 $0x70, s2;
	s4 =	sshll.u32 s4, $0xA  }
0x4d0: {  	s20 =	sadd.s32 $0x10, s20;
	s4 =	sor.u32 s7, s4;
	[tilespmem:s1+$0x1200] =	vst v8;
	v5 =	vadd.f32 v8, v5;
	v8 =	vmul.f32 v8, v8  }
0x4d1: {  	s1 =	sor.u32 s28, s4;
	v9 =	vld [tilespmem:s20+$0x0]  }
0x4d2: {  	s5 =	sadd.s32 $0x10, s5;
	v10 =	vld [tilespmem:s1+$0x5200];
	v7 =	vadd.f32 v8, v7  }
0x4d3: {  	v8 =	vld [tilespmem:s5+$0x0]  }
0x4d4: {  	v11 =	vld [tilespmem:s1+$0x1200];
	_ =	sdelay $0x1  }
.Ltmp24:
0x4d5: {  	v9 =	vmul.f32 v9, v6;
	(pc) =	sbr.rel @p0 .LBB2_51-.Ltmp24, $4  }
0x4d6: {  	_ = 	snop  }
0x4d7: {  	v9 =	vadd.f32 v8, v9  }
0x4d8: {  	v8 =	vadd.f32 v10, v11  }
0x4d9: {  	s4 =	sshrl.u32 s3, $0x3;
	s3 =	sadd.s32 $0x1, s3;
	v9 =	vmax.f32 v9, $0.0e+00  }
0x4da: {  	v8 =	vadd.f32 v9, v8  }
0x4db: {  	s3 =	sadd.s32 s26, s4;
	s2 =	sadd.s32 $0x10, s2  }
0x4dc: {  	s7 =	sadd.s32 $0x10, s20;
	s2 =	sand.u32 $0x70, s2;
	s3 =	sshll.u32 s3, $0xA;
	[tilespmem:s1+$0x1200] =	vst v8  }
0x4dd: {  	s20 =	sadd.s32 $0x10, s5;
	s2 =	sor.u32 s2, s3;
	v9 =	vld [tilespmem:s7+$0x0]  }
0x4de: {  	s2 =	sor.u32 s28, s2;
	v11 =	vld [tilespmem:s20+$0x0]  }
0x4df: {  	v10 =	vld [tilespmem:s2+$0x5200]  }
0x4e0: {  	v12 =	vld [tilespmem:s2+$0x1200];
	_ =	sdelay $0x1  }
0x4e1: {  	v6 =	vmul.f32 v9, v6;
	_ =	sdelay $0x1  }
0x4e2: {  	v6 =	vadd.f32 v11, v6  }
0x4e3: {  	v9 =	vadd.f32 v10, v12  }
0x4e4: {  	v6 =	vmax.f32 v6, $0.0e+00  }
0x4e5: {  	v10 =	vmul.f32 v8, v8;
	v6 =	vadd.f32 v6, v9  }
0x4e6: {  	v5 =	vadd.f32 v8, v5  }
0x4e7: {  	v7 =	vadd.f32 v10, v7;
	v8 =	vmul.f32 v6, v6  }
0x4e8: {  	v5 =	vadd.f32 v6, v5  }
0x4e9: {  	v7 =	vadd.f32 v8, v7  }
0x4ea: {  	(xrf2) =	vadd.scan.msk.f32 $0xffff, v5  }
0x4eb: {  	(xrf2) =	vadd.scan.msk.f32 $0xffff, v7;
	_ =	sdelay $0x8  }
0x4ec: {  	v5, _, _ =	vpop (xrf2)  }
0x4ed: {  	(v2sf) =	vpush v5, $0xF;
	v5, _, _ =	vpop (xrf2)  }
0x4ee: {  	(v2sf) =	vpush v5, $0xF;
	_ =	sdelay $0xd  }
0x4ef: {  	s3 =	spop (v2sf)  }
0x4f0: {  	s1 =	smul.f32 $9.765625000e-04, s3;
	s4 =	spop (v2sf)  }
0x4f1: {  	s3 =	smul.f32 $9.765625000e-04, s4  }
0x4f2: {  	s5 =	smul.f32 s1, s1;
	_ =	sdelay $0x1  }
0x4f3: {  	s3 =	ssub.f32 s3, s5;
	_ =	sdelay $0x1  }
0x4f4: {  	s3 =	sadd.f32 $9.999999740e-06, s3;
	_ =	sdelay $0x1  }
0x4f5: {  	s7 =	sshrl.u32 s3, $0x1;
	s3 =	smul.f32 $5.000000000e-01, s3  }
0x4f6: {  	s4 =	ssub.s32 $0x5F3759DF, s7  }
0x4f7: {  	s20 =	smul.f32 s4, s3;
	_ =	sdelay $0x1  }
0x4f8: {  	s5 =	smul.f32 s4, s20;
	_ =	sdelay $0x1  }
0x4f9: {  	s5 =	ssub.f32 $1.500000000e+00, s5;
	_ =	sdelay $0x1  }
0x4fa: {  	s4 =	smul.f32 s4, s5;
	_ =	sdelay $0x1  }
0x4fb: {  	s5 =	smul.f32 s4, s3;
	_ =	sdelay $0x1  }
0x4fc: {  	s5 =	smul.f32 s5, s4;
	_ =	sdelay $0x1  }
0x4fd: {  	s5 =	ssub.f32 $1.500000000e+00, s5  }
0x4fe: {  	s7 =	sadd.s32 $0x0, s26  }
0x4ff: {  	s7 =	sshll.u32 s7, $0xA;
	s4 =	smul.f32 s5, s4  }
0x500: {  	s7 =	sand.u32 $0x3FFFFC00, s7  }
0x501: {  	s20 =	simm.s32 $0x0;
	s5 =	sadd.s32 $0x1200, s28;
	s3 =	smul.f32 s4, s3  }
0x502: {  	s28 =	sand.u32 $0x70, s20;
	s7 =	sadd.s32 s7, s5  }
0x503: {  	[tilespmem:s2+$0x1200] =	vst v6;
	s28 =	sadd.s32 s28, s7;
	s7 =	smul.f32 s3, s4  }
0x504: {  	v6 =	vld [tilespmem:s28+$0x0]  }
0x505: {  	s2 =	ssub.f32 $1.500000000e+00, s7;
	_ =	sdelay $0x1  }
0x506: {  	v5 =	vmov s1;
	s1 =	simm.s32 $0xA00;
	s2 =	smul.f32 s2, s4  }
0x507: {  	v8 =	vld [tilespmem:s1+$0x0]  }
0x508: {  	v9 =	vsub.f32 v6, v5;
	v6 =	vmov s2;
	s2 =	simm.s32 $0xE00  }
0x509: {  	v7 =	vld [tilespmem:s2+$0x0]  }
0x50a: {  	v9 =	vmul.f32 v9, v6  }
0x50b: {  	s3 =	simm.s32 $0x2;
	s4 =	simm.s32 $0x0  }
.LBB2_53:
0x50c: {  	p0 =	sne.s32 s3, $0x3F;
	s4 =	sadd.s32 s26, s4;
	v8 =	vmul.f32 v9, v8  }
0x50d: {  	s4 =	sshll.u32 s4, $0xA  }
0x50e: {  	s20 =	sadd.s32 $0x10, s20;
	s4 =	sand.u32 $0x3FFFFC00, s4;
	v7 =	vadd.f32 v8, v7  }
0x50f: {  	s7 =	sand.u32 $0x70, s20;
	s4 =	sadd.s32 s4, s5  }
0x510: {  	[tilespmem:s28+$0x0] =	vst v7;
	s28 =	sadd.s32 s7, s4  }
0x511: {  	v7 =	vld [tilespmem:s28+$0x0];
	_ =	sdelay $0x2  }
0x512: {  	s1 =	sadd.s32 $0x10, s1  }
.Ltmp25:
0x513: {  	v8 =	vld [tilespmem:s1+$0x0];
	(pc) =	sbr.rel @p0 .LBB2_53-.Ltmp25, $4  }
0x514: {  	s2 =	sadd.s32 $0x10, s2;
	v9 =	vsub.f32 v7, v5  }
0x515: {  	v7 =	vld [tilespmem:s2+$0x0]  }
0x516: {  	v9 =	vmul.f32 v9, v6  }
0x517: {  	s4 =	sshrl.u32 s3, $0x3;
	s3 =	sadd.s32 $0x1, s3  }
0x518: {  	s3 =	sadd.s32 s26, s4;
	v8 =	vmul.f32 v9, v8  }
0x519: {  	s3 =	sshll.u32 s3, $0xA  }
0x51a: {  	s26 =	sadd.s32 $0x10, s20;
	s3 =	sand.u32 $0x3FFFFC00, s3;
	v7 =	vadd.f32 v8, v7  }
0x51b: {  	s4 =	sand.u32 $0x70, s26;
	s3 =	sadd.s32 s3, s5  }
0x51c: {  	s3 =	sadd.s32 s4, s3;
	[tilespmem:s28+$0x0] =	vst v7  }
0x51d: {  	v7 =	vld [tilespmem:s3+$0x0];
	_ =	sdelay $0x2  }
0x51e: {  	s1 =	sadd.s32 $0x10, s1  }
0x51f: {  	v63 =	vld [tilespmem:s1+$0x0]  }
0x520: {  	s28 =	sadd.s32 $0x10, s2;
	v5 =	vsub.f32 v7, v5  }
0x521: {  	v7 =	vld [tilespmem:s28+$0x0]  }
0x522: {  	s25 =	sadd.s32 $0x1, s25;
	v5 =	vmul.f32 v5, v6  }
0x523: {  	p0 =	sne.s32 s25, $0x10  }
.Ltmp26:
0x524: {  	v5 =	vmul.f32 v5, v63;
	(pc) =	sbr.rel @p0 .LBB2_50-.Ltmp26, $3  }
0x525: {  	_ = 	snop  }
0x526: {  	v5 =	vadd.f32 v5, v7;
	_ =	sdelay $0x1  }
0x527: {  	[tilespmem:s3+$0x0] =	vst v5  }
0x528: {  	s23 =	simm.s32 $0x0;
	s1 =	rddreg [dreg:$0x17]  }
0x529: {  	[hbm4b:s1+s23] =	stream.linear.scatter [tilespmem:s12], [sflag:$0x2], $0x4000, $0x38;
	[tilespmem:$0x9200] =	vst v63  }
0x52a: {  	_ =	swait.ge [sflag:s10], $0x4000  }
0x52b: {  	[sflag:s10] =	ssyncset.done $0x0  }
0x52c: {  	[sflag:s10] =	ssyncadd.s32 $0xFFFFC000  }
0x52d: {  	v4 =	vld [tilespmem:$0x60];
	_ =	sdelay $0x4  }
0x52e: {  	v5 =	vshll.u32 v4, $0x3  }
0x52f: {  	v4 =	vand.u32 $0x7, v4;
	v5 =	vand.u32 $0xFFFFFFC0, v5  }
0x530: {  	v4 =	vor.u32 v4, v5  }
0x531: {  	v5 =	vperm.xlane v4, v1;
	_ =	sdelay $0x1  }
0x532: {  	v5 =	vadd.s32 v2, v5;
	_ =	sdelay $0x4  }
0x533: {  	[tilespmem:s12], [sflag:$0x1] =	stream.indirect_vreg.gather [hbm4b:s0+s23], $0x80, v5, vm0, $0xb8;
	[tilespmem:$0x9200] =	vst v63  }
0x534: {  	v4 =	vperm.xlane v4, v3  }
0x535: {  	[tilespmem:s13], [sflag:$0x1] =	stream.indirect_vreg.gather [hbm4b:s29+s23], $0x80, v5, vm0, $0xb8;
	[tilespmem:$0x9200] =	vst v63  }
0x536: {  	v4 =	vadd.s32 v2, v4  }
0x537: {  	[tilespmem:s14], [sflag:$0x1] =	stream.indirect_vreg.gather [hbm4b:s30+s23], $0x80, v5, vm0, $0xb8;
	[tilespmem:$0x9200] =	vst v63  }
0x538: {  	_ = 	snop  }
0x539: {  	[tilespmem:s15], [sflag:$0x1] =	stream.indirect_vreg.gather [hbm4b:s31+s23], $0x80, v5, vm0, $0xb8;
	[tilespmem:$0x9200] =	vst v63  }
0x53a: {  	_ = 	snop  }
0x53b: {  	[tilespmem:s16], [sflag:$0x1] =	stream.indirect_vreg.gather [hbm4b:s0+s23], $0x80, v4, vm0, $0xb8;
	[tilespmem:$0x9200] =	vst v63  }
0x53c: {  	_ = 	snop  }
0x53d: {  	[tilespmem:s17], [sflag:$0x1] =	stream.indirect_vreg.gather [hbm4b:s29+s23], $0x80, v4, vm0, $0xb8;
	[tilespmem:$0x9200] =	vst v63  }
0x53e: {  	_ = 	snop  }
0x53f: {  	[tilespmem:s18], [sflag:$0x1] =	stream.indirect_vreg.gather [hbm4b:s30+s23], $0x80, v4, vm0, $0xb8;
	[tilespmem:$0x9200] =	vst v63  }
0x540: {  	_ = 	snop  }
0x541: {  	[tilespmem:s19], [sflag:$0x1] =	stream.indirect_vreg.gather [hbm4b:s31+s23], $0x80, v4, vm0, $0xb8;
	[tilespmem:$0x9200] =	vst v63  }
0x542: {  	_ =	swait.ge [sflag:s21], $0x4000  }
0x543: {  	[sflag:s21] =	ssyncset.done $0x0  }
0x544: {  	[sflag:s21] =	ssyncadd.s32 $0xFFFFC000  }
0x545: {  	s25 =	simm.s32 $0x0;
	v4 =	vld [tilespmem:$0x160]  }
.LBB2_56:
0x546: {  	_ =	sdelay $0x1  }
0x547: {  	v5 =	vmov s25  }
0x548: {  	vm1 =	veq.s32 v5, v0  }
0x549: {  	v5 =	vnsel vm1, $0x0, v4  }
0x54a: {  	(xrf2) =	vadd.scan.msk.f32 $0xffff, v5;
	_ =	sdelay $0x4  }
0x54b: {  	s26 =	sand.u32 $0x8, s25  }
0x54c: {  	s20 =	simm.s32 $0x200;
	s1 =	sadd.s32 $0x0, s26  }
0x54d: {  	s2 =	sshll.u32 s25, $0x7;
	s3 =	sand.u32 $0x70, s23;
	s1 =	sshll.u32 s1, $0xA  }
0x54e: {  	s5 =	simm.s32 $0x600;
	s28 =	sand.u32 $0x380, s2;
	s1 =	sor.u32 s3, s1;
	v5 =	vld [tilespmem:s20+$0x0]  }
0x54f: {  	v7 =	vld [tilespmem:s5+$0x0];
	s1 =	sor.u32 s28, s1  }
0x550: {  	v8 =	vld [tilespmem:s1+$0x5200];
	v6, _, _ =	vpop (xrf2)  }
0x551: {  	v9 =	vld [tilespmem:s1+$0x1200];
	v6 =	vbroadcast v6, $0xF;
	_ =	sdelay $0x1  }
0x552: {  	v5 =	vmul.f32 v5, v6;
	_ =	sdelay $0x1  }
0x553: {  	v7 =	vadd.f32 v7, v5  }
0x554: {  	v8 =	vadd.f32 v8, v9  }
0x555: {  	s4 =	simm.s32 $0x0;
	s2 =	simm.s32 $0x0;
	s3 =	simm.s32 $0x2;
	v5 =	vimm.f32 $0.0e+00;
	v9 =	vmax.f32 v7, $0.0e+00;
	v7 =	vimm.f32 $0.0e+00  }
.LBB2_57:
0x556: {  	p0 =	sne.s32 s3, $0x3F;
	s4 =	sadd.s32 s26, s4;
	v8 =	vadd.f32 v9, v8;
	s2 =	sadd.s32 $0x10, s2  }
0x557: {  	s7 =	sand.u32 $0x70, s2;
	s4 =	sshll.u32 s4, $0xA  }
0x558: {  	s20 =	sadd.s32 $0x10, s20;
	s4 =	sor.u32 s7, s4;
	[tilespmem:s1+$0x1200] =	vst v8;
	v5 =	vadd.f32 v8, v5;
	v8 =	vmul.f32 v8, v8  }
0x559: {  	s1 =	sor.u32 s28, s4;
	v9 =	vld [tilespmem:s20+$0x0]  }
0x55a: {  	s5 =	sadd.s32 $0x10, s5;
	v10 =	vld [tilespmem:s1+$0x5200];
	v7 =	vadd.f32 v8, v7  }
0x55b: {  	v8 =	vld [tilespmem:s5+$0x0]  }
0x55c: {  	v11 =	vld [tilespmem:s1+$0x1200];
	_ =	sdelay $0x1  }
.Ltmp27:
0x55d: {  	v9 =	vmul.f32 v9, v6;
	(pc) =	sbr.rel @p0 .LBB2_57-.Ltmp27, $4  }
0x55e: {  	_ = 	snop  }
0x55f: {  	v9 =	vadd.f32 v8, v9  }
0x560: {  	v8 =	vadd.f32 v10, v11  }
0x561: {  	s4 =	sshrl.u32 s3, $0x3;
	s3 =	sadd.s32 $0x1, s3;
	v9 =	vmax.f32 v9, $0.0e+00  }
0x562: {  	v8 =	vadd.f32 v9, v8  }
0x563: {  	s3 =	sadd.s32 s26, s4;
	s2 =	sadd.s32 $0x10, s2  }
0x564: {  	s7 =	sadd.s32 $0x10, s20;
	s2 =	sand.u32 $0x70, s2;
	s3 =	sshll.u32 s3, $0xA;
	[tilespmem:s1+$0x1200] =	vst v8  }
0x565: {  	s20 =	sadd.s32 $0x10, s5;
	s2 =	sor.u32 s2, s3;
	v9 =	vld [tilespmem:s7+$0x0]  }
0x566: {  	s2 =	sor.u32 s28, s2;
	v11 =	vld [tilespmem:s20+$0x0]  }
0x567: {  	v10 =	vld [tilespmem:s2+$0x5200]  }
0x568: {  	v12 =	vld [tilespmem:s2+$0x1200];
	_ =	sdelay $0x1  }
0x569: {  	v6 =	vmul.f32 v9, v6;
	_ =	sdelay $0x1  }
0x56a: {  	v6 =	vadd.f32 v11, v6  }
0x56b: {  	v9 =	vadd.f32 v10, v12  }
0x56c: {  	v6 =	vmax.f32 v6, $0.0e+00  }
0x56d: {  	v10 =	vmul.f32 v8, v8;
	v6 =	vadd.f32 v6, v9  }
0x56e: {  	v5 =	vadd.f32 v8, v5  }
0x56f: {  	v7 =	vadd.f32 v10, v7;
	v8 =	vmul.f32 v6, v6  }
0x570: {  	v5 =	vadd.f32 v6, v5  }
0x571: {  	v7 =	vadd.f32 v8, v7  }
0x572: {  	(xrf2) =	vadd.scan.msk.f32 $0xffff, v5  }
0x573: {  	(xrf2) =	vadd.scan.msk.f32 $0xffff, v7;
	_ =	sdelay $0x8  }
0x574: {  	v5, _, _ =	vpop (xrf2)  }
0x575: {  	(v2sf) =	vpush v5, $0xF;
	v5, _, _ =	vpop (xrf2)  }
0x576: {  	(v2sf) =	vpush v5, $0xF;
	_ =	sdelay $0xd  }
0x577: {  	s3 =	spop (v2sf)  }
0x578: {  	s1 =	smul.f32 $9.765625000e-04, s3;
	s4 =	spop (v2sf)  }
0x579: {  	s3 =	smul.f32 $9.765625000e-04, s4  }
0x57a: {  	s5 =	smul.f32 s1, s1;
	_ =	sdelay $0x1  }
0x57b: {  	s3 =	ssub.f32 s3, s5;
	_ =	sdelay $0x1  }
0x57c: {  	s3 =	sadd.f32 $9.999999740e-06, s3;
	_ =	sdelay $0x1  }
0x57d: {  	s7 =	sshrl.u32 s3, $0x1;
	s3 =	smul.f32 $5.000000000e-01, s3  }
0x57e: {  	s4 =	ssub.s32 $0x5F3759DF, s7  }
0x57f: {  	s20 =	smul.f32 s4, s3;
	_ =	sdelay $0x1  }
0x580: {  	s5 =	smul.f32 s4, s20;
	_ =	sdelay $0x1  }
0x581: {  	s5 =	ssub.f32 $1.500000000e+00, s5;
	_ =	sdelay $0x1  }
0x582: {  	s4 =	smul.f32 s4, s5;
	_ =	sdelay $0x1  }
0x583: {  	s5 =	smul.f32 s4, s3;
	_ =	sdelay $0x1  }
0x584: {  	s5 =	smul.f32 s5, s4;
	_ =	sdelay $0x1  }
0x585: {  	s5 =	ssub.f32 $1.500000000e+00, s5  }
0x586: {  	s7 =	sadd.s32 $0x0, s26  }
0x587: {  	s7 =	sshll.u32 s7, $0xA;
	s4 =	smul.f32 s5, s4  }
0x588: {  	s7 =	sand.u32 $0x3FFFFC00, s7  }
0x589: {  	s20 =	simm.s32 $0x0;
	s5 =	sadd.s32 $0x1200, s28;
	s3 =	smul.f32 s4, s3  }
0x58a: {  	s28 =	sand.u32 $0x70, s20;
	s7 =	sadd.s32 s7, s5  }
0x58b: {  	[tilespmem:s2+$0x1200] =	vst v6;
	s28 =	sadd.s32 s28, s7;
	s7 =	smul.f32 s3, s4  }
0x58c: {  	v6 =	vld [tilespmem:s28+$0x0]  }
0x58d: {  	s2 =	ssub.f32 $1.500000000e+00, s7;
	_ =	sdelay $0x1  }
0x58e: {  	v5 =	vmov s1;
	s1 =	simm.s32 $0xA00;
	s2 =	smul.f32 s2, s4  }
0x58f: {  	v8 =	vld [tilespmem:s1+$0x0]  }
0x590: {  	v9 =	vsub.f32 v6, v5;
	v6 =	vmov s2;
	s2 =	simm.s32 $0xE00  }
0x591: {  	v7 =	vld [tilespmem:s2+$0x0]  }
0x592: {  	v9 =	vmul.f32 v9, v6  }
0x593: {  	s3 =	simm.s32 $0x2;
	s4 =	simm.s32 $0x0  }
.LBB2_59:
0x594: {  	p0 =	sne.s32 s3, $0x3F;
	s4 =	sadd.s32 s26, s4;
	v8 =	vmul.f32 v9, v8  }
0x595: {  	s4 =	sshll.u32 s4, $0xA  }
0x596: {  	s20 =	sadd.s32 $0x10, s20;
	s4 =	sand.u32 $0x3FFFFC00, s4;
	v7 =	vadd.f32 v8, v7  }
0x597: {  	s7 =	sand.u32 $0x70, s20;
	s4 =	sadd.s32 s4, s5  }
0x598: {  	[tilespmem:s28+$0x0] =	vst v7;
	s28 =	sadd.s32 s7, s4  }
0x599: {  	v7 =	vld [tilespmem:s28+$0x0];
	_ =	sdelay $0x2  }
0x59a: {  	s1 =	sadd.s32 $0x10, s1  }
.Ltmp28:
0x59b: {  	v8 =	vld [tilespmem:s1+$0x0];
	(pc) =	sbr.rel @p0 .LBB2_59-.Ltmp28, $4  }
0x59c: {  	s2 =	sadd.s32 $0x10, s2;
	v9 =	vsub.f32 v7, v5  }
0x59d: {  	v7 =	vld [tilespmem:s2+$0x0]  }
0x59e: {  	v9 =	vmul.f32 v9, v6  }
0x59f: {  	s4 =	sshrl.u32 s3, $0x3;
	s3 =	sadd.s32 $0x1, s3  }
0x5a0: {  	s3 =	sadd.s32 s26, s4;
	v8 =	vmul.f32 v9, v8  }
0x5a1: {  	s3 =	sshll.u32 s3, $0xA  }
0x5a2: {  	s26 =	sadd.s32 $0x10, s20;
	s3 =	sand.u32 $0x3FFFFC00, s3;
	v7 =	vadd.f32 v8, v7  }
0x5a3: {  	s4 =	sand.u32 $0x70, s26;
	s3 =	sadd.s32 s3, s5  }
0x5a4: {  	s3 =	sadd.s32 s4, s3;
	[tilespmem:s28+$0x0] =	vst v7  }
0x5a5: {  	v7 =	vld [tilespmem:s3+$0x0];
	_ =	sdelay $0x2  }
0x5a6: {  	s1 =	sadd.s32 $0x10, s1  }
0x5a7: {  	v63 =	vld [tilespmem:s1+$0x0]  }
0x5a8: {  	s28 =	sadd.s32 $0x10, s2;
	v5 =	vsub.f32 v7, v5  }
0x5a9: {  	v7 =	vld [tilespmem:s28+$0x0]  }
0x5aa: {  	s25 =	sadd.s32 $0x1, s25;
	v5 =	vmul.f32 v5, v6  }
0x5ab: {  	p0 =	sne.s32 s25, $0x10  }
.Ltmp29:
0x5ac: {  	v5 =	vmul.f32 v5, v63;
	(pc) =	sbr.rel @p0 .LBB2_56-.Ltmp29, $3  }
0x5ad: {  	_ = 	snop  }
0x5ae: {  	v5 =	vadd.f32 v5, v7;
	_ =	sdelay $0x1  }
0x5af: {  	[tilespmem:s3+$0x0] =	vst v5  }
0x5b0: {  	s23 =	simm.s32 $0x0;
	s1 =	rddreg [dreg:$0x1f]  }
0x5b1: {  	[hbm4b:s1+s23] =	stream.linear.scatter [tilespmem:s12], [sflag:$0x2], $0x4000, $0x38;
	[tilespmem:$0x9200] =	vst v63  }
0x5b2: {  	_ =	swait.ge [sflag:s10], $0x4000  }
0x5b3: {  	[sflag:s10] =	ssyncset.done $0x0  }
0x5b4: {  	[sflag:s10] =	ssyncadd.s32 $0xFFFFC000  }
0x5b5: {  	v4 =	vld [tilespmem:$0xA0];
	_ =	sdelay $0x4  }
0x5b6: {  	v5 =	vshll.u32 v4, $0x3  }
0x5b7: {  	v4 =	vand.u32 $0x7, v4;
	v5 =	vand.u32 $0xFFFFFFC0, v5  }
0x5b8: {  	v4 =	vor.u32 v4, v5  }
0x5b9: {  	v5 =	vperm.xlane v4, v1;
	_ =	sdelay $0x1  }
0x5ba: {  	v5 =	vadd.s32 v2, v5;
	_ =	sdelay $0x4  }
0x5bb: {  	[tilespmem:s12], [sflag:$0x1] =	stream.indirect_vreg.gather [hbm4b:s0+s23], $0x80, v5, vm0, $0xb8;
	[tilespmem:$0x9200] =	vst v63  }
0x5bc: {  	v4 =	vperm.xlane v4, v3  }
0x5bd: {  	[tilespmem:s13], [sflag:$0x1] =	stream.indirect_vreg.gather [hbm4b:s29+s23], $0x80, v5, vm0, $0xb8;
	[tilespmem:$0x9200] =	vst v63  }
0x5be: {  	v4 =	vadd.s32 v2, v4  }
0x5bf: {  	[tilespmem:s14], [sflag:$0x1] =	stream.indirect_vreg.gather [hbm4b:s30+s23], $0x80, v5, vm0, $0xb8;
	[tilespmem:$0x9200] =	vst v63  }
0x5c0: {  	_ = 	snop  }
0x5c1: {  	[tilespmem:s15], [sflag:$0x1] =	stream.indirect_vreg.gather [hbm4b:s31+s23], $0x80, v5, vm0, $0xb8;
	[tilespmem:$0x9200] =	vst v63  }
0x5c2: {  	_ = 	snop  }
0x5c3: {  	[tilespmem:s16], [sflag:$0x1] =	stream.indirect_vreg.gather [hbm4b:s0+s23], $0x80, v4, vm0, $0xb8;
	[tilespmem:$0x9200] =	vst v63  }
0x5c4: {  	_ = 	snop  }
0x5c5: {  	[tilespmem:s17], [sflag:$0x1] =	stream.indirect_vreg.gather [hbm4b:s29+s23], $0x80, v4, vm0, $0xb8;
	[tilespmem:$0x9200] =	vst v63  }
0x5c6: {  	_ = 	snop  }
0x5c7: {  	[tilespmem:s18], [sflag:$0x1] =	stream.indirect_vreg.gather [hbm4b:s30+s23], $0x80, v4, vm0, $0xb8;
	[tilespmem:$0x9200] =	vst v63  }
0x5c8: {  	_ = 	snop  }
0x5c9: {  	[tilespmem:s19], [sflag:$0x1] =	stream.indirect_vreg.gather [hbm4b:s31+s23], $0x80, v4, vm0, $0xb8;
	[tilespmem:$0x9200] =	vst v63  }
0x5ca: {  	_ =	swait.ge [sflag:s21], $0x4000  }
0x5cb: {  	[sflag:s21] =	ssyncset.done $0x0  }
0x5cc: {  	[sflag:s21] =	ssyncadd.s32 $0xFFFFC000  }
0x5cd: {  	s25 =	simm.s32 $0x0;
	v4 =	vld [tilespmem:$0x1A0]  }
.LBB2_62:
0x5ce: {  	_ =	sdelay $0x1  }
0x5cf: {  	v5 =	vmov s25  }
0x5d0: {  	vm1 =	veq.s32 v5, v0  }
0x5d1: {  	v5 =	vnsel vm1, $0x0, v4  }
0x5d2: {  	(xrf2) =	vadd.scan.msk.f32 $0xffff, v5;
	_ =	sdelay $0x4  }
0x5d3: {  	s26 =	sand.u32 $0x8, s25  }
0x5d4: {  	s20 =	simm.s32 $0x200;
	s1 =	sadd.s32 $0x0, s26  }
0x5d5: {  	s2 =	sshll.u32 s25, $0x7;
	s3 =	sand.u32 $0x70, s23;
	s1 =	sshll.u32 s1, $0xA  }
0x5d6: {  	s5 =	simm.s32 $0x600;
	s28 =	sand.u32 $0x380, s2;
	s1 =	sor.u32 s3, s1;
	v5 =	vld [tilespmem:s20+$0x0]  }
0x5d7: {  	v7 =	vld [tilespmem:s5+$0x0];
	s1 =	sor.u32 s28, s1  }
0x5d8: {  	v8 =	vld [tilespmem:s1+$0x5200];
	v6, _, _ =	vpop (xrf2)  }
0x5d9: {  	v9 =	vld [tilespmem:s1+$0x1200];
	v6 =	vbroadcast v6, $0xF;
	_ =	sdelay $0x1  }
0x5da: {  	v5 =	vmul.f32 v5, v6;
	_ =	sdelay $0x1  }
0x5db: {  	v7 =	vadd.f32 v7, v5  }
0x5dc: {  	v8 =	vadd.f32 v8, v9  }
0x5dd: {  	s4 =	simm.s32 $0x0;
	s2 =	simm.s32 $0x0;
	s3 =	simm.s32 $0x2;
	v5 =	vimm.f32 $0.0e+00;
	v9 =	vmax.f32 v7, $0.0e+00;
	v7 =	vimm.f32 $0.0e+00  }
.LBB2_63:
0x5de: {  	p0 =	sne.s32 s3, $0x3F;
	s4 =	sadd.s32 s26, s4;
	v8 =	vadd.f32 v9, v8;
	s2 =	sadd.s32 $0x10, s2  }
0x5df: {  	s7 =	sand.u32 $0x70, s2;
	s4 =	sshll.u32 s4, $0xA  }
0x5e0: {  	s20 =	sadd.s32 $0x10, s20;
	s4 =	sor.u32 s7, s4;
	[tilespmem:s1+$0x1200] =	vst v8;
	v5 =	vadd.f32 v8, v5;
	v8 =	vmul.f32 v8, v8  }
0x5e1: {  	s1 =	sor.u32 s28, s4;
	v9 =	vld [tilespmem:s20+$0x0]  }
0x5e2: {  	s5 =	sadd.s32 $0x10, s5;
	v10 =	vld [tilespmem:s1+$0x5200];
	v7 =	vadd.f32 v8, v7  }
0x5e3: {  	v8 =	vld [tilespmem:s5+$0x0]  }
0x5e4: {  	v11 =	vld [tilespmem:s1+$0x1200];
	_ =	sdelay $0x1  }
.Ltmp30:
0x5e5: {  	v9 =	vmul.f32 v9, v6;
	(pc) =	sbr.rel @p0 .LBB2_63-.Ltmp30, $4  }
0x5e6: {  	_ = 	snop  }
0x5e7: {  	v9 =	vadd.f32 v8, v9  }
0x5e8: {  	v8 =	vadd.f32 v10, v11  }
0x5e9: {  	s4 =	sshrl.u32 s3, $0x3;
	s3 =	sadd.s32 $0x1, s3;
	v9 =	vmax.f32 v9, $0.0e+00  }
0x5ea: {  	v8 =	vadd.f32 v9, v8  }
0x5eb: {  	s3 =	sadd.s32 s26, s4;
	s2 =	sadd.s32 $0x10, s2  }
0x5ec: {  	s7 =	sadd.s32 $0x10, s20;
	s2 =	sand.u32 $0x70, s2;
	s3 =	sshll.u32 s3, $0xA;
	[tilespmem:s1+$0x1200] =	vst v8  }
0x5ed: {  	s20 =	sadd.s32 $0x10, s5;
	s2 =	sor.u32 s2, s3;
	v9 =	vld [tilespmem:s7+$0x0]  }
0x5ee: {  	s2 =	sor.u32 s28, s2;
	v11 =	vld [tilespmem:s20+$0x0]  }
0x5ef: {  	v10 =	vld [tilespmem:s2+$0x5200]  }
0x5f0: {  	v12 =	vld [tilespmem:s2+$0x1200];
	_ =	sdelay $0x1  }
0x5f1: {  	v6 =	vmul.f32 v9, v6;
	_ =	sdelay $0x1  }
0x5f2: {  	v6 =	vadd.f32 v11, v6  }
0x5f3: {  	v9 =	vadd.f32 v10, v12  }
0x5f4: {  	v6 =	vmax.f32 v6, $0.0e+00  }
0x5f5: {  	v10 =	vmul.f32 v8, v8;
	v6 =	vadd.f32 v6, v9  }
0x5f6: {  	v5 =	vadd.f32 v8, v5  }
0x5f7: {  	v7 =	vadd.f32 v10, v7;
	v8 =	vmul.f32 v6, v6  }
0x5f8: {  	v5 =	vadd.f32 v6, v5  }
0x5f9: {  	v7 =	vadd.f32 v8, v7  }
0x5fa: {  	(xrf2) =	vadd.scan.msk.f32 $0xffff, v5  }
0x5fb: {  	(xrf2) =	vadd.scan.msk.f32 $0xffff, v7;
	_ =	sdelay $0x8  }
0x5fc: {  	v5, _, _ =	vpop (xrf2)  }
0x5fd: {  	(v2sf) =	vpush v5, $0xF;
	v5, _, _ =	vpop (xrf2)  }
0x5fe: {  	(v2sf) =	vpush v5, $0xF;
	_ =	sdelay $0xd  }
0x5ff: {  	s3 =	spop (v2sf)  }
0x600: {  	s1 =	smul.f32 $9.765625000e-04, s3;
	s4 =	spop (v2sf)  }
0x601: {  	s3 =	smul.f32 $9.765625000e-04, s4  }
0x602: {  	s5 =	smul.f32 s1, s1;
	_ =	sdelay $0x1  }
0x603: {  	s3 =	ssub.f32 s3, s5;
	_ =	sdelay $0x1  }
0x604: {  	s3 =	sadd.f32 $9.999999740e-06, s3;
	_ =	sdelay $0x1  }
0x605: {  	s7 =	sshrl.u32 s3, $0x1;
	s3 =	smul.f32 $5.000000000e-01, s3  }
0x606: {  	s4 =	ssub.s32 $0x5F3759DF, s7  }
0x607: {  	s20 =	smul.f32 s4, s3;
	_ =	sdelay $0x1  }
0x608: {  	s5 =	smul.f32 s4, s20;
	_ =	sdelay $0x1  }
0x609: {  	s5 =	ssub.f32 $1.500000000e+00, s5;
	_ =	sdelay $0x1  }
0x60a: {  	s4 =	smul.f32 s4, s5;
	_ =	sdelay $0x1  }
0x60b: {  	s5 =	smul.f32 s4, s3;
	_ =	sdelay $0x1  }
0x60c: {  	s5 =	smul.f32 s5, s4;
	_ =	sdelay $0x1  }
0x60d: {  	s5 =	ssub.f32 $1.500000000e+00, s5  }
0x60e: {  	s7 =	sadd.s32 $0x0, s26  }
0x60f: {  	s7 =	sshll.u32 s7, $0xA;
	s4 =	smul.f32 s5, s4  }
0x610: {  	s7 =	sand.u32 $0x3FFFFC00, s7  }
0x611: {  	s20 =	simm.s32 $0x0;
	s5 =	sadd.s32 $0x1200, s28;
	s3 =	smul.f32 s4, s3  }
0x612: {  	s28 =	sand.u32 $0x70, s20;
	s7 =	sadd.s32 s7, s5  }
0x613: {  	[tilespmem:s2+$0x1200] =	vst v6;
	s28 =	sadd.s32 s28, s7;
	s7 =	smul.f32 s3, s4  }
0x614: {  	v6 =	vld [tilespmem:s28+$0x0]  }
0x615: {  	s2 =	ssub.f32 $1.500000000e+00, s7;
	_ =	sdelay $0x1  }
0x616: {  	v5 =	vmov s1;
	s1 =	simm.s32 $0xA00;
	s2 =	smul.f32 s2, s4  }
0x617: {  	v8 =	vld [tilespmem:s1+$0x0]  }
0x618: {  	v9 =	vsub.f32 v6, v5;
	v6 =	vmov s2;
	s2 =	simm.s32 $0xE00  }
0x619: {  	v7 =	vld [tilespmem:s2+$0x0]  }
0x61a: {  	v9 =	vmul.f32 v9, v6  }
0x61b: {  	s3 =	simm.s32 $0x2;
	s4 =	simm.s32 $0x0  }
.LBB2_65:
0x61c: {  	p0 =	sne.s32 s3, $0x3F;
	s4 =	sadd.s32 s26, s4;
	v8 =	vmul.f32 v9, v8  }
0x61d: {  	s4 =	sshll.u32 s4, $0xA  }
0x61e: {  	s20 =	sadd.s32 $0x10, s20;
	s4 =	sand.u32 $0x3FFFFC00, s4;
	v7 =	vadd.f32 v8, v7  }
0x61f: {  	s7 =	sand.u32 $0x70, s20;
	s4 =	sadd.s32 s4, s5  }
0x620: {  	[tilespmem:s28+$0x0] =	vst v7;
	s28 =	sadd.s32 s7, s4  }
0x621: {  	v7 =	vld [tilespmem:s28+$0x0];
	_ =	sdelay $0x2  }
0x622: {  	s1 =	sadd.s32 $0x10, s1  }
.Ltmp31:
0x623: {  	v8 =	vld [tilespmem:s1+$0x0];
	(pc) =	sbr.rel @p0 .LBB2_65-.Ltmp31, $4  }
0x624: {  	s2 =	sadd.s32 $0x10, s2;
	v9 =	vsub.f32 v7, v5  }
0x625: {  	v7 =	vld [tilespmem:s2+$0x0]  }
0x626: {  	v9 =	vmul.f32 v9, v6  }
0x627: {  	s4 =	sshrl.u32 s3, $0x3;
	s3 =	sadd.s32 $0x1, s3  }
0x628: {  	s3 =	sadd.s32 s26, s4;
	v8 =	vmul.f32 v9, v8  }
0x629: {  	s3 =	sshll.u32 s3, $0xA  }
0x62a: {  	s26 =	sadd.s32 $0x10, s20;
	s3 =	sand.u32 $0x3FFFFC00, s3;
	v7 =	vadd.f32 v8, v7  }
0x62b: {  	s4 =	sand.u32 $0x70, s26;
	s3 =	sadd.s32 s3, s5  }
0x62c: {  	s3 =	sadd.s32 s4, s3;
	[tilespmem:s28+$0x0] =	vst v7  }
0x62d: {  	v7 =	vld [tilespmem:s3+$0x0];
	_ =	sdelay $0x2  }
0x62e: {  	s1 =	sadd.s32 $0x10, s1  }
0x62f: {  	v63 =	vld [tilespmem:s1+$0x0]  }
0x630: {  	s28 =	sadd.s32 $0x10, s2;
	v5 =	vsub.f32 v7, v5  }
0x631: {  	v7 =	vld [tilespmem:s28+$0x0]  }
0x632: {  	s25 =	sadd.s32 $0x1, s25;
	v5 =	vmul.f32 v5, v6  }
0x633: {  	p0 =	sne.s32 s25, $0x10  }
.Ltmp32:
0x634: {  	v5 =	vmul.f32 v5, v63;
	(pc) =	sbr.rel @p0 .LBB2_62-.Ltmp32, $3  }
0x635: {  	_ = 	snop  }
0x636: {  	v5 =	vadd.f32 v5, v7;
	_ =	sdelay $0x1  }
0x637: {  	[tilespmem:s3+$0x0] =	vst v5  }
0x638: {  	s1 =	sld [smem:$0x7FB];
	_ =	sdelay $0x1  }
0x639: {  	s23 =	simm.s32 $0x0  }
0x63a: {  	[hbm4b:s1+s23] =	stream.linear.scatter [tilespmem:s12], [sflag:$0x2], $0x4000, $0x38;
	[tilespmem:$0x9200] =	vst v63  }
0x63b: {  	_ =	swait.ge [sflag:s10], $0x4000  }
0x63c: {  	[sflag:s10] =	ssyncset.done $0x0  }
0x63d: {  	[sflag:s10] =	ssyncadd.s32 $0xFFFFC000  }
0x63e: {  	v4 =	vld [tilespmem:$0xE0];
	_ =	sdelay $0x4  }
0x63f: {  	v5 =	vshll.u32 v4, $0x3  }
0x640: {  	v4 =	vand.u32 $0x7, v4;
	v5 =	vand.u32 $0xFFFFFFC0, v5  }
0x641: {  	v4 =	vor.u32 v4, v5  }
0x642: {  	v5 =	vperm.xlane v4, v1;
	_ =	sdelay $0x1  }
0x643: {  	v5 =	vadd.s32 v2, v5;
	_ =	sdelay $0x4  }
0x644: {  	[tilespmem:s12], [sflag:$0x1] =	stream.indirect_vreg.gather [hbm4b:s0+s23], $0x80, v5, vm0, $0xb8;
	[tilespmem:$0x9200] =	vst v63  }
0x645: {  	v4 =	vperm.xlane v4, v3  }
0x646: {  	[tilespmem:s13], [sflag:$0x1] =	stream.indirect_vreg.gather [hbm4b:s29+s23], $0x80, v5, vm0, $0xb8;
	[tilespmem:$0x9200] =	vst v63  }
0x647: {  	v4 =	vadd.s32 v2, v4  }
0x648: {  	[tilespmem:s14], [sflag:$0x1] =	stream.indirect_vreg.gather [hbm4b:s30+s23], $0x80, v5, vm0, $0xb8;
	[tilespmem:$0x9200] =	vst v63  }
0x649: {  	_ = 	snop  }
0x64a: {  	[tilespmem:s15], [sflag:$0x1] =	stream.indirect_vreg.gather [hbm4b:s31+s23], $0x80, v5, vm0, $0xb8;
	[tilespmem:$0x9200] =	vst v63  }
0x64b: {  	_ = 	snop  }
0x64c: {  	[tilespmem:s16], [sflag:$0x1] =	stream.indirect_vreg.gather [hbm4b:s0+s23], $0x80, v4, vm0, $0xb8;
	[tilespmem:$0x9200] =	vst v63  }
0x64d: {  	_ = 	snop  }
0x64e: {  	[tilespmem:s17], [sflag:$0x1] =	stream.indirect_vreg.gather [hbm4b:s29+s23], $0x80, v4, vm0, $0xb8;
	[tilespmem:$0x9200] =	vst v63  }
0x64f: {  	_ = 	snop  }
0x650: {  	[tilespmem:s18], [sflag:$0x1] =	stream.indirect_vreg.gather [hbm4b:s30+s23], $0x80, v4, vm0, $0xb8;
	[tilespmem:$0x9200] =	vst v63  }
0x651: {  	_ = 	snop  }
0x652: {  	[tilespmem:s19], [sflag:$0x1] =	stream.indirect_vreg.gather [hbm4b:s31+s23], $0x80, v4, vm0, $0xb8;
	[tilespmem:$0x9200] =	vst v63  }
0x653: {  	_ =	swait.ge [sflag:s21], $0x4000  }
0x654: {  	[sflag:s21] =	ssyncset.done $0x0  }
0x655: {  	[sflag:s21] =	ssyncadd.s32 $0xFFFFC000  }
0x656: {  	s25 =	simm.s32 $0x0;
	v4 =	vld [tilespmem:$0x1E0]  }
.LBB2_68:
0x657: {  	_ =	sdelay $0x1  }
0x658: {  	v5 =	vmov s25  }
0x659: {  	vm1 =	veq.s32 v5, v0  }
0x65a: {  	v5 =	vnsel vm1, $0x0, v4  }
0x65b: {  	(xrf2) =	vadd.scan.msk.f32 $0xffff, v5;
	_ =	sdelay $0x4  }
0x65c: {  	s26 =	sand.u32 $0x8, s25  }
0x65d: {  	s20 =	simm.s32 $0x200;
	s1 =	sadd.s32 $0x0, s26  }
0x65e: {  	s2 =	sshll.u32 s25, $0x7;
	s3 =	sand.u32 $0x70, s23;
	s1 =	sshll.u32 s1, $0xA  }
0x65f: {  	s5 =	simm.s32 $0x600;
	s28 =	sand.u32 $0x380, s2;
	s1 =	sor.u32 s3, s1;
	v5 =	vld [tilespmem:s20+$0x0]  }
0x660: {  	v7 =	vld [tilespmem:s5+$0x0];
	s1 =	sor.u32 s28, s1  }
0x661: {  	v8 =	vld [tilespmem:s1+$0x5200];
	v6, _, _ =	vpop (xrf2)  }
0x662: {  	v9 =	vld [tilespmem:s1+$0x1200];
	v6 =	vbroadcast v6, $0xF;
	_ =	sdelay $0x1  }
0x663: {  	v5 =	vmul.f32 v5, v6;
	_ =	sdelay $0x1  }
0x664: {  	v7 =	vadd.f32 v7, v5  }
0x665: {  	v8 =	vadd.f32 v8, v9  }
0x666: {  	s4 =	simm.s32 $0x0;
	s2 =	simm.s32 $0x0;
	s3 =	simm.s32 $0x2;
	v5 =	vimm.f32 $0.0e+00;
	v9 =	vmax.f32 v7, $0.0e+00;
	v7 =	vimm.f32 $0.0e+00  }
.LBB2_69:
0x667: {  	p0 =	sne.s32 s3, $0x3F;
	s4 =	sadd.s32 s26, s4;
	v8 =	vadd.f32 v9, v8;
	s2 =	sadd.s32 $0x10, s2  }
0x668: {  	s7 =	sand.u32 $0x70, s2;
	s4 =	sshll.u32 s4, $0xA  }
0x669: {  	s20 =	sadd.s32 $0x10, s20;
	s4 =	sor.u32 s7, s4;
	[tilespmem:s1+$0x1200] =	vst v8;
	v5 =	vadd.f32 v8, v5;
	v8 =	vmul.f32 v8, v8  }
0x66a: {  	s1 =	sor.u32 s28, s4;
	v9 =	vld [tilespmem:s20+$0x0]  }
0x66b: {  	s5 =	sadd.s32 $0x10, s5;
	v10 =	vld [tilespmem:s1+$0x5200];
	v7 =	vadd.f32 v8, v7  }
0x66c: {  	v8 =	vld [tilespmem:s5+$0x0]  }
0x66d: {  	v11 =	vld [tilespmem:s1+$0x1200];
	_ =	sdelay $0x1  }
.Ltmp33:
0x66e: {  	v9 =	vmul.f32 v9, v6;
	(pc) =	sbr.rel @p0 .LBB2_69-.Ltmp33, $4  }
0x66f: {  	_ = 	snop  }
0x670: {  	v9 =	vadd.f32 v8, v9  }
0x671: {  	v8 =	vadd.f32 v10, v11  }
0x672: {  	s4 =	sshrl.u32 s3, $0x3;
	s3 =	sadd.s32 $0x1, s3;
	v9 =	vmax.f32 v9, $0.0e+00  }
0x673: {  	v8 =	vadd.f32 v9, v8  }
0x674: {  	s3 =	sadd.s32 s26, s4;
	s2 =	sadd.s32 $0x10, s2  }
0x675: {  	s7 =	sadd.s32 $0x10, s20;
	s2 =	sand.u32 $0x70, s2;
	s3 =	sshll.u32 s3, $0xA;
	[tilespmem:s1+$0x1200] =	vst v8  }
0x676: {  	s20 =	sadd.s32 $0x10, s5;
	s2 =	sor.u32 s2, s3;
	v9 =	vld [tilespmem:s7+$0x0]  }
0x677: {  	s2 =	sor.u32 s28, s2;
	v11 =	vld [tilespmem:s20+$0x0]  }
0x678: {  	v10 =	vld [tilespmem:s2+$0x5200]  }
0x679: {  	v12 =	vld [tilespmem:s2+$0x1200];
	_ =	sdelay $0x1  }
0x67a: {  	v6 =	vmul.f32 v9, v6;
	_ =	sdelay $0x1  }
0x67b: {  	v6 =	vadd.f32 v11, v6  }
0x67c: {  	v9 =	vadd.f32 v10, v12  }
0x67d: {  	v6 =	vmax.f32 v6, $0.0e+00  }
0x67e: {  	v10 =	vmul.f32 v8, v8;
	v6 =	vadd.f32 v6, v9  }
0x67f: {  	v5 =	vadd.f32 v8, v5  }
0x680: {  	v7 =	vadd.f32 v10, v7;
	v8 =	vmul.f32 v6, v6  }
0x681: {  	v5 =	vadd.f32 v6, v5  }
0x682: {  	v7 =	vadd.f32 v8, v7  }
0x683: {  	(xrf2) =	vadd.scan.msk.f32 $0xffff, v5  }
0x684: {  	(xrf2) =	vadd.scan.msk.f32 $0xffff, v7;
	_ =	sdelay $0x8  }
0x685: {  	v5, _, _ =	vpop (xrf2)  }
0x686: {  	(v2sf) =	vpush v5, $0xF;
	v5, _, _ =	vpop (xrf2)  }
0x687: {  	(v2sf) =	vpush v5, $0xF;
	_ =	sdelay $0xd  }
0x688: {  	s3 =	spop (v2sf)  }
0x689: {  	s1 =	smul.f32 $9.765625000e-04, s3;
	s4 =	spop (v2sf)  }
0x68a: {  	s3 =	smul.f32 $9.765625000e-04, s4  }
0x68b: {  	s5 =	smul.f32 s1, s1;
	_ =	sdelay $0x1  }
0x68c: {  	s3 =	ssub.f32 s3, s5;
	_ =	sdelay $0x1  }
0x68d: {  	s3 =	sadd.f32 $9.999999740e-06, s3;
	_ =	sdelay $0x1  }
0x68e: {  	s7 =	sshrl.u32 s3, $0x1;
	s3 =	smul.f32 $5.000000000e-01, s3  }
0x68f: {  	s4 =	ssub.s32 $0x5F3759DF, s7  }
0x690: {  	s20 =	smul.f32 s4, s3;
	_ =	sdelay $0x1  }
0x691: {  	s5 =	smul.f32 s4, s20;
	_ =	sdelay $0x1  }
0x692: {  	s5 =	ssub.f32 $1.500000000e+00, s5;
	_ =	sdelay $0x1  }
0x693: {  	s4 =	smul.f32 s4, s5;
	_ =	sdelay $0x1  }
0x694: {  	s5 =	smul.f32 s4, s3;
	_ =	sdelay $0x1  }
0x695: {  	s5 =	smul.f32 s5, s4;
	_ =	sdelay $0x1  }
0x696: {  	s5 =	ssub.f32 $1.500000000e+00, s5  }
0x697: {  	s7 =	sadd.s32 $0x0, s26  }
0x698: {  	s7 =	sshll.u32 s7, $0xA;
	s4 =	smul.f32 s5, s4  }
0x699: {  	s7 =	sand.u32 $0x3FFFFC00, s7  }
0x69a: {  	s20 =	simm.s32 $0x0;
	s5 =	sadd.s32 $0x1200, s28;
	s3 =	smul.f32 s4, s3  }
0x69b: {  	s28 =	sand.u32 $0x70, s20;
	s7 =	sadd.s32 s7, s5  }
0x69c: {  	[tilespmem:s2+$0x1200] =	vst v6;
	s28 =	sadd.s32 s28, s7;
	s7 =	smul.f32 s3, s4  }
0x69d: {  	v6 =	vld [tilespmem:s28+$0x0]  }
0x69e: {  	s2 =	ssub.f32 $1.500000000e+00, s7;
	_ =	sdelay $0x1  }
0x69f: {  	v5 =	vmov s1;
	s1 =	simm.s32 $0xA00;
	s2 =	smul.f32 s2, s4  }
0x6a0: {  	v8 =	vld [tilespmem:s1+$0x0]  }
0x6a1: {  	v9 =	vsub.f32 v6, v5;
	v6 =	vmov s2;
	s2 =	simm.s32 $0xE00  }
0x6a2: {  	v7 =	vld [tilespmem:s2+$0x0]  }
0x6a3: {  	v9 =	vmul.f32 v9, v6  }
0x6a4: {  	s3 =	simm.s32 $0x2;
	s4 =	simm.s32 $0x0  }
.LBB2_71:
0x6a5: {  	p0 =	sne.s32 s3, $0x3F;
	s4 =	sadd.s32 s26, s4;
	v8 =	vmul.f32 v9, v8  }
0x6a6: {  	s4 =	sshll.u32 s4, $0xA  }
0x6a7: {  	s20 =	sadd.s32 $0x10, s20;
	s4 =	sand.u32 $0x3FFFFC00, s4;
	v7 =	vadd.f32 v8, v7  }
0x6a8: {  	s7 =	sand.u32 $0x70, s20;
	s4 =	sadd.s32 s4, s5  }
0x6a9: {  	[tilespmem:s28+$0x0] =	vst v7;
	s28 =	sadd.s32 s7, s4  }
0x6aa: {  	v7 =	vld [tilespmem:s28+$0x0];
	_ =	sdelay $0x2  }
0x6ab: {  	s1 =	sadd.s32 $0x10, s1  }
.Ltmp34:
0x6ac: {  	v8 =	vld [tilespmem:s1+$0x0];
	(pc) =	sbr.rel @p0 .LBB2_71-.Ltmp34, $4  }
0x6ad: {  	s2 =	sadd.s32 $0x10, s2;
	v9 =	vsub.f32 v7, v5  }
0x6ae: {  	v7 =	vld [tilespmem:s2+$0x0]  }
0x6af: {  	v9 =	vmul.f32 v9, v6  }
0x6b0: {  	s4 =	sshrl.u32 s3, $0x3;
	s3 =	sadd.s32 $0x1, s3  }
0x6b1: {  	s3 =	sadd.s32 s26, s4;
	v8 =	vmul.f32 v9, v8  }
0x6b2: {  	s3 =	sshll.u32 s3, $0xA  }
0x6b3: {  	s26 =	sadd.s32 $0x10, s20;
	s3 =	sand.u32 $0x3FFFFC00, s3;
	v7 =	vadd.f32 v8, v7  }
0x6b4: {  	s4 =	sand.u32 $0x70, s26;
	s3 =	sadd.s32 s3, s5  }
0x6b5: {  	s3 =	sadd.s32 s4, s3;
	[tilespmem:s28+$0x0] =	vst v7  }
0x6b6: {  	v7 =	vld [tilespmem:s3+$0x0];
	_ =	sdelay $0x2  }
0x6b7: {  	s1 =	sadd.s32 $0x10, s1  }
0x6b8: {  	v63 =	vld [tilespmem:s1+$0x0]  }
0x6b9: {  	s28 =	sadd.s32 $0x10, s2;
	v5 =	vsub.f32 v7, v5  }
0x6ba: {  	v7 =	vld [tilespmem:s28+$0x0]  }
0x6bb: {  	s25 =	sadd.s32 $0x1, s25;
	v5 =	vmul.f32 v5, v6  }
0x6bc: {  	p0 =	sne.s32 s25, $0x10  }
.Ltmp35:
0x6bd: {  	v5 =	vmul.f32 v5, v63;
	(pc) =	sbr.rel @p0 .LBB2_68-.Ltmp35, $3  }
0x6be: {  	_ = 	snop  }
0x6bf: {  	v5 =	vadd.f32 v5, v7;
	_ =	sdelay $0x1  }
0x6c0: {  	[tilespmem:s3+$0x0] =	vst v5  }
0x6c1: {  	s1 =	sld [smem:$0x7FC];
	_ =	sdelay $0x1  }
0x6c2: {  	s23 =	simm.s32 $0x0  }
0x6c3: {  	[hbm4b:s1+s23] =	stream.linear.scatter [tilespmem:s12], [sflag:$0x2], $0x4000, $0x38;
	[tilespmem:$0x9200] =	vst v63  }
0x6c4: {  	_ =	swait.ge [sflag:s10], $0x4000  }
0x6c5: {  	[sflag:s10] =	ssyncset.done $0x0  }
0x6c6: {  	s28 =	rddreg [dreg:$0x19];
	[sflag:s10] =	ssyncadd.s32 $0xFFFFC000  }
0x6c7: {  	[tilespmem:s11], [sflag:$0x2] =	stream.linear.gather [hbm4b:s28+s23], $0x4000, $0x38;
	[tilespmem:$0x9200] =	vst v63  }
0x6c8: {  	_ =	swait.ge [sflag:s10], $0x4000  }
0x6c9: {  	[sflag:s10] =	ssyncset.done $0x0  }
0x6ca: {  	[sflag:s10] =	ssyncadd.s32 $0xFFFFC000  }
0x6cb: {  	v4 =	vld [tilespmem:$0x30];
	_ =	sdelay $0x4  }
0x6cc: {  	v5 =	vshll.u32 v4, $0x3  }
0x6cd: {  	v4 =	vand.u32 $0x7, v4;
	v5 =	vand.u32 $0xFFFFFFC0, v5  }
0x6ce: {  	v4 =	vor.u32 v4, v5  }
0x6cf: {  	v5 =	vperm.xlane v4, v1;
	_ =	sdelay $0x1  }
0x6d0: {  	v5 =	vadd.s32 v2, v5;
	_ =	sdelay $0x4  }
0x6d1: {  	[tilespmem:s12], [sflag:$0x1] =	stream.indirect_vreg.gather [hbm4b:s0+s23], $0x80, v5, vm0, $0xb8;
	[tilespmem:$0x9200] =	vst v63  }
0x6d2: {  	v4 =	vperm.xlane v4, v3  }
0x6d3: {  	[tilespmem:s13], [sflag:$0x1] =	stream.indirect_vreg.gather [hbm4b:s29+s23], $0x80, v5, vm0, $0xb8;
	[tilespmem:$0x9200] =	vst v63  }
0x6d4: {  	v4 =	vadd.s32 v2, v4  }
0x6d5: {  	[tilespmem:s14], [sflag:$0x1] =	stream.indirect_vreg.gather [hbm4b:s30+s23], $0x80, v5, vm0, $0xb8;
	[tilespmem:$0x9200] =	vst v63  }
0x6d6: {  	_ = 	snop  }
0x6d7: {  	[tilespmem:s15], [sflag:$0x1] =	stream.indirect_vreg.gather [hbm4b:s31+s23], $0x80, v5, vm0, $0xb8;
	[tilespmem:$0x9200] =	vst v63  }
0x6d8: {  	_ = 	snop  }
0x6d9: {  	[tilespmem:s16], [sflag:$0x1] =	stream.indirect_vreg.gather [hbm4b:s0+s23], $0x80, v4, vm0, $0xb8;
	[tilespmem:$0x9200] =	vst v63  }
0x6da: {  	_ = 	snop  }
0x6db: {  	[tilespmem:s17], [sflag:$0x1] =	stream.indirect_vreg.gather [hbm4b:s29+s23], $0x80, v4, vm0, $0xb8;
	[tilespmem:$0x9200] =	vst v63  }
0x6dc: {  	_ = 	snop  }
0x6dd: {  	[tilespmem:s18], [sflag:$0x1] =	stream.indirect_vreg.gather [hbm4b:s30+s23], $0x80, v4, vm0, $0xb8;
	[tilespmem:$0x9200] =	vst v63  }
0x6de: {  	_ = 	snop  }
0x6df: {  	[tilespmem:s19], [sflag:$0x1] =	stream.indirect_vreg.gather [hbm4b:s31+s23], $0x80, v4, vm0, $0xb8;
	[tilespmem:$0x9200] =	vst v63  }
0x6e0: {  	_ =	swait.ge [sflag:s21], $0x4000  }
0x6e1: {  	[sflag:s21] =	ssyncset.done $0x0  }
0x6e2: {  	[sflag:s21] =	ssyncadd.s32 $0xFFFFC000  }
0x6e3: {  	s25 =	simm.s32 $0x0;
	v4 =	vld [tilespmem:$0x130]  }
.LBB2_74:
0x6e4: {  	_ =	sdelay $0x1  }
0x6e5: {  	v5 =	vmov s25  }
0x6e6: {  	vm1 =	veq.s32 v5, v0  }
0x6e7: {  	v5 =	vnsel vm1, $0x0, v4  }
0x6e8: {  	(xrf2) =	vadd.scan.msk.f32 $0xffff, v5;
	_ =	sdelay $0x4  }
0x6e9: {  	s26 =	sand.u32 $0x8, s25  }
0x6ea: {  	s20 =	simm.s32 $0x200;
	s1 =	sadd.s32 $0x0, s26  }
0x6eb: {  	s2 =	sshll.u32 s25, $0x7;
	s3 =	sand.u32 $0x70, s23;
	s1 =	sshll.u32 s1, $0xA  }
0x6ec: {  	s5 =	simm.s32 $0x600;
	s28 =	sand.u32 $0x380, s2;
	s1 =	sor.u32 s3, s1;
	v5 =	vld [tilespmem:s20+$0x0]  }
0x6ed: {  	v7 =	vld [tilespmem:s5+$0x0];
	s1 =	sor.u32 s28, s1  }
0x6ee: {  	v8 =	vld [tilespmem:s1+$0x5200];
	v6, _, _ =	vpop (xrf2)  }
0x6ef: {  	v9 =	vld [tilespmem:s1+$0x1200];
	v6 =	vbroadcast v6, $0xF;
	_ =	sdelay $0x1  }
0x6f0: {  	v5 =	vmul.f32 v5, v6;
	_ =	sdelay $0x1  }
0x6f1: {  	v7 =	vadd.f32 v7, v5  }
0x6f2: {  	v8 =	vadd.f32 v8, v9  }
0x6f3: {  	s4 =	simm.s32 $0x0;
	s2 =	simm.s32 $0x0;
	s3 =	simm.s32 $0x2;
	v5 =	vimm.f32 $0.0e+00;
	v9 =	vmax.f32 v7, $0.0e+00;
	v7 =	vimm.f32 $0.0e+00  }
.LBB2_75:
0x6f4: {  	p0 =	sne.s32 s3, $0x3F;
	s4 =	sadd.s32 s26, s4;
	v8 =	vadd.f32 v9, v8;
	s2 =	sadd.s32 $0x10, s2  }
0x6f5: {  	s7 =	sand.u32 $0x70, s2;
	s4 =	sshll.u32 s4, $0xA  }
0x6f6: {  	s20 =	sadd.s32 $0x10, s20;
	s4 =	sor.u32 s7, s4;
	[tilespmem:s1+$0x1200] =	vst v8;
	v5 =	vadd.f32 v8, v5;
	v8 =	vmul.f32 v8, v8  }
0x6f7: {  	s1 =	sor.u32 s28, s4;
	v9 =	vld [tilespmem:s20+$0x0]  }
0x6f8: {  	s5 =	sadd.s32 $0x10, s5;
	v10 =	vld [tilespmem:s1+$0x5200];
	v7 =	vadd.f32 v8, v7  }
0x6f9: {  	v8 =	vld [tilespmem:s5+$0x0]  }
0x6fa: {  	v11 =	vld [tilespmem:s1+$0x1200];
	_ =	sdelay $0x1  }
.Ltmp36:
0x6fb: {  	v9 =	vmul.f32 v9, v6;
	(pc) =	sbr.rel @p0 .LBB2_75-.Ltmp36, $4  }
0x6fc: {  	_ = 	snop  }
0x6fd: {  	v9 =	vadd.f32 v8, v9  }
0x6fe: {  	v8 =	vadd.f32 v10, v11  }
0x6ff: {  	s4 =	sshrl.u32 s3, $0x3;
	s3 =	sadd.s32 $0x1, s3;
	v9 =	vmax.f32 v9, $0.0e+00  }
0x700: {  	v8 =	vadd.f32 v9, v8  }
0x701: {  	s3 =	sadd.s32 s26, s4;
	s2 =	sadd.s32 $0x10, s2  }
0x702: {  	s7 =	sadd.s32 $0x10, s20;
	s2 =	sand.u32 $0x70, s2;
	s3 =	sshll.u32 s3, $0xA;
	[tilespmem:s1+$0x1200] =	vst v8  }
0x703: {  	s20 =	sadd.s32 $0x10, s5;
	s2 =	sor.u32 s2, s3;
	v9 =	vld [tilespmem:s7+$0x0]  }
0x704: {  	s2 =	sor.u32 s28, s2;
	v11 =	vld [tilespmem:s20+$0x0]  }
0x705: {  	v10 =	vld [tilespmem:s2+$0x5200]  }
0x706: {  	v12 =	vld [tilespmem:s2+$0x1200];
	_ =	sdelay $0x1  }
0x707: {  	v6 =	vmul.f32 v9, v6;
	_ =	sdelay $0x1  }
0x708: {  	v6 =	vadd.f32 v11, v6  }
0x709: {  	v9 =	vadd.f32 v10, v12  }
0x70a: {  	v6 =	vmax.f32 v6, $0.0e+00  }
0x70b: {  	v10 =	vmul.f32 v8, v8;
	v6 =	vadd.f32 v6, v9  }
0x70c: {  	v5 =	vadd.f32 v8, v5  }
0x70d: {  	v7 =	vadd.f32 v10, v7;
	v8 =	vmul.f32 v6, v6  }
0x70e: {  	v5 =	vadd.f32 v6, v5  }
0x70f: {  	v7 =	vadd.f32 v8, v7  }
0x710: {  	(xrf2) =	vadd.scan.msk.f32 $0xffff, v5  }
0x711: {  	(xrf2) =	vadd.scan.msk.f32 $0xffff, v7;
	_ =	sdelay $0x8  }
0x712: {  	v5, _, _ =	vpop (xrf2)  }
0x713: {  	(v2sf) =	vpush v5, $0xF;
	v5, _, _ =	vpop (xrf2)  }
0x714: {  	(v2sf) =	vpush v5, $0xF;
	_ =	sdelay $0xd  }
0x715: {  	s3 =	spop (v2sf)  }
0x716: {  	s1 =	smul.f32 $9.765625000e-04, s3;
	s4 =	spop (v2sf)  }
0x717: {  	s3 =	smul.f32 $9.765625000e-04, s4  }
0x718: {  	s5 =	smul.f32 s1, s1;
	_ =	sdelay $0x1  }
0x719: {  	s3 =	ssub.f32 s3, s5;
	_ =	sdelay $0x1  }
0x71a: {  	s3 =	sadd.f32 $9.999999740e-06, s3;
	_ =	sdelay $0x1  }
0x71b: {  	s7 =	sshrl.u32 s3, $0x1;
	s3 =	smul.f32 $5.000000000e-01, s3  }
0x71c: {  	s4 =	ssub.s32 $0x5F3759DF, s7  }
0x71d: {  	s20 =	smul.f32 s4, s3;
	_ =	sdelay $0x1  }
0x71e: {  	s5 =	smul.f32 s4, s20;
	_ =	sdelay $0x1  }
0x71f: {  	s5 =	ssub.f32 $1.500000000e+00, s5;
	_ =	sdelay $0x1  }
0x720: {  	s4 =	smul.f32 s4, s5;
	_ =	sdelay $0x1  }
0x721: {  	s5 =	smul.f32 s4, s3;
	_ =	sdelay $0x1  }
0x722: {  	s5 =	smul.f32 s5, s4;
	_ =	sdelay $0x1  }
0x723: {  	s5 =	ssub.f32 $1.500000000e+00, s5  }
0x724: {  	s7 =	sadd.s32 $0x0, s26  }
0x725: {  	s7 =	sshll.u32 s7, $0xA;
	s4 =	smul.f32 s5, s4  }
0x726: {  	s7 =	sand.u32 $0x3FFFFC00, s7  }
0x727: {  	s20 =	simm.s32 $0x0;
	s5 =	sadd.s32 $0x1200, s28;
	s3 =	smul.f32 s4, s3  }
0x728: {  	s28 =	sand.u32 $0x70, s20;
	s7 =	sadd.s32 s7, s5  }
0x729: {  	[tilespmem:s2+$0x1200] =	vst v6;
	s28 =	sadd.s32 s28, s7;
	s7 =	smul.f32 s3, s4  }
0x72a: {  	v6 =	vld [tilespmem:s28+$0x0]  }
0x72b: {  	s2 =	ssub.f32 $1.500000000e+00, s7;
	_ =	sdelay $0x1  }
0x72c: {  	v5 =	vmov s1;
	s1 =	simm.s32 $0xA00;
	s2 =	smul.f32 s2, s4  }
0x72d: {  	v8 =	vld [tilespmem:s1+$0x0]  }
0x72e: {  	v9 =	vsub.f32 v6, v5;
	v6 =	vmov s2;
	s2 =	simm.s32 $0xE00  }
0x72f: {  	v7 =	vld [tilespmem:s2+$0x0]  }
0x730: {  	v9 =	vmul.f32 v9, v6  }
0x731: {  	s3 =	simm.s32 $0x2;
	s4 =	simm.s32 $0x0  }
.LBB2_77:
0x732: {  	p0 =	sne.s32 s3, $0x3F;
	s4 =	sadd.s32 s26, s4;
	v8 =	vmul.f32 v9, v8  }
0x733: {  	s4 =	sshll.u32 s4, $0xA  }
0x734: {  	s20 =	sadd.s32 $0x10, s20;
	s4 =	sand.u32 $0x3FFFFC00, s4;
	v7 =	vadd.f32 v8, v7  }
0x735: {  	s7 =	sand.u32 $0x70, s20;
	s4 =	sadd.s32 s4, s5  }
0x736: {  	[tilespmem:s28+$0x0] =	vst v7;
	s28 =	sadd.s32 s7, s4  }
0x737: {  	v7 =	vld [tilespmem:s28+$0x0];
	_ =	sdelay $0x2  }
0x738: {  	s1 =	sadd.s32 $0x10, s1  }
.Ltmp37:
0x739: {  	v8 =	vld [tilespmem:s1+$0x0];
	(pc) =	sbr.rel @p0 .LBB2_77-.Ltmp37, $4  }
0x73a: {  	s2 =	sadd.s32 $0x10, s2;
	v9 =	vsub.f32 v7, v5  }
0x73b: {  	v7 =	vld [tilespmem:s2+$0x0]  }
0x73c: {  	v9 =	vmul.f32 v9, v6  }
0x73d: {  	s4 =	sshrl.u32 s3, $0x3;
	s3 =	sadd.s32 $0x1, s3  }
0x73e: {  	s3 =	sadd.s32 s26, s4;
	v8 =	vmul.f32 v9, v8  }
0x73f: {  	s3 =	sshll.u32 s3, $0xA  }
0x740: {  	s26 =	sadd.s32 $0x10, s20;
	s3 =	sand.u32 $0x3FFFFC00, s3;
	v7 =	vadd.f32 v8, v7  }
0x741: {  	s4 =	sand.u32 $0x70, s26;
	s3 =	sadd.s32 s3, s5  }
0x742: {  	s3 =	sadd.s32 s4, s3;
	[tilespmem:s28+$0x0] =	vst v7  }
0x743: {  	v7 =	vld [tilespmem:s3+$0x0];
	_ =	sdelay $0x2  }
0x744: {  	s1 =	sadd.s32 $0x10, s1  }
0x745: {  	v63 =	vld [tilespmem:s1+$0x0]  }
0x746: {  	s28 =	sadd.s32 $0x10, s2;
	v5 =	vsub.f32 v7, v5  }
0x747: {  	v7 =	vld [tilespmem:s28+$0x0]  }
0x748: {  	s25 =	sadd.s32 $0x1, s25;
	v5 =	vmul.f32 v5, v6  }
0x749: {  	p0 =	sne.s32 s25, $0x10  }
.Ltmp38:
0x74a: {  	v5 =	vmul.f32 v5, v63;
	(pc) =	sbr.rel @p0 .LBB2_74-.Ltmp38, $3  }
0x74b: {  	_ = 	snop  }
0x74c: {  	v5 =	vadd.f32 v5, v7;
	_ =	sdelay $0x1  }
0x74d: {  	[tilespmem:s3+$0x0] =	vst v5  }
0x74e: {  	s23 =	simm.s32 $0x0;
	s1 =	rddreg [dreg:$0x1a]  }
0x74f: {  	[hbm4b:s1+s23] =	stream.linear.scatter [tilespmem:s12], [sflag:$0x2], $0x4000, $0x38;
	[tilespmem:$0x9200] =	vst v63  }
0x750: {  	_ =	swait.ge [sflag:s10], $0x4000  }
0x751: {  	[sflag:s10] =	ssyncset.done $0x0  }
0x752: {  	[sflag:s10] =	ssyncadd.s32 $0xFFFFC000  }
0x753: {  	v4 =	vld [tilespmem:$0x70];
	_ =	sdelay $0x4  }
0x754: {  	v5 =	vshll.u32 v4, $0x3  }
0x755: {  	v4 =	vand.u32 $0x7, v4;
	v5 =	vand.u32 $0xFFFFFFC0, v5  }
0x756: {  	v4 =	vor.u32 v4, v5  }
0x757: {  	v5 =	vperm.xlane v4, v1;
	_ =	sdelay $0x1  }
0x758: {  	v5 =	vadd.s32 v2, v5;
	_ =	sdelay $0x4  }
0x759: {  	[tilespmem:s12], [sflag:$0x1] =	stream.indirect_vreg.gather [hbm4b:s0+s23], $0x80, v5, vm0, $0xb8;
	[tilespmem:$0x9200] =	vst v63  }
0x75a: {  	v4 =	vperm.xlane v4, v3  }
0x75b: {  	[tilespmem:s13], [sflag:$0x1] =	stream.indirect_vreg.gather [hbm4b:s29+s23], $0x80, v5, vm0, $0xb8;
	[tilespmem:$0x9200] =	vst v63  }
0x75c: {  	v4 =	vadd.s32 v2, v4  }
0x75d: {  	[tilespmem:s14], [sflag:$0x1] =	stream.indirect_vreg.gather [hbm4b:s30+s23], $0x80, v5, vm0, $0xb8;
	[tilespmem:$0x9200] =	vst v63  }
0x75e: {  	_ = 	snop  }
0x75f: {  	[tilespmem:s15], [sflag:$0x1] =	stream.indirect_vreg.gather [hbm4b:s31+s23], $0x80, v5, vm0, $0xb8;
	[tilespmem:$0x9200] =	vst v63  }
0x760: {  	_ = 	snop  }
0x761: {  	[tilespmem:s16], [sflag:$0x1] =	stream.indirect_vreg.gather [hbm4b:s0+s23], $0x80, v4, vm0, $0xb8;
	[tilespmem:$0x9200] =	vst v63  }
0x762: {  	_ = 	snop  }
0x763: {  	[tilespmem:s17], [sflag:$0x1] =	stream.indirect_vreg.gather [hbm4b:s29+s23], $0x80, v4, vm0, $0xb8;
	[tilespmem:$0x9200] =	vst v63  }
0x764: {  	_ = 	snop  }
0x765: {  	[tilespmem:s18], [sflag:$0x1] =	stream.indirect_vreg.gather [hbm4b:s30+s23], $0x80, v4, vm0, $0xb8;
	[tilespmem:$0x9200] =	vst v63  }
0x766: {  	_ = 	snop  }
0x767: {  	[tilespmem:s19], [sflag:$0x1] =	stream.indirect_vreg.gather [hbm4b:s31+s23], $0x80, v4, vm0, $0xb8;
	[tilespmem:$0x9200] =	vst v63  }
0x768: {  	_ =	swait.ge [sflag:s21], $0x4000  }
0x769: {  	[sflag:s21] =	ssyncset.done $0x0  }
0x76a: {  	[sflag:s21] =	ssyncadd.s32 $0xFFFFC000  }
0x76b: {  	s25 =	simm.s32 $0x0;
	v4 =	vld [tilespmem:$0x170]  }
.LBB2_80:
0x76c: {  	_ =	sdelay $0x1  }
0x76d: {  	v5 =	vmov s25  }
0x76e: {  	vm1 =	veq.s32 v5, v0  }
0x76f: {  	v5 =	vnsel vm1, $0x0, v4  }
0x770: {  	(xrf2) =	vadd.scan.msk.f32 $0xffff, v5;
	_ =	sdelay $0x4  }
0x771: {  	s26 =	sand.u32 $0x8, s25  }
0x772: {  	s20 =	simm.s32 $0x200;
	s1 =	sadd.s32 $0x0, s26  }
0x773: {  	s2 =	sshll.u32 s25, $0x7;
	s3 =	sand.u32 $0x70, s23;
	s1 =	sshll.u32 s1, $0xA  }
0x774: {  	s5 =	simm.s32 $0x600;
	s28 =	sand.u32 $0x380, s2;
	s1 =	sor.u32 s3, s1;
	v5 =	vld [tilespmem:s20+$0x0]  }
0x775: {  	v7 =	vld [tilespmem:s5+$0x0];
	s1 =	sor.u32 s28, s1  }
0x776: {  	v8 =	vld [tilespmem:s1+$0x5200];
	v6, _, _ =	vpop (xrf2)  }
0x777: {  	v9 =	vld [tilespmem:s1+$0x1200];
	v6 =	vbroadcast v6, $0xF;
	_ =	sdelay $0x1  }
0x778: {  	v5 =	vmul.f32 v5, v6;
	_ =	sdelay $0x1  }
0x779: {  	v7 =	vadd.f32 v7, v5  }
0x77a: {  	v8 =	vadd.f32 v8, v9  }
0x77b: {  	s4 =	simm.s32 $0x0;
	s2 =	simm.s32 $0x0;
	s3 =	simm.s32 $0x2;
	v5 =	vimm.f32 $0.0e+00;
	v9 =	vmax.f32 v7, $0.0e+00;
	v7 =	vimm.f32 $0.0e+00  }
.LBB2_81:
0x77c: {  	p0 =	sne.s32 s3, $0x3F;
	s4 =	sadd.s32 s26, s4;
	v8 =	vadd.f32 v9, v8;
	s2 =	sadd.s32 $0x10, s2  }
0x77d: {  	s7 =	sand.u32 $0x70, s2;
	s4 =	sshll.u32 s4, $0xA  }
0x77e: {  	s20 =	sadd.s32 $0x10, s20;
	s4 =	sor.u32 s7, s4;
	[tilespmem:s1+$0x1200] =	vst v8;
	v5 =	vadd.f32 v8, v5;
	v8 =	vmul.f32 v8, v8  }
0x77f: {  	s1 =	sor.u32 s28, s4;
	v9 =	vld [tilespmem:s20+$0x0]  }
0x780: {  	s5 =	sadd.s32 $0x10, s5;
	v10 =	vld [tilespmem:s1+$0x5200];
	v7 =	vadd.f32 v8, v7  }
0x781: {  	v8 =	vld [tilespmem:s5+$0x0]  }
0x782: {  	v11 =	vld [tilespmem:s1+$0x1200];
	_ =	sdelay $0x1  }
.Ltmp39:
0x783: {  	v9 =	vmul.f32 v9, v6;
	(pc) =	sbr.rel @p0 .LBB2_81-.Ltmp39, $4  }
0x784: {  	_ = 	snop  }
0x785: {  	v9 =	vadd.f32 v8, v9  }
0x786: {  	v8 =	vadd.f32 v10, v11  }
0x787: {  	s4 =	sshrl.u32 s3, $0x3;
	s3 =	sadd.s32 $0x1, s3;
	v9 =	vmax.f32 v9, $0.0e+00  }
0x788: {  	v8 =	vadd.f32 v9, v8  }
0x789: {  	s3 =	sadd.s32 s26, s4;
	s2 =	sadd.s32 $0x10, s2  }
0x78a: {  	s7 =	sadd.s32 $0x10, s20;
	s2 =	sand.u32 $0x70, s2;
	s3 =	sshll.u32 s3, $0xA;
	[tilespmem:s1+$0x1200] =	vst v8  }
0x78b: {  	s20 =	sadd.s32 $0x10, s5;
	s2 =	sor.u32 s2, s3;
	v9 =	vld [tilespmem:s7+$0x0]  }
0x78c: {  	s2 =	sor.u32 s28, s2;
	v11 =	vld [tilespmem:s20+$0x0]  }
0x78d: {  	v10 =	vld [tilespmem:s2+$0x5200]  }
0x78e: {  	v12 =	vld [tilespmem:s2+$0x1200];
	_ =	sdelay $0x1  }
0x78f: {  	v6 =	vmul.f32 v9, v6;
	_ =	sdelay $0x1  }
0x790: {  	v6 =	vadd.f32 v11, v6  }
0x791: {  	v9 =	vadd.f32 v10, v12  }
0x792: {  	v6 =	vmax.f32 v6, $0.0e+00  }
0x793: {  	v10 =	vmul.f32 v8, v8;
	v6 =	vadd.f32 v6, v9  }
0x794: {  	v5 =	vadd.f32 v8, v5  }
0x795: {  	v7 =	vadd.f32 v10, v7;
	v8 =	vmul.f32 v6, v6  }
0x796: {  	v5 =	vadd.f32 v6, v5  }
0x797: {  	v7 =	vadd.f32 v8, v7  }
0x798: {  	(xrf2) =	vadd.scan.msk.f32 $0xffff, v5  }
0x799: {  	(xrf2) =	vadd.scan.msk.f32 $0xffff, v7;
	_ =	sdelay $0x8  }
0x79a: {  	v5, _, _ =	vpop (xrf2)  }
0x79b: {  	(v2sf) =	vpush v5, $0xF;
	v5, _, _ =	vpop (xrf2)  }
0x79c: {  	(v2sf) =	vpush v5, $0xF;
	_ =	sdelay $0xd  }
0x79d: {  	s3 =	spop (v2sf)  }
0x79e: {  	s1 =	smul.f32 $9.765625000e-04, s3;
	s4 =	spop (v2sf)  }
0x79f: {  	s3 =	smul.f32 $9.765625000e-04, s4  }
0x7a0: {  	s5 =	smul.f32 s1, s1;
	_ =	sdelay $0x1  }
0x7a1: {  	s3 =	ssub.f32 s3, s5;
	_ =	sdelay $0x1  }
0x7a2: {  	s3 =	sadd.f32 $9.999999740e-06, s3;
	_ =	sdelay $0x1  }
0x7a3: {  	s7 =	sshrl.u32 s3, $0x1;
	s3 =	smul.f32 $5.000000000e-01, s3  }
0x7a4: {  	s4 =	ssub.s32 $0x5F3759DF, s7  }
0x7a5: {  	s20 =	smul.f32 s4, s3;
	_ =	sdelay $0x1  }
0x7a6: {  	s5 =	smul.f32 s4, s20;
	_ =	sdelay $0x1  }
0x7a7: {  	s5 =	ssub.f32 $1.500000000e+00, s5;
	_ =	sdelay $0x1  }
0x7a8: {  	s4 =	smul.f32 s4, s5;
	_ =	sdelay $0x1  }
0x7a9: {  	s5 =	smul.f32 s4, s3;
	_ =	sdelay $0x1  }
0x7aa: {  	s5 =	smul.f32 s5, s4;
	_ =	sdelay $0x1  }
0x7ab: {  	s5 =	ssub.f32 $1.500000000e+00, s5  }
0x7ac: {  	s7 =	sadd.s32 $0x0, s26  }
0x7ad: {  	s7 =	sshll.u32 s7, $0xA;
	s4 =	smul.f32 s5, s4  }
0x7ae: {  	s7 =	sand.u32 $0x3FFFFC00, s7  }
0x7af: {  	s20 =	simm.s32 $0x0;
	s5 =	sadd.s32 $0x1200, s28;
	s3 =	smul.f32 s4, s3  }
0x7b0: {  	s28 =	sand.u32 $0x70, s20;
	s7 =	sadd.s32 s7, s5  }
0x7b1: {  	[tilespmem:s2+$0x1200] =	vst v6;
	s28 =	sadd.s32 s28, s7;
	s7 =	smul.f32 s3, s4  }
0x7b2: {  	v6 =	vld [tilespmem:s28+$0x0]  }
0x7b3: {  	s2 =	ssub.f32 $1.500000000e+00, s7;
	_ =	sdelay $0x1  }
0x7b4: {  	v5 =	vmov s1;
	s1 =	simm.s32 $0xA00;
	s2 =	smul.f32 s2, s4  }
0x7b5: {  	v8 =	vld [tilespmem:s1+$0x0]  }
0x7b6: {  	v9 =	vsub.f32 v6, v5;
	v6 =	vmov s2;
	s2 =	simm.s32 $0xE00  }
0x7b7: {  	v7 =	vld [tilespmem:s2+$0x0]  }
0x7b8: {  	v9 =	vmul.f32 v9, v6  }
0x7b9: {  	s3 =	simm.s32 $0x2;
	s4 =	simm.s32 $0x0  }
.LBB2_83:
0x7ba: {  	p0 =	sne.s32 s3, $0x3F;
	s4 =	sadd.s32 s26, s4;
	v8 =	vmul.f32 v9, v8  }
0x7bb: {  	s4 =	sshll.u32 s4, $0xA  }
0x7bc: {  	s20 =	sadd.s32 $0x10, s20;
	s4 =	sand.u32 $0x3FFFFC00, s4;
	v7 =	vadd.f32 v8, v7  }
0x7bd: {  	s7 =	sand.u32 $0x70, s20;
	s4 =	sadd.s32 s4, s5  }
0x7be: {  	[tilespmem:s28+$0x0] =	vst v7;
	s28 =	sadd.s32 s7, s4  }
0x7bf: {  	v7 =	vld [tilespmem:s28+$0x0];
	_ =	sdelay $0x2  }
0x7c0: {  	s1 =	sadd.s32 $0x10, s1  }
.Ltmp40:
0x7c1: {  	v8 =	vld [tilespmem:s1+$0x0];
	(pc) =	sbr.rel @p0 .LBB2_83-.Ltmp40, $4  }
0x7c2: {  	s2 =	sadd.s32 $0x10, s2;
	v9 =	vsub.f32 v7, v5  }
0x7c3: {  	v7 =	vld [tilespmem:s2+$0x0]  }
0x7c4: {  	v9 =	vmul.f32 v9, v6  }
0x7c5: {  	s4 =	sshrl.u32 s3, $0x3;
	s3 =	sadd.s32 $0x1, s3  }
0x7c6: {  	s3 =	sadd.s32 s26, s4;
	v8 =	vmul.f32 v9, v8  }
0x7c7: {  	s3 =	sshll.u32 s3, $0xA  }
0x7c8: {  	s26 =	sadd.s32 $0x10, s20;
	s3 =	sand.u32 $0x3FFFFC00, s3;
	v7 =	vadd.f32 v8, v7  }
0x7c9: {  	s4 =	sand.u32 $0x70, s26;
	s3 =	sadd.s32 s3, s5  }
0x7ca: {  	s3 =	sadd.s32 s4, s3;
	[tilespmem:s28+$0x0] =	vst v7  }
0x7cb: {  	v7 =	vld [tilespmem:s3+$0x0];
	_ =	sdelay $0x2  }
0x7cc: {  	s1 =	sadd.s32 $0x10, s1  }
0x7cd: {  	v63 =	vld [tilespmem:s1+$0x0]  }
0x7ce: {  	s28 =	sadd.s32 $0x10, s2;
	v5 =	vsub.f32 v7, v5  }
0x7cf: {  	v7 =	vld [tilespmem:s28+$0x0]  }
0x7d0: {  	s25 =	sadd.s32 $0x1, s25;
	v5 =	vmul.f32 v5, v6  }
0x7d1: {  	p0 =	sne.s32 s25, $0x10  }
.Ltmp41:
0x7d2: {  	v5 =	vmul.f32 v5, v63;
	(pc) =	sbr.rel @p0 .LBB2_80-.Ltmp41, $3  }
0x7d3: {  	_ = 	snop  }
0x7d4: {  	v5 =	vadd.f32 v5, v7;
	_ =	sdelay $0x1  }
0x7d5: {  	[tilespmem:s3+$0x0] =	vst v5  }
0x7d6: {  	s1 =	sld [smem:$0x7FD];
	_ =	sdelay $0x1  }
0x7d7: {  	s23 =	simm.s32 $0x0  }
0x7d8: {  	[hbm4b:s1+s23] =	stream.linear.scatter [tilespmem:s12], [sflag:$0x2], $0x4000, $0x38;
	[tilespmem:$0x9200] =	vst v63  }
0x7d9: {  	_ =	swait.ge [sflag:s10], $0x4000  }
0x7da: {  	[sflag:s10] =	ssyncset.done $0x0  }
0x7db: {  	[sflag:s10] =	ssyncadd.s32 $0xFFFFC000  }
0x7dc: {  	v4 =	vld [tilespmem:$0xB0];
	_ =	sdelay $0x4  }
0x7dd: {  	v5 =	vshll.u32 v4, $0x3  }
0x7de: {  	v4 =	vand.u32 $0x7, v4;
	v5 =	vand.u32 $0xFFFFFFC0, v5  }
0x7df: {  	v4 =	vor.u32 v4, v5  }
0x7e0: {  	v5 =	vperm.xlane v4, v1;
	_ =	sdelay $0x1  }
0x7e1: {  	v5 =	vadd.s32 v2, v5;
	_ =	sdelay $0x4  }
0x7e2: {  	[tilespmem:s12], [sflag:$0x1] =	stream.indirect_vreg.gather [hbm4b:s0+s23], $0x80, v5, vm0, $0xb8;
	[tilespmem:$0x9200] =	vst v63  }
0x7e3: {  	v4 =	vperm.xlane v4, v3  }
0x7e4: {  	[tilespmem:s13], [sflag:$0x1] =	stream.indirect_vreg.gather [hbm4b:s29+s23], $0x80, v5, vm0, $0xb8;
	[tilespmem:$0x9200] =	vst v63  }
0x7e5: {  	v4 =	vadd.s32 v2, v4  }
0x7e6: {  	[tilespmem:s14], [sflag:$0x1] =	stream.indirect_vreg.gather [hbm4b:s30+s23], $0x80, v5, vm0, $0xb8;
	[tilespmem:$0x9200] =	vst v63  }
0x7e7: {  	_ = 	snop  }
0x7e8: {  	[tilespmem:s15], [sflag:$0x1] =	stream.indirect_vreg.gather [hbm4b:s31+s23], $0x80, v5, vm0, $0xb8;
	[tilespmem:$0x9200] =	vst v63  }
0x7e9: {  	_ = 	snop  }
0x7ea: {  	[tilespmem:s16], [sflag:$0x1] =	stream.indirect_vreg.gather [hbm4b:s0+s23], $0x80, v4, vm0, $0xb8;
	[tilespmem:$0x9200] =	vst v63  }
0x7eb: {  	_ = 	snop  }
0x7ec: {  	[tilespmem:s17], [sflag:$0x1] =	stream.indirect_vreg.gather [hbm4b:s29+s23], $0x80, v4, vm0, $0xb8;
	[tilespmem:$0x9200] =	vst v63  }
0x7ed: {  	_ = 	snop  }
0x7ee: {  	[tilespmem:s18], [sflag:$0x1] =	stream.indirect_vreg.gather [hbm4b:s30+s23], $0x80, v4, vm0, $0xb8;
	[tilespmem:$0x9200] =	vst v63  }
0x7ef: {  	_ = 	snop  }
0x7f0: {  	[tilespmem:s19], [sflag:$0x1] =	stream.indirect_vreg.gather [hbm4b:s31+s23], $0x80, v4, vm0, $0xb8;
	[tilespmem:$0x9200] =	vst v63  }
0x7f1: {  	_ =	swait.ge [sflag:s21], $0x4000  }
0x7f2: {  	[sflag:s21] =	ssyncset.done $0x0  }
0x7f3: {  	[sflag:s21] =	ssyncadd.s32 $0xFFFFC000  }
0x7f4: {  	s25 =	simm.s32 $0x0;
	v4 =	vld [tilespmem:$0x1B0]  }
.LBB2_86:
0x7f5: {  	_ =	sdelay $0x1  }
0x7f6: {  	v5 =	vmov s25  }
0x7f7: {  	vm1 =	veq.s32 v5, v0  }
0x7f8: {  	v5 =	vnsel vm1, $0x0, v4  }
0x7f9: {  	(xrf2) =	vadd.scan.msk.f32 $0xffff, v5;
	_ =	sdelay $0x4  }
0x7fa: {  	s26 =	sand.u32 $0x8, s25  }
0x7fb: {  	s20 =	simm.s32 $0x200;
	s1 =	sadd.s32 $0x0, s26  }
0x7fc: {  	s2 =	sshll.u32 s25, $0x7;
	s3 =	sand.u32 $0x70, s23;
	s1 =	sshll.u32 s1, $0xA  }
0x7fd: {  	s5 =	simm.s32 $0x600;
	s28 =	sand.u32 $0x380, s2;
	s1 =	sor.u32 s3, s1;
	v5 =	vld [tilespmem:s20+$0x0]  }
0x7fe: {  	v7 =	vld [tilespmem:s5+$0x0];
	s1 =	sor.u32 s28, s1  }
0x7ff: {  	v8 =	vld [tilespmem:s1+$0x5200];
	v6, _, _ =	vpop (xrf2)  }
0x800: {  	v9 =	vld [tilespmem:s1+$0x1200];
	v6 =	vbroadcast v6, $0xF;
	_ =	sdelay $0x1  }
0x801: {  	v5 =	vmul.f32 v5, v6;
	_ =	sdelay $0x1  }
0x802: {  	v7 =	vadd.f32 v7, v5  }
0x803: {  	v8 =	vadd.f32 v8, v9  }
0x804: {  	s4 =	simm.s32 $0x0;
	s2 =	simm.s32 $0x0;
	s3 =	simm.s32 $0x2;
	v5 =	vimm.f32 $0.0e+00;
	v9 =	vmax.f32 v7, $0.0e+00;
	v7 =	vimm.f32 $0.0e+00  }
.LBB2_87:
0x805: {  	p0 =	sne.s32 s3, $0x3F;
	s4 =	sadd.s32 s26, s4;
	v8 =	vadd.f32 v9, v8;
	s2 =	sadd.s32 $0x10, s2  }
0x806: {  	s7 =	sand.u32 $0x70, s2;
	s4 =	sshll.u32 s4, $0xA  }
0x807: {  	s20 =	sadd.s32 $0x10, s20;
	s4 =	sor.u32 s7, s4;
	[tilespmem:s1+$0x1200] =	vst v8;
	v5 =	vadd.f32 v8, v5;
	v8 =	vmul.f32 v8, v8  }
0x808: {  	s1 =	sor.u32 s28, s4;
	v9 =	vld [tilespmem:s20+$0x0]  }
0x809: {  	s5 =	sadd.s32 $0x10, s5;
	v10 =	vld [tilespmem:s1+$0x5200];
	v7 =	vadd.f32 v8, v7  }
0x80a: {  	v8 =	vld [tilespmem:s5+$0x0]  }
0x80b: {  	v11 =	vld [tilespmem:s1+$0x1200];
	_ =	sdelay $0x1  }
.Ltmp42:
0x80c: {  	v9 =	vmul.f32 v9, v6;
	(pc) =	sbr.rel @p0 .LBB2_87-.Ltmp42, $4  }
0x80d: {  	_ = 	snop  }
0x80e: {  	v9 =	vadd.f32 v8, v9  }
0x80f: {  	v8 =	vadd.f32 v10, v11  }
0x810: {  	s4 =	sshrl.u32 s3, $0x3;
	s3 =	sadd.s32 $0x1, s3;
	v9 =	vmax.f32 v9, $0.0e+00  }
0x811: {  	v8 =	vadd.f32 v9, v8  }
0x812: {  	s3 =	sadd.s32 s26, s4;
	s2 =	sadd.s32 $0x10, s2  }
0x813: {  	s7 =	sadd.s32 $0x10, s20;
	s2 =	sand.u32 $0x70, s2;
	s3 =	sshll.u32 s3, $0xA;
	[tilespmem:s1+$0x1200] =	vst v8  }
0x814: {  	s20 =	sadd.s32 $0x10, s5;
	s2 =	sor.u32 s2, s3;
	v9 =	vld [tilespmem:s7+$0x0]  }
0x815: {  	s2 =	sor.u32 s28, s2;
	v11 =	vld [tilespmem:s20+$0x0]  }
0x816: {  	v10 =	vld [tilespmem:s2+$0x5200]  }
0x817: {  	v12 =	vld [tilespmem:s2+$0x1200];
	_ =	sdelay $0x1  }
0x818: {  	v6 =	vmul.f32 v9, v6;
	_ =	sdelay $0x1  }
0x819: {  	v6 =	vadd.f32 v11, v6  }
0x81a: {  	v9 =	vadd.f32 v10, v12  }
0x81b: {  	v6 =	vmax.f32 v6, $0.0e+00  }
0x81c: {  	v10 =	vmul.f32 v8, v8;
	v6 =	vadd.f32 v6, v9  }
0x81d: {  	v5 =	vadd.f32 v8, v5  }
0x81e: {  	v7 =	vadd.f32 v10, v7;
	v8 =	vmul.f32 v6, v6  }
0x81f: {  	v5 =	vadd.f32 v6, v5  }
0x820: {  	v7 =	vadd.f32 v8, v7  }
0x821: {  	(xrf2) =	vadd.scan.msk.f32 $0xffff, v5  }
0x822: {  	(xrf2) =	vadd.scan.msk.f32 $0xffff, v7;
	_ =	sdelay $0x8  }
0x823: {  	v5, _, _ =	vpop (xrf2)  }
0x824: {  	(v2sf) =	vpush v5, $0xF;
	v5, _, _ =	vpop (xrf2)  }
0x825: {  	(v2sf) =	vpush v5, $0xF;
	_ =	sdelay $0xd  }
0x826: {  	s3 =	spop (v2sf)  }
0x827: {  	s1 =	smul.f32 $9.765625000e-04, s3;
	s4 =	spop (v2sf)  }
0x828: {  	s3 =	smul.f32 $9.765625000e-04, s4  }
0x829: {  	s5 =	smul.f32 s1, s1;
	_ =	sdelay $0x1  }
0x82a: {  	s3 =	ssub.f32 s3, s5;
	_ =	sdelay $0x1  }
0x82b: {  	s3 =	sadd.f32 $9.999999740e-06, s3;
	_ =	sdelay $0x1  }
0x82c: {  	s7 =	sshrl.u32 s3, $0x1;
	s3 =	smul.f32 $5.000000000e-01, s3  }
0x82d: {  	s4 =	ssub.s32 $0x5F3759DF, s7  }
0x82e: {  	s20 =	smul.f32 s4, s3;
	_ =	sdelay $0x1  }
0x82f: {  	s5 =	smul.f32 s4, s20;
	_ =	sdelay $0x1  }
0x830: {  	s5 =	ssub.f32 $1.500000000e+00, s5;
	_ =	sdelay $0x1  }
0x831: {  	s4 =	smul.f32 s4, s5;
	_ =	sdelay $0x1  }
0x832: {  	s5 =	smul.f32 s4, s3;
	_ =	sdelay $0x1  }
0x833: {  	s5 =	smul.f32 s5, s4;
	_ =	sdelay $0x1  }
0x834: {  	s5 =	ssub.f32 $1.500000000e+00, s5  }
0x835: {  	s7 =	sadd.s32 $0x0, s26  }
0x836: {  	s7 =	sshll.u32 s7, $0xA;
	s4 =	smul.f32 s5, s4  }
0x837: {  	s7 =	sand.u32 $0x3FFFFC00, s7  }
0x838: {  	s20 =	simm.s32 $0x0;
	s5 =	sadd.s32 $0x1200, s28;
	s3 =	smul.f32 s4, s3  }
0x839: {  	s28 =	sand.u32 $0x70, s20;
	s7 =	sadd.s32 s7, s5  }
0x83a: {  	[tilespmem:s2+$0x1200] =	vst v6;
	s28 =	sadd.s32 s28, s7;
	s7 =	smul.f32 s3, s4  }
0x83b: {  	v6 =	vld [tilespmem:s28+$0x0]  }
0x83c: {  	s2 =	ssub.f32 $1.500000000e+00, s7;
	_ =	sdelay $0x1  }
0x83d: {  	v5 =	vmov s1;
	s1 =	simm.s32 $0xA00;
	s2 =	smul.f32 s2, s4  }
0x83e: {  	v8 =	vld [tilespmem:s1+$0x0]  }
0x83f: {  	v9 =	vsub.f32 v6, v5;
	v6 =	vmov s2;
	s2 =	simm.s32 $0xE00  }
0x840: {  	v7 =	vld [tilespmem:s2+$0x0]  }
0x841: {  	v9 =	vmul.f32 v9, v6  }
0x842: {  	s3 =	simm.s32 $0x2;
	s4 =	simm.s32 $0x0  }
.LBB2_89:
0x843: {  	p0 =	sne.s32 s3, $0x3F;
	s4 =	sadd.s32 s26, s4;
	v8 =	vmul.f32 v9, v8  }
0x844: {  	s4 =	sshll.u32 s4, $0xA  }
0x845: {  	s20 =	sadd.s32 $0x10, s20;
	s4 =	sand.u32 $0x3FFFFC00, s4;
	v7 =	vadd.f32 v8, v7  }
0x846: {  	s7 =	sand.u32 $0x70, s20;
	s4 =	sadd.s32 s4, s5  }
0x847: {  	[tilespmem:s28+$0x0] =	vst v7;
	s28 =	sadd.s32 s7, s4  }
0x848: {  	v7 =	vld [tilespmem:s28+$0x0];
	_ =	sdelay $0x2  }
0x849: {  	s1 =	sadd.s32 $0x10, s1  }
.Ltmp43:
0x84a: {  	v8 =	vld [tilespmem:s1+$0x0];
	(pc) =	sbr.rel @p0 .LBB2_89-.Ltmp43, $4  }
0x84b: {  	s2 =	sadd.s32 $0x10, s2;
	v9 =	vsub.f32 v7, v5  }
0x84c: {  	v7 =	vld [tilespmem:s2+$0x0]  }
0x84d: {  	v9 =	vmul.f32 v9, v6  }
0x84e: {  	s4 =	sshrl.u32 s3, $0x3;
	s3 =	sadd.s32 $0x1, s3  }
0x84f: {  	s3 =	sadd.s32 s26, s4;
	v8 =	vmul.f32 v9, v8  }
0x850: {  	s3 =	sshll.u32 s3, $0xA  }
0x851: {  	s26 =	sadd.s32 $0x10, s20;
	s3 =	sand.u32 $0x3FFFFC00, s3;
	v7 =	vadd.f32 v8, v7  }
0x852: {  	s4 =	sand.u32 $0x70, s26;
	s3 =	sadd.s32 s3, s5  }
0x853: {  	s3 =	sadd.s32 s4, s3;
	[tilespmem:s28+$0x0] =	vst v7  }
0x854: {  	v7 =	vld [tilespmem:s3+$0x0];
	_ =	sdelay $0x2  }
0x855: {  	s1 =	sadd.s32 $0x10, s1  }
0x856: {  	v63 =	vld [tilespmem:s1+$0x0]  }
0x857: {  	s28 =	sadd.s32 $0x10, s2;
	v5 =	vsub.f32 v7, v5  }
0x858: {  	v7 =	vld [tilespmem:s28+$0x0]  }
0x859: {  	s25 =	sadd.s32 $0x1, s25;
	v5 =	vmul.f32 v5, v6  }
0x85a: {  	p0 =	sne.s32 s25, $0x10  }
.Ltmp44:
0x85b: {  	v5 =	vmul.f32 v5, v63;
	(pc) =	sbr.rel @p0 .LBB2_86-.Ltmp44, $3  }
0x85c: {  	_ = 	snop  }
0x85d: {  	v5 =	vadd.f32 v5, v7;
	_ =	sdelay $0x1  }
0x85e: {  	[tilespmem:s3+$0x0] =	vst v5  }
0x85f: {  	s23 =	simm.s32 $0x0  }
0x860: {  	[hbm4b:s8+s23] =	stream.linear.scatter [tilespmem:s12], [sflag:$0x2], $0x4000, $0x38;
	[tilespmem:$0x9200] =	vst v63  }
0x861: {  	_ =	swait.ge [sflag:s10], $0x4000  }
0x862: {  	[sflag:s10] =	ssyncset.done $0x0  }
0x863: {  	[sflag:s10] =	ssyncadd.s32 $0xFFFFC000  }
0x864: {  	v4 =	vld [tilespmem:$0xF0];
	_ =	sdelay $0x4  }
0x865: {  	v5 =	vshll.u32 v4, $0x3  }
0x866: {  	v4 =	vand.u32 $0x7, v4;
	v5 =	vand.u32 $0xFFFFFFC0, v5  }
0x867: {  	v4 =	vor.u32 v4, v5  }
0x868: {  	v5 =	vperm.xlane v4, v1;
	_ =	sdelay $0x1  }
0x869: {  	v5 =	vadd.s32 v2, v5;
	_ =	sdelay $0x4  }
0x86a: {  	[tilespmem:s12], [sflag:$0x1] =	stream.indirect_vreg.gather [hbm4b:s0+s23], $0x80, v5, vm0, $0xb8;
	[tilespmem:$0x9200] =	vst v63  }
0x86b: {  	v4 =	vperm.xlane v4, v3  }
0x86c: {  	[tilespmem:s13], [sflag:$0x1] =	stream.indirect_vreg.gather [hbm4b:s29+s23], $0x80, v5, vm0, $0xb8;
	[tilespmem:$0x9200] =	vst v63  }
0x86d: {  	v4 =	vadd.s32 v2, v4  }
0x86e: {  	[tilespmem:s14], [sflag:$0x1] =	stream.indirect_vreg.gather [hbm4b:s30+s23], $0x80, v5, vm0, $0xb8;
	[tilespmem:$0x9200] =	vst v63  }
0x86f: {  	_ = 	snop  }
0x870: {  	[tilespmem:s15], [sflag:$0x1] =	stream.indirect_vreg.gather [hbm4b:s31+s23], $0x80, v5, vm0, $0xb8;
	[tilespmem:$0x9200] =	vst v63  }
0x871: {  	_ = 	snop  }
0x872: {  	[tilespmem:s16], [sflag:$0x1] =	stream.indirect_vreg.gather [hbm4b:s0+s23], $0x80, v4, vm0, $0xb8;
	[tilespmem:$0x9200] =	vst v63  }
0x873: {  	_ = 	snop  }
0x874: {  	[tilespmem:s17], [sflag:$0x1] =	stream.indirect_vreg.gather [hbm4b:s29+s23], $0x80, v4, vm0, $0xb8;
	[tilespmem:$0x9200] =	vst v63  }
0x875: {  	_ = 	snop  }
0x876: {  	[tilespmem:s18], [sflag:$0x1] =	stream.indirect_vreg.gather [hbm4b:s30+s23], $0x80, v4, vm0, $0xb8;
	[tilespmem:$0x9200] =	vst v63  }
0x877: {  	_ = 	snop  }
0x878: {  	[tilespmem:s19], [sflag:$0x1] =	stream.indirect_vreg.gather [hbm4b:s31+s23], $0x80, v4, vm0, $0xb8;
	[tilespmem:$0x9200] =	vst v63  }
0x879: {  	_ =	swait.ge [sflag:s21], $0x4000  }
0x87a: {  	[sflag:s21] =	ssyncset.done $0x0  }
0x87b: {  	[sflag:s21] =	ssyncadd.s32 $0xFFFFC000  }
0x87c: {  	s25 =	simm.s32 $0x0;
	v4 =	vld [tilespmem:$0x1F0]  }
.LBB2_92:
0x87d: {  	_ =	sdelay $0x1  }
0x87e: {  	v5 =	vmov s25  }
0x87f: {  	vm1 =	veq.s32 v5, v0  }
0x880: {  	v5 =	vnsel vm1, $0x0, v4  }
0x881: {  	(xrf2) =	vadd.scan.msk.f32 $0xffff, v5;
	_ =	sdelay $0x4  }
0x882: {  	s26 =	sand.u32 $0x8, s25  }
0x883: {  	s20 =	simm.s32 $0x200;
	s1 =	sadd.s32 $0x0, s26  }
0x884: {  	s2 =	sshll.u32 s25, $0x7;
	s3 =	sand.u32 $0x70, s23;
	s1 =	sshll.u32 s1, $0xA  }
0x885: {  	s5 =	simm.s32 $0x600;
	s28 =	sand.u32 $0x380, s2;
	s1 =	sor.u32 s3, s1;
	v5 =	vld [tilespmem:s20+$0x0]  }
0x886: {  	v7 =	vld [tilespmem:s5+$0x0];
	s1 =	sor.u32 s28, s1  }
0x887: {  	v8 =	vld [tilespmem:s1+$0x5200];
	v6, _, _ =	vpop (xrf2)  }
0x888: {  	v9 =	vld [tilespmem:s1+$0x1200];
	v6 =	vbroadcast v6, $0xF;
	_ =	sdelay $0x1  }
0x889: {  	v5 =	vmul.f32 v5, v6;
	_ =	sdelay $0x1  }
0x88a: {  	v7 =	vadd.f32 v7, v5  }
0x88b: {  	v8 =	vadd.f32 v8, v9  }
0x88c: {  	s4 =	simm.s32 $0x0;
	s2 =	simm.s32 $0x0;
	s3 =	simm.s32 $0x2;
	v5 =	vimm.f32 $0.0e+00;
	v9 =	vmax.f32 v7, $0.0e+00;
	v7 =	vimm.f32 $0.0e+00  }
.LBB2_93:
0x88d: {  	p0 =	sne.s32 s3, $0x3F;
	s4 =	sadd.s32 s26, s4;
	v8 =	vadd.f32 v9, v8;
	s2 =	sadd.s32 $0x10, s2  }
0x88e: {  	s7 =	sand.u32 $0x70, s2;
	s4 =	sshll.u32 s4, $0xA  }
0x88f: {  	s20 =	sadd.s32 $0x10, s20;
	s4 =	sor.u32 s7, s4;
	[tilespmem:s1+$0x1200] =	vst v8;
	v5 =	vadd.f32 v8, v5;
	v8 =	vmul.f32 v8, v8  }
0x890: {  	s1 =	sor.u32 s28, s4;
	v9 =	vld [tilespmem:s20+$0x0]  }
0x891: {  	s5 =	sadd.s32 $0x10, s5;
	v10 =	vld [tilespmem:s1+$0x5200];
	v7 =	vadd.f32 v8, v7  }
0x892: {  	v8 =	vld [tilespmem:s5+$0x0]  }
0x893: {  	v11 =	vld [tilespmem:s1+$0x1200];
	_ =	sdelay $0x1  }
.Ltmp45:
0x894: {  	v9 =	vmul.f32 v9, v6;
	(pc) =	sbr.rel @p0 .LBB2_93-.Ltmp45, $4  }
0x895: {  	_ = 	snop  }
0x896: {  	v9 =	vadd.f32 v8, v9  }
0x897: {  	v8 =	vadd.f32 v10, v11  }
0x898: {  	s4 =	sshrl.u32 s3, $0x3;
	s3 =	sadd.s32 $0x1, s3;
	v9 =	vmax.f32 v9, $0.0e+00  }
0x899: {  	v8 =	vadd.f32 v9, v8  }
0x89a: {  	s3 =	sadd.s32 s26, s4;
	s2 =	sadd.s32 $0x10, s2  }
0x89b: {  	s7 =	sadd.s32 $0x10, s20;
	s2 =	sand.u32 $0x70, s2;
	s3 =	sshll.u32 s3, $0xA;
	[tilespmem:s1+$0x1200] =	vst v8  }
0x89c: {  	s20 =	sadd.s32 $0x10, s5;
	s2 =	sor.u32 s2, s3;
	v9 =	vld [tilespmem:s7+$0x0]  }
0x89d: {  	s2 =	sor.u32 s28, s2;
	v11 =	vld [tilespmem:s20+$0x0]  }
0x89e: {  	v10 =	vld [tilespmem:s2+$0x5200]  }
0x89f: {  	v12 =	vld [tilespmem:s2+$0x1200];
	_ =	sdelay $0x1  }
0x8a0: {  	v6 =	vmul.f32 v9, v6;
	_ =	sdelay $0x1  }
0x8a1: {  	v6 =	vadd.f32 v11, v6  }
0x8a2: {  	v9 =	vadd.f32 v10, v12  }
0x8a3: {  	v6 =	vmax.f32 v6, $0.0e+00  }
0x8a4: {  	v10 =	vmul.f32 v8, v8;
	v6 =	vadd.f32 v6, v9  }
0x8a5: {  	v5 =	vadd.f32 v8, v5  }
0x8a6: {  	v7 =	vadd.f32 v10, v7;
	v8 =	vmul.f32 v6, v6  }
0x8a7: {  	v5 =	vadd.f32 v6, v5  }
0x8a8: {  	v7 =	vadd.f32 v8, v7  }
0x8a9: {  	(xrf2) =	vadd.scan.msk.f32 $0xffff, v5  }
0x8aa: {  	(xrf2) =	vadd.scan.msk.f32 $0xffff, v7;
	_ =	sdelay $0x8  }
0x8ab: {  	v5, _, _ =	vpop (xrf2)  }
0x8ac: {  	(v2sf) =	vpush v5, $0xF;
	v5, _, _ =	vpop (xrf2)  }
0x8ad: {  	(v2sf) =	vpush v5, $0xF;
	_ =	sdelay $0xd  }
0x8ae: {  	s3 =	spop (v2sf)  }
0x8af: {  	s1 =	smul.f32 $9.765625000e-04, s3;
	s4 =	spop (v2sf)  }
0x8b0: {  	s3 =	smul.f32 $9.765625000e-04, s4  }
0x8b1: {  	s5 =	smul.f32 s1, s1;
	_ =	sdelay $0x1  }
0x8b2: {  	s3 =	ssub.f32 s3, s5;
	_ =	sdelay $0x1  }
0x8b3: {  	s3 =	sadd.f32 $9.999999740e-06, s3;
	_ =	sdelay $0x1  }
0x8b4: {  	s7 =	sshrl.u32 s3, $0x1;
	s3 =	smul.f32 $5.000000000e-01, s3  }
0x8b5: {  	s4 =	ssub.s32 $0x5F3759DF, s7  }
0x8b6: {  	s20 =	smul.f32 s4, s3;
	_ =	sdelay $0x1  }
0x8b7: {  	s5 =	smul.f32 s4, s20;
	_ =	sdelay $0x1  }
0x8b8: {  	s5 =	ssub.f32 $1.500000000e+00, s5;
	_ =	sdelay $0x1  }
0x8b9: {  	s4 =	smul.f32 s4, s5;
	_ =	sdelay $0x1  }
0x8ba: {  	s5 =	smul.f32 s4, s3;
	_ =	sdelay $0x1  }
0x8bb: {  	s5 =	smul.f32 s5, s4;
	_ =	sdelay $0x1  }
0x8bc: {  	s5 =	ssub.f32 $1.500000000e+00, s5  }
0x8bd: {  	s7 =	sadd.s32 $0x0, s26  }
0x8be: {  	s7 =	sshll.u32 s7, $0xA;
	s4 =	smul.f32 s5, s4  }
0x8bf: {  	s7 =	sand.u32 $0x3FFFFC00, s7  }
0x8c0: {  	s20 =	simm.s32 $0x0;
	s5 =	sadd.s32 $0x1200, s28;
	s3 =	smul.f32 s4, s3  }
0x8c1: {  	s28 =	sand.u32 $0x70, s20;
	s7 =	sadd.s32 s7, s5  }
0x8c2: {  	[tilespmem:s2+$0x1200] =	vst v6;
	s28 =	sadd.s32 s28, s7;
	s7 =	smul.f32 s3, s4  }
0x8c3: {  	v6 =	vld [tilespmem:s28+$0x0]  }
0x8c4: {  	s2 =	ssub.f32 $1.500000000e+00, s7;
	_ =	sdelay $0x1  }
0x8c5: {  	v5 =	vmov s1;
	s1 =	simm.s32 $0xA00;
	s2 =	smul.f32 s2, s4  }
0x8c6: {  	v8 =	vld [tilespmem:s1+$0x0]  }
0x8c7: {  	v9 =	vsub.f32 v6, v5;
	v6 =	vmov s2;
	s2 =	simm.s32 $0xE00  }
0x8c8: {  	v7 =	vld [tilespmem:s2+$0x0]  }
0x8c9: {  	v9 =	vmul.f32 v9, v6  }
0x8ca: {  	s3 =	simm.s32 $0x2;
	s4 =	simm.s32 $0x0  }
.LBB2_95:
0x8cb: {  	p0 =	sne.s32 s3, $0x3F;
	s4 =	sadd.s32 s26, s4;
	v8 =	vmul.f32 v9, v8  }
0x8cc: {  	s4 =	sshll.u32 s4, $0xA  }
0x8cd: {  	s20 =	sadd.s32 $0x10, s20;
	s4 =	sand.u32 $0x3FFFFC00, s4;
	v7 =	vadd.f32 v8, v7  }
0x8ce: {  	s7 =	sand.u32 $0x70, s20;
	s4 =	sadd.s32 s4, s5  }
0x8cf: {  	[tilespmem:s28+$0x0] =	vst v7;
	s28 =	sadd.s32 s7, s4  }
0x8d0: {  	v7 =	vld [tilespmem:s28+$0x0];
	_ =	sdelay $0x2  }
0x8d1: {  	s1 =	sadd.s32 $0x10, s1  }
.Ltmp46:
0x8d2: {  	v8 =	vld [tilespmem:s1+$0x0];
	(pc) =	sbr.rel @p0 .LBB2_95-.Ltmp46, $4  }
0x8d3: {  	s2 =	sadd.s32 $0x10, s2;
	v9 =	vsub.f32 v7, v5  }
0x8d4: {  	v7 =	vld [tilespmem:s2+$0x0]  }
0x8d5: {  	v9 =	vmul.f32 v9, v6  }
0x8d6: {  	s4 =	sshrl.u32 s3, $0x3;
	s3 =	sadd.s32 $0x1, s3  }
0x8d7: {  	s3 =	sadd.s32 s26, s4;
	v8 =	vmul.f32 v9, v8  }
0x8d8: {  	s3 =	sshll.u32 s3, $0xA  }
0x8d9: {  	s26 =	sadd.s32 $0x10, s20;
	s3 =	sand.u32 $0x3FFFFC00, s3;
	v7 =	vadd.f32 v8, v7  }
0x8da: {  	s4 =	sand.u32 $0x70, s26;
	s3 =	sadd.s32 s3, s5  }
0x8db: {  	s3 =	sadd.s32 s4, s3;
	[tilespmem:s28+$0x0] =	vst v7  }
0x8dc: {  	v7 =	vld [tilespmem:s3+$0x0];
	_ =	sdelay $0x2  }
0x8dd: {  	s1 =	sadd.s32 $0x10, s1  }
0x8de: {  	v63 =	vld [tilespmem:s1+$0x0]  }
0x8df: {  	s28 =	sadd.s32 $0x10, s2;
	v5 =	vsub.f32 v7, v5  }
0x8e0: {  	v7 =	vld [tilespmem:s28+$0x0]  }
0x8e1: {  	s25 =	sadd.s32 $0x1, s25;
	v5 =	vmul.f32 v5, v6  }
0x8e2: {  	p0 =	sne.s32 s25, $0x10  }
.Ltmp47:
0x8e3: {  	v5 =	vmul.f32 v5, v63;
	(pc) =	sbr.rel @p0 .LBB2_92-.Ltmp47, $3  }
0x8e4: {  	_ = 	snop  }
0x8e5: {  	v5 =	vadd.f32 v5, v7;
	_ =	sdelay $0x1  }
0x8e6: {  	[tilespmem:s3+$0x0] =	vst v5  }
0x8e7: {  	[hbm4b:s9+s6] =	stream.linear.scatter [tilespmem:s12], [sflag:$0x2], $0x4000, $0x38;
	[tilespmem:$0x9200] =	vst v63  }
0x8e8: {  	_ =	swait.ge [sflag:s10], $0x4000  }
0x8e9: {  	s22 =	sadd.s32 $0x1, s22;
	s1 =	rddreg [dreg:$0x1b]  }
0x8ea: {  	p0 =	sne.s32 s22, s1  }
.Ltmp48:
0x8eb: {  	_ = 	snop;
	(pc) =	sbr.rel @p0 .LBB2_1-.Ltmp48, $3  }
0x8ec: {  	_ =	sdelay $0x1  }
0x8ed: {  	[sflag:s10] =	ssyncset.done $0x0  }
0x8ee: {  	[sflag:s10] =	ssyncadd.s32 $0xFFFFC000  }
0x8ef: {  	_ =	sfence.sel $0x180000  }
0x8f0: {  	[bflag:$0x0] =	sbarrier.arrive $0xFFFF  }
0x8f1: {  	_ =	strace $0x90000047  }
0x8f2: {  	s0 =	stileid.u32;
	[bflag:$0x2] =	sbarrier.arrive $0xFFFF  }
0x8f3: {  	p0 =	sne.s32 s0, $0x0;
	s0 =	rddreg [dreg:$0x8]  }
0x8f4: {  	s0 =	sadd.s32 @!p0 $0x100000, s0  }
0x8f5: {  	[sflag:s0] =	ssyncadd.tile.s32 @!p0 $0x1;
	_ =	shalt  }
.Lfunc_end2:
_tile_overlayer_lowered:
.L_overlay_start_2:
0x8f6: {  	(tag) =	ssettag $0x2  }
0x8f7: {  	s0 =	rddreg [dreg:$0x0];
	s2 =	stileid.u32  }
0x8f8: {  	s1 =	rddreg [dreg:$0x1];
	p0 =	sne.s32 s2, $0x0  }
0x8f9: {  	s3 =	rddreg [dreg:$0x2];
	[bflag:$0x3] =	sbarrier.arrive $0xFFFF;
	s2 =	simm.s32 @!p0 $0x1C02  }
0x8fa: {  	[timem:s3], [sflag:s2] =	dma.local @!p0 [hbm:s0], s1  }
0x8fb: {  	s0 =	simm.s32 @!p0 $0x2  }
0x8fc: {  	_ =	swait.ge @!p0 [sflag:s0], s1  }
0x8fd: {  	s1 =	ssub.s32 @!p0 $0x0, s1;
	[sflag:s0] =	ssyncset.done @!p0 $0x0  }
0x8fe: {  	[sflag:s0] =	ssyncadd.s32 @!p0 s1  }
0x8ff: {  	[bflag:$0x3] =	sbarrier.arrive $0xFFFF  }
0x900: {  	_ =	shalt  }

</sc_bundles>
